<compile_context>
chip_gen: v7x
topology: tpu7x:2x2x1
jax: 0.10.2.dev20260603
libtpu: 0.0.44.dev20260713+nightly
codegen_flags: <defaults>
</compile_context>

<pallas_src>
import functools

import jax
import jax.numpy as jnp
from jax import lax
from jax.experimental import pallas as pl
from jax.experimental.pallas import tpu as pltpu
from jax.experimental.pallas import tpu_sc as plsc

B, S, D = 2, 2048, 768
E, K = 8, 2
H = 4 * D
T = B * S
CAP = int(1.25 * T * K / E)
M = 128
NPAD = 9216
NB = NPAD // M

NW = 32
TPW = T // NW
SPW = NPAD // NW
LANES = 16

_f32 = jnp.float32
_i32 = jnp.int32



def _router_body(x_ref, wr_ref, g_ref, b_ref,
                 normed_ref, pos0_ref, pos1_ref, wa_ref, wb_ref, be_ref,
                 bv_ref, loss_ref,
                 oh_scr, rank_scr):
    xv = x_ref[...]
    mu = jnp.mean(xv, axis=1, keepdims=True)
    xc = xv - mu
    var = jnp.mean(xc * xc, axis=1, keepdims=True)
    normed = xc / jnp.sqrt(var + 1e-5) * g_ref[...] + b_ref[...]
    normed_ref[...] = normed

    logits = lax.dot_general(normed, wr_ref[...],
                             (((1,), (1,)), ((), ())),
                             preferred_element_type=_f32)
    mx = jnp.max(logits, axis=1, keepdims=True)
    ex = jnp.exp(logits - mx)
    rw = ex / jnp.sum(ex, axis=1, keepdims=True)

    eids = lax.broadcasted_iota(_i32, (T, E), 1)
    m1 = jnp.max(rw, axis=1, keepdims=True)
    i1 = jnp.min(jnp.where(rw == m1, eids, E), axis=1, keepdims=True)
    oh0 = (eids == i1)
    rw2 = jnp.where(oh0, -jnp.inf, rw)
    m2 = jnp.max(rw2, axis=1, keepdims=True)
    i2 = jnp.min(jnp.where(rw2 == m2, eids, E), axis=1, keepdims=True)
    oh1 = (eids == i2)

    oh0f = oh0.astype(_f32)
    oh1f = oh1.astype(_f32)
    h1 = jnp.sum(oh0f, axis=0, keepdims=True)
    h2 = jnp.sum(oh1f, axis=0, keepdims=True)
    acc2 = jnp.sum(jnp.where(oh1, (h1 < CAP).astype(_f32), 0.0),
                   axis=1, keepdims=True)

    s1 = m1 + m2 + 1e-8
    tn0 = m1 / s1
    tn1 = m2 / s1
    s2 = tn0 + acc2 * tn1 + 1e-8
    wa = tn0 / s2
    wb = acc2 * tn1 / s2
    wa_ref[...] = wa
    wb_ref[...] = wb

    z = jnp.mean(logits * logits)
    ec = jnp.sum(wa * oh0f + wb * oh1f, axis=0, keepdims=True)
    lb = jnp.mean((ec / T - (K / E)) ** 2)
    loss_ref[...] = jnp.reshape(0.001 * z + 0.001 * lb, (1, 1))

    sizes = h1 + h2
    padded = jnp.floor((sizes + (M - 1)) / M) * M
    r8 = lax.broadcasted_iota(_i32, (E, E), 0)
    c8 = lax.broadcasted_iota(_i32, (E, E), 1)
    lt8 = (r8 < c8).astype(_f32)
    base = lax.dot_general(padded, lt8, (((1,), (0,)), ((), ())),
                           preferred_element_type=_f32)

    CH = 512
    rr = lax.broadcasted_iota(_i32, (CH, CH), 0)
    cc = lax.broadcasted_iota(_i32, (CH, CH), 1)
    ltri = (rr > cc).astype(_f32)
    oh_scr[...] = jnp.concatenate([oh0f, oh1f], axis=1)

    def body(c, acc):
        blk = oh_scr[pl.ds(c * CH, CH), :]
        within = jnp.dot(ltri, blk, preferred_element_type=_f32)
        rank_scr[pl.ds(c * CH, CH), :] = within + acc
        return acc + jnp.sum(blk, axis=0, keepdims=True)

    lax.fori_loop(0, T // CH, body, jnp.zeros((1, 2 * E), _f32))

    rank = rank_scr[...]
    pos0 = jnp.sum(oh0f * (base + rank[:, :E]), axis=1, keepdims=True)
    pos0_ref[...] = pos0.astype(_i32)
    pos1 = jnp.sum(oh1f * (base + h1 + rank[:, E:]), axis=1, keepdims=True)
    pos1_ref[...] = pos1.astype(_i32)

    ends = base + padded
    sb = (lax.broadcasted_iota(_i32, (NB, E), 0) * M).astype(_f32)
    be = jnp.sum((sb >= ends).astype(_i32), axis=1, keepdims=True)
    be_ref[...] = jnp.minimum(be, E - 1)
    total = jnp.max(ends, axis=1, keepdims=True)
    bv_ref[...] = (sb[:, :1] < total).astype(_i32)


_router_call = pl.pallas_call(
    _router_body,
    out_shape=[
        jax.ShapeDtypeStruct((T, D), _f32),
        jax.ShapeDtypeStruct((T, 1), _i32),
        jax.ShapeDtypeStruct((T, 1), _i32),
        jax.ShapeDtypeStruct((T, 1), _f32),
        jax.ShapeDtypeStruct((T, 1), _f32),
        jax.ShapeDtypeStruct((NB, 1), _i32),
        jax.ShapeDtypeStruct((NB, 1), _i32),
        jax.ShapeDtypeStruct((1, 1), _f32),
    ],
    scratch_shapes=[
        pltpu.VMEM((T, 2 * E), _f32),
        pltpu.VMEM((T, 2 * E), _f32),
    ],
)



def _dispatch_body(normed_hbm, pos0_hbm, pos1_hbm, wa_hbm, wb_hbm,
                   xg_hbm, rw_hbm,
                   rows_v, p0_v, p1_v, wa_v, wb_v, sem):
    wid = lax.axis_index("s") * 2 + lax.axis_index("c")
    tok0 = wid * TPW
    pltpu.sync_copy(pos0_hbm.at[pl.ds(tok0, TPW)], p0_v)
    pltpu.sync_copy(pos1_hbm.at[pl.ds(tok0, TPW)], p1_v)
    pltpu.sync_copy(wa_hbm.at[pl.ds(tok0, TPW)], wa_v)
    pltpu.sync_copy(wb_hbm.at[pl.ds(tok0, TPW)], wb_v)
    pltpu.sync_copy(normed_hbm.at[pl.ds(tok0, TPW)], rows_v)
    c1 = pltpu.async_copy(rows_v, xg_hbm.at[p0_v], sem)
    c2 = pltpu.async_copy(rows_v, xg_hbm.at[p1_v], sem)
    c3 = pltpu.async_copy(wa_v, rw_hbm.at[p0_v], sem)
    c4 = pltpu.async_copy(wb_v, rw_hbm.at[p1_v], sem)
    c1.wait()
    c2.wait()
    c3.wait()
    c4.wait()


_dispatch_call = functools.partial(
    pl.kernel,
    out_type=[
        jax.ShapeDtypeStruct((NPAD, D), _f32),
        jax.ShapeDtypeStruct((NPAD,), _f32),
    ],
    mesh=plsc.VectorSubcoreMesh(core_axis_name="c", subcore_axis_name="s"),
    scratch_types=[
        pltpu.VMEM((TPW, D), _f32),
        pltpu.VMEM((TPW,), _i32),
        pltpu.VMEM((TPW,), _i32),
        pltpu.VMEM((TPW,), _f32),
        pltpu.VMEM((TPW,), _f32),
        pltpu.SemaphoreType.DMA,
    ],
)(_dispatch_body)



NH = 2
HT = H // NH


def _gmm_body(be_ref, bv_ref, xg_ref, w1_ref, w2_ref, wd_ref, rw_ref, out_ref,
              acc_scr):
    b = pl.program_id(0)
    h = pl.program_id(1)

    @pl.when(bv_ref[b] != 0)
    def _():
        xb = xg_ref[...]
        x1 = lax.dot_general(xb, w1_ref[0], (((1,), (1,)), ((), ())),
                             preferred_element_type=_f32)
        x2 = lax.dot_general(xb, w2_ref[0], (((1,), (1,)), ((), ())),
                             preferred_element_type=_f32)
        hid = x1 * (x2 / (1.0 + jnp.exp(-x2)))
        res = lax.dot_general(hid, wd_ref[0], (((1,), (1,)), ((), ())),
                              preferred_element_type=_f32)

        @pl.when(h == 0)
        def _():
            acc_scr[...] = res

        @pl.when(h == NH - 1)
        def _():
            out_ref[...] = (acc_scr[...] + res) * rw_ref[...]


_gmm_call = pl.pallas_call(
    _gmm_body,
    grid_spec=pltpu.PrefetchScalarGridSpec(
        num_scalar_prefetch=2,
        grid=(NB, NH),
        in_specs=[
            pl.BlockSpec((M, D), lambda b, h, be, bv: (b, 0)),
            pl.BlockSpec((1, HT, D), lambda b, h, be, bv: (be[b], h, 0)),
            pl.BlockSpec((1, HT, D), lambda b, h, be, bv: (be[b], NH + h, 0)),
            pl.BlockSpec((1, D, HT), lambda b, h, be, bv: (be[b], 0, h)),
            pl.BlockSpec((M, 1), lambda b, h, be, bv: (b, 0)),
        ],
        out_specs=pl.BlockSpec((M, D), lambda b, h, be, bv: (b, 0)),
        scratch_shapes=[pltpu.VMEM((M, D), _f32)],
    ),
    out_shape=jax.ShapeDtypeStruct((NPAD, D), _f32),
)



def _combine_body(outg_hbm, pos0_hbm, pos1_hbm, out_hbm,
                  a_v, b_v, p0_v, p1_v, sem):
    wid = lax.axis_index("s") * 2 + lax.axis_index("c")
    csz = 64
    for ci in range(TPW // csz):
        tb = wid * TPW + ci * csz
        pltpu.sync_copy(pos0_hbm.at[pl.ds(tb, csz)], p0_v)
        pltpu.sync_copy(pos1_hbm.at[pl.ds(tb, csz)], p1_v)
        ca = pltpu.async_copy(outg_hbm.at[p0_v], a_v, sem)
        cb = pltpu.async_copy(outg_hbm.at[p1_v], b_v, sem)
        ca.wait()
        cb.wait()

        def row_body(r, _):
            for jv in range(D // LANES):
                sl = pl.ds(jv * LANES, LANES)
                a_v[r, sl] = a_v[r, sl] + b_v[r, sl]
            return 0

        lax.fori_loop(0, csz, row_body, 0)
        pltpu.sync_copy(a_v, out_hbm.at[pl.ds(tb, csz)])


_combine_call = functools.partial(
    pl.kernel,
    out_type=jax.ShapeDtypeStruct((T, D), _f32),
    mesh=plsc.VectorSubcoreMesh(core_axis_name="c", subcore_axis_name="s"),
    scratch_types=[
        pltpu.VMEM((64, D), _f32),
        pltpu.VMEM((64, D), _f32),
        pltpu.VMEM((64,), _i32),
        pltpu.VMEM((64,), _i32),
        pltpu.SemaphoreType.DMA,
    ],
)(_combine_body)



def kernel(x, Wr, Wgu, Wd, gamma, beta):
    flat = x.reshape(T, D)
    normed, pos0, pos1, wa, wb, be, bv, rloss = _router_call(
        flat, Wr, gamma.reshape(1, D), beta.reshape(1, D))
    xg, rwv = _dispatch_call(normed, pos0.reshape(T), pos1.reshape(T),
                             wa.reshape(T), wb.reshape(T))
    outg = _gmm_call(be.reshape(NB), bv.reshape(NB), xg, Wgu, Wgu, Wd,
                     rwv.reshape(NPAD, 1))
    comb = _combine_call(outg, pos0.reshape(T), pos1.reshape(T))
    return comb.reshape(B, S, D), rloss[0, 0]

# --- scband reference (transcript-rebuilt; emitter-appended) ---
"""Pipeline reference for scband-mo-eencoder-decoder-gpt-18657337934013 (READ-ONLY COPY).

The authoritative reference and input builder live on the scoring server;
editing this copy changes nothing except your own understanding.
"""

import jax, jax.numpy as jnp
import numpy as np

B, S, D = 2, 2048, 768
E, K = 8, 2
H = 4 * D
CAP_FACTOR = 1.25


def setup_inputs(seed: int = 0) -> dict:
    key = jax.random.key(seed)
    ks = jax.random.split(key, 6)
    x = jax.random.normal(ks[0], (B, S, D), dtype=jnp.float32)
    scale = 2.0 / (D ** 0.5)
    Wr = jax.random.normal(ks[1], (E, D), dtype=jnp.float32) * 0.001
    Wgu = jax.random.normal(ks[2], (E, 2 * H, D), dtype=jnp.float32) * scale
    Wd = jax.random.normal(ks[3], (E, D, H), dtype=jnp.float32) * scale
    gamma = jnp.ones((D,), dtype=jnp.float32)
    beta = jnp.zeros((D,), dtype=jnp.float32)
    return {"x": x, "Wr": Wr, "Wgu": Wgu, "Wd": Wd, "gamma": gamma, "beta": beta}


def _layernorm(x, g, b):
    mu = x.mean(-1, keepdims=True)
    var = x.var(-1, keepdims=True)
    return (x - mu) / jnp.sqrt(var + 1e-5) * g + b


def _moe(x, Wr, Wgu, Wd, gamma, beta):
    Bm, Sm, Dm = x.shape
    T = Bm * Sm
    normed = _layernorm(x, gamma, beta)
    flat = normed.reshape(T, Dm)
    # Router
    logits = flat @ Wr.T
    rw = jax.nn.softmax(logits, axis=-1)
    topw, topi = jax.lax.top_k(rw, K)
    topw = topw / (topw.sum(-1, keepdims=True) + 1e-8)
    capacity = int(CAP_FACTOR * T * K / E)
    dispatch = jnp.zeros((T, E), dtype=jnp.float32)
    counts = jnp.zeros((E,), dtype=jnp.float32)
    rows = jnp.arange(T)
    for ki in range(K):
        eidx = topi[:, ki]
        mask = counts[eidx] < capacity
        counts = counts.at[eidx].add(jnp.where(mask, 1.0, 0.0))
        cur = dispatch[rows, eidx]
        dispatch = dispatch.at[rows, eidx].set(jnp.where(mask, topw[:, ki], cur))
    # Handle unrouted tokens (torch branch is equivalent to unconditional where)
    unrouted = dispatch.sum(-1) == 0
    least = jnp.argmax(capacity - counts)
    onehot = (jnp.arange(E) == least)
    dispatch = jnp.where(unrouted[:, None] & onehot[None, :], 1.0, dispatch)
    dispatch = dispatch / (dispatch.sum(-1, keepdims=True) + 1e-8)
    rw_detached = jax.lax.stop_gradient(rw)
    z_loss = jnp.mean(jnp.square(logits))
    ec = dispatch.sum(0)
    target = T * K / E
    lb = jnp.mean(jnp.square(ec / T - target / T))
    router_loss = 0.001 * z_loss + 0.001 * lb
    # Experts: all experts run on all tokens, weighted by dispatch mask
    combined = jnp.zeros((T, Dm), dtype=jnp.float32)
    for e in range(E):
        c = flat @ Wgu[e].T
        x1, x2 = jnp.split(c, 2, axis=-1)
        hid = jax.nn.silu(x2) * x1
        out_e = hid @ Wd[e].T
        combined = combined + out_e * dispatch[:, e, None]
    return combined.reshape(Bm, Sm, Dm), router_loss


def reference(x, Wr, Wgu, Wd, gamma, beta):
    return _moe(x, Wr, Wgu, Wd, gamma, beta)

if __name__ == "__main__":
    import jax
    _d = setup_inputs()
    print(jax.jit(kernel)(*tuple(_d.values())))

</pallas_src>

<mosaic_0001>
#map = affine_map<(d0, d1) -> (0, 0)>
#map1 = affine_map<(d0, d1) -> (0)>
module attributes {stable_mosaic.version = 14 : i64} {
  func.func @_combine_body(%arg0: i32, %arg1: i32, %arg2: memref<9216x768xf32, #tpu.memory_space<hbm>>, %arg3: memref<4096xi32, #tpu.memory_space<hbm>>, %arg4: memref<4096xi32, #tpu.memory_space<hbm>>, %arg5: memref<4096x768xf32, #tpu.memory_space<hbm>>, %arg6: memref<64x768xf32, #tpu.memory_space<vmem>>, %arg7: memref<64x768xf32, #tpu.memory_space<vmem>>, %arg8: memref<64xi32, #tpu.memory_space<vmem>>, %arg9: memref<64xi32, #tpu.memory_space<vmem>>, %arg10: memref<!tpu.dma_semaphore, #tpu.memory_space<semaphore_mem>>) attributes {dimension_semantics = [#tpu.dimension_semantics<core_parallel>, #tpu.dimension_semantics<subcore_parallel>], iteration_bounds = array<i64: 2, 16>, scalar_prefetch = 0 : i64, scratch_operands = 5 : i64, tpu.core_type = #tpu.core_type<sc_vector_subcore>, window_params = [{transform_indices = #map}, {transform_indices = #map1}, {transform_indices = #map1}, {transform_indices = #map}]} {
    %mul3A = arith.constant 2 : i32
    %mul3A_0 = arith.muli %arg1, %mul3A : i32
    %add3A = arith.addi %mul3A_0, %arg0 : i32
    %mul3A_1 = arith.constant 128 : i32
    %mul3A_2 = arith.muli %add3A, %mul3A_1 : i32
    %add3A_3 = arith.constant 0 : i32
    %add3A_4 = arith.addi %mul3A_2, %add3A_3 : i32
    "tpu.region"() ({
      %run_scoped3A = tpu.sem_alloc : memref<!tpu.dma_semaphore, #tpu.memory_space<semaphore_mem>>
      %dma_start3A_44 = tpu.memref_slice %arg3[%add3A_4] : memref<4096xi32, #tpu.memory_space<hbm>> -> memref<64xi32, #tpu.memory_space<hbm>>
      %dma_start3A_45 = tpu.memref_slice %arg3[%add3A_4] : memref<4096xi32, #tpu.memory_space<hbm>> -> memref<64xi32, #tpu.memory_space<hbm>>
      tpu.enqueue_dma source(%dma_start3A_45 : memref<64xi32, #tpu.memory_space<hbm>>) target(%arg8 : memref<64xi32, #tpu.memory_space<vmem>>) target_semaphore(%run_scoped3A : memref<!tpu.dma_semaphore, #tpu.memory_space<semaphore_mem>>)
      %dma_wait3A_46 = tpu.memref_slice %arg3[%add3A_4] : memref<4096xi32, #tpu.memory_space<hbm>> -> memref<64xi32, #tpu.memory_space<hbm>>
      %dma_wait3A_47 = tpu.memref_slice %arg3[%add3A_4] : memref<4096xi32, #tpu.memory_space<hbm>> -> memref<64xi32, #tpu.memory_space<hbm>>
      tpu.wait_dma2 semaphore(%run_scoped3A : memref<!tpu.dma_semaphore, #tpu.memory_space<semaphore_mem>>) src(%dma_wait3A_47 : memref<64xi32, #tpu.memory_space<hbm>>) dst(%arg8 : memref<64xi32, #tpu.memory_space<vmem>>)
      tpu.yield
    }) : () -> ()
    "tpu.region"() ({
      %run_scoped3A = tpu.sem_alloc : memref<!tpu.dma_semaphore, #tpu.memory_space<semaphore_mem>>
      %dma_start3A_44 = tpu.memref_slice %arg4[%add3A_4] : memref<4096xi32, #tpu.memory_space<hbm>> -> memref<64xi32, #tpu.memory_space<hbm>>
      %dma_start3A_45 = tpu.memref_slice %arg4[%add3A_4] : memref<4096xi32, #tpu.memory_space<hbm>> -> memref<64xi32, #tpu.memory_space<hbm>>
      tpu.enqueue_dma source(%dma_start3A_45 : memref<64xi32, #tpu.memory_space<hbm>>) target(%arg9 : memref<64xi32, #tpu.memory_space<vmem>>) target_semaphore(%run_scoped3A : memref<!tpu.dma_semaphore, #tpu.memory_space<semaphore_mem>>)
      %dma_wait3A_46 = tpu.memref_slice %arg4[%add3A_4] : memref<4096xi32, #tpu.memory_space<hbm>> -> memref<64xi32, #tpu.memory_space<hbm>>
      %dma_wait3A_47 = tpu.memref_slice %arg4[%add3A_4] : memref<4096xi32, #tpu.memory_space<hbm>> -> memref<64xi32, #tpu.memory_space<hbm>>
      tpu.wait_dma2 semaphore(%run_scoped3A : memref<!tpu.dma_semaphore, #tpu.memory_space<semaphore_mem>>) src(%dma_wait3A_47 : memref<64xi32, #tpu.memory_space<hbm>>) dst(%arg9 : memref<64xi32, #tpu.memory_space<vmem>>)
      tpu.yield
    }) : () -> ()
    %dma_start3A = arith.constant 0 : i32
    %dma_start3A_5 = arith.constant 0 : i32
    %dma_start3A_6 = tpu.memref_slice %arg2[%dma_start3A, %dma_start3A_5] : memref<9216x768xf32, #tpu.memory_space<hbm>> -> memref<9216x768xf32, #tpu.memory_space<hbm>>
    tpu.enqueue_indirect_dma source(%dma_start3A_6 : memref<9216x768xf32, #tpu.memory_space<hbm>>) target(%arg6 : memref<64x768xf32, #tpu.memory_space<vmem>>) offsets(%arg8 : memref<64xi32, #tpu.memory_space<vmem>>) semaphore(%arg10 : memref<!tpu.dma_semaphore, #tpu.memory_space<semaphore_mem>>)
    %dma_start3A_7 = arith.constant 0 : i32
    %dma_start3A_8 = arith.constant 0 : i32
    %dma_start3A_9 = tpu.memref_slice %arg2[%dma_start3A_7, %dma_start3A_8] : memref<9216x768xf32, #tpu.memory_space<hbm>> -> memref<9216x768xf32, #tpu.memory_space<hbm>>
    tpu.enqueue_indirect_dma source(%dma_start3A_9 : memref<9216x768xf32, #tpu.memory_space<hbm>>) target(%arg7 : memref<64x768xf32, #tpu.memory_space<vmem>>) offsets(%arg9 : memref<64xi32, #tpu.memory_space<vmem>>) semaphore(%arg10 : memref<!tpu.dma_semaphore, #tpu.memory_space<semaphore_mem>>)
    %dma_wait3A = arith.constant 0 : i32
    %dma_wait3A_10 = arith.constant 0 : i32
    %dma_wait3A_11 = tpu.memref_slice %arg2[%dma_wait3A, %dma_wait3A_10] : memref<9216x768xf32, #tpu.memory_space<hbm>> -> memref<9216x768xf32, #tpu.memory_space<hbm>>
    tpu.wait_indirect_dma semaphore(%arg10 : memref<!tpu.dma_semaphore, #tpu.memory_space<semaphore_mem>>) src(%dma_wait3A_11 : memref<9216x768xf32, #tpu.memory_space<hbm>>) dst(%arg6 : memref<64x768xf32, #tpu.memory_space<vmem>>)
    %dma_wait3A_12 = arith.constant 0 : i32
    %dma_wait3A_13 = arith.constant 0 : i32
    %dma_wait3A_14 = tpu.memref_slice %arg2[%dma_wait3A_12, %dma_wait3A_13] : memref<9216x768xf32, #tpu.memory_space<hbm>> -> memref<9216x768xf32, #tpu.memory_space<hbm>>
    tpu.wait_indirect_dma semaphore(%arg10 : memref<!tpu.dma_semaphore, #tpu.memory_space<semaphore_mem>>) src(%dma_wait3A_14 : memref<9216x768xf32, #tpu.memory_space<hbm>>) dst(%arg7 : memref<64x768xf32, #tpu.memory_space<vmem>>)
    %scan3A = arith.constant 0 : i32
    %scan3A_15 = arith.constant 0 : i32
    %scan3A_16 = arith.constant 64 : i32
    %scan3A_17 = arith.addi %scan3A_15, %scan3A_16 : i32
    %scan3A_18 = arith.constant 1 : i32
    %scan3A_19 = scf.for %scan3A_44 = %scan3A_15 to %scan3A_17 step %scan3A_18 iter_args(%scan3A_45 = %scan3A) -> (i32)  : i32 {
      %get3A = arith.index_cast %scan3A_44 : i32 to index
      %get3A_46 = arith.constant 0 : index
      %get3A_47 = tpu.vector_load %arg6[%get3A, %get3A_46] {strides = array<i32>} : memref<64x768xf32, #tpu.memory_space<vmem>>, vector<1x16xf32>,
      %get3A_48 = vector.shape_cast %get3A_47 : vector<1x16xf32> to vector<16xf32>
      %get3A_49 = arith.index_cast %scan3A_44 : i32 to index
      %get3A_50 = arith.constant 0 : index
      %get3A_51 = tpu.vector_load %arg7[%get3A_49, %get3A_50] {strides = array<i32>} : memref<64x768xf32, #tpu.memory_space<vmem>>, vector<1x16xf32>,
      %get3A_52 = vector.shape_cast %get3A_51 : vector<1x16xf32> to vector<16xf32>
      %add3A_53 = arith.addf %get3A_48, %get3A_52 : vector<16xf32>
      %swap3A = arith.index_cast %scan3A_44 : i32 to index
      %swap3A_54 = arith.constant 0 : index
      %swap3A_55 = tpu.vector_load %arg6[%swap3A, %swap3A_54] {strides = array<i32>} : memref<64x768xf32, #tpu.memory_space<vmem>>, vector<1x16xf32>,
      %swap3A_56 = vector.shape_cast %swap3A_55 : vector<1x16xf32> to vector<16xf32>
      %swap3A_57 = vector.shape_cast %add3A_53 : vector<16xf32> to vector<1x16xf32>
      tpu.vector_store %arg6[%swap3A, %swap3A_54], %swap3A_57 {strides = array<i32>} : memref<64x768xf32, #tpu.memory_space<vmem>>, vector<1x16xf32>,
      %get3A_58 = arith.index_cast %scan3A_44 : i32 to index
      %get3A_59 = arith.constant 16 : index
      %get3A_60 = tpu.vector_load %arg6[%get3A_58, %get3A_59] {strides = array<i32>} : memref<64x768xf32, #tpu.memory_space<vmem>>, vector<1x16xf32>,
      %get3A_61 = vector.shape_cast %get3A_60 : vector<1x16xf32> to vector<16xf32>
      %get3A_62 = arith.index_cast %scan3A_44 : i32 to index
      %get3A_63 = arith.constant 16 : index
      %get3A_64 = tpu.vector_load %arg7[%get3A_62, %get3A_63] {strides = array<i32>} : memref<64x768xf32, #tpu.memory_space<vmem>>, vector<1x16xf32>,
      %get3A_65 = vector.shape_cast %get3A_64 : vector<1x16xf32> to vector<16xf32>
      %add3A_66 = arith.addf %get3A_61, %get3A_65 : vector<16xf32>
      %swap3A_67 = arith.index_cast %scan3A_44 : i32 to index
      %swap3A_68 = arith.constant 16 : index
      %swap3A_69 = tpu.vector_load %arg6[%swap3A_67, %swap3A_68] {strides = array<i32>} : memref<64x768xf32, #tpu.memory_space<vmem>>, vector<1x16xf32>,
      %swap3A_70 = vector.shape_cast %swap3A_69 : vector<1x16xf32> to vector<16xf32>
      %swap3A_71 = vector.shape_cast %add3A_66 : vector<16xf32> to vector<1x16xf32>
      tpu.vector_store %arg6[%swap3A_67, %swap3A_68], %swap3A_71 {strides = array<i32>} : memref<64x768xf32, #tpu.memory_space<vmem>>, vector<1x16xf32>,
      %get3A_72 = arith.index_cast %scan3A_44 : i32 to index
      %get3A_73 = arith.constant 32 : index
      %get3A_74 = tpu.vector_load %arg6[%get3A_72, %get3A_73] {strides = array<i32>} : memref<64x768xf32, #tpu.memory_space<vmem>>, vector<1x16xf32>,
      %get3A_75 = vector.shape_cast %get3A_74 : vector<1x16xf32> to vector<16xf32>
      %get3A_76 = arith.index_cast %scan3A_44 : i32 to index
      %get3A_77 = arith.constant 32 : index
      %get3A_78 = tpu.vector_load %arg7[%get3A_76, %get3A_77] {strides = array<i32>} : memref<64x768xf32, #tpu.memory_space<vmem>>, vector<1x16xf32>,
      %get3A_79 = vector.shape_cast %get3A_78 : vector<1x16xf32> to vector<16xf32>
      %add3A_80 = arith.addf %get3A_75, %get3A_79 : vector<16xf32>
      %swap3A_81 = arith.index_cast %scan3A_44 : i32 to index
      %swap3A_82 = arith.constant 32 : index
      %swap3A_83 = tpu.vector_load %arg6[%swap3A_81, %swap3A_82] {strides = array<i32>} : memref<64x768xf32, #tpu.memory_space<vmem>>, vector<1x16xf32>,
      %swap3A_84 = vector.shape_cast %swap3A_83 : vector<1x16xf32> to vector<16xf32>
      %swap3A_85 = vector.shape_cast %add3A_80 : vector<16xf32> to vector<1x16xf32>
      tpu.vector_store %arg6[%swap3A_81, %swap3A_82], %swap3A_85 {strides = array<i32>} : memref<64x768xf32, #tpu.memory_space<vmem>>, vector<1x16xf32>,
      %get3A_86 = arith.index_cast %scan3A_44 : i32 to index
      %get3A_87 = arith.constant 48 : index
      %get3A_88 = tpu.vector_load %arg6[%get3A_86, %get3A_87] {strides = array<i32>} : memref<64x768xf32, #tpu.memory_space<vmem>>, vector<1x16xf32>,
      %get3A_89 = vector.shape_cast %get3A_88 : vector<1x16xf32> to vector<16xf32>
      %get3A_90 = arith.index_cast %scan3A_44 : i32 to index
      %get3A_91 = arith.constant 48 : index
      %get3A_92 = tpu.vector_load %arg7[%get3A_90, %get3A_91] {strides = array<i32>} : memref<64x768xf32, #tpu.memory_space<vmem>>, vector<1x16xf32>,
      %get3A_93 = vector.shape_cast %get3A_92 : vector<1x16xf32> to vector<16xf32>
      %add3A_94 = arith.addf %get3A_89, %get3A_93 : vector<16xf32>
      %swap3A_95 = arith.index_cast %scan3A_44 : i32 to index
      %swap3A_96 = arith.constant 48 : index
      %swap3A_97 = tpu.vector_load %arg6[%swap3A_95, %swap3A_96] {strides = array<i32>} : memref<64x768xf32, #tpu.memory_space<vmem>>, vector<1x16xf32>,
      %swap3A_98 = vector.shape_cast %swap3A_97 : vector<1x16xf32> to vector<16xf32>
      %swap3A_99 = vector.shape_cast %add3A_94 : vector<16xf32> to vector<1x16xf32>
      tpu.vector_store %arg6[%swap3A_95, %swap3A_96], %swap3A_99 {strides = array<i32>} : memref<64x768xf32, #tpu.memory_space<vmem>>, vector<1x16xf32>,
      %get3A_100 = arith.index_cast %scan3A_44 : i32 to index
      %get3A_101 = arith.constant 64 : index
      %get3A_102 = tpu.vector_load %arg6[%get3A_100, %get3A_101] {strides = array<i32>} : memref<64x768xf32, #tpu.memory_space<vmem>>, vector<1x16xf32>,
      %get3A_103 = vector.shape_cast %get3A_102 : vector<1x16xf32> to vector<16xf32>
      %get3A_104 = arith.index_cast %scan3A_44 : i32 to index
      %get3A_105 = arith.constant 64 : index
      %get3A_106 = tpu.vector_load %arg7[%get3A_104, %get3A_105] {strides = array<i32>} : memref<64x768xf32, #tpu.memory_space<vmem>>, vector<1x16xf32>,
      %get3A_107 = vector.shape_cast %get3A_106 : vector<1x16xf32> to vector<16xf32>
      %add3A_108 = arith.addf %get3A_103, %get3A_107 : vector<16xf32>
      %swap3A_109 = arith.index_cast %scan3A_44 : i32 to index
      %swap3A_110 = arith.constant 64 : index
      %swap3A_111 = tpu.vector_load %arg6[%swap3A_109, %swap3A_110] {strides = array<i32>} : memref<64x768xf32, #tpu.memory_space<vmem>>, vector<1x16xf32>,
      %swap3A_112 = vector.shape_cast %swap3A_111 : vector<1x16xf32> to vector<16xf32>
      %swap3A_113 = vector.shape_cast %add3A_108 : vector<16xf32> to vector<1x16xf32>
      tpu.vector_store %arg6[%swap3A_109, %swap3A_110], %swap3A_113 {strides = array<i32>} : memref<64x768xf32, #tpu.memory_space<vmem>>, vector<1x16xf32>,
      %get3A_114 = arith.index_cast %scan3A_44 : i32 to index
      %get3A_115 = arith.constant 80 : index
      %get3A_116 = tpu.vector_load %arg6[%get3A_114, %get3A_115] {strides = array<i32>} : memref<64x768xf32, #tpu.memory_space<vmem>>, vector<1x16xf32>,
      %get3A_117 = vector.shape_cast %get3A_116 : vector<1x16xf32> to vector<16xf32>
      %get3A_118 = arith.index_cast %scan3A_44 : i32 to index
      %get3A_119 = arith.constant 80 : index
      %get3A_120 = tpu.vector_load %arg7[%get3A_118, %get3A_119] {strides = array<i32>} : memref<64x768xf32, #tpu.memory_space<vmem>>, vector<1x16xf32>,
      %get3A_121 = vector.shape_cast %get3A_120 : vector<1x16xf32> to vector<16xf32>
      %add3A_122 = arith.addf %get3A_117, %get3A_121 : vector<16xf32>
      %swap3A_123 = arith.index_cast %scan3A_44 : i32 to index
      %swap3A_124 = arith.constant 80 : index
      %swap3A_125 = tpu.vector_load %arg6[%swap3A_123, %swap3A_124] {strides = array<i32>} : memref<64x768xf32, #tpu.memory_space<vmem>>, vector<1x16xf32>,
      %swap3A_126 = vector.shape_cast %swap3A_125 : vector<1x16xf32> to vector<16xf32>
      %swap3A_127 = vector.shape_cast %add3A_122 : vector<16xf32> to vector<1x16xf32>
      tpu.vector_store %arg6[%swap3A_123, %swap3A_124], %swap3A_127 {strides = array<i32>} : memref<64x768xf32, #tpu.memory_space<vmem>>, vector<1x16xf32>,
      %get3A_128 = arith.index_cast %scan3A_44 : i32 to index
      %get3A_129 = arith.constant 96 : index
      %get3A_130 = tpu.vector_load %arg6[%get3A_128, %get3A_129] {strides = array<i32>} : memref<64x768xf32, #tpu.memory_space<vmem>>, vector<1x16xf32>,
      %get3A_131 = vector.shape_cast %get3A_130 : vector<1x16xf32> to vector<16xf32>
      %get3A_132 = arith.index_cast %scan3A_44 : i32 to index
      %get3A_133 = arith.constant 96 : index
      %get3A_134 = tpu.vector_load %arg7[%get3A_132, %get3A_133] {strides = array<i32>} : memref<64x768xf32, #tpu.memory_space<vmem>>, vector<1x16xf32>,
      %get3A_135 = vector.shape_cast %get3A_134 : vector<1x16xf32> to vector<16xf32>
      %add3A_136 = arith.addf %get3A_131, %get3A_135 : vector<16xf32>
      %swap3A_137 = arith.index_cast %scan3A_44 : i32 to index
      %swap3A_138 = arith.constant 96 : index
      %swap3A_139 = tpu.vector_load %arg6[%swap3A_137, %swap3A_138] {strides = array<i32>} : memref<64x768xf32, #tpu.memory_space<vmem>>, vector<1x16xf32>,
      %swap3A_140 = vector.shape_cast %swap3A_139 : vector<1x16xf32> to vector<16xf32>
      %swap3A_141 = vector.shape_cast %add3A_136 : vector<16xf32> to vector<1x16xf32>
      tpu.vector_store %arg6[%swap3A_137, %swap3A_138], %swap3A_141 {strides = array<i32>} : memref<64x768xf32, #tpu.memory_space<vmem>>, vector<1x16xf32>,
      %get3A_142 = arith.index_cast %scan3A_44 : i32 to index
      %get3A_143 = arith.constant 112 : index
      %get3A_144 = tpu.vector_load %arg6[%get3A_142, %get3A_143] {strides = array<i32>} : memref<64x768xf32, #tpu.memory_space<vmem>>, vector<1x16xf32>,
      %get3A_145 = vector.shape_cast %get3A_144 : vector<1x16xf32> to vector<16xf32>
      %get3A_146 = arith.index_cast %scan3A_44 : i32 to index
      %get3A_147 = arith.constant 112 : index
      %get3A_148 = tpu.vector_load %arg7[%get3A_146, %get3A_147] {strides = array<i32>} : memref<64x768xf32, #tpu.memory_space<vmem>>, vector<1x16xf32>,
      %get3A_149 = vector.shape_cast %get3A_148 : vector<1x16xf32> to vector<16xf32>
      %add3A_150 = arith.addf %get3A_145, %get3A_149 : vector<16xf32>
      %swap3A_151 = arith.index_cast %scan3A_44 : i32 to index
      %swap3A_152 = arith.constant 112 : index
      %swap3A_153 = tpu.vector_load %arg6[%swap3A_151, %swap3A_152] {strides = array<i32>} : memref<64x768xf32, #tpu.memory_space<vmem>>, vector<1x16xf32>,
      %swap3A_154 = vector.shape_cast %swap3A_153 : vector<1x16xf32> to vector<16xf32>
      %swap3A_155 = vector.shape_cast %add3A_150 : vector<16xf32> to vector<1x16xf32>
      tpu.vector_store %arg6[%swap3A_151, %swap3A_152], %swap3A_155 {strides = array<i32>} : memref<64x768xf32, #tpu.memory_space<vmem>>, vector<1x16xf32>,
      %get3A_156 = arith.index_cast %scan3A_44 : i32 to index
      %get3A_157 = arith.constant 128 : index
      %get3A_158 = tpu.vector_load %arg6[%get3A_156, %get3A_157] {strides = array<i32>} : memref<64x768xf32, #tpu.memory_space<vmem>>, vector<1x16xf32>,
      %get3A_159 = vector.shape_cast %get3A_158 : vector<1x16xf32> to vector<16xf32>
      %get3A_160 = arith.index_cast %scan3A_44 : i32 to index
      %get3A_161 = arith.constant 128 : index
      %get3A_162 = tpu.vector_load %arg7[%get3A_160, %get3A_161] {strides = array<i32>} : memref<64x768xf32, #tpu.memory_space<vmem>>, vector<1x16xf32>,
      %get3A_163 = vector.shape_cast %get3A_162 : vector<1x16xf32> to vector<16xf32>
      %add3A_164 = arith.addf %get3A_159, %get3A_163 : vector<16xf32>
      %swap3A_165 = arith.index_cast %scan3A_44 : i32 to index
      %swap3A_166 = arith.constant 128 : index
      %swap3A_167 = tpu.vector_load %arg6[%swap3A_165, %swap3A_166] {strides = array<i32>} : memref<64x768xf32, #tpu.memory_space<vmem>>, vector<1x16xf32>,
      %swap3A_168 = vector.shape_cast %swap3A_167 : vector<1x16xf32> to vector<16xf32>
      %swap3A_169 = vector.shape_cast %add3A_164 : vector<16xf32> to vector<1x16xf32>
      tpu.vector_store %arg6[%swap3A_165, %swap3A_166], %swap3A_169 {strides = array<i32>} : memref<64x768xf32, #tpu.memory_space<vmem>>, vector<1x16xf32>,
      %get3A_170 = arith.index_cast %scan3A_44 : i32 to index
      %get3A_171 = arith.constant 144 : index
      %get3A_172 = tpu.vector_load %arg6[%get3A_170, %get3A_171] {strides = array<i32>} : memref<64x768xf32, #tpu.memory_space<vmem>>, vector<1x16xf32>,
      %get3A_173 = vector.shape_cast %get3A_172 : vector<1x16xf32> to vector<16xf32>
      %get3A_174 = arith.index_cast %scan3A_44 : i32 to index
      %get3A_175 = arith.constant 144 : index
      %get3A_176 = tpu.vector_load %arg7[%get3A_174, %get3A_175] {strides = array<i32>} : memref<64x768xf32, #tpu.memory_space<vmem>>, vector<1x16xf32>,
      %get3A_177 = vector.shape_cast %get3A_176 : vector<1x16xf32> to vector<16xf32>
      %add3A_178 = arith.addf %get3A_173, %get3A_177 : vector<16xf32>
      %swap3A_179 = arith.index_cast %scan3A_44 : i32 to index
      %swap3A_180 = arith.constant 144 : index
      %swap3A_181 = tpu.vector_load %arg6[%swap3A_179, %swap3A_180] {strides = array<i32>} : memref<64x768xf32, #tpu.memory_space<vmem>>, vector<1x16xf32>,
      %swap3A_182 = vector.shape_cast %swap3A_181 : vector<1x16xf32> to vector<16xf32>
      %swap3A_183 = vector.shape_cast %add3A_178 : vector<16xf32> to vector<1x16xf32>
      tpu.vector_store %arg6[%swap3A_179, %swap3A_180], %swap3A_183 {strides = array<i32>} : memref<64x768xf32, #tpu.memory_space<vmem>>, vector<1x16xf32>,
      %get3A_184 = arith.index_cast %scan3A_44 : i32 to index
      %get3A_185 = arith.constant 160 : index
      %get3A_186 = tpu.vector_load %arg6[%get3A_184, %get3A_185] {strides = array<i32>} : memref<64x768xf32, #tpu.memory_space<vmem>>, vector<1x16xf32>,
      %get3A_187 = vector.shape_cast %get3A_186 : vector<1x16xf32> to vector<16xf32>
      %get3A_188 = arith.index_cast %scan3A_44 : i32 to index
      %get3A_189 = arith.constant 160 : index
      %get3A_190 = tpu.vector_load %arg7[%get3A_188, %get3A_189] {strides = array<i32>} : memref<64x768xf32, #tpu.memory_space<vmem>>, vector<1x16xf32>,
      %get3A_191 = vector.shape_cast %get3A_190 : vector<1x16xf32> to vector<16xf32>
      %add3A_192 = arith.addf %get3A_187, %get3A_191 : vector<16xf32>
      %swap3A_193 = arith.index_cast %scan3A_44 : i32 to index
      %swap3A_194 = arith.constant 160 : index
      %swap3A_195 = tpu.vector_load %arg6[%swap3A_193, %swap3A_194] {strides = array<i32>} : memref<64x768xf32, #tpu.memory_space<vmem>>, vector<1x16xf32>,
      %swap3A_196 = vector.shape_cast %swap3A_195 : vector<1x16xf32> to vector<16xf32>
      %swap3A_197 = vector.shape_cast %add3A_192 : vector<16xf32> to vector<1x16xf32>
      tpu.vector_store %arg6[%swap3A_193, %swap3A_194], %swap3A_197 {strides = array<i32>} : memref<64x768xf32, #tpu.memory_space<vmem>>, vector<1x16xf32>,
      %get3A_198 = arith.index_cast %scan3A_44 : i32 to index
      %get3A_199 = arith.constant 176 : index
      %get3A_200 = tpu.vector_load %arg6[%get3A_198, %get3A_199] {strides = array<i32>} : memref<64x768xf32, #tpu.memory_space<vmem>>, vector<1x16xf32>,
      %get3A_201 = vector.shape_cast %get3A_200 : vector<1x16xf32> to vector<16xf32>
      %get3A_202 = arith.index_cast %scan3A_44 : i32 to index
      %get3A_203 = arith.constant 176 : index
      %get3A_204 = tpu.vector_load %arg7[%get3A_202, %get3A_203] {strides = array<i32>} : memref<64x768xf32, #tpu.memory_space<vmem>>, vector<1x16xf32>,
      %get3A_205 = vector.shape_cast %get3A_204 : vector<1x16xf32> to vector<16xf32>
      %add3A_206 = arith.addf %get3A_201, %get3A_205 : vector<16xf32>
      %swap3A_207 = arith.index_cast %scan3A_44 : i32 to index
      %swap3A_208 = arith.constant 176 : index
      %swap3A_209 = tpu.vector_load %arg6[%swap3A_207, %swap3A_208] {strides = array<i32>} : memref<64x768xf32, #tpu.memory_space<vmem>>, vector<1x16xf32>,
      %swap3A_210 = vector.shape_cast %swap3A_209 : vector<1x16xf32> to vector<16xf32>
      %swap3A_211 = vector.shape_cast %add3A_206 : vector<16xf32> to vector<1x16xf32>
      tpu.vector_store %arg6[%swap3A_207, %swap3A_208], %swap3A_211 {strides = array<i32>} : memref<64x768xf32, #tpu.memory_space<vmem>>, vector<1x16xf32>,
      %get3A_212 = arith.index_cast %scan3A_44 : i32 to index
      %get3A_213 = arith.constant 192 : index
      %get3A_214 = tpu.vector_load %arg6[%get3A_212, %get3A_213] {strides = array<i32>} : memref<64x768xf32, #tpu.memory_space<vmem>>, vector<1x16xf32>,
      %get3A_215 = vector.shape_cast %get3A_214 : vector<1x16xf32> to vector<16xf32>
      %get3A_216 = arith.index_cast %scan3A_44 : i32 to index
      %get3A_217 = arith.constant 192 : index
      %get3A_218 = tpu.vector_load %arg7[%get3A_216, %get3A_217] {strides = array<i32>} : memref<64x768xf32, #tpu.memory_space<vmem>>, vector<1x16xf32>,
      %get3A_219 = vector.shape_cast %get3A_218 : vector<1x16xf32> to vector<16xf32>
      %add3A_220 = arith.addf %get3A_215, %get3A_219 : vector<16xf32>
      %swap3A_221 = arith.index_cast %scan3A_44 : i32 to index
      %swap3A_222 = arith.constant 192 : index
      %swap3A_223 = tpu.vector_load %arg6[%swap3A_221, %swap3A_222] {strides = array<i32>} : memref<64x768xf32, #tpu.memory_space<vmem>>, vector<1x16xf32>,
      %swap3A_224 = vector.shape_cast %swap3A_223 : vector<1x16xf32> to vector<16xf32>
      %swap3A_225 = vector.shape_cast %add3A_220 : vector<16xf32> to vector<1x16xf32>
      tpu.vector_store %arg6[%swap3A_221, %swap3A_222], %swap3A_225 {strides = array<i32>} : memref<64x768xf32, #tpu.memory_space<vmem>>, vector<1x16xf32>,
      %get3A_226 = arith.index_cast %scan3A_44 : i32 to index
      %get3A_227 = arith.constant 208 : index
      %get3A_228 = tpu.vector_load %arg6[%get3A_226, %get3A_227] {strides = array<i32>} : memref<64x768xf32, #tpu.memory_space<vmem>>, vector<1x16xf32>,
      %get3A_229 = vector.shape_cast %get3A_228 : vector<1x16xf32> to vector<16xf32>
      %get3A_230 = arith.index_cast %scan3A_44 : i32 to index
      %get3A_231 = arith.constant 208 : index
      %get3A_232 = tpu.vector_load %arg7[%get3A_230, %get3A_231] {strides = array<i32>} : memref<64x768xf32, #tpu.memory_space<vmem>>, vector<1x16xf32>,
      %get3A_233 = vector.shape_cast %get3A_232 : vector<1x16xf32> to vector<16xf32>
      %add3A_234 = arith.addf %get3A_229, %get3A_233 : vector<16xf32>
      %swap3A_235 = arith.index_cast %scan3A_44 : i32 to index
      %swap3A_236 = arith.constant 208 : index
      %swap3A_237 = tpu.vector_load %arg6[%swap3A_235, %swap3A_236] {strides = array<i32>} : memref<64x768xf32, #tpu.memory_space<vmem>>, vector<1x16xf32>,
      %swap3A_238 = vector.shape_cast %swap3A_237 : vector<1x16xf32> to vector<16xf32>
      %swap3A_239 = vector.shape_cast %add3A_234 : vector<16xf32> to vector<1x16xf32>
      tpu.vector_store %arg6[%swap3A_235, %swap3A_236], %swap3A_239 {strides = array<i32>} : memref<64x768xf32, #tpu.memory_space<vmem>>, vector<1x16xf32>,
      %get3A_240 = arith.index_cast %scan3A_44 : i32 to index
      %get3A_241 = arith.constant 224 : index
      %get3A_242 = tpu.vector_load %arg6[%get3A_240, %get3A_241] {strides = array<i32>} : memref<64x768xf32, #tpu.memory_space<vmem>>, vector<1x16xf32>,
      %get3A_243 = vector.shape_cast %get3A_242 : vector<1x16xf32> to vector<16xf32>
      %get3A_244 = arith.index_cast %scan3A_44 : i32 to index
      %get3A_245 = arith.constant 224 : index
      %get3A_246 = tpu.vector_load %arg7[%get3A_244, %get3A_245] {strides = array<i32>} : memref<64x768xf32, #tpu.memory_space<vmem>>, vector<1x16xf32>,
      %get3A_247 = vector.shape_cast %get3A_246 : vector<1x16xf32> to vector<16xf32>
      %add3A_248 = arith.addf %get3A_243, %get3A_247 : vector<16xf32>
      %swap3A_249 = arith.index_cast %scan3A_44 : i32 to index
      %swap3A_250 = arith.constant 224 : index
      %swap3A_251 = tpu.vector_load %arg6[%swap3A_249, %swap3A_250] {strides = array<i32>} : memref<64x768xf32, #tpu.memory_space<vmem>>, vector<1x16xf32>,
      %swap3A_252 = vector.shape_cast %swap3A_251 : vector<1x16xf32> to vector<16xf32>
      %swap3A_253 = vector.shape_cast %add3A_248 : vector<16xf32> to vector<1x16xf32>
      tpu.vector_store %arg6[%swap3A_249, %swap3A_250], %swap3A_253 {strides = array<i32>} : memref<64x768xf32, #tpu.memory_space<vmem>>, vector<1x16xf32>,
      %get3A_254 = arith.index_cast %scan3A_44 : i32 to index
      %get3A_255 = arith.constant 240 : index
      %get3A_256 = tpu.vector_load %arg6[%get3A_254, %get3A_255] {strides = array<i32>} : memref<64x768xf32, #tpu.memory_space<vmem>>, vector<1x16xf32>,
      %get3A_257 = vector.shape_cast %get3A_256 : vector<1x16xf32> to vector<16xf32>
      %get3A_258 = arith.index_cast %scan3A_44 : i32 to index
      %get3A_259 = arith.constant 240 : index
      %get3A_260 = tpu.vector_load %arg7[%get3A_258, %get3A_259] {strides = array<i32>} : memref<64x768xf32, #tpu.memory_space<vmem>>, vector<1x16xf32>,
      %get3A_261 = vector.shape_cast %get3A_260 : vector<1x16xf32> to vector<16xf32>
      %add3A_262 = arith.addf %get3A_257, %get3A_261 : vector<16xf32>
      %swap3A_263 = arith.index_cast %scan3A_44 : i32 to index
      %swap3A_264 = arith.constant 240 : index
      %swap3A_265 = tpu.vector_load %arg6[%swap3A_263, %swap3A_264] {strides = array<i32>} : memref<64x768xf32, #tpu.memory_space<vmem>>, vector<1x16xf32>,
      %swap3A_266 = vector.shape_cast %swap3A_265 : vector<1x16xf32> to vector<16xf32>
      %swap3A_267 = vector.shape_cast %add3A_262 : vector<16xf32> to vector<1x16xf32>
      tpu.vector_store %arg6[%swap3A_263, %swap3A_264], %swap3A_267 {strides = array<i32>} : memref<64x768xf32, #tpu.memory_space<vmem>>, vector<1x16xf32>,
      %get3A_268 = arith.index_cast %scan3A_44 : i32 to index
      %get3A_269 = arith.constant 256 : index
      %get3A_270 = tpu.vector_load %arg6[%get3A_268, %get3A_269] {strides = array<i32>} : memref<64x768xf32, #tpu.memory_space<vmem>>, vector<1x16xf32>,
      %get3A_271 = vector.shape_cast %get3A_270 : vector<1x16xf32> to vector<16xf32>
      %get3A_272 = arith.index_cast %scan3A_44 : i32 to index
      %get3A_273 = arith.constant 256 : index
      %get3A_274 = tpu.vector_load %arg7[%get3A_272, %get3A_273] {strides = array<i32>} : memref<64x768xf32, #tpu.memory_space<vmem>>, vector<1x16xf32>,
      %get3A_275 = vector.shape_cast %get3A_274 : vector<1x16xf32> to vector<16xf32>
      %add3A_276 = arith.addf %get3A_271, %get3A_275 : vector<16xf32>
      %swap3A_277 = arith.index_cast %scan3A_44 : i32 to index
      %swap3A_278 = arith.constant 256 : index
      %swap3A_279 = tpu.vector_load %arg6[%swap3A_277, %swap3A_278] {strides = array<i32>} : memref<64x768xf32, #tpu.memory_space<vmem>>, vector<1x16xf32>,
      %swap3A_280 = vector.shape_cast %swap3A_279 : vector<1x16xf32> to vector<16xf32>
      %swap3A_281 = vector.shape_cast %add3A_276 : vector<16xf32> to vector<1x16xf32>
      tpu.vector_store %arg6[%swap3A_277, %swap3A_278], %swap3A_281 {strides = array<i32>} : memref<64x768xf32, #tpu.memory_space<vmem>>, vector<1x16xf32>,
      %get3A_282 = arith.index_cast %scan3A_44 : i32 to index
      %get3A_283 = arith.constant 272 : index
      %get3A_284 = tpu.vector_load %arg6[%get3A_282, %get3A_283] {strides = array<i32>} : memref<64x768xf32, #tpu.memory_space<vmem>>, vector<1x16xf32>,
      %get3A_285 = vector.shape_cast %get3A_284 : vector<1x16xf32> to vector<16xf32>
      %get3A_286 = arith.index_cast %scan3A_44 : i32 to index
      %get3A_287 = arith.constant 272 : index
      %get3A_288 = tpu.vector_load %arg7[%get3A_286, %get3A_287] {strides = array<i32>} : memref<64x768xf32, #tpu.memory_space<vmem>>, vector<1x16xf32>,
      %get3A_289 = vector.shape_cast %get3A_288 : vector<1x16xf32> to vector<16xf32>
      %add3A_290 = arith.addf %get3A_285, %get3A_289 : vector<16xf32>
      %swap3A_291 = arith.index_cast %scan3A_44 : i32 to index
      %swap3A_292 = arith.constant 272 : index
      %swap3A_293 = tpu.vector_load %arg6[%swap3A_291, %swap3A_292] {strides = array<i32>} : memref<64x768xf32, #tpu.memory_space<vmem>>, vector<1x16xf32>,
      %swap3A_294 = vector.shape_cast %swap3A_293 : vector<1x16xf32> to vector<16xf32>
      %swap3A_295 = vector.shape_cast %add3A_290 : vector<16xf32> to vector<1x16xf32>
      tpu.vector_store %arg6[%swap3A_291, %swap3A_292], %swap3A_295 {strides = array<i32>} : memref<64x768xf32, #tpu.memory_space<vmem>>, vector<1x16xf32>,
      %get3A_296 = arith.index_cast %scan3A_44 : i32 to index
      %get3A_297 = arith.constant 288 : index
      %get3A_298 = tpu.vector_load %arg6[%get3A_296, %get3A_297] {strides = array<i32>} : memref<64x768xf32, #tpu.memory_space<vmem>>, vector<1x16xf32>,
      %get3A_299 = vector.shape_cast %get3A_298 : vector<1x16xf32> to vector<16xf32>
      %get3A_300 = arith.index_cast %scan3A_44 : i32 to index
      %get3A_301 = arith.constant 288 : index
      %get3A_302 = tpu.vector_load %arg7[%get3A_300, %get3A_301] {strides = array<i32>} : memref<64x768xf32, #tpu.memory_space<vmem>>, vector<1x16xf32>,
      %get3A_303 = vector.shape_cast %get3A_302 : vector<1x16xf32> to vector<16xf32>
      %add3A_304 = arith.addf %get3A_299, %get3A_303 : vector<16xf32>
      %swap3A_305 = arith.index_cast %scan3A_44 : i32 to index
      %swap3A_306 = arith.constant 288 : index
      %swap3A_307 = tpu.vector_load %arg6[%swap3A_305, %swap3A_306] {strides = array<i32>} : memref<64x768xf32, #tpu.memory_space<vmem>>, vector<1x16xf32>,
      %swap3A_308 = vector.shape_cast %swap3A_307 : vector<1x16xf32> to vector<16xf32>
      %swap3A_309 = vector.shape_cast %add3A_304 : vector<16xf32> to vector<1x16xf32>
      tpu.vector_store %arg6[%swap3A_305, %swap3A_306], %swap3A_309 {strides = array<i32>} : memref<64x768xf32, #tpu.memory_space<vmem>>, vector<1x16xf32>,
      %get3A_310 = arith.index_cast %scan3A_44 : i32 to index
      %get3A_311 = arith.constant 304 : index
      %get3A_312 = tpu.vector_load %arg6[%get3A_310, %get3A_311] {strides = array<i32>} : memref<64x768xf32, #tpu.memory_space<vmem>>, vector<1x16xf32>,
      %get3A_313 = vector.shape_cast %get3A_312 : vector<1x16xf32> to vector<16xf32>
      %get3A_314 = arith.index_cast %scan3A_44 : i32 to index
      %get3A_315 = arith.constant 304 : index
      %get3A_316 = tpu.vector_load %arg7[%get3A_314, %get3A_315] {strides = array<i32>} : memref<64x768xf32, #tpu.memory_space<vmem>>, vector<1x16xf32>,
      %get3A_317 = vector.shape_cast %get3A_316 : vector<1x16xf32> to vector<16xf32>
      %add3A_318 = arith.addf %get3A_313, %get3A_317 : vector<16xf32>
      %swap3A_319 = arith.index_cast %scan3A_44 : i32 to index
      %swap3A_320 = arith.constant 304 : index
      %swap3A_321 = tpu.vector_load %arg6[%swap3A_319, %swap3A_320] {strides = array<i32>} : memref<64x768xf32, #tpu.memory_space<vmem>>, vector<1x16xf32>,
      %swap3A_322 = vector.shape_cast %swap3A_321 : vector<1x16xf32> to vector<16xf32>
      %swap3A_323 = vector.shape_cast %add3A_318 : vector<16xf32> to vector<1x16xf32>
      tpu.vector_store %arg6[%swap3A_319, %swap3A_320], %swap3A_323 {strides = array<i32>} : memref<64x768xf32, #tpu.memory_space<vmem>>, vector<1x16xf32>,
      %get3A_324 = arith.index_cast %scan3A_44 : i32 to index
      %get3A_325 = arith.constant 320 : index
      %get3A_326 = tpu.vector_load %arg6[%get3A_324, %get3A_325] {strides = array<i32>} : memref<64x768xf32, #tpu.memory_space<vmem>>, vector<1x16xf32>,
      %get3A_327 = vector.shape_cast %get3A_326 : vector<1x16xf32> to vector<16xf32>
      %get3A_328 = arith.index_cast %scan3A_44 : i32 to index
      %get3A_329 = arith.constant 320 : index
      %get3A_330 = tpu.vector_load %arg7[%get3A_328, %get3A_329] {strides = array<i32>} : memref<64x768xf32, #tpu.memory_space<vmem>>, vector<1x16xf32>,
      %get3A_331 = vector.shape_cast %get3A_330 : vector<1x16xf32> to vector<16xf32>
      %add3A_332 = arith.addf %get3A_327, %get3A_331 : vector<16xf32>
      %swap3A_333 = arith.index_cast %scan3A_44 : i32 to index
      %swap3A_334 = arith.constant 320 : index
      %swap3A_335 = tpu.vector_load %arg6[%swap3A_333, %swap3A_334] {strides = array<i32>} : memref<64x768xf32, #tpu.memory_space<vmem>>, vector<1x16xf32>,
      %swap3A_336 = vector.shape_cast %swap3A_335 : vector<1x16xf32> to vector<16xf32>
      %swap3A_337 = vector.shape_cast %add3A_332 : vector<16xf32> to vector<1x16xf32>
      tpu.vector_store %arg6[%swap3A_333, %swap3A_334], %swap3A_337 {strides = array<i32>} : memref<64x768xf32, #tpu.memory_space<vmem>>, vector<1x16xf32>,
      %get3A_338 = arith.index_cast %scan3A_44 : i32 to index
      %get3A_339 = arith.constant 336 : index
      %get3A_340 = tpu.vector_load %arg6[%get3A_338, %get3A_339] {strides = array<i32>} : memref<64x768xf32, #tpu.memory_space<vmem>>, vector<1x16xf32>,
      %get3A_341 = vector.shape_cast %get3A_340 : vector<1x16xf32> to vector<16xf32>
      %get3A_342 = arith.index_cast %scan3A_44 : i32 to index
      %get3A_343 = arith.constant 336 : index
      %get3A_344 = tpu.vector_load %arg7[%get3A_342, %get3A_343] {strides = array<i32>} : memref<64x768xf32, #tpu.memory_space<vmem>>, vector<1x16xf32>,
      %get3A_345 = vector.shape_cast %get3A_344 : vector<1x16xf32> to vector<16xf32>
      %add3A_346 = arith.addf %get3A_341, %get3A_345 : vector<16xf32>
      %swap3A_347 = arith.index_cast %scan3A_44 : i32 to index
      %swap3A_348 = arith.constant 336 : index
      %swap3A_349 = tpu.vector_load %arg6[%swap3A_347, %swap3A_348] {strides = array<i32>} : memref<64x768xf32, #tpu.memory_space<vmem>>, vector<1x16xf32>,
      %swap3A_350 = vector.shape_cast %swap3A_349 : vector<1x16xf32> to vector<16xf32>
      %swap3A_351 = vector.shape_cast %add3A_346 : vector<16xf32> to vector<1x16xf32>
      tpu.vector_store %arg6[%swap3A_347, %swap3A_348], %swap3A_351 {strides = array<i32>} : memref<64x768xf32, #tpu.memory_space<vmem>>, vector<1x16xf32>,
      %get3A_352 = arith.index_cast %scan3A_44 : i32 to index
      %get3A_353 = arith.constant 352 : index
      %get3A_354 = tpu.vector_load %arg6[%get3A_352, %get3A_353] {strides = array<i32>} : memref<64x768xf32, #tpu.memory_space<vmem>>, vector<1x16xf32>,
      %get3A_355 = vector.shape_cast %get3A_354 : vector<1x16xf32> to vector<16xf32>
      %get3A_356 = arith.index_cast %scan3A_44 : i32 to index
      %get3A_357 = arith.constant 352 : index
      %get3A_358 = tpu.vector_load %arg7[%get3A_356, %get3A_357] {strides = array<i32>} : memref<64x768xf32, #tpu.memory_space<vmem>>, vector<1x16xf32>,
      %get3A_359 = vector.shape_cast %get3A_358 : vector<1x16xf32> to vector<16xf32>
      %add3A_360 = arith.addf %get3A_355, %get3A_359 : vector<16xf32>
      %swap3A_361 = arith.index_cast %scan3A_44 : i32 to index
      %swap3A_362 = arith.constant 352 : index
      %swap3A_363 = tpu.vector_load %arg6[%swap3A_361, %swap3A_362] {strides = array<i32>} : memref<64x768xf32, #tpu.memory_space<vmem>>, vector<1x16xf32>,
      %swap3A_364 = vector.shape_cast %swap3A_363 : vector<1x16xf32> to vector<16xf32>
      %swap3A_365 = vector.shape_cast %add3A_360 : vector<16xf32> to vector<1x16xf32>
      tpu.vector_store %arg6[%swap3A_361, %swap3A_362], %swap3A_365 {strides = array<i32>} : memref<64x768xf32, #tpu.memory_space<vmem>>, vector<1x16xf32>,
      %get3A_366 = arith.index_cast %scan3A_44 : i32 to index
      %get3A_367 = arith.constant 368 : index
      %get3A_368 = tpu.vector_load %arg6[%get3A_366, %get3A_367] {strides = array<i32>} : memref<64x768xf32, #tpu.memory_space<vmem>>, vector<1x16xf32>,
      %get3A_369 = vector.shape_cast %get3A_368 : vector<1x16xf32> to vector<16xf32>
      %get3A_370 = arith.index_cast %scan3A_44 : i32 to index
      %get3A_371 = arith.constant 368 : index
      %get3A_372 = tpu.vector_load %arg7[%get3A_370, %get3A_371] {strides = array<i32>} : memref<64x768xf32, #tpu.memory_space<vmem>>, vector<1x16xf32>,
      %get3A_373 = vector.shape_cast %get3A_372 : vector<1x16xf32> to vector<16xf32>
      %add3A_374 = arith.addf %get3A_369, %get3A_373 : vector<16xf32>
      %swap3A_375 = arith.index_cast %scan3A_44 : i32 to index
      %swap3A_376 = arith.constant 368 : index
      %swap3A_377 = tpu.vector_load %arg6[%swap3A_375, %swap3A_376] {strides = array<i32>} : memref<64x768xf32, #tpu.memory_space<vmem>>, vector<1x16xf32>,
      %swap3A_378 = vector.shape_cast %swap3A_377 : vector<1x16xf32> to vector<16xf32>
      %swap3A_379 = vector.shape_cast %add3A_374 : vector<16xf32> to vector<1x16xf32>
      tpu.vector_store %arg6[%swap3A_375, %swap3A_376], %swap3A_379 {strides = array<i32>} : memref<64x768xf32, #tpu.memory_space<vmem>>, vector<1x16xf32>,
      %get3A_380 = arith.index_cast %scan3A_44 : i32 to index
      %get3A_381 = arith.constant 384 : index
      %get3A_382 = tpu.vector_load %arg6[%get3A_380, %get3A_381] {strides = array<i32>} : memref<64x768xf32, #tpu.memory_space<vmem>>, vector<1x16xf32>,
      %get3A_383 = vector.shape_cast %get3A_382 : vector<1x16xf32> to vector<16xf32>
      %get3A_384 = arith.index_cast %scan3A_44 : i32 to index
      %get3A_385 = arith.constant 384 : index
      %get3A_386 = tpu.vector_load %arg7[%get3A_384, %get3A_385] {strides = array<i32>} : memref<64x768xf32, #tpu.memory_space<vmem>>, vector<1x16xf32>,
      %get3A_387 = vector.shape_cast %get3A_386 : vector<1x16xf32> to vector<16xf32>
      %add3A_388 = arith.addf %get3A_383, %get3A_387 : vector<16xf32>
      %swap3A_389 = arith.index_cast %scan3A_44 : i32 to index
      %swap3A_390 = arith.constant 384 : index
      %swap3A_391 = tpu.vector_load %arg6[%swap3A_389, %swap3A_390] {strides = array<i32>} : memref<64x768xf32, #tpu.memory_space<vmem>>, vector<1x16xf32>,
      %swap3A_392 = vector.shape_cast %swap3A_391 : vector<1x16xf32> to vector<16xf32>
      %swap3A_393 = vector.shape_cast %add3A_388 : vector<16xf32> to vector<1x16xf32>
      tpu.vector_store %arg6[%swap3A_389, %swap3A_390], %swap3A_393 {strides = array<i32>} : memref<64x768xf32, #tpu.memory_space<vmem>>, vector<1x16xf32>,
      %get3A_394 = arith.index_cast %scan3A_44 : i32 to index
      %get3A_395 = arith.constant 400 : index
      %get3A_396 = tpu.vector_load %arg6[%get3A_394, %get3A_395] {strides = array<i32>} : memref<64x768xf32, #tpu.memory_space<vmem>>, vector<1x16xf32>,
      %get3A_397 = vector.shape_cast %get3A_396 : vector<1x16xf32> to vector<16xf32>
      %get3A_398 = arith.index_cast %scan3A_44 : i32 to index
      %get3A_399 = arith.constant 400 : index
      %get3A_400 = tpu.vector_load %arg7[%get3A_398, %get3A_399] {strides = array<i32>} : memref<64x768xf32, #tpu.memory_space<vmem>>, vector<1x16xf32>,
      %get3A_401 = vector.shape_cast %get3A_400 : vector<1x16xf32> to vector<16xf32>
      %add3A_402 = arith.addf %get3A_397, %get3A_401 : vector<16xf32>
      %swap3A_403 = arith.index_cast %scan3A_44 : i32 to index
      %swap3A_404 = arith.constant 400 : index
      %swap3A_405 = tpu.vector_load %arg6[%swap3A_403, %swap3A_404] {strides = array<i32>} : memref<64x768xf32, #tpu.memory_space<vmem>>, vector<1x16xf32>,
      %swap3A_406 = vector.shape_cast %swap3A_405 : vector<1x16xf32> to vector<16xf32>
      %swap3A_407 = vector.shape_cast %add3A_402 : vector<16xf32> to vector<1x16xf32>
      tpu.vector_store %arg6[%swap3A_403, %swap3A_404], %swap3A_407 {strides = array<i32>} : memref<64x768xf32, #tpu.memory_space<vmem>>, vector<1x16xf32>,
      %get3A_408 = arith.index_cast %scan3A_44 : i32 to index
      %get3A_409 = arith.constant 416 : index
      %get3A_410 = tpu.vector_load %arg6[%get3A_408, %get3A_409] {strides = array<i32>} : memref<64x768xf32, #tpu.memory_space<vmem>>, vector<1x16xf32>,
      %get3A_411 = vector.shape_cast %get3A_410 : vector<1x16xf32> to vector<16xf32>
      %get3A_412 = arith.index_cast %scan3A_44 : i32 to index
      %get3A_413 = arith.constant 416 : index
      %get3A_414 = tpu.vector_load %arg7[%get3A_412, %get3A_413] {strides = array<i32>} : memref<64x768xf32, #tpu.memory_space<vmem>>, vector<1x16xf32>,
      %get3A_415 = vector.shape_cast %get3A_414 : vector<1x16xf32> to vector<16xf32>
      %add3A_416 = arith.addf %get3A_411, %get3A_415 : vector<16xf32>
      %swap3A_417 = arith.index_cast %scan3A_44 : i32 to index
      %swap3A_418 = arith.constant 416 : index
      %swap3A_419 = tpu.vector_load %arg6[%swap3A_417, %swap3A_418] {strides = array<i32>} : memref<64x768xf32, #tpu.memory_space<vmem>>, vector<1x16xf32>,
      %swap3A_420 = vector.shape_cast %swap3A_419 : vector<1x16xf32> to vector<16xf32>
      %swap3A_421 = vector.shape_cast %add3A_416 : vector<16xf32> to vector<1x16xf32>
      tpu.vector_store %arg6[%swap3A_417, %swap3A_418], %swap3A_421 {strides = array<i32>} : memref<64x768xf32, #tpu.memory_space<vmem>>, vector<1x16xf32>,
      %get3A_422 = arith.index_cast %scan3A_44 : i32 to index
      %get3A_423 = arith.constant 432 : index
      %get3A_424 = tpu.vector_load %arg6[%get3A_422, %get3A_423] {strides = array<i32>} : memref<64x768xf32, #tpu.memory_space<vmem>>, vector<1x16xf32>,
      %get3A_425 = vector.shape_cast %get3A_424 : vector<1x16xf32> to vector<16xf32>
      %get3A_426 = arith.index_cast %scan3A_44 : i32 to index
      %get3A_427 = arith.constant 432 : index
      %get3A_428 = tpu.vector_load %arg7[%get3A_426, %get3A_427] {strides = array<i32>} : memref<64x768xf32, #tpu.memory_space<vmem>>, vector<1x16xf32>,
      %get3A_429 = vector.shape_cast %get3A_428 : vector<1x16xf32> to vector<16xf32>
      %add3A_430 = arith.addf %get3A_425, %get3A_429 : vector<16xf32>
      %swap3A_431 = arith.index_cast %scan3A_44 : i32 to index
      %swap3A_432 = arith.constant 432 : index
      %swap3A_433 = tpu.vector_load %arg6[%swap3A_431, %swap3A_432] {strides = array<i32>} : memref<64x768xf32, #tpu.memory_space<vmem>>, vector<1x16xf32>,
      %swap3A_434 = vector.shape_cast %swap3A_433 : vector<1x16xf32> to vector<16xf32>
      %swap3A_435 = vector.shape_cast %add3A_430 : vector<16xf32> to vector<1x16xf32>
      tpu.vector_store %arg6[%swap3A_431, %swap3A_432], %swap3A_435 {strides = array<i32>} : memref<64x768xf32, #tpu.memory_space<vmem>>, vector<1x16xf32>,
      %get3A_436 = arith.index_cast %scan3A_44 : i32 to index
      %get3A_437 = arith.constant 448 : index
      %get3A_438 = tpu.vector_load %arg6[%get3A_436, %get3A_437] {strides = array<i32>} : memref<64x768xf32, #tpu.memory_space<vmem>>, vector<1x16xf32>,
      %get3A_439 = vector.shape_cast %get3A_438 : vector<1x16xf32> to vector<16xf32>
      %get3A_440 = arith.index_cast %scan3A_44 : i32 to index
      %get3A_441 = arith.constant 448 : index
      %get3A_442 = tpu.vector_load %arg7[%get3A_440, %get3A_441] {strides = array<i32>} : memref<64x768xf32, #tpu.memory_space<vmem>>, vector<1x16xf32>,
      %get3A_443 = vector.shape_cast %get3A_442 : vector<1x16xf32> to vector<16xf32>
      %add3A_444 = arith.addf %get3A_439, %get3A_443 : vector<16xf32>
      %swap3A_445 = arith.index_cast %scan3A_44 : i32 to index
      %swap3A_446 = arith.constant 448 : index
      %swap3A_447 = tpu.vector_load %arg6[%swap3A_445, %swap3A_446] {strides = array<i32>} : memref<64x768xf32, #tpu.memory_space<vmem>>, vector<1x16xf32>,
      %swap3A_448 = vector.shape_cast %swap3A_447 : vector<1x16xf32> to vector<16xf32>
      %swap3A_449 = vector.shape_cast %add3A_444 : vector<16xf32> to vector<1x16xf32>
      tpu.vector_store %arg6[%swap3A_445, %swap3A_446], %swap3A_449 {strides = array<i32>} : memref<64x768xf32, #tpu.memory_space<vmem>>, vector<1x16xf32>,
      %get3A_450 = arith.index_cast %scan3A_44 : i32 to index
      %get3A_451 = arith.constant 464 : index
      %get3A_452 = tpu.vector_load %arg6[%get3A_450, %get3A_451] {strides = array<i32>} : memref<64x768xf32, #tpu.memory_space<vmem>>, vector<1x16xf32>,
      %get3A_453 = vector.shape_cast %get3A_452 : vector<1x16xf32> to vector<16xf32>
      %get3A_454 = arith.index_cast %scan3A_44 : i32 to index
      %get3A_455 = arith.constant 464 : index
      %get3A_456 = tpu.vector_load %arg7[%get3A_454, %get3A_455] {strides = array<i32>} : memref<64x768xf32, #tpu.memory_space<vmem>>, vector<1x16xf32>,
      %get3A_457 = vector.shape_cast %get3A_456 : vector<1x16xf32> to vector<16xf32>
      %add3A_458 = arith.addf %get3A_453, %get3A_457 : vector<16xf32>
      %swap3A_459 = arith.index_cast %scan3A_44 : i32 to index
      %swap3A_460 = arith.constant 464 : index
      %swap3A_461 = tpu.vector_load %arg6[%swap3A_459, %swap3A_460] {strides = array<i32>} : memref<64x768xf32, #tpu.memory_space<vmem>>, vector<1x16xf32>,
      %swap3A_462 = vector.shape_cast %swap3A_461 : vector<1x16xf32> to vector<16xf32>
      %swap3A_463 = vector.shape_cast %add3A_458 : vector<16xf32> to vector<1x16xf32>
      tpu.vector_store %arg6[%swap3A_459, %swap3A_460], %swap3A_463 {strides = array<i32>} : memref<64x768xf32, #tpu.memory_space<vmem>>, vector<1x16xf32>,
      %get3A_464 = arith.index_cast %scan3A_44 : i32 to index
      %get3A_465 = arith.constant 480 : index
      %get3A_466 = tpu.vector_load %arg6[%get3A_464, %get3A_465] {strides = array<i32>} : memref<64x768xf32, #tpu.memory_space<vmem>>, vector<1x16xf32>,
      %get3A_467 = vector.shape_cast %get3A_466 : vector<1x16xf32> to vector<16xf32>
      %get3A_468 = arith.index_cast %scan3A_44 : i32 to index
      %get3A_469 = arith.constant 480 : index
      %get3A_470 = tpu.vector_load %arg7[%get3A_468, %get3A_469] {strides = array<i32>} : memref<64x768xf32, #tpu.memory_space<vmem>>, vector<1x16xf32>,
      %get3A_471 = vector.shape_cast %get3A_470 : vector<1x16xf32> to vector<16xf32>
      %add3A_472 = arith.addf %get3A_467, %get3A_471 : vector<16xf32>
      %swap3A_473 = arith.index_cast %scan3A_44 : i32 to index
      %swap3A_474 = arith.constant 480 : index
      %swap3A_475 = tpu.vector_load %arg6[%swap3A_473, %swap3A_474] {strides = array<i32>} : memref<64x768xf32, #tpu.memory_space<vmem>>, vector<1x16xf32>,
      %swap3A_476 = vector.shape_cast %swap3A_475 : vector<1x16xf32> to vector<16xf32>
      %swap3A_477 = vector.shape_cast %add3A_472 : vector<16xf32> to vector<1x16xf32>
      tpu.vector_store %arg6[%swap3A_473, %swap3A_474], %swap3A_477 {strides = array<i32>} : memref<64x768xf32, #tpu.memory_space<vmem>>, vector<1x16xf32>,
      %get3A_478 = arith.index_cast %scan3A_44 : i32 to index
      %get3A_479 = arith.constant 496 : index
      %get3A_480 = tpu.vector_load %arg6[%get3A_478, %get3A_479] {strides = array<i32>} : memref<64x768xf32, #tpu.memory_space<vmem>>, vector<1x16xf32>,
      %get3A_481 = vector.shape_cast %get3A_480 : vector<1x16xf32> to vector<16xf32>
      %get3A_482 = arith.index_cast %scan3A_44 : i32 to index
      %get3A_483 = arith.constant 496 : index
      %get3A_484 = tpu.vector_load %arg7[%get3A_482, %get3A_483] {strides = array<i32>} : memref<64x768xf32, #tpu.memory_space<vmem>>, vector<1x16xf32>,
      %get3A_485 = vector.shape_cast %get3A_484 : vector<1x16xf32> to vector<16xf32>
      %add3A_486 = arith.addf %get3A_481, %get3A_485 : vector<16xf32>
      %swap3A_487 = arith.index_cast %scan3A_44 : i32 to index
      %swap3A_488 = arith.constant 496 : index
      %swap3A_489 = tpu.vector_load %arg6[%swap3A_487, %swap3A_488] {strides = array<i32>} : memref<64x768xf32, #tpu.memory_space<vmem>>, vector<1x16xf32>,
      %swap3A_490 = vector.shape_cast %swap3A_489 : vector<1x16xf32> to vector<16xf32>
      %swap3A_491 = vector.shape_cast %add3A_486 : vector<16xf32> to vector<1x16xf32>
      tpu.vector_store %arg6[%swap3A_487, %swap3A_488], %swap3A_491 {strides = array<i32>} : memref<64x768xf32, #tpu.memory_space<vmem>>, vector<1x16xf32>,
      %get3A_492 = arith.index_cast %scan3A_44 : i32 to index
      %get3A_493 = arith.constant 512 : index
      %get3A_494 = tpu.vector_load %arg6[%get3A_492, %get3A_493] {strides = array<i32>} : memref<64x768xf32, #tpu.memory_space<vmem>>, vector<1x16xf32>,
      %get3A_495 = vector.shape_cast %get3A_494 : vector<1x16xf32> to vector<16xf32>
      %get3A_496 = arith.index_cast %scan3A_44 : i32 to index
      %get3A_497 = arith.constant 512 : index
      %get3A_498 = tpu.vector_load %arg7[%get3A_496, %get3A_497] {strides = array<i32>} : memref<64x768xf32, #tpu.memory_space<vmem>>, vector<1x16xf32>,
      %get3A_499 = vector.shape_cast %get3A_498 : vector<1x16xf32> to vector<16xf32>
      %add3A_500 = arith.addf %get3A_495, %get3A_499 : vector<16xf32>
      %swap3A_501 = arith.index_cast %scan3A_44 : i32 to index
      %swap3A_502 = arith.constant 512 : index
      %swap3A_503 = tpu.vector_load %arg6[%swap3A_501, %swap3A_502] {strides = array<i32>} : memref<64x768xf32, #tpu.memory_space<vmem>>, vector<1x16xf32>,
      %swap3A_504 = vector.shape_cast %swap3A_503 : vector<1x16xf32> to vector<16xf32>
      %swap3A_505 = vector.shape_cast %add3A_500 : vector<16xf32> to vector<1x16xf32>
      tpu.vector_store %arg6[%swap3A_501, %swap3A_502], %swap3A_505 {strides = array<i32>} : memref<64x768xf32, #tpu.memory_space<vmem>>, vector<1x16xf32>,
      %get3A_506 = arith.index_cast %scan3A_44 : i32 to index
      %get3A_507 = arith.constant 528 : index
      %get3A_508 = tpu.vector_load %arg6[%get3A_506, %get3A_507] {strides = array<i32>} : memref<64x768xf32, #tpu.memory_space<vmem>>, vector<1x16xf32>,
      %get3A_509 = vector.shape_cast %get3A_508 : vector<1x16xf32> to vector<16xf32>
      %get3A_510 = arith.index_cast %scan3A_44 : i32 to index
      %get3A_511 = arith.constant 528 : index
      %get3A_512 = tpu.vector_load %arg7[%get3A_510, %get3A_511] {strides = array<i32>} : memref<64x768xf32, #tpu.memory_space<vmem>>, vector<1x16xf32>,
      %get3A_513 = vector.shape_cast %get3A_512 : vector<1x16xf32> to vector<16xf32>
      %add3A_514 = arith.addf %get3A_509, %get3A_513 : vector<16xf32>
      %swap3A_515 = arith.index_cast %scan3A_44 : i32 to index
      %swap3A_516 = arith.constant 528 : index
      %swap3A_517 = tpu.vector_load %arg6[%swap3A_515, %swap3A_516] {strides = array<i32>} : memref<64x768xf32, #tpu.memory_space<vmem>>, vector<1x16xf32>,
      %swap3A_518 = vector.shape_cast %swap3A_517 : vector<1x16xf32> to vector<16xf32>
      %swap3A_519 = vector.shape_cast %add3A_514 : vector<16xf32> to vector<1x16xf32>
      tpu.vector_store %arg6[%swap3A_515, %swap3A_516], %swap3A_519 {strides = array<i32>} : memref<64x768xf32, #tpu.memory_space<vmem>>, vector<1x16xf32>,
      %get3A_520 = arith.index_cast %scan3A_44 : i32 to index
      %get3A_521 = arith.constant 544 : index
      %get3A_522 = tpu.vector_load %arg6[%get3A_520, %get3A_521] {strides = array<i32>} : memref<64x768xf32, #tpu.memory_space<vmem>>, vector<1x16xf32>,
      %get3A_523 = vector.shape_cast %get3A_522 : vector<1x16xf32> to vector<16xf32>
      %get3A_524 = arith.index_cast %scan3A_44 : i32 to index
      %get3A_525 = arith.constant 544 : index
      %get3A_526 = tpu.vector_load %arg7[%get3A_524, %get3A_525] {strides = array<i32>} : memref<64x768xf32, #tpu.memory_space<vmem>>, vector<1x16xf32>,
      %get3A_527 = vector.shape_cast %get3A_526 : vector<1x16xf32> to vector<16xf32>
      %add3A_528 = arith.addf %get3A_523, %get3A_527 : vector<16xf32>
      %swap3A_529 = arith.index_cast %scan3A_44 : i32 to index
      %swap3A_530 = arith.constant 544 : index
      %swap3A_531 = tpu.vector_load %arg6[%swap3A_529, %swap3A_530] {strides = array<i32>} : memref<64x768xf32, #tpu.memory_space<vmem>>, vector<1x16xf32>,
      %swap3A_532 = vector.shape_cast %swap3A_531 : vector<1x16xf32> to vector<16xf32>
      %swap3A_533 = vector.shape_cast %add3A_528 : vector<16xf32> to vector<1x16xf32>
      tpu.vector_store %arg6[%swap3A_529, %swap3A_530], %swap3A_533 {strides = array<i32>} : memref<64x768xf32, #tpu.memory_space<vmem>>, vector<1x16xf32>,
      %get3A_534 = arith.index_cast %scan3A_44 : i32 to index
      %get3A_535 = arith.constant 560 : index
      %get3A_536 = tpu.vector_load %arg6[%get3A_534, %get3A_535] {strides = array<i32>} : memref<64x768xf32, #tpu.memory_space<vmem>>, vector<1x16xf32>,
      %get3A_537 = vector.shape_cast %get3A_536 : vector<1x16xf32> to vector<16xf32>
      %get3A_538 = arith.index_cast %scan3A_44 : i32 to index
      %get3A_539 = arith.constant 560 : index
      %get3A_540 = tpu.vector_load %arg7[%get3A_538, %get3A_539] {strides = array<i32>} : memref<64x768xf32, #tpu.memory_space<vmem>>, vector<1x16xf32>,
      %get3A_541 = vector.shape_cast %get3A_540 : vector<1x16xf32> to vector<16xf32>
      %add3A_542 = arith.addf %get3A_537, %get3A_541 : vector<16xf32>
      %swap3A_543 = arith.index_cast %scan3A_44 : i32 to index
      %swap3A_544 = arith.constant 560 : index
      %swap3A_545 = tpu.vector_load %arg6[%swap3A_543, %swap3A_544] {strides = array<i32>} : memref<64x768xf32, #tpu.memory_space<vmem>>, vector<1x16xf32>,
      %swap3A_546 = vector.shape_cast %swap3A_545 : vector<1x16xf32> to vector<16xf32>
      %swap3A_547 = vector.shape_cast %add3A_542 : vector<16xf32> to vector<1x16xf32>
      tpu.vector_store %arg6[%swap3A_543, %swap3A_544], %swap3A_547 {strides = array<i32>} : memref<64x768xf32, #tpu.memory_space<vmem>>, vector<1x16xf32>,
      %get3A_548 = arith.index_cast %scan3A_44 : i32 to index
      %get3A_549 = arith.constant 576 : index
      %get3A_550 = tpu.vector_load %arg6[%get3A_548, %get3A_549] {strides = array<i32>} : memref<64x768xf32, #tpu.memory_space<vmem>>, vector<1x16xf32>,
      %get3A_551 = vector.shape_cast %get3A_550 : vector<1x16xf32> to vector<16xf32>
      %get3A_552 = arith.index_cast %scan3A_44 : i32 to index
      %get3A_553 = arith.constant 576 : index
      %get3A_554 = tpu.vector_load %arg7[%get3A_552, %get3A_553] {strides = array<i32>} : memref<64x768xf32, #tpu.memory_space<vmem>>, vector<1x16xf32>,
      %get3A_555 = vector.shape_cast %get3A_554 : vector<1x16xf32> to vector<16xf32>
      %add3A_556 = arith.addf %get3A_551, %get3A_555 : vector<16xf32>
      %swap3A_557 = arith.index_cast %scan3A_44 : i32 to index
      %swap3A_558 = arith.constant 576 : index
      %swap3A_559 = tpu.vector_load %arg6[%swap3A_557, %swap3A_558] {strides = array<i32>} : memref<64x768xf32, #tpu.memory_space<vmem>>, vector<1x16xf32>,
      %swap3A_560 = vector.shape_cast %swap3A_559 : vector<1x16xf32> to vector<16xf32>
      %swap3A_561 = vector.shape_cast %add3A_556 : vector<16xf32> to vector<1x16xf32>
      tpu.vector_store %arg6[%swap3A_557, %swap3A_558], %swap3A_561 {strides = array<i32>} : memref<64x768xf32, #tpu.memory_space<vmem>>, vector<1x16xf32>,
      %get3A_562 = arith.index_cast %scan3A_44 : i32 to index
      %get3A_563 = arith.constant 592 : index
      %get3A_564 = tpu.vector_load %arg6[%get3A_562, %get3A_563] {strides = array<i32>} : memref<64x768xf32, #tpu.memory_space<vmem>>, vector<1x16xf32>,
      %get3A_565 = vector.shape_cast %get3A_564 : vector<1x16xf32> to vector<16xf32>
      %get3A_566 = arith.index_cast %scan3A_44 : i32 to index
      %get3A_567 = arith.constant 592 : index
      %get3A_568 = tpu.vector_load %arg7[%get3A_566, %get3A_567] {strides = array<i32>} : memref<64x768xf32, #tpu.memory_space<vmem>>, vector<1x16xf32>,
      %get3A_569 = vector.shape_cast %get3A_568 : vector<1x16xf32> to vector<16xf32>
      %add3A_570 = arith.addf %get3A_565, %get3A_569 : vector<16xf32>
      %swap3A_571 = arith.index_cast %scan3A_44 : i32 to index
      %swap3A_572 = arith.constant 592 : index
      %swap3A_573 = tpu.vector_load %arg6[%swap3A_571, %swap3A_572] {strides = array<i32>} : memref<64x768xf32, #tpu.memory_space<vmem>>, vector<1x16xf32>,
      %swap3A_574 = vector.shape_cast %swap3A_573 : vector<1x16xf32> to vector<16xf32>
      %swap3A_575 = vector.shape_cast %add3A_570 : vector<16xf32> to vector<1x16xf32>
      tpu.vector_store %arg6[%swap3A_571, %swap3A_572], %swap3A_575 {strides = array<i32>} : memref<64x768xf32, #tpu.memory_space<vmem>>, vector<1x16xf32>,
      %get3A_576 = arith.index_cast %scan3A_44 : i32 to index
      %get3A_577 = arith.constant 608 : index
      %get3A_578 = tpu.vector_load %arg6[%get3A_576, %get3A_577] {strides = array<i32>} : memref<64x768xf32, #tpu.memory_space<vmem>>, vector<1x16xf32>,
      %get3A_579 = vector.shape_cast %get3A_578 : vector<1x16xf32> to vector<16xf32>
      %get3A_580 = arith.index_cast %scan3A_44 : i32 to index
      %get3A_581 = arith.constant 608 : index
      %get3A_582 = tpu.vector_load %arg7[%get3A_580, %get3A_581] {strides = array<i32>} : memref<64x768xf32, #tpu.memory_space<vmem>>, vector<1x16xf32>,
      %get3A_583 = vector.shape_cast %get3A_582 : vector<1x16xf32> to vector<16xf32>
      %add3A_584 = arith.addf %get3A_579, %get3A_583 : vector<16xf32>
      %swap3A_585 = arith.index_cast %scan3A_44 : i32 to index
      %swap3A_586 = arith.constant 608 : index
      %swap3A_587 = tpu.vector_load %arg6[%swap3A_585, %swap3A_586] {strides = array<i32>} : memref<64x768xf32, #tpu.memory_space<vmem>>, vector<1x16xf32>,
      %swap3A_588 = vector.shape_cast %swap3A_587 : vector<1x16xf32> to vector<16xf32>
      %swap3A_589 = vector.shape_cast %add3A_584 : vector<16xf32> to vector<1x16xf32>
      tpu.vector_store %arg6[%swap3A_585, %swap3A_586], %swap3A_589 {strides = array<i32>} : memref<64x768xf32, #tpu.memory_space<vmem>>, vector<1x16xf32>,
      %get3A_590 = arith.index_cast %scan3A_44 : i32 to index
      %get3A_591 = arith.constant 624 : index
      %get3A_592 = tpu.vector_load %arg6[%get3A_590, %get3A_591] {strides = array<i32>} : memref<64x768xf32, #tpu.memory_space<vmem>>, vector<1x16xf32>,
      %get3A_593 = vector.shape_cast %get3A_592 : vector<1x16xf32> to vector<16xf32>
      %get3A_594 = arith.index_cast %scan3A_44 : i32 to index
      %get3A_595 = arith.constant 624 : index
      %get3A_596 = tpu.vector_load %arg7[%get3A_594, %get3A_595] {strides = array<i32>} : memref<64x768xf32, #tpu.memory_space<vmem>>, vector<1x16xf32>,
      %get3A_597 = vector.shape_cast %get3A_596 : vector<1x16xf32> to vector<16xf32>
      %add3A_598 = arith.addf %get3A_593, %get3A_597 : vector<16xf32>
      %swap3A_599 = arith.index_cast %scan3A_44 : i32 to index
      %swap3A_600 = arith.constant 624 : index
      %swap3A_601 = tpu.vector_load %arg6[%swap3A_599, %swap3A_600] {strides = array<i32>} : memref<64x768xf32, #tpu.memory_space<vmem>>, vector<1x16xf32>,
      %swap3A_602 = vector.shape_cast %swap3A_601 : vector<1x16xf32> to vector<16xf32>
      %swap3A_603 = vector.shape_cast %add3A_598 : vector<16xf32> to vector<1x16xf32>
      tpu.vector_store %arg6[%swap3A_599, %swap3A_600], %swap3A_603 {strides = array<i32>} : memref<64x768xf32, #tpu.memory_space<vmem>>, vector<1x16xf32>,
      %get3A_604 = arith.index_cast %scan3A_44 : i32 to index
      %get3A_605 = arith.constant 640 : index
      %get3A_606 = tpu.vector_load %arg6[%get3A_604, %get3A_605] {strides = array<i32>} : memref<64x768xf32, #tpu.memory_space<vmem>>, vector<1x16xf32>,
      %get3A_607 = vector.shape_cast %get3A_606 : vector<1x16xf32> to vector<16xf32>
      %get3A_608 = arith.index_cast %scan3A_44 : i32 to index
      %get3A_609 = arith.constant 640 : index
      %get3A_610 = tpu.vector_load %arg7[%get3A_608, %get3A_609] {strides = array<i32>} : memref<64x768xf32, #tpu.memory_space<vmem>>, vector<1x16xf32>,
      %get3A_611 = vector.shape_cast %get3A_610 : vector<1x16xf32> to vector<16xf32>
      %add3A_612 = arith.addf %get3A_607, %get3A_611 : vector<16xf32>
      %swap3A_613 = arith.index_cast %scan3A_44 : i32 to index
      %swap3A_614 = arith.constant 640 : index
      %swap3A_615 = tpu.vector_load %arg6[%swap3A_613, %swap3A_614] {strides = array<i32>} : memref<64x768xf32, #tpu.memory_space<vmem>>, vector<1x16xf32>,
      %swap3A_616 = vector.shape_cast %swap3A_615 : vector<1x16xf32> to vector<16xf32>
      %swap3A_617 = vector.shape_cast %add3A_612 : vector<16xf32> to vector<1x16xf32>
      tpu.vector_store %arg6[%swap3A_613, %swap3A_614], %swap3A_617 {strides = array<i32>} : memref<64x768xf32, #tpu.memory_space<vmem>>, vector<1x16xf32>,
      %get3A_618 = arith.index_cast %scan3A_44 : i32 to index
      %get3A_619 = arith.constant 656 : index
      %get3A_620 = tpu.vector_load %arg6[%get3A_618, %get3A_619] {strides = array<i32>} : memref<64x768xf32, #tpu.memory_space<vmem>>, vector<1x16xf32>,
      %get3A_621 = vector.shape_cast %get3A_620 : vector<1x16xf32> to vector<16xf32>
      %get3A_622 = arith.index_cast %scan3A_44 : i32 to index
      %get3A_623 = arith.constant 656 : index
      %get3A_624 = tpu.vector_load %arg7[%get3A_622, %get3A_623] {strides = array<i32>} : memref<64x768xf32, #tpu.memory_space<vmem>>, vector<1x16xf32>,
      %get3A_625 = vector.shape_cast %get3A_624 : vector<1x16xf32> to vector<16xf32>
      %add3A_626 = arith.addf %get3A_621, %get3A_625 : vector<16xf32>
      %swap3A_627 = arith.index_cast %scan3A_44 : i32 to index
      %swap3A_628 = arith.constant 656 : index
      %swap3A_629 = tpu.vector_load %arg6[%swap3A_627, %swap3A_628] {strides = array<i32>} : memref<64x768xf32, #tpu.memory_space<vmem>>, vector<1x16xf32>,
      %swap3A_630 = vector.shape_cast %swap3A_629 : vector<1x16xf32> to vector<16xf32>
      %swap3A_631 = vector.shape_cast %add3A_626 : vector<16xf32> to vector<1x16xf32>
      tpu.vector_store %arg6[%swap3A_627, %swap3A_628], %swap3A_631 {strides = array<i32>} : memref<64x768xf32, #tpu.memory_space<vmem>>, vector<1x16xf32>,
      %get3A_632 = arith.index_cast %scan3A_44 : i32 to index
      %get3A_633 = arith.constant 672 : index
      %get3A_634 = tpu.vector_load %arg6[%get3A_632, %get3A_633] {strides = array<i32>} : memref<64x768xf32, #tpu.memory_space<vmem>>, vector<1x16xf32>,
      %get3A_635 = vector.shape_cast %get3A_634 : vector<1x16xf32> to vector<16xf32>
      %get3A_636 = arith.index_cast %scan3A_44 : i32 to index
      %get3A_637 = arith.constant 672 : index
      %get3A_638 = tpu.vector_load %arg7[%get3A_636, %get3A_637] {strides = array<i32>} : memref<64x768xf32, #tpu.memory_space<vmem>>, vector<1x16xf32>,
      %get3A_639 = vector.shape_cast %get3A_638 : vector<1x16xf32> to vector<16xf32>
      %add3A_640 = arith.addf %get3A_635, %get3A_639 : vector<16xf32>
      %swap3A_641 = arith.index_cast %scan3A_44 : i32 to index
      %swap3A_642 = arith.constant 672 : index
      %swap3A_643 = tpu.vector_load %arg6[%swap3A_641, %swap3A_642] {strides = array<i32>} : memref<64x768xf32, #tpu.memory_space<vmem>>, vector<1x16xf32>,
      %swap3A_644 = vector.shape_cast %swap3A_643 : vector<1x16xf32> to vector<16xf32>
      %swap3A_645 = vector.shape_cast %add3A_640 : vector<16xf32> to vector<1x16xf32>
      tpu.vector_store %arg6[%swap3A_641, %swap3A_642], %swap3A_645 {strides = array<i32>} : memref<64x768xf32, #tpu.memory_space<vmem>>, vector<1x16xf32>,
      %get3A_646 = arith.index_cast %scan3A_44 : i32 to index
      %get3A_647 = arith.constant 688 : index
      %get3A_648 = tpu.vector_load %arg6[%get3A_646, %get3A_647] {strides = array<i32>} : memref<64x768xf32, #tpu.memory_space<vmem>>, vector<1x16xf32>,
      %get3A_649 = vector.shape_cast %get3A_648 : vector<1x16xf32> to vector<16xf32>
      %get3A_650 = arith.index_cast %scan3A_44 : i32 to index
      %get3A_651 = arith.constant 688 : index
      %get3A_652 = tpu.vector_load %arg7[%get3A_650, %get3A_651] {strides = array<i32>} : memref<64x768xf32, #tpu.memory_space<vmem>>, vector<1x16xf32>,
      %get3A_653 = vector.shape_cast %get3A_652 : vector<1x16xf32> to vector<16xf32>
      %add3A_654 = arith.addf %get3A_649, %get3A_653 : vector<16xf32>
      %swap3A_655 = arith.index_cast %scan3A_44 : i32 to index
      %swap3A_656 = arith.constant 688 : index
      %swap3A_657 = tpu.vector_load %arg6[%swap3A_655, %swap3A_656] {strides = array<i32>} : memref<64x768xf32, #tpu.memory_space<vmem>>, vector<1x16xf32>,
      %swap3A_658 = vector.shape_cast %swap3A_657 : vector<1x16xf32> to vector<16xf32>
      %swap3A_659 = vector.shape_cast %add3A_654 : vector<16xf32> to vector<1x16xf32>
      tpu.vector_store %arg6[%swap3A_655, %swap3A_656], %swap3A_659 {strides = array<i32>} : memref<64x768xf32, #tpu.memory_space<vmem>>, vector<1x16xf32>,
      %get3A_660 = arith.index_cast %scan3A_44 : i32 to index
      %get3A_661 = arith.constant 704 : index
      %get3A_662 = tpu.vector_load %arg6[%get3A_660, %get3A_661] {strides = array<i32>} : memref<64x768xf32, #tpu.memory_space<vmem>>, vector<1x16xf32>,
      %get3A_663 = vector.shape_cast %get3A_662 : vector<1x16xf32> to vector<16xf32>
      %get3A_664 = arith.index_cast %scan3A_44 : i32 to index
      %get3A_665 = arith.constant 704 : index
      %get3A_666 = tpu.vector_load %arg7[%get3A_664, %get3A_665] {strides = array<i32>} : memref<64x768xf32, #tpu.memory_space<vmem>>, vector<1x16xf32>,
      %get3A_667 = vector.shape_cast %get3A_666 : vector<1x16xf32> to vector<16xf32>
      %add3A_668 = arith.addf %get3A_663, %get3A_667 : vector<16xf32>
      %swap3A_669 = arith.index_cast %scan3A_44 : i32 to index
      %swap3A_670 = arith.constant 704 : index
      %swap3A_671 = tpu.vector_load %arg6[%swap3A_669, %swap3A_670] {strides = array<i32>} : memref<64x768xf32, #tpu.memory_space<vmem>>, vector<1x16xf32>,
      %swap3A_672 = vector.shape_cast %swap3A_671 : vector<1x16xf32> to vector<16xf32>
      %swap3A_673 = vector.shape_cast %add3A_668 : vector<16xf32> to vector<1x16xf32>
      tpu.vector_store %arg6[%swap3A_669, %swap3A_670], %swap3A_673 {strides = array<i32>} : memref<64x768xf32, #tpu.memory_space<vmem>>, vector<1x16xf32>,
      %get3A_674 = arith.index_cast %scan3A_44 : i32 to index
      %get3A_675 = arith.constant 720 : index
      %get3A_676 = tpu.vector_load %arg6[%get3A_674, %get3A_675] {strides = array<i32>} : memref<64x768xf32, #tpu.memory_space<vmem>>, vector<1x16xf32>,
      %get3A_677 = vector.shape_cast %get3A_676 : vector<1x16xf32> to vector<16xf32>
      %get3A_678 = arith.index_cast %scan3A_44 : i32 to index
      %get3A_679 = arith.constant 720 : index
      %get3A_680 = tpu.vector_load %arg7[%get3A_678, %get3A_679] {strides = array<i32>} : memref<64x768xf32, #tpu.memory_space<vmem>>, vector<1x16xf32>,
      %get3A_681 = vector.shape_cast %get3A_680 : vector<1x16xf32> to vector<16xf32>
      %add3A_682 = arith.addf %get3A_677, %get3A_681 : vector<16xf32>
      %swap3A_683 = arith.index_cast %scan3A_44 : i32 to index
      %swap3A_684 = arith.constant 720 : index
      %swap3A_685 = tpu.vector_load %arg6[%swap3A_683, %swap3A_684] {strides = array<i32>} : memref<64x768xf32, #tpu.memory_space<vmem>>, vector<1x16xf32>,
      %swap3A_686 = vector.shape_cast %swap3A_685 : vector<1x16xf32> to vector<16xf32>
      %swap3A_687 = vector.shape_cast %add3A_682 : vector<16xf32> to vector<1x16xf32>
      tpu.vector_store %arg6[%swap3A_683, %swap3A_684], %swap3A_687 {strides = array<i32>} : memref<64x768xf32, #tpu.memory_space<vmem>>, vector<1x16xf32>,
      %get3A_688 = arith.index_cast %scan3A_44 : i32 to index
      %get3A_689 = arith.constant 736 : index
      %get3A_690 = tpu.vector_load %arg6[%get3A_688, %get3A_689] {strides = array<i32>} : memref<64x768xf32, #tpu.memory_space<vmem>>, vector<1x16xf32>,
      %get3A_691 = vector.shape_cast %get3A_690 : vector<1x16xf32> to vector<16xf32>
      %get3A_692 = arith.index_cast %scan3A_44 : i32 to index
      %get3A_693 = arith.constant 736 : index
      %get3A_694 = tpu.vector_load %arg7[%get3A_692, %get3A_693] {strides = array<i32>} : memref<64x768xf32, #tpu.memory_space<vmem>>, vector<1x16xf32>,
      %get3A_695 = vector.shape_cast %get3A_694 : vector<1x16xf32> to vector<16xf32>
      %add3A_696 = arith.addf %get3A_691, %get3A_695 : vector<16xf32>
      %swap3A_697 = arith.index_cast %scan3A_44 : i32 to index
      %swap3A_698 = arith.constant 736 : index
      %swap3A_699 = tpu.vector_load %arg6[%swap3A_697, %swap3A_698] {strides = array<i32>} : memref<64x768xf32, #tpu.memory_space<vmem>>, vector<1x16xf32>,
      %swap3A_700 = vector.shape_cast %swap3A_699 : vector<1x16xf32> to vector<16xf32>
      %swap3A_701 = vector.shape_cast %add3A_696 : vector<16xf32> to vector<1x16xf32>
      tpu.vector_store %arg6[%swap3A_697, %swap3A_698], %swap3A_701 {strides = array<i32>} : memref<64x768xf32, #tpu.memory_space<vmem>>, vector<1x16xf32>,
      %get3A_702 = arith.index_cast %scan3A_44 : i32 to index
      %get3A_703 = arith.constant 752 : index
      %get3A_704 = tpu.vector_load %arg6[%get3A_702, %get3A_703] {strides = array<i32>} : memref<64x768xf32, #tpu.memory_space<vmem>>, vector<1x16xf32>,
      %get3A_705 = vector.shape_cast %get3A_704 : vector<1x16xf32> to vector<16xf32>
      %get3A_706 = arith.index_cast %scan3A_44 : i32 to index
      %get3A_707 = arith.constant 752 : index
      %get3A_708 = tpu.vector_load %arg7[%get3A_706, %get3A_707] {strides = array<i32>} : memref<64x768xf32, #tpu.memory_space<vmem>>, vector<1x16xf32>,
      %get3A_709 = vector.shape_cast %get3A_708 : vector<1x16xf32> to vector<16xf32>
      %add3A_710 = arith.addf %get3A_705, %get3A_709 : vector<16xf32>
      %swap3A_711 = arith.index_cast %scan3A_44 : i32 to index
      %swap3A_712 = arith.constant 752 : index
      %swap3A_713 = tpu.vector_load %arg6[%swap3A_711, %swap3A_712] {strides = array<i32>} : memref<64x768xf32, #tpu.memory_space<vmem>>, vector<1x16xf32>,
      %swap3A_714 = vector.shape_cast %swap3A_713 : vector<1x16xf32> to vector<16xf32>
      %swap3A_715 = vector.shape_cast %add3A_710 : vector<16xf32> to vector<1x16xf32>
      tpu.vector_store %arg6[%swap3A_711, %swap3A_712], %swap3A_715 {strides = array<i32>} : memref<64x768xf32, #tpu.memory_space<vmem>>, vector<1x16xf32>,
      %scan3A_716 = arith.constant 0 : i32
      scf.yield %scan3A_716 : i32
    }
    %scan3A_20 = arith.constant 64 : i32
    "tpu.region"() ({
      %run_scoped3A = tpu.sem_alloc : memref<!tpu.dma_semaphore, #tpu.memory_space<semaphore_mem>>
      %dma_start3A_44 = arith.constant 0 : i32
      %dma_start3A_45 = tpu.memref_slice %arg5[%add3A_4, %dma_start3A_44] : memref<4096x768xf32, #tpu.memory_space<hbm>> -> memref<64x768xf32, #tpu.memory_space<hbm>>
      %dma_start3A_46 = arith.constant 0 : i32
      %dma_start3A_47 = tpu.memref_slice %arg5[%add3A_4, %dma_start3A_46] : memref<4096x768xf32, #tpu.memory_space<hbm>> -> memref<64x768xf32, #tpu.memory_space<hbm>>
      tpu.enqueue_dma source(%arg6 : memref<64x768xf32, #tpu.memory_space<vmem>>) target(%dma_start3A_47 : memref<64x768xf32, #tpu.memory_space<hbm>>) target_semaphore(%run_scoped3A : memref<!tpu.dma_semaphore, #tpu.memory_space<semaphore_mem>>)
      %dma_wait3A_48 = arith.constant 0 : i32
      %dma_wait3A_49 = tpu.memref_slice %arg5[%add3A_4, %dma_wait3A_48] : memref<4096x768xf32, #tpu.memory_space<hbm>> -> memref<64x768xf32, #tpu.memory_space<hbm>>
      %dma_wait3A_50 = arith.constant 0 : i32
      %dma_wait3A_51 = tpu.memref_slice %arg5[%add3A_4, %dma_wait3A_50] : memref<4096x768xf32, #tpu.memory_space<hbm>> -> memref<64x768xf32, #tpu.memory_space<hbm>>
      tpu.wait_dma2 semaphore(%run_scoped3A : memref<!tpu.dma_semaphore, #tpu.memory_space<semaphore_mem>>) src(%arg6 : memref<64x768xf32, #tpu.memory_space<vmem>>) dst(%dma_wait3A_51 : memref<64x768xf32, #tpu.memory_space<hbm>>)
      tpu.yield
    }) : () -> ()
    %mul3A_21 = arith.constant 128 : i32
    %mul3A_22 = arith.muli %add3A, %mul3A_21 : i32
    %add3A_23 = arith.constant 64 : i32
    %add3A_24 = arith.addi %mul3A_22, %add3A_23 : i32
    "tpu.region"() ({
      %run_scoped3A = tpu.sem_alloc : memref<!tpu.dma_semaphore, #tpu.memory_space<semaphore_mem>>
      %dma_start3A_44 = tpu.memref_slice %arg3[%add3A_24] : memref<4096xi32, #tpu.memory_space<hbm>> -> memref<64xi32, #tpu.memory_space<hbm>>
      %dma_start3A_45 = tpu.memref_slice %arg3[%add3A_24] : memref<4096xi32, #tpu.memory_space<hbm>> -> memref<64xi32, #tpu.memory_space<hbm>>
      tpu.enqueue_dma source(%dma_start3A_45 : memref<64xi32, #tpu.memory_space<hbm>>) target(%arg8 : memref<64xi32, #tpu.memory_space<vmem>>) target_semaphore(%run_scoped3A : memref<!tpu.dma_semaphore, #tpu.memory_space<semaphore_mem>>)
      %dma_wait3A_46 = tpu.memref_slice %arg3[%add3A_24] : memref<4096xi32, #tpu.memory_space<hbm>> -> memref<64xi32, #tpu.memory_space<hbm>>
      %dma_wait3A_47 = tpu.memref_slice %arg3[%add3A_24] : memref<4096xi32, #tpu.memory_space<hbm>> -> memref<64xi32, #tpu.memory_space<hbm>>
      tpu.wait_dma2 semaphore(%run_scoped3A : memref<!tpu.dma_semaphore, #tpu.memory_space<semaphore_mem>>) src(%dma_wait3A_47 : memref<64xi32, #tpu.memory_space<hbm>>) dst(%arg8 : memref<64xi32, #tpu.memory_space<vmem>>)
      tpu.yield
    }) : () -> ()
    "tpu.region"() ({
      %run_scoped3A = tpu.sem_alloc : memref<!tpu.dma_semaphore, #tpu.memory_space<semaphore_mem>>
      %dma_start3A_44 = tpu.memref_slice %arg4[%add3A_24] : memref<4096xi32, #tpu.memory_space<hbm>> -> memref<64xi32, #tpu.memory_space<hbm>>
      %dma_start3A_45 = tpu.memref_slice %arg4[%add3A_24] : memref<4096xi32, #tpu.memory_space<hbm>> -> memref<64xi32, #tpu.memory_space<hbm>>
      tpu.enqueue_dma source(%dma_start3A_45 : memref<64xi32, #tpu.memory_space<hbm>>) target(%arg9 : memref<64xi32, #tpu.memory_space<vmem>>) target_semaphore(%run_scoped3A : memref<!tpu.dma_semaphore, #tpu.memory_space<semaphore_mem>>)
      %dma_wait3A_46 = tpu.memref_slice %arg4[%add3A_24] : memref<4096xi32, #tpu.memory_space<hbm>> -> memref<64xi32, #tpu.memory_space<hbm>>
      %dma_wait3A_47 = tpu.memref_slice %arg4[%add3A_24] : memref<4096xi32, #tpu.memory_space<hbm>> -> memref<64xi32, #tpu.memory_space<hbm>>
      tpu.wait_dma2 semaphore(%run_scoped3A : memref<!tpu.dma_semaphore, #tpu.memory_space<semaphore_mem>>) src(%dma_wait3A_47 : memref<64xi32, #tpu.memory_space<hbm>>) dst(%arg9 : memref<64xi32, #tpu.memory_space<vmem>>)
      tpu.yield
    }) : () -> ()
    %dma_start3A_25 = arith.constant 0 : i32
    %dma_start3A_26 = arith.constant 0 : i32
    %dma_start3A_27 = tpu.memref_slice %arg2[%dma_start3A_25, %dma_start3A_26] : memref<9216x768xf32, #tpu.memory_space<hbm>> -> memref<9216x768xf32, #tpu.memory_space<hbm>>
    tpu.enqueue_indirect_dma source(%dma_start3A_27 : memref<9216x768xf32, #tpu.memory_space<hbm>>) target(%arg6 : memref<64x768xf32, #tpu.memory_space<vmem>>) offsets(%arg8 : memref<64xi32, #tpu.memory_space<vmem>>) semaphore(%arg10 : memref<!tpu.dma_semaphore, #tpu.memory_space<semaphore_mem>>)
    %dma_start3A_28 = arith.constant 0 : i32
    %dma_start3A_29 = arith.constant 0 : i32
    %dma_start3A_30 = tpu.memref_slice %arg2[%dma_start3A_28, %dma_start3A_29] : memref<9216x768xf32, #tpu.memory_space<hbm>> -> memref<9216x768xf32, #tpu.memory_space<hbm>>
    tpu.enqueue_indirect_dma source(%dma_start3A_30 : memref<9216x768xf32, #tpu.memory_space<hbm>>) target(%arg7 : memref<64x768xf32, #tpu.memory_space<vmem>>) offsets(%arg9 : memref<64xi32, #tpu.memory_space<vmem>>) semaphore(%arg10 : memref<!tpu.dma_semaphore, #tpu.memory_space<semaphore_mem>>)
    %dma_wait3A_31 = arith.constant 0 : i32
    %dma_wait3A_32 = arith.constant 0 : i32
    %dma_wait3A_33 = tpu.memref_slice %arg2[%dma_wait3A_31, %dma_wait3A_32] : memref<9216x768xf32, #tpu.memory_space<hbm>> -> memref<9216x768xf32, #tpu.memory_space<hbm>>
    tpu.wait_indirect_dma semaphore(%arg10 : memref<!tpu.dma_semaphore, #tpu.memory_space<semaphore_mem>>) src(%dma_wait3A_33 : memref<9216x768xf32, #tpu.memory_space<hbm>>) dst(%arg6 : memref<64x768xf32, #tpu.memory_space<vmem>>)
    %dma_wait3A_34 = arith.constant 0 : i32
    %dma_wait3A_35 = arith.constant 0 : i32
    %dma_wait3A_36 = tpu.memref_slice %arg2[%dma_wait3A_34, %dma_wait3A_35] : memref<9216x768xf32, #tpu.memory_space<hbm>> -> memref<9216x768xf32, #tpu.memory_space<hbm>>
    tpu.wait_indirect_dma semaphore(%arg10 : memref<!tpu.dma_semaphore, #tpu.memory_space<semaphore_mem>>) src(%dma_wait3A_36 : memref<9216x768xf32, #tpu.memory_space<hbm>>) dst(%arg7 : memref<64x768xf32, #tpu.memory_space<vmem>>)
    %scan3A_37 = arith.constant 0 : i32
    %scan3A_38 = arith.constant 0 : i32
    %scan3A_39 = arith.constant 64 : i32
    %scan3A_40 = arith.addi %scan3A_38, %scan3A_39 : i32
    %scan3A_41 = arith.constant 1 : i32
    %scan3A_42 = scf.for %scan3A_44 = %scan3A_38 to %scan3A_40 step %scan3A_41 iter_args(%scan3A_45 = %scan3A_37) -> (i32)  : i32 {
      %get3A = arith.index_cast %scan3A_44 : i32 to index
      %get3A_46 = arith.constant 0 : index
      %get3A_47 = tpu.vector_load %arg6[%get3A, %get3A_46] {strides = array<i32>} : memref<64x768xf32, #tpu.memory_space<vmem>>, vector<1x16xf32>,
      %get3A_48 = vector.shape_cast %get3A_47 : vector<1x16xf32> to vector<16xf32>
      %get3A_49 = arith.index_cast %scan3A_44 : i32 to index
      %get3A_50 = arith.constant 0 : index
      %get3A_51 = tpu.vector_load %arg7[%get3A_49, %get3A_50] {strides = array<i32>} : memref<64x768xf32, #tpu.memory_space<vmem>>, vector<1x16xf32>,
      %get3A_52 = vector.shape_cast %get3A_51 : vector<1x16xf32> to vector<16xf32>
      %add3A_53 = arith.addf %get3A_48, %get3A_52 : vector<16xf32>
      %swap3A = arith.index_cast %scan3A_44 : i32 to index
      %swap3A_54 = arith.constant 0 : index
      %swap3A_55 = tpu.vector_load %arg6[%swap3A, %swap3A_54] {strides = array<i32>} : memref<64x768xf32, #tpu.memory_space<vmem>>, vector<1x16xf32>,
      %swap3A_56 = vector.shape_cast %swap3A_55 : vector<1x16xf32> to vector<16xf32>
      %swap3A_57 = vector.shape_cast %add3A_53 : vector<16xf32> to vector<1x16xf32>
      tpu.vector_store %arg6[%swap3A, %swap3A_54], %swap3A_57 {strides = array<i32>} : memref<64x768xf32, #tpu.memory_space<vmem>>, vector<1x16xf32>,
      %get3A_58 = arith.index_cast %scan3A_44 : i32 to index
      %get3A_59 = arith.constant 16 : index
      %get3A_60 = tpu.vector_load %arg6[%get3A_58, %get3A_59] {strides = array<i32>} : memref<64x768xf32, #tpu.memory_space<vmem>>, vector<1x16xf32>,
      %get3A_61 = vector.shape_cast %get3A_60 : vector<1x16xf32> to vector<16xf32>
      %get3A_62 = arith.index_cast %scan3A_44 : i32 to index
      %get3A_63 = arith.constant 16 : index
      %get3A_64 = tpu.vector_load %arg7[%get3A_62, %get3A_63] {strides = array<i32>} : memref<64x768xf32, #tpu.memory_space<vmem>>, vector<1x16xf32>,
      %get3A_65 = vector.shape_cast %get3A_64 : vector<1x16xf32> to vector<16xf32>
      %add3A_66 = arith.addf %get3A_61, %get3A_65 : vector<16xf32>
      %swap3A_67 = arith.index_cast %scan3A_44 : i32 to index
      %swap3A_68 = arith.constant 16 : index
      %swap3A_69 = tpu.vector_load %arg6[%swap3A_67, %swap3A_68] {strides = array<i32>} : memref<64x768xf32, #tpu.memory_space<vmem>>, vector<1x16xf32>,
      %swap3A_70 = vector.shape_cast %swap3A_69 : vector<1x16xf32> to vector<16xf32>
      %swap3A_71 = vector.shape_cast %add3A_66 : vector<16xf32> to vector<1x16xf32>
      tpu.vector_store %arg6[%swap3A_67, %swap3A_68], %swap3A_71 {strides = array<i32>} : memref<64x768xf32, #tpu.memory_space<vmem>>, vector<1x16xf32>,
      %get3A_72 = arith.index_cast %scan3A_44 : i32 to index
      %get3A_73 = arith.constant 32 : index
      %get3A_74 = tpu.vector_load %arg6[%get3A_72, %get3A_73] {strides = array<i32>} : memref<64x768xf32, #tpu.memory_space<vmem>>, vector<1x16xf32>,
      %get3A_75 = vector.shape_cast %get3A_74 : vector<1x16xf32> to vector<16xf32>
      %get3A_76 = arith.index_cast %scan3A_44 : i32 to index
      %get3A_77 = arith.constant 32 : index
      %get3A_78 = tpu.vector_load %arg7[%get3A_76, %get3A_77] {strides = array<i32>} : memref<64x768xf32, #tpu.memory_space<vmem>>, vector<1x16xf32>,
      %get3A_79 = vector.shape_cast %get3A_78 : vector<1x16xf32> to vector<16xf32>
      %add3A_80 = arith.addf %get3A_75, %get3A_79 : vector<16xf32>
      %swap3A_81 = arith.index_cast %scan3A_44 : i32 to index
      %swap3A_82 = arith.constant 32 : index
      %swap3A_83 = tpu.vector_load %arg6[%swap3A_81, %swap3A_82] {strides = array<i32>} : memref<64x768xf32, #tpu.memory_space<vmem>>, vector<1x16xf32>,
      %swap3A_84 = vector.shape_cast %swap3A_83 : vector<1x16xf32> to vector<16xf32>
      %swap3A_85 = vector.shape_cast %add3A_80 : vector<16xf32> to vector<1x16xf32>
      tpu.vector_store %arg6[%swap3A_81, %swap3A_82], %swap3A_85 {strides = array<i32>} : memref<64x768xf32, #tpu.memory_space<vmem>>, vector<1x16xf32>,
      %get3A_86 = arith.index_cast %scan3A_44 : i32 to index
      %get3A_87 = arith.constant 48 : index
      %get3A_88 = tpu.vector_load %arg6[%get3A_86, %get3A_87] {strides = array<i32>} : memref<64x768xf32, #tpu.memory_space<vmem>>, vector<1x16xf32>,
      %get3A_89 = vector.shape_cast %get3A_88 : vector<1x16xf32> to vector<16xf32>
      %get3A_90 = arith.index_cast %scan3A_44 : i32 to index
      %get3A_91 = arith.constant 48 : index
      %get3A_92 = tpu.vector_load %arg7[%get3A_90, %get3A_91] {strides = array<i32>} : memref<64x768xf32, #tpu.memory_space<vmem>>, vector<1x16xf32>,
      %get3A_93 = vector.shape_cast %get3A_92 : vector<1x16xf32> to vector<16xf32>
      %add3A_94 = arith.addf %get3A_89, %get3A_93 : vector<16xf32>
      %swap3A_95 = arith.index_cast %scan3A_44 : i32 to index
      %swap3A_96 = arith.constant 48 : index
      %swap3A_97 = tpu.vector_load %arg6[%swap3A_95, %swap3A_96] {strides = array<i32>} : memref<64x768xf32, #tpu.memory_space<vmem>>, vector<1x16xf32>,
      %swap3A_98 = vector.shape_cast %swap3A_97 : vector<1x16xf32> to vector<16xf32>
      %swap3A_99 = vector.shape_cast %add3A_94 : vector<16xf32> to vector<1x16xf32>
      tpu.vector_store %arg6[%swap3A_95, %swap3A_96], %swap3A_99 {strides = array<i32>} : memref<64x768xf32, #tpu.memory_space<vmem>>, vector<1x16xf32>,
      %get3A_100 = arith.index_cast %scan3A_44 : i32 to index
      %get3A_101 = arith.constant 64 : index
      %get3A_102 = tpu.vector_load %arg6[%get3A_100, %get3A_101] {strides = array<i32>} : memref<64x768xf32, #tpu.memory_space<vmem>>, vector<1x16xf32>,
      %get3A_103 = vector.shape_cast %get3A_102 : vector<1x16xf32> to vector<16xf32>
      %get3A_104 = arith.index_cast %scan3A_44 : i32 to index
      %get3A_105 = arith.constant 64 : index
      %get3A_106 = tpu.vector_load %arg7[%get3A_104, %get3A_105] {strides = array<i32>} : memref<64x768xf32, #tpu.memory_space<vmem>>, vector<1x16xf32>,
      %get3A_107 = vector.shape_cast %get3A_106 : vector<1x16xf32> to vector<16xf32>
      %add3A_108 = arith.addf %get3A_103, %get3A_107 : vector<16xf32>
      %swap3A_109 = arith.index_cast %scan3A_44 : i32 to index
      %swap3A_110 = arith.constant 64 : index
      %swap3A_111 = tpu.vector_load %arg6[%swap3A_109, %swap3A_110] {strides = array<i32>} : memref<64x768xf32, #tpu.memory_space<vmem>>, vector<1x16xf32>,
      %swap3A_112 = vector.shape_cast %swap3A_111 : vector<1x16xf32> to vector<16xf32>
      %swap3A_113 = vector.shape_cast %add3A_108 : vector<16xf32> to vector<1x16xf32>
      tpu.vector_store %arg6[%swap3A_109, %swap3A_110], %swap3A_113 {strides = array<i32>} : memref<64x768xf32, #tpu.memory_space<vmem>>, vector<1x16xf32>,
      %get3A_114 = arith.index_cast %scan3A_44 : i32 to index
      %get3A_115 = arith.constant 80 : index
      %get3A_116 = tpu.vector_load %arg6[%get3A_114, %get3A_115] {strides = array<i32>} : memref<64x768xf32, #tpu.memory_space<vmem>>, vector<1x16xf32>,
      %get3A_117 = vector.shape_cast %get3A_116 : vector<1x16xf32> to vector<16xf32>
      %get3A_118 = arith.index_cast %scan3A_44 : i32 to index
      %get3A_119 = arith.constant 80 : index
      %get3A_120 = tpu.vector_load %arg7[%get3A_118, %get3A_119] {strides = array<i32>} : memref<64x768xf32, #tpu.memory_space<vmem>>, vector<1x16xf32>,
      %get3A_121 = vector.shape_cast %get3A_120 : vector<1x16xf32> to vector<16xf32>
      %add3A_122 = arith.addf %get3A_117, %get3A_121 : vector<16xf32>
      %swap3A_123 = arith.index_cast %scan3A_44 : i32 to index
      %swap3A_124 = arith.constant 80 : index
      %swap3A_125 = tpu.vector_load %arg6[%swap3A_123, %swap3A_124] {strides = array<i32>} : memref<64x768xf32, #tpu.memory_space<vmem>>, vector<1x16xf32>,
      %swap3A_126 = vector.shape_cast %swap3A_125 : vector<1x16xf32> to vector<16xf32>
      %swap3A_127 = vector.shape_cast %add3A_122 : vector<16xf32> to vector<1x16xf32>
      tpu.vector_store %arg6[%swap3A_123, %swap3A_124], %swap3A_127 {strides = array<i32>} : memref<64x768xf32, #tpu.memory_space<vmem>>, vector<1x16xf32>,
      %get3A_128 = arith.index_cast %scan3A_44 : i32 to index
      %get3A_129 = arith.constant 96 : index
      %get3A_130 = tpu.vector_load %arg6[%get3A_128, %get3A_129] {strides = array<i32>} : memref<64x768xf32, #tpu.memory_space<vmem>>, vector<1x16xf32>,
      %get3A_131 = vector.shape_cast %get3A_130 : vector<1x16xf32> to vector<16xf32>
      %get3A_132 = arith.index_cast %scan3A_44 : i32 to index
      %get3A_133 = arith.constant 96 : index
      %get3A_134 = tpu.vector_load %arg7[%get3A_132, %get3A_133] {strides = array<i32>} : memref<64x768xf32, #tpu.memory_space<vmem>>, vector<1x16xf32>,
      %get3A_135 = vector.shape_cast %get3A_134 : vector<1x16xf32> to vector<16xf32>
      %add3A_136 = arith.addf %get3A_131, %get3A_135 : vector<16xf32>
      %swap3A_137 = arith.index_cast %scan3A_44 : i32 to index
      %swap3A_138 = arith.constant 96 : index
      %swap3A_139 = tpu.vector_load %arg6[%swap3A_137, %swap3A_138] {strides = array<i32>} : memref<64x768xf32, #tpu.memory_space<vmem>>, vector<1x16xf32>,
      %swap3A_140 = vector.shape_cast %swap3A_139 : vector<1x16xf32> to vector<16xf32>
      %swap3A_141 = vector.shape_cast %add3A_136 : vector<16xf32> to vector<1x16xf32>
      tpu.vector_store %arg6[%swap3A_137, %swap3A_138], %swap3A_141 {strides = array<i32>} : memref<64x768xf32, #tpu.memory_space<vmem>>, vector<1x16xf32>,
      %get3A_142 = arith.index_cast %scan3A_44 : i32 to index
      %get3A_143 = arith.constant 112 : index
      %get3A_144 = tpu.vector_load %arg6[%get3A_142, %get3A_143] {strides = array<i32>} : memref<64x768xf32, #tpu.memory_space<vmem>>, vector<1x16xf32>,
      %get3A_145 = vector.shape_cast %get3A_144 : vector<1x16xf32> to vector<16xf32>
      %get3A_146 = arith.index_cast %scan3A_44 : i32 to index
      %get3A_147 = arith.constant 112 : index
      %get3A_148 = tpu.vector_load %arg7[%get3A_146, %get3A_147] {strides = array<i32>} : memref<64x768xf32, #tpu.memory_space<vmem>>, vector<1x16xf32>,
      %get3A_149 = vector.shape_cast %get3A_148 : vector<1x16xf32> to vector<16xf32>
      %add3A_150 = arith.addf %get3A_145, %get3A_149 : vector<16xf32>
      %swap3A_151 = arith.index_cast %scan3A_44 : i32 to index
      %swap3A_152 = arith.constant 112 : index
      %swap3A_153 = tpu.vector_load %arg6[%swap3A_151, %swap3A_152] {strides = array<i32>} : memref<64x768xf32, #tpu.memory_space<vmem>>, vector<1x16xf32>,
      %swap3A_154 = vector.shape_cast %swap3A_153 : vector<1x16xf32> to vector<16xf32>
      %swap3A_155 = vector.shape_cast %add3A_150 : vector<16xf32> to vector<1x16xf32>
      tpu.vector_store %arg6[%swap3A_151, %swap3A_152], %swap3A_155 {strides = array<i32>} : memref<64x768xf32, #tpu.memory_space<vmem>>, vector<1x16xf32>,
      %get3A_156 = arith.index_cast %scan3A_44 : i32 to index
      %get3A_157 = arith.constant 128 : index
      %get3A_158 = tpu.vector_load %arg6[%get3A_156, %get3A_157] {strides = array<i32>} : memref<64x768xf32, #tpu.memory_space<vmem>>, vector<1x16xf32>,
      %get3A_159 = vector.shape_cast %get3A_158 : vector<1x16xf32> to vector<16xf32>
      %get3A_160 = arith.index_cast %scan3A_44 : i32 to index
      %get3A_161 = arith.constant 128 : index
      %get3A_162 = tpu.vector_load %arg7[%get3A_160, %get3A_161] {strides = array<i32>} : memref<64x768xf32, #tpu.memory_space<vmem>>, vector<1x16xf32>,
      %get3A_163 = vector.shape_cast %get3A_162 : vector<1x16xf32> to vector<16xf32>
      %add3A_164 = arith.addf %get3A_159, %get3A_163 : vector<16xf32>
      %swap3A_165 = arith.index_cast %scan3A_44 : i32 to index
      %swap3A_166 = arith.constant 128 : index
      %swap3A_167 = tpu.vector_load %arg6[%swap3A_165, %swap3A_166] {strides = array<i32>} : memref<64x768xf32, #tpu.memory_space<vmem>>, vector<1x16xf32>,
      %swap3A_168 = vector.shape_cast %swap3A_167 : vector<1x16xf32> to vector<16xf32>
      %swap3A_169 = vector.shape_cast %add3A_164 : vector<16xf32> to vector<1x16xf32>
      tpu.vector_store %arg6[%swap3A_165, %swap3A_166], %swap3A_169 {strides = array<i32>} : memref<64x768xf32, #tpu.memory_space<vmem>>, vector<1x16xf32>,
      %get3A_170 = arith.index_cast %scan3A_44 : i32 to index
      %get3A_171 = arith.constant 144 : index
      %get3A_172 = tpu.vector_load %arg6[%get3A_170, %get3A_171] {strides = array<i32>} : memref<64x768xf32, #tpu.memory_space<vmem>>, vector<1x16xf32>,
      %get3A_173 = vector.shape_cast %get3A_172 : vector<1x16xf32> to vector<16xf32>
      %get3A_174 = arith.index_cast %scan3A_44 : i32 to index
      %get3A_175 = arith.constant 144 : index
      %get3A_176 = tpu.vector_load %arg7[%get3A_174, %get3A_175] {strides = array<i32>} : memref<64x768xf32, #tpu.memory_space<vmem>>, vector<1x16xf32>,
      %get3A_177 = vector.shape_cast %get3A_176 : vector<1x16xf32> to vector<16xf32>
      %add3A_178 = arith.addf %get3A_173, %get3A_177 : vector<16xf32>
      %swap3A_179 = arith.index_cast %scan3A_44 : i32 to index
      %swap3A_180 = arith.constant 144 : index
      %swap3A_181 = tpu.vector_load %arg6[%swap3A_179, %swap3A_180] {strides = array<i32>} : memref<64x768xf32, #tpu.memory_space<vmem>>, vector<1x16xf32>,
      %swap3A_182 = vector.shape_cast %swap3A_181 : vector<1x16xf32> to vector<16xf32>
      %swap3A_183 = vector.shape_cast %add3A_178 : vector<16xf32> to vector<1x16xf32>
      tpu.vector_store %arg6[%swap3A_179, %swap3A_180], %swap3A_183 {strides = array<i32>} : memref<64x768xf32, #tpu.memory_space<vmem>>, vector<1x16xf32>,
      %get3A_184 = arith.index_cast %scan3A_44 : i32 to index
      %get3A_185 = arith.constant 160 : index
      %get3A_186 = tpu.vector_load %arg6[%get3A_184, %get3A_185] {strides = array<i32>} : memref<64x768xf32, #tpu.memory_space<vmem>>, vector<1x16xf32>,
      %get3A_187 = vector.shape_cast %get3A_186 : vector<1x16xf32> to vector<16xf32>
      %get3A_188 = arith.index_cast %scan3A_44 : i32 to index
      %get3A_189 = arith.constant 160 : index
      %get3A_190 = tpu.vector_load %arg7[%get3A_188, %get3A_189] {strides = array<i32>} : memref<64x768xf32, #tpu.memory_space<vmem>>, vector<1x16xf32>,
      %get3A_191 = vector.shape_cast %get3A_190 : vector<1x16xf32> to vector<16xf32>
      %add3A_192 = arith.addf %get3A_187, %get3A_191 : vector<16xf32>
      %swap3A_193 = arith.index_cast %scan3A_44 : i32 to index
      %swap3A_194 = arith.constant 160 : index
      %swap3A_195 = tpu.vector_load %arg6[%swap3A_193, %swap3A_194] {strides = array<i32>} : memref<64x768xf32, #tpu.memory_space<vmem>>, vector<1x16xf32>,
      %swap3A_196 = vector.shape_cast %swap3A_195 : vector<1x16xf32> to vector<16xf32>
      %swap3A_197 = vector.shape_cast %add3A_192 : vector<16xf32> to vector<1x16xf32>
      tpu.vector_store %arg6[%swap3A_193, %swap3A_194], %swap3A_197 {strides = array<i32>} : memref<64x768xf32, #tpu.memory_space<vmem>>, vector<1x16xf32>,
      %get3A_198 = arith.index_cast %scan3A_44 : i32 to index
      %get3A_199 = arith.constant 176 : index
      %get3A_200 = tpu.vector_load %arg6[%get3A_198, %get3A_199] {strides = array<i32>} : memref<64x768xf32, #tpu.memory_space<vmem>>, vector<1x16xf32>,
      %get3A_201 = vector.shape_cast %get3A_200 : vector<1x16xf32> to vector<16xf32>
      %get3A_202 = arith.index_cast %scan3A_44 : i32 to index
      %get3A_203 = arith.constant 176 : index
      %get3A_204 = tpu.vector_load %arg7[%get3A_202, %get3A_203] {strides = array<i32>} : memref<64x768xf32, #tpu.memory_space<vmem>>, vector<1x16xf32>,
      %get3A_205 = vector.shape_cast %get3A_204 : vector<1x16xf32> to vector<16xf32>
      %add3A_206 = arith.addf %get3A_201, %get3A_205 : vector<16xf32>
      %swap3A_207 = arith.index_cast %scan3A_44 : i32 to index
      %swap3A_208 = arith.constant 176 : index
      %swap3A_209 = tpu.vector_load %arg6[%swap3A_207, %swap3A_208] {strides = array<i32>} : memref<64x768xf32, #tpu.memory_space<vmem>>, vector<1x16xf32>,
      %swap3A_210 = vector.shape_cast %swap3A_209 : vector<1x16xf32> to vector<16xf32>
      %swap3A_211 = vector.shape_cast %add3A_206 : vector<16xf32> to vector<1x16xf32>
      tpu.vector_store %arg6[%swap3A_207, %swap3A_208], %swap3A_211 {strides = array<i32>} : memref<64x768xf32, #tpu.memory_space<vmem>>, vector<1x16xf32>,
      %get3A_212 = arith.index_cast %scan3A_44 : i32 to index
      %get3A_213 = arith.constant 192 : index
      %get3A_214 = tpu.vector_load %arg6[%get3A_212, %get3A_213] {strides = array<i32>} : memref<64x768xf32, #tpu.memory_space<vmem>>, vector<1x16xf32>,
      %get3A_215 = vector.shape_cast %get3A_214 : vector<1x16xf32> to vector<16xf32>
      %get3A_216 = arith.index_cast %scan3A_44 : i32 to index
      %get3A_217 = arith.constant 192 : index
      %get3A_218 = tpu.vector_load %arg7[%get3A_216, %get3A_217] {strides = array<i32>} : memref<64x768xf32, #tpu.memory_space<vmem>>, vector<1x16xf32>,
      %get3A_219 = vector.shape_cast %get3A_218 : vector<1x16xf32> to vector<16xf32>
      %add3A_220 = arith.addf %get3A_215, %get3A_219 : vector<16xf32>
      %swap3A_221 = arith.index_cast %scan3A_44 : i32 to index
      %swap3A_222 = arith.constant 192 : index
      %swap3A_223 = tpu.vector_load %arg6[%swap3A_221, %swap3A_222] {strides = array<i32>} : memref<64x768xf32, #tpu.memory_space<vmem>>, vector<1x16xf32>,
      %swap3A_224 = vector.shape_cast %swap3A_223 : vector<1x16xf32> to vector<16xf32>
      %swap3A_225 = vector.shape_cast %add3A_220 : vector<16xf32> to vector<1x16xf32>
      tpu.vector_store %arg6[%swap3A_221, %swap3A_222], %swap3A_225 {strides = array<i32>} : memref<64x768xf32, #tpu.memory_space<vmem>>, vector<1x16xf32>,
      %get3A_226 = arith.index_cast %scan3A_44 : i32 to index
      %get3A_227 = arith.constant 208 : index
      %get3A_228 = tpu.vector_load %arg6[%get3A_226, %get3A_227] {strides = array<i32>} : memref<64x768xf32, #tpu.memory_space<vmem>>, vector<1x16xf32>,
      %get3A_229 = vector.shape_cast %get3A_228 : vector<1x16xf32> to vector<16xf32>
      %get3A_230 = arith.index_cast %scan3A_44 : i32 to index
      %get3A_231 = arith.constant 208 : index
      %get3A_232 = tpu.vector_load %arg7[%get3A_230, %get3A_231] {strides = array<i32>} : memref<64x768xf32, #tpu.memory_space<vmem>>, vector<1x16xf32>,
      %get3A_233 = vector.shape_cast %get3A_232 : vector<1x16xf32> to vector<16xf32>
      %add3A_234 = arith.addf %get3A_229, %get3A_233 : vector<16xf32>
      %swap3A_235 = arith.index_cast %scan3A_44 : i32 to index
      %swap3A_236 = arith.constant 208 : index
      %swap3A_237 = tpu.vector_load %arg6[%swap3A_235, %swap3A_236] {strides = array<i32>} : memref<64x768xf32, #tpu.memory_space<vmem>>, vector<1x16xf32>,
      %swap3A_238 = vector.shape_cast %swap3A_237 : vector<1x16xf32> to vector<16xf32>
      %swap3A_239 = vector.shape_cast %add3A_234 : vector<16xf32> to vector<1x16xf32>
      tpu.vector_store %arg6[%swap3A_235, %swap3A_236], %swap3A_239 {strides = array<i32>} : memref<64x768xf32, #tpu.memory_space<vmem>>, vector<1x16xf32>,
      %get3A_240 = arith.index_cast %scan3A_44 : i32 to index
      %get3A_241 = arith.constant 224 : index
      %get3A_242 = tpu.vector_load %arg6[%get3A_240, %get3A_241] {strides = array<i32>} : memref<64x768xf32, #tpu.memory_space<vmem>>, vector<1x16xf32>,
      %get3A_243 = vector.shape_cast %get3A_242 : vector<1x16xf32> to vector<16xf32>
      %get3A_244 = arith.index_cast %scan3A_44 : i32 to index
      %get3A_245 = arith.constant 224 : index
      %get3A_246 = tpu.vector_load %arg7[%get3A_244, %get3A_245] {strides = array<i32>} : memref<64x768xf32, #tpu.memory_space<vmem>>, vector<1x16xf32>,
      %get3A_247 = vector.shape_cast %get3A_246 : vector<1x16xf32> to vector<16xf32>
      %add3A_248 = arith.addf %get3A_243, %get3A_247 : vector<16xf32>
      %swap3A_249 = arith.index_cast %scan3A_44 : i32 to index
      %swap3A_250 = arith.constant 224 : index
      %swap3A_251 = tpu.vector_load %arg6[%swap3A_249, %swap3A_250] {strides = array<i32>} : memref<64x768xf32, #tpu.memory_space<vmem>>, vector<1x16xf32>,
      %swap3A_252 = vector.shape_cast %swap3A_251 : vector<1x16xf32> to vector<16xf32>
      %swap3A_253 = vector.shape_cast %add3A_248 : vector<16xf32> to vector<1x16xf32>
      tpu.vector_store %arg6[%swap3A_249, %swap3A_250], %swap3A_253 {strides = array<i32>} : memref<64x768xf32, #tpu.memory_space<vmem>>, vector<1x16xf32>,
      %get3A_254 = arith.index_cast %scan3A_44 : i32 to index
      %get3A_255 = arith.constant 240 : index
      %get3A_256 = tpu.vector_load %arg6[%get3A_254, %get3A_255] {strides = array<i32>} : memref<64x768xf32, #tpu.memory_space<vmem>>, vector<1x16xf32>,
      %get3A_257 = vector.shape_cast %get3A_256 : vector<1x16xf32> to vector<16xf32>
      %get3A_258 = arith.index_cast %scan3A_44 : i32 to index
      %get3A_259 = arith.constant 240 : index
      %get3A_260 = tpu.vector_load %arg7[%get3A_258, %get3A_259] {strides = array<i32>} : memref<64x768xf32, #tpu.memory_space<vmem>>, vector<1x16xf32>,
      %get3A_261 = vector.shape_cast %get3A_260 : vector<1x16xf32> to vector<16xf32>
      %add3A_262 = arith.addf %get3A_257, %get3A_261 : vector<16xf32>
      %swap3A_263 = arith.index_cast %scan3A_44 : i32 to index
      %swap3A_264 = arith.constant 240 : index
      %swap3A_265 = tpu.vector_load %arg6[%swap3A_263, %swap3A_264] {strides = array<i32>} : memref<64x768xf32, #tpu.memory_space<vmem>>, vector<1x16xf32>,
      %swap3A_266 = vector.shape_cast %swap3A_265 : vector<1x16xf32> to vector<16xf32>
      %swap3A_267 = vector.shape_cast %add3A_262 : vector<16xf32> to vector<1x16xf32>
      tpu.vector_store %arg6[%swap3A_263, %swap3A_264], %swap3A_267 {strides = array<i32>} : memref<64x768xf32, #tpu.memory_space<vmem>>, vector<1x16xf32>,
      %get3A_268 = arith.index_cast %scan3A_44 : i32 to index
      %get3A_269 = arith.constant 256 : index
      %get3A_270 = tpu.vector_load %arg6[%get3A_268, %get3A_269] {strides = array<i32>} : memref<64x768xf32, #tpu.memory_space<vmem>>, vector<1x16xf32>,
      %get3A_271 = vector.shape_cast %get3A_270 : vector<1x16xf32> to vector<16xf32>
      %get3A_272 = arith.index_cast %scan3A_44 : i32 to index
      %get3A_273 = arith.constant 256 : index
      %get3A_274 = tpu.vector_load %arg7[%get3A_272, %get3A_273] {strides = array<i32>} : memref<64x768xf32, #tpu.memory_space<vmem>>, vector<1x16xf32>,
      %get3A_275 = vector.shape_cast %get3A_274 : vector<1x16xf32> to vector<16xf32>
      %add3A_276 = arith.addf %get3A_271, %get3A_275 : vector<16xf32>
      %swap3A_277 = arith.index_cast %scan3A_44 : i32 to index
      %swap3A_278 = arith.constant 256 : index
      %swap3A_279 = tpu.vector_load %arg6[%swap3A_277, %swap3A_278] {strides = array<i32>} : memref<64x768xf32, #tpu.memory_space<vmem>>, vector<1x16xf32>,
      %swap3A_280 = vector.shape_cast %swap3A_279 : vector<1x16xf32> to vector<16xf32>
      %swap3A_281 = vector.shape_cast %add3A_276 : vector<16xf32> to vector<1x16xf32>
      tpu.vector_store %arg6[%swap3A_277, %swap3A_278], %swap3A_281 {strides = array<i32>} : memref<64x768xf32, #tpu.memory_space<vmem>>, vector<1x16xf32>,
      %get3A_282 = arith.index_cast %scan3A_44 : i32 to index
      %get3A_283 = arith.constant 272 : index
      %get3A_284 = tpu.vector_load %arg6[%get3A_282, %get3A_283] {strides = array<i32>} : memref<64x768xf32, #tpu.memory_space<vmem>>, vector<1x16xf32>,
      %get3A_285 = vector.shape_cast %get3A_284 : vector<1x16xf32> to vector<16xf32>
      %get3A_286 = arith.index_cast %scan3A_44 : i32 to index
      %get3A_287 = arith.constant 272 : index
      %get3A_288 = tpu.vector_load %arg7[%get3A_286, %get3A_287] {strides = array<i32>} : memref<64x768xf32, #tpu.memory_space<vmem>>, vector<1x16xf32>,
      %get3A_289 = vector.shape_cast %get3A_288 : vector<1x16xf32> to vector<16xf32>
      %add3A_290 = arith.addf %get3A_285, %get3A_289 : vector<16xf32>
      %swap3A_291 = arith.index_cast %scan3A_44 : i32 to index
      %swap3A_292 = arith.constant 272 : index
      %swap3A_293 = tpu.vector_load %arg6[%swap3A_291, %swap3A_292] {strides = array<i32>} : memref<64x768xf32, #tpu.memory_space<vmem>>, vector<1x16xf32>,
      %swap3A_294 = vector.shape_cast %swap3A_293 : vector<1x16xf32> to vector<16xf32>
      %swap3A_295 = vector.shape_cast %add3A_290 : vector<16xf32> to vector<1x16xf32>
      tpu.vector_store %arg6[%swap3A_291, %swap3A_292], %swap3A_295 {strides = array<i32>} : memref<64x768xf32, #tpu.memory_space<vmem>>, vector<1x16xf32>,
      %get3A_296 = arith.index_cast %scan3A_44 : i32 to index
      %get3A_297 = arith.constant 288 : index
      %get3A_298 = tpu.vector_load %arg6[%get3A_296, %get3A_297] {strides = array<i32>} : memref<64x768xf32, #tpu.memory_space<vmem>>, vector<1x16xf32>,
      %get3A_299 = vector.shape_cast %get3A_298 : vector<1x16xf32> to vector<16xf32>
      %get3A_300 = arith.index_cast %scan3A_44 : i32 to index
      %get3A_301 = arith.constant 288 : index
      %get3A_302 = tpu.vector_load %arg7[%get3A_300, %get3A_301] {strides = array<i32>} : memref<64x768xf32, #tpu.memory_space<vmem>>, vector<1x16xf32>,
      %get3A_303 = vector.shape_cast %get3A_302 : vector<1x16xf32> to vector<16xf32>
      %add3A_304 = arith.addf %get3A_299, %get3A_303 : vector<16xf32>
      %swap3A_305 = arith.index_cast %scan3A_44 : i32 to index
      %swap3A_306 = arith.constant 288 : index
      %swap3A_307 = tpu.vector_load %arg6[%swap3A_305, %swap3A_306] {strides = array<i32>} : memref<64x768xf32, #tpu.memory_space<vmem>>, vector<1x16xf32>,
      %swap3A_308 = vector.shape_cast %swap3A_307 : vector<1x16xf32> to vector<16xf32>
      %swap3A_309 = vector.shape_cast %add3A_304 : vector<16xf32> to vector<1x16xf32>
      tpu.vector_store %arg6[%swap3A_305, %swap3A_306], %swap3A_309 {strides = array<i32>} : memref<64x768xf32, #tpu.memory_space<vmem>>, vector<1x16xf32>,
      %get3A_310 = arith.index_cast %scan3A_44 : i32 to index
      %get3A_311 = arith.constant 304 : index
      %get3A_312 = tpu.vector_load %arg6[%get3A_310, %get3A_311] {strides = array<i32>} : memref<64x768xf32, #tpu.memory_space<vmem>>, vector<1x16xf32>,
      %get3A_313 = vector.shape_cast %get3A_312 : vector<1x16xf32> to vector<16xf32>
      %get3A_314 = arith.index_cast %scan3A_44 : i32 to index
      %get3A_315 = arith.constant 304 : index
      %get3A_316 = tpu.vector_load %arg7[%get3A_314, %get3A_315] {strides = array<i32>} : memref<64x768xf32, #tpu.memory_space<vmem>>, vector<1x16xf32>,
      %get3A_317 = vector.shape_cast %get3A_316 : vector<1x16xf32> to vector<16xf32>
      %add3A_318 = arith.addf %get3A_313, %get3A_317 : vector<16xf32>
      %swap3A_319 = arith.index_cast %scan3A_44 : i32 to index
      %swap3A_320 = arith.constant 304 : index
      %swap3A_321 = tpu.vector_load %arg6[%swap3A_319, %swap3A_320] {strides = array<i32>} : memref<64x768xf32, #tpu.memory_space<vmem>>, vector<1x16xf32>,
      %swap3A_322 = vector.shape_cast %swap3A_321 : vector<1x16xf32> to vector<16xf32>
      %swap3A_323 = vector.shape_cast %add3A_318 : vector<16xf32> to vector<1x16xf32>
      tpu.vector_store %arg6[%swap3A_319, %swap3A_320], %swap3A_323 {strides = array<i32>} : memref<64x768xf32, #tpu.memory_space<vmem>>, vector<1x16xf32>,
      %get3A_324 = arith.index_cast %scan3A_44 : i32 to index
      %get3A_325 = arith.constant 320 : index
      %get3A_326 = tpu.vector_load %arg6[%get3A_324, %get3A_325] {strides = array<i32>} : memref<64x768xf32, #tpu.memory_space<vmem>>, vector<1x16xf32>,
      %get3A_327 = vector.shape_cast %get3A_326 : vector<1x16xf32> to vector<16xf32>
      %get3A_328 = arith.index_cast %scan3A_44 : i32 to index
      %get3A_329 = arith.constant 320 : index
      %get3A_330 = tpu.vector_load %arg7[%get3A_328, %get3A_329] {strides = array<i32>} : memref<64x768xf32, #tpu.memory_space<vmem>>, vector<1x16xf32>,
      %get3A_331 = vector.shape_cast %get3A_330 : vector<1x16xf32> to vector<16xf32>
      %add3A_332 = arith.addf %get3A_327, %get3A_331 : vector<16xf32>
      %swap3A_333 = arith.index_cast %scan3A_44 : i32 to index
      %swap3A_334 = arith.constant 320 : index
      %swap3A_335 = tpu.vector_load %arg6[%swap3A_333, %swap3A_334] {strides = array<i32>} : memref<64x768xf32, #tpu.memory_space<vmem>>, vector<1x16xf32>,
      %swap3A_336 = vector.shape_cast %swap3A_335 : vector<1x16xf32> to vector<16xf32>
      %swap3A_337 = vector.shape_cast %add3A_332 : vector<16xf32> to vector<1x16xf32>
      tpu.vector_store %arg6[%swap3A_333, %swap3A_334], %swap3A_337 {strides = array<i32>} : memref<64x768xf32, #tpu.memory_space<vmem>>, vector<1x16xf32>,
      %get3A_338 = arith.index_cast %scan3A_44 : i32 to index
      %get3A_339 = arith.constant 336 : index
      %get3A_340 = tpu.vector_load %arg6[%get3A_338, %get3A_339] {strides = array<i32>} : memref<64x768xf32, #tpu.memory_space<vmem>>, vector<1x16xf32>,
      %get3A_341 = vector.shape_cast %get3A_340 : vector<1x16xf32> to vector<16xf32>
      %get3A_342 = arith.index_cast %scan3A_44 : i32 to index
      %get3A_343 = arith.constant 336 : index
      %get3A_344 = tpu.vector_load %arg7[%get3A_342, %get3A_343] {strides = array<i32>} : memref<64x768xf32, #tpu.memory_space<vmem>>, vector<1x16xf32>,
      %get3A_345 = vector.shape_cast %get3A_344 : vector<1x16xf32> to vector<16xf32>
      %add3A_346 = arith.addf %get3A_341, %get3A_345 : vector<16xf32>
      %swap3A_347 = arith.index_cast %scan3A_44 : i32 to index
      %swap3A_348 = arith.constant 336 : index
      %swap3A_349 = tpu.vector_load %arg6[%swap3A_347, %swap3A_348] {strides = array<i32>} : memref<64x768xf32, #tpu.memory_space<vmem>>, vector<1x16xf32>,
      %swap3A_350 = vector.shape_cast %swap3A_349 : vector<1x16xf32> to vector<16xf32>
      %swap3A_351 = vector.shape_cast %add3A_346 : vector<16xf32> to vector<1x16xf32>
      tpu.vector_store %arg6[%swap3A_347, %swap3A_348], %swap3A_351 {strides = array<i32>} : memref<64x768xf32, #tpu.memory_space<vmem>>, vector<1x16xf32>,
      %get3A_352 = arith.index_cast %scan3A_44 : i32 to index
      %get3A_353 = arith.constant 352 : index
      %get3A_354 = tpu.vector_load %arg6[%get3A_352, %get3A_353] {strides = array<i32>} : memref<64x768xf32, #tpu.memory_space<vmem>>, vector<1x16xf32>,
      %get3A_355 = vector.shape_cast %get3A_354 : vector<1x16xf32> to vector<16xf32>
      %get3A_356 = arith.index_cast %scan3A_44 : i32 to index
      %get3A_357 = arith.constant 352 : index
      %get3A_358 = tpu.vector_load %arg7[%get3A_356, %get3A_357] {strides = array<i32>} : memref<64x768xf32, #tpu.memory_space<vmem>>, vector<1x16xf32>,
      %get3A_359 = vector.shape_cast %get3A_358 : vector<1x16xf32> to vector<16xf32>
      %add3A_360 = arith.addf %get3A_355, %get3A_359 : vector<16xf32>
      %swap3A_361 = arith.index_cast %scan3A_44 : i32 to index
      %swap3A_362 = arith.constant 352 : index
      %swap3A_363 = tpu.vector_load %arg6[%swap3A_361, %swap3A_362] {strides = array<i32>} : memref<64x768xf32, #tpu.memory_space<vmem>>, vector<1x16xf32>,
      %swap3A_364 = vector.shape_cast %swap3A_363 : vector<1x16xf32> to vector<16xf32>
      %swap3A_365 = vector.shape_cast %add3A_360 : vector<16xf32> to vector<1x16xf32>
      tpu.vector_store %arg6[%swap3A_361, %swap3A_362], %swap3A_365 {strides = array<i32>} : memref<64x768xf32, #tpu.memory_space<vmem>>, vector<1x16xf32>,
      %get3A_366 = arith.index_cast %scan3A_44 : i32 to index
      %get3A_367 = arith.constant 368 : index
      %get3A_368 = tpu.vector_load %arg6[%get3A_366, %get3A_367] {strides = array<i32>} : memref<64x768xf32, #tpu.memory_space<vmem>>, vector<1x16xf32>,
      %get3A_369 = vector.shape_cast %get3A_368 : vector<1x16xf32> to vector<16xf32>
      %get3A_370 = arith.index_cast %scan3A_44 : i32 to index
      %get3A_371 = arith.constant 368 : index
      %get3A_372 = tpu.vector_load %arg7[%get3A_370, %get3A_371] {strides = array<i32>} : memref<64x768xf32, #tpu.memory_space<vmem>>, vector<1x16xf32>,
      %get3A_373 = vector.shape_cast %get3A_372 : vector<1x16xf32> to vector<16xf32>
      %add3A_374 = arith.addf %get3A_369, %get3A_373 : vector<16xf32>
      %swap3A_375 = arith.index_cast %scan3A_44 : i32 to index
      %swap3A_376 = arith.constant 368 : index
      %swap3A_377 = tpu.vector_load %arg6[%swap3A_375, %swap3A_376] {strides = array<i32>} : memref<64x768xf32, #tpu.memory_space<vmem>>, vector<1x16xf32>,
      %swap3A_378 = vector.shape_cast %swap3A_377 : vector<1x16xf32> to vector<16xf32>
      %swap3A_379 = vector.shape_cast %add3A_374 : vector<16xf32> to vector<1x16xf32>
      tpu.vector_store %arg6[%swap3A_375, %swap3A_376], %swap3A_379 {strides = array<i32>} : memref<64x768xf32, #tpu.memory_space<vmem>>, vector<1x16xf32>,
      %get3A_380 = arith.index_cast %scan3A_44 : i32 to index
      %get3A_381 = arith.constant 384 : index
      %get3A_382 = tpu.vector_load %arg6[%get3A_380, %get3A_381] {strides = array<i32>} : memref<64x768xf32, #tpu.memory_space<vmem>>, vector<1x16xf32>,
      %get3A_383 = vector.shape_cast %get3A_382 : vector<1x16xf32> to vector<16xf32>
      %get3A_384 = arith.index_cast %scan3A_44 : i32 to index
      %get3A_385 = arith.constant 384 : index
      %get3A_386 = tpu.vector_load %arg7[%get3A_384, %get3A_385] {strides = array<i32>} : memref<64x768xf32, #tpu.memory_space<vmem>>, vector<1x16xf32>,
      %get3A_387 = vector.shape_cast %get3A_386 : vector<1x16xf32> to vector<16xf32>
      %add3A_388 = arith.addf %get3A_383, %get3A_387 : vector<16xf32>
      %swap3A_389 = arith.index_cast %scan3A_44 : i32 to index
      %swap3A_390 = arith.constant 384 : index
      %swap3A_391 = tpu.vector_load %arg6[%swap3A_389, %swap3A_390] {strides = array<i32>} : memref<64x768xf32, #tpu.memory_space<vmem>>, vector<1x16xf32>,
      %swap3A_392 = vector.shape_cast %swap3A_391 : vector<1x16xf32> to vector<16xf32>
      %swap3A_393 = vector.shape_cast %add3A_388 : vector<16xf32> to vector<1x16xf32>
      tpu.vector_store %arg6[%swap3A_389, %swap3A_390], %swap3A_393 {strides = array<i32>} : memref<64x768xf32, #tpu.memory_space<vmem>>, vector<1x16xf32>,
      %get3A_394 = arith.index_cast %scan3A_44 : i32 to index
      %get3A_395 = arith.constant 400 : index
      %get3A_396 = tpu.vector_load %arg6[%get3A_394, %get3A_395] {strides = array<i32>} : memref<64x768xf32, #tpu.memory_space<vmem>>, vector<1x16xf32>,
      %get3A_397 = vector.shape_cast %get3A_396 : vector<1x16xf32> to vector<16xf32>
      %get3A_398 = arith.index_cast %scan3A_44 : i32 to index
      %get3A_399 = arith.constant 400 : index
      %get3A_400 = tpu.vector_load %arg7[%get3A_398, %get3A_399] {strides = array<i32>} : memref<64x768xf32, #tpu.memory_space<vmem>>, vector<1x16xf32>,
      %get3A_401 = vector.shape_cast %get3A_400 : vector<1x16xf32> to vector<16xf32>
      %add3A_402 = arith.addf %get3A_397, %get3A_401 : vector<16xf32>
      %swap3A_403 = arith.index_cast %scan3A_44 : i32 to index
      %swap3A_404 = arith.constant 400 : index
      %swap3A_405 = tpu.vector_load %arg6[%swap3A_403, %swap3A_404] {strides = array<i32>} : memref<64x768xf32, #tpu.memory_space<vmem>>, vector<1x16xf32>,
      %swap3A_406 = vector.shape_cast %swap3A_405 : vector<1x16xf32> to vector<16xf32>
      %swap3A_407 = vector.shape_cast %add3A_402 : vector<16xf32> to vector<1x16xf32>
      tpu.vector_store %arg6[%swap3A_403, %swap3A_404], %swap3A_407 {strides = array<i32>} : memref<64x768xf32, #tpu.memory_space<vmem>>, vector<1x16xf32>,
      %get3A_408 = arith.index_cast %scan3A_44 : i32 to index
      %get3A_409 = arith.constant 416 : index
      %get3A_410 = tpu.vector_load %arg6[%get3A_408, %get3A_409] {strides = array<i32>} : memref<64x768xf32, #tpu.memory_space<vmem>>, vector<1x16xf32>,
      %get3A_411 = vector.shape_cast %get3A_410 : vector<1x16xf32> to vector<16xf32>
      %get3A_412 = arith.index_cast %scan3A_44 : i32 to index
      %get3A_413 = arith.constant 416 : index
      %get3A_414 = tpu.vector_load %arg7[%get3A_412, %get3A_413] {strides = array<i32>} : memref<64x768xf32, #tpu.memory_space<vmem>>, vector<1x16xf32>,
      %get3A_415 = vector.shape_cast %get3A_414 : vector<1x16xf32> to vector<16xf32>
      %add3A_416 = arith.addf %get3A_411, %get3A_415 : vector<16xf32>
      %swap3A_417 = arith.index_cast %scan3A_44 : i32 to index
      %swap3A_418 = arith.constant 416 : index
      %swap3A_419 = tpu.vector_load %arg6[%swap3A_417, %swap3A_418] {strides = array<i32>} : memref<64x768xf32, #tpu.memory_space<vmem>>, vector<1x16xf32>,
      %swap3A_420 = vector.shape_cast %swap3A_419 : vector<1x16xf32> to vector<16xf32>
      %swap3A_421 = vector.shape_cast %add3A_416 : vector<16xf32> to vector<1x16xf32>
      tpu.vector_store %arg6[%swap3A_417, %swap3A_418], %swap3A_421 {strides = array<i32>} : memref<64x768xf32, #tpu.memory_space<vmem>>, vector<1x16xf32>,
      %get3A_422 = arith.index_cast %scan3A_44 : i32 to index
      %get3A_423 = arith.constant 432 : index
      %get3A_424 = tpu.vector_load %arg6[%get3A_422, %get3A_423] {strides = array<i32>} : memref<64x768xf32, #tpu.memory_space<vmem>>, vector<1x16xf32>,
      %get3A_425 = vector.shape_cast %get3A_424 : vector<1x16xf32> to vector<16xf32>
      %get3A_426 = arith.index_cast %scan3A_44 : i32 to index
      %get3A_427 = arith.constant 432 : index
      %get3A_428 = tpu.vector_load %arg7[%get3A_426, %get3A_427] {strides = array<i32>} : memref<64x768xf32, #tpu.memory_space<vmem>>, vector<1x16xf32>,
      %get3A_429 = vector.shape_cast %get3A_428 : vector<1x16xf32> to vector<16xf32>
      %add3A_430 = arith.addf %get3A_425, %get3A_429 : vector<16xf32>
      %swap3A_431 = arith.index_cast %scan3A_44 : i32 to index
      %swap3A_432 = arith.constant 432 : index
      %swap3A_433 = tpu.vector_load %arg6[%swap3A_431, %swap3A_432] {strides = array<i32>} : memref<64x768xf32, #tpu.memory_space<vmem>>, vector<1x16xf32>,
      %swap3A_434 = vector.shape_cast %swap3A_433 : vector<1x16xf32> to vector<16xf32>
      %swap3A_435 = vector.shape_cast %add3A_430 : vector<16xf32> to vector<1x16xf32>
      tpu.vector_store %arg6[%swap3A_431, %swap3A_432], %swap3A_435 {strides = array<i32>} : memref<64x768xf32, #tpu.memory_space<vmem>>, vector<1x16xf32>,
      %get3A_436 = arith.index_cast %scan3A_44 : i32 to index
      %get3A_437 = arith.constant 448 : index
      %get3A_438 = tpu.vector_load %arg6[%get3A_436, %get3A_437] {strides = array<i32>} : memref<64x768xf32, #tpu.memory_space<vmem>>, vector<1x16xf32>,
      %get3A_439 = vector.shape_cast %get3A_438 : vector<1x16xf32> to vector<16xf32>
      %get3A_440 = arith.index_cast %scan3A_44 : i32 to index
      %get3A_441 = arith.constant 448 : index
      %get3A_442 = tpu.vector_load %arg7[%get3A_440, %get3A_441] {strides = array<i32>} : memref<64x768xf32, #tpu.memory_space<vmem>>, vector<1x16xf32>,
      %get3A_443 = vector.shape_cast %get3A_442 : vector<1x16xf32> to vector<16xf32>
      %add3A_444 = arith.addf %get3A_439, %get3A_443 : vector<16xf32>
      %swap3A_445 = arith.index_cast %scan3A_44 : i32 to index
      %swap3A_446 = arith.constant 448 : index
      %swap3A_447 = tpu.vector_load %arg6[%swap3A_445, %swap3A_446] {strides = array<i32>} : memref<64x768xf32, #tpu.memory_space<vmem>>, vector<1x16xf32>,
      %swap3A_448 = vector.shape_cast %swap3A_447 : vector<1x16xf32> to vector<16xf32>
      %swap3A_449 = vector.shape_cast %add3A_444 : vector<16xf32> to vector<1x16xf32>
      tpu.vector_store %arg6[%swap3A_445, %swap3A_446], %swap3A_449 {strides = array<i32>} : memref<64x768xf32, #tpu.memory_space<vmem>>, vector<1x16xf32>,
      %get3A_450 = arith.index_cast %scan3A_44 : i32 to index
      %get3A_451 = arith.constant 464 : index
      %get3A_452 = tpu.vector_load %arg6[%get3A_450, %get3A_451] {strides = array<i32>} : memref<64x768xf32, #tpu.memory_space<vmem>>, vector<1x16xf32>,
      %get3A_453 = vector.shape_cast %get3A_452 : vector<1x16xf32> to vector<16xf32>
      %get3A_454 = arith.index_cast %scan3A_44 : i32 to index
      %get3A_455 = arith.constant 464 : index
      %get3A_456 = tpu.vector_load %arg7[%get3A_454, %get3A_455] {strides = array<i32>} : memref<64x768xf32, #tpu.memory_space<vmem>>, vector<1x16xf32>,
      %get3A_457 = vector.shape_cast %get3A_456 : vector<1x16xf32> to vector<16xf32>
      %add3A_458 = arith.addf %get3A_453, %get3A_457 : vector<16xf32>
      %swap3A_459 = arith.index_cast %scan3A_44 : i32 to index
      %swap3A_460 = arith.constant 464 : index
      %swap3A_461 = tpu.vector_load %arg6[%swap3A_459, %swap3A_460] {strides = array<i32>} : memref<64x768xf32, #tpu.memory_space<vmem>>, vector<1x16xf32>,
      %swap3A_462 = vector.shape_cast %swap3A_461 : vector<1x16xf32> to vector<16xf32>
      %swap3A_463 = vector.shape_cast %add3A_458 : vector<16xf32> to vector<1x16xf32>
      tpu.vector_store %arg6[%swap3A_459, %swap3A_460], %swap3A_463 {strides = array<i32>} : memref<64x768xf32, #tpu.memory_space<vmem>>, vector<1x16xf32>,
      %get3A_464 = arith.index_cast %scan3A_44 : i32 to index
      %get3A_465 = arith.constant 480 : index
      %get3A_466 = tpu.vector_load %arg6[%get3A_464, %get3A_465] {strides = array<i32>} : memref<64x768xf32, #tpu.memory_space<vmem>>, vector<1x16xf32>,
      %get3A_467 = vector.shape_cast %get3A_466 : vector<1x16xf32> to vector<16xf32>
      %get3A_468 = arith.index_cast %scan3A_44 : i32 to index
      %get3A_469 = arith.constant 480 : index
      %get3A_470 = tpu.vector_load %arg7[%get3A_468, %get3A_469] {strides = array<i32>} : memref<64x768xf32, #tpu.memory_space<vmem>>, vector<1x16xf32>,
      %get3A_471 = vector.shape_cast %get3A_470 : vector<1x16xf32> to vector<16xf32>
      %add3A_472 = arith.addf %get3A_467, %get3A_471 : vector<16xf32>
      %swap3A_473 = arith.index_cast %scan3A_44 : i32 to index
      %swap3A_474 = arith.constant 480 : index
      %swap3A_475 = tpu.vector_load %arg6[%swap3A_473, %swap3A_474] {strides = array<i32>} : memref<64x768xf32, #tpu.memory_space<vmem>>, vector<1x16xf32>,
      %swap3A_476 = vector.shape_cast %swap3A_475 : vector<1x16xf32> to vector<16xf32>
      %swap3A_477 = vector.shape_cast %add3A_472 : vector<16xf32> to vector<1x16xf32>
      tpu.vector_store %arg6[%swap3A_473, %swap3A_474], %swap3A_477 {strides = array<i32>} : memref<64x768xf32, #tpu.memory_space<vmem>>, vector<1x16xf32>,
      %get3A_478 = arith.index_cast %scan3A_44 : i32 to index
      %get3A_479 = arith.constant 496 : index
      %get3A_480 = tpu.vector_load %arg6[%get3A_478, %get3A_479] {strides = array<i32>} : memref<64x768xf32, #tpu.memory_space<vmem>>, vector<1x16xf32>,
      %get3A_481 = vector.shape_cast %get3A_480 : vector<1x16xf32> to vector<16xf32>
      %get3A_482 = arith.index_cast %scan3A_44 : i32 to index
      %get3A_483 = arith.constant 496 : index
      %get3A_484 = tpu.vector_load %arg7[%get3A_482, %get3A_483] {strides = array<i32>} : memref<64x768xf32, #tpu.memory_space<vmem>>, vector<1x16xf32>,
      %get3A_485 = vector.shape_cast %get3A_484 : vector<1x16xf32> to vector<16xf32>
      %add3A_486 = arith.addf %get3A_481, %get3A_485 : vector<16xf32>
      %swap3A_487 = arith.index_cast %scan3A_44 : i32 to index
      %swap3A_488 = arith.constant 496 : index
      %swap3A_489 = tpu.vector_load %arg6[%swap3A_487, %swap3A_488] {strides = array<i32>} : memref<64x768xf32, #tpu.memory_space<vmem>>, vector<1x16xf32>,
      %swap3A_490 = vector.shape_cast %swap3A_489 : vector<1x16xf32> to vector<16xf32>
      %swap3A_491 = vector.shape_cast %add3A_486 : vector<16xf32> to vector<1x16xf32>
      tpu.vector_store %arg6[%swap3A_487, %swap3A_488], %swap3A_491 {strides = array<i32>} : memref<64x768xf32, #tpu.memory_space<vmem>>, vector<1x16xf32>,
      %get3A_492 = arith.index_cast %scan3A_44 : i32 to index
      %get3A_493 = arith.constant 512 : index
      %get3A_494 = tpu.vector_load %arg6[%get3A_492, %get3A_493] {strides = array<i32>} : memref<64x768xf32, #tpu.memory_space<vmem>>, vector<1x16xf32>,
      %get3A_495 = vector.shape_cast %get3A_494 : vector<1x16xf32> to vector<16xf32>
      %get3A_496 = arith.index_cast %scan3A_44 : i32 to index
      %get3A_497 = arith.constant 512 : index
      %get3A_498 = tpu.vector_load %arg7[%get3A_496, %get3A_497] {strides = array<i32>} : memref<64x768xf32, #tpu.memory_space<vmem>>, vector<1x16xf32>,
      %get3A_499 = vector.shape_cast %get3A_498 : vector<1x16xf32> to vector<16xf32>
      %add3A_500 = arith.addf %get3A_495, %get3A_499 : vector<16xf32>
      %swap3A_501 = arith.index_cast %scan3A_44 : i32 to index
      %swap3A_502 = arith.constant 512 : index
      %swap3A_503 = tpu.vector_load %arg6[%swap3A_501, %swap3A_502] {strides = array<i32>} : memref<64x768xf32, #tpu.memory_space<vmem>>, vector<1x16xf32>,
      %swap3A_504 = vector.shape_cast %swap3A_503 : vector<1x16xf32> to vector<16xf32>
      %swap3A_505 = vector.shape_cast %add3A_500 : vector<16xf32> to vector<1x16xf32>
      tpu.vector_store %arg6[%swap3A_501, %swap3A_502], %swap3A_505 {strides = array<i32>} : memref<64x768xf32, #tpu.memory_space<vmem>>, vector<1x16xf32>,
      %get3A_506 = arith.index_cast %scan3A_44 : i32 to index
      %get3A_507 = arith.constant 528 : index
      %get3A_508 = tpu.vector_load %arg6[%get3A_506, %get3A_507] {strides = array<i32>} : memref<64x768xf32, #tpu.memory_space<vmem>>, vector<1x16xf32>,
      %get3A_509 = vector.shape_cast %get3A_508 : vector<1x16xf32> to vector<16xf32>
      %get3A_510 = arith.index_cast %scan3A_44 : i32 to index
      %get3A_511 = arith.constant 528 : index
      %get3A_512 = tpu.vector_load %arg7[%get3A_510, %get3A_511] {strides = array<i32>} : memref<64x768xf32, #tpu.memory_space<vmem>>, vector<1x16xf32>,
      %get3A_513 = vector.shape_cast %get3A_512 : vector<1x16xf32> to vector<16xf32>
      %add3A_514 = arith.addf %get3A_509, %get3A_513 : vector<16xf32>
      %swap3A_515 = arith.index_cast %scan3A_44 : i32 to index
      %swap3A_516 = arith.constant 528 : index
      %swap3A_517 = tpu.vector_load %arg6[%swap3A_515, %swap3A_516] {strides = array<i32>} : memref<64x768xf32, #tpu.memory_space<vmem>>, vector<1x16xf32>,
      %swap3A_518 = vector.shape_cast %swap3A_517 : vector<1x16xf32> to vector<16xf32>
      %swap3A_519 = vector.shape_cast %add3A_514 : vector<16xf32> to vector<1x16xf32>
      tpu.vector_store %arg6[%swap3A_515, %swap3A_516], %swap3A_519 {strides = array<i32>} : memref<64x768xf32, #tpu.memory_space<vmem>>, vector<1x16xf32>,
      %get3A_520 = arith.index_cast %scan3A_44 : i32 to index
      %get3A_521 = arith.constant 544 : index
      %get3A_522 = tpu.vector_load %arg6[%get3A_520, %get3A_521] {strides = array<i32>} : memref<64x768xf32, #tpu.memory_space<vmem>>, vector<1x16xf32>,
      %get3A_523 = vector.shape_cast %get3A_522 : vector<1x16xf32> to vector<16xf32>
      %get3A_524 = arith.index_cast %scan3A_44 : i32 to index
      %get3A_525 = arith.constant 544 : index
      %get3A_526 = tpu.vector_load %arg7[%get3A_524, %get3A_525] {strides = array<i32>} : memref<64x768xf32, #tpu.memory_space<vmem>>, vector<1x16xf32>,
      %get3A_527 = vector.shape_cast %get3A_526 : vector<1x16xf32> to vector<16xf32>
      %add3A_528 = arith.addf %get3A_523, %get3A_527 : vector<16xf32>
      %swap3A_529 = arith.index_cast %scan3A_44 : i32 to index
      %swap3A_530 = arith.constant 544 : index
      %swap3A_531 = tpu.vector_load %arg6[%swap3A_529, %swap3A_530] {strides = array<i32>} : memref<64x768xf32, #tpu.memory_space<vmem>>, vector<1x16xf32>,
      %swap3A_532 = vector.shape_cast %swap3A_531 : vector<1x16xf32> to vector<16xf32>
      %swap3A_533 = vector.shape_cast %add3A_528 : vector<16xf32> to vector<1x16xf32>
      tpu.vector_store %arg6[%swap3A_529, %swap3A_530], %swap3A_533 {strides = array<i32>} : memref<64x768xf32, #tpu.memory_space<vmem>>, vector<1x16xf32>,
      %get3A_534 = arith.index_cast %scan3A_44 : i32 to index
      %get3A_535 = arith.constant 560 : index
      %get3A_536 = tpu.vector_load %arg6[%get3A_534, %get3A_535] {strides = array<i32>} : memref<64x768xf32, #tpu.memory_space<vmem>>, vector<1x16xf32>,
      %get3A_537 = vector.shape_cast %get3A_536 : vector<1x16xf32> to vector<16xf32>
      %get3A_538 = arith.index_cast %scan3A_44 : i32 to index
      %get3A_539 = arith.constant 560 : index
      %get3A_540 = tpu.vector_load %arg7[%get3A_538, %get3A_539] {strides = array<i32>} : memref<64x768xf32, #tpu.memory_space<vmem>>, vector<1x16xf32>,
      %get3A_541 = vector.shape_cast %get3A_540 : vector<1x16xf32> to vector<16xf32>
      %add3A_542 = arith.addf %get3A_537, %get3A_541 : vector<16xf32>
      %swap3A_543 = arith.index_cast %scan3A_44 : i32 to index
      %swap3A_544 = arith.constant 560 : index
      %swap3A_545 = tpu.vector_load %arg6[%swap3A_543, %swap3A_544] {strides = array<i32>} : memref<64x768xf32, #tpu.memory_space<vmem>>, vector<1x16xf32>,
      %swap3A_546 = vector.shape_cast %swap3A_545 : vector<1x16xf32> to vector<16xf32>
      %swap3A_547 = vector.shape_cast %add3A_542 : vector<16xf32> to vector<1x16xf32>
      tpu.vector_store %arg6[%swap3A_543, %swap3A_544], %swap3A_547 {strides = array<i32>} : memref<64x768xf32, #tpu.memory_space<vmem>>, vector<1x16xf32>,
      %get3A_548 = arith.index_cast %scan3A_44 : i32 to index
      %get3A_549 = arith.constant 576 : index
      %get3A_550 = tpu.vector_load %arg6[%get3A_548, %get3A_549] {strides = array<i32>} : memref<64x768xf32, #tpu.memory_space<vmem>>, vector<1x16xf32>,
      %get3A_551 = vector.shape_cast %get3A_550 : vector<1x16xf32> to vector<16xf32>
      %get3A_552 = arith.index_cast %scan3A_44 : i32 to index
      %get3A_553 = arith.constant 576 : index
      %get3A_554 = tpu.vector_load %arg7[%get3A_552, %get3A_553] {strides = array<i32>} : memref<64x768xf32, #tpu.memory_space<vmem>>, vector<1x16xf32>,
      %get3A_555 = vector.shape_cast %get3A_554 : vector<1x16xf32> to vector<16xf32>
      %add3A_556 = arith.addf %get3A_551, %get3A_555 : vector<16xf32>
      %swap3A_557 = arith.index_cast %scan3A_44 : i32 to index
      %swap3A_558 = arith.constant 576 : index
      %swap3A_559 = tpu.vector_load %arg6[%swap3A_557, %swap3A_558] {strides = array<i32>} : memref<64x768xf32, #tpu.memory_space<vmem>>, vector<1x16xf32>,
      %swap3A_560 = vector.shape_cast %swap3A_559 : vector<1x16xf32> to vector<16xf32>
      %swap3A_561 = vector.shape_cast %add3A_556 : vector<16xf32> to vector<1x16xf32>
      tpu.vector_store %arg6[%swap3A_557, %swap3A_558], %swap3A_561 {strides = array<i32>} : memref<64x768xf32, #tpu.memory_space<vmem>>, vector<1x16xf32>,
      %get3A_562 = arith.index_cast %scan3A_44 : i32 to index
      %get3A_563 = arith.constant 592 : index
      %get3A_564 = tpu.vector_load %arg6[%get3A_562, %get3A_563] {strides = array<i32>} : memref<64x768xf32, #tpu.memory_space<vmem>>, vector<1x16xf32>,
      %get3A_565 = vector.shape_cast %get3A_564 : vector<1x16xf32> to vector<16xf32>
      %get3A_566 = arith.index_cast %scan3A_44 : i32 to index
      %get3A_567 = arith.constant 592 : index
      %get3A_568 = tpu.vector_load %arg7[%get3A_566, %get3A_567] {strides = array<i32>} : memref<64x768xf32, #tpu.memory_space<vmem>>, vector<1x16xf32>,
      %get3A_569 = vector.shape_cast %get3A_568 : vector<1x16xf32> to vector<16xf32>
      %add3A_570 = arith.addf %get3A_565, %get3A_569 : vector<16xf32>
      %swap3A_571 = arith.index_cast %scan3A_44 : i32 to index
      %swap3A_572 = arith.constant 592 : index
      %swap3A_573 = tpu.vector_load %arg6[%swap3A_571, %swap3A_572] {strides = array<i32>} : memref<64x768xf32, #tpu.memory_space<vmem>>, vector<1x16xf32>,
      %swap3A_574 = vector.shape_cast %swap3A_573 : vector<1x16xf32> to vector<16xf32>
      %swap3A_575 = vector.shape_cast %add3A_570 : vector<16xf32> to vector<1x16xf32>
      tpu.vector_store %arg6[%swap3A_571, %swap3A_572], %swap3A_575 {strides = array<i32>} : memref<64x768xf32, #tpu.memory_space<vmem>>, vector<1x16xf32>,
      %get3A_576 = arith.index_cast %scan3A_44 : i32 to index
      %get3A_577 = arith.constant 608 : index
      %get3A_578 = tpu.vector_load %arg6[%get3A_576, %get3A_577] {strides = array<i32>} : memref<64x768xf32, #tpu.memory_space<vmem>>, vector<1x16xf32>,
      %get3A_579 = vector.shape_cast %get3A_578 : vector<1x16xf32> to vector<16xf32>
      %get3A_580 = arith.index_cast %scan3A_44 : i32 to index
      %get3A_581 = arith.constant 608 : index
      %get3A_582 = tpu.vector_load %arg7[%get3A_580, %get3A_581] {strides = array<i32>} : memref<64x768xf32, #tpu.memory_space<vmem>>, vector<1x16xf32>,
      %get3A_583 = vector.shape_cast %get3A_582 : vector<1x16xf32> to vector<16xf32>
      %add3A_584 = arith.addf %get3A_579, %get3A_583 : vector<16xf32>
      %swap3A_585 = arith.index_cast %scan3A_44 : i32 to index
      %swap3A_586 = arith.constant 608 : index
      %swap3A_587 = tpu.vector_load %arg6[%swap3A_585, %swap3A_586] {strides = array<i32>} : memref<64x768xf32, #tpu.memory_space<vmem>>, vector<1x16xf32>,
      %swap3A_588 = vector.shape_cast %swap3A_587 : vector<1x16xf32> to vector<16xf32>
      %swap3A_589 = vector.shape_cast %add3A_584 : vector<16xf32> to vector<1x16xf32>
      tpu.vector_store %arg6[%swap3A_585, %swap3A_586], %swap3A_589 {strides = array<i32>} : memref<64x768xf32, #tpu.memory_space<vmem>>, vector<1x16xf32>,
      %get3A_590 = arith.index_cast %scan3A_44 : i32 to index
      %get3A_591 = arith.constant 624 : index
      %get3A_592 = tpu.vector_load %arg6[%get3A_590, %get3A_591] {strides = array<i32>} : memref<64x768xf32, #tpu.memory_space<vmem>>, vector<1x16xf32>,
      %get3A_593 = vector.shape_cast %get3A_592 : vector<1x16xf32> to vector<16xf32>
      %get3A_594 = arith.index_cast %scan3A_44 : i32 to index
      %get3A_595 = arith.constant 624 : index
      %get3A_596 = tpu.vector_load %arg7[%get3A_594, %get3A_595] {strides = array<i32>} : memref<64x768xf32, #tpu.memory_space<vmem>>, vector<1x16xf32>,
      %get3A_597 = vector.shape_cast %get3A_596 : vector<1x16xf32> to vector<16xf32>
      %add3A_598 = arith.addf %get3A_593, %get3A_597 : vector<16xf32>
      %swap3A_599 = arith.index_cast %scan3A_44 : i32 to index
      %swap3A_600 = arith.constant 624 : index
      %swap3A_601 = tpu.vector_load %arg6[%swap3A_599, %swap3A_600] {strides = array<i32>} : memref<64x768xf32, #tpu.memory_space<vmem>>, vector<1x16xf32>,
      %swap3A_602 = vector.shape_cast %swap3A_601 : vector<1x16xf32> to vector<16xf32>
      %swap3A_603 = vector.shape_cast %add3A_598 : vector<16xf32> to vector<1x16xf32>
      tpu.vector_store %arg6[%swap3A_599, %swap3A_600], %swap3A_603 {strides = array<i32>} : memref<64x768xf32, #tpu.memory_space<vmem>>, vector<1x16xf32>,
      %get3A_604 = arith.index_cast %scan3A_44 : i32 to index
      %get3A_605 = arith.constant 640 : index
      %get3A_606 = tpu.vector_load %arg6[%get3A_604, %get3A_605] {strides = array<i32>} : memref<64x768xf32, #tpu.memory_space<vmem>>, vector<1x16xf32>,
      %get3A_607 = vector.shape_cast %get3A_606 : vector<1x16xf32> to vector<16xf32>
      %get3A_608 = arith.index_cast %scan3A_44 : i32 to index
      %get3A_609 = arith.constant 640 : index
      %get3A_610 = tpu.vector_load %arg7[%get3A_608, %get3A_609] {strides = array<i32>} : memref<64x768xf32, #tpu.memory_space<vmem>>, vector<1x16xf32>,
      %get3A_611 = vector.shape_cast %get3A_610 : vector<1x16xf32> to vector<16xf32>
      %add3A_612 = arith.addf %get3A_607, %get3A_611 : vector<16xf32>
      %swap3A_613 = arith.index_cast %scan3A_44 : i32 to index
      %swap3A_614 = arith.constant 640 : index
      %swap3A_615 = tpu.vector_load %arg6[%swap3A_613, %swap3A_614] {strides = array<i32>} : memref<64x768xf32, #tpu.memory_space<vmem>>, vector<1x16xf32>,
      %swap3A_616 = vector.shape_cast %swap3A_615 : vector<1x16xf32> to vector<16xf32>
      %swap3A_617 = vector.shape_cast %add3A_612 : vector<16xf32> to vector<1x16xf32>
      tpu.vector_store %arg6[%swap3A_613, %swap3A_614], %swap3A_617 {strides = array<i32>} : memref<64x768xf32, #tpu.memory_space<vmem>>, vector<1x16xf32>,
      %get3A_618 = arith.index_cast %scan3A_44 : i32 to index
      %get3A_619 = arith.constant 656 : index
      %get3A_620 = tpu.vector_load %arg6[%get3A_618, %get3A_619] {strides = array<i32>} : memref<64x768xf32, #tpu.memory_space<vmem>>, vector<1x16xf32>,
      %get3A_621 = vector.shape_cast %get3A_620 : vector<1x16xf32> to vector<16xf32>
      %get3A_622 = arith.index_cast %scan3A_44 : i32 to index
      %get3A_623 = arith.constant 656 : index
      %get3A_624 = tpu.vector_load %arg7[%get3A_622, %get3A_623] {strides = array<i32>} : memref<64x768xf32, #tpu.memory_space<vmem>>, vector<1x16xf32>,
      %get3A_625 = vector.shape_cast %get3A_624 : vector<1x16xf32> to vector<16xf32>
      %add3A_626 = arith.addf %get3A_621, %get3A_625 : vector<16xf32>
      %swap3A_627 = arith.index_cast %scan3A_44 : i32 to index
      %swap3A_628 = arith.constant 656 : index
      %swap3A_629 = tpu.vector_load %arg6[%swap3A_627, %swap3A_628] {strides = array<i32>} : memref<64x768xf32, #tpu.memory_space<vmem>>, vector<1x16xf32>,
      %swap3A_630 = vector.shape_cast %swap3A_629 : vector<1x16xf32> to vector<16xf32>
      %swap3A_631 = vector.shape_cast %add3A_626 : vector<16xf32> to vector<1x16xf32>
      tpu.vector_store %arg6[%swap3A_627, %swap3A_628], %swap3A_631 {strides = array<i32>} : memref<64x768xf32, #tpu.memory_space<vmem>>, vector<1x16xf32>,
      %get3A_632 = arith.index_cast %scan3A_44 : i32 to index
      %get3A_633 = arith.constant 672 : index
      %get3A_634 = tpu.vector_load %arg6[%get3A_632, %get3A_633] {strides = array<i32>} : memref<64x768xf32, #tpu.memory_space<vmem>>, vector<1x16xf32>,
      %get3A_635 = vector.shape_cast %get3A_634 : vector<1x16xf32> to vector<16xf32>
      %get3A_636 = arith.index_cast %scan3A_44 : i32 to index
      %get3A_637 = arith.constant 672 : index
      %get3A_638 = tpu.vector_load %arg7[%get3A_636, %get3A_637] {strides = array<i32>} : memref<64x768xf32, #tpu.memory_space<vmem>>, vector<1x16xf32>,
      %get3A_639 = vector.shape_cast %get3A_638 : vector<1x16xf32> to vector<16xf32>
      %add3A_640 = arith.addf %get3A_635, %get3A_639 : vector<16xf32>
      %swap3A_641 = arith.index_cast %scan3A_44 : i32 to index
      %swap3A_642 = arith.constant 672 : index
      %swap3A_643 = tpu.vector_load %arg6[%swap3A_641, %swap3A_642] {strides = array<i32>} : memref<64x768xf32, #tpu.memory_space<vmem>>, vector<1x16xf32>,
      %swap3A_644 = vector.shape_cast %swap3A_643 : vector<1x16xf32> to vector<16xf32>
      %swap3A_645 = vector.shape_cast %add3A_640 : vector<16xf32> to vector<1x16xf32>
      tpu.vector_store %arg6[%swap3A_641, %swap3A_642], %swap3A_645 {strides = array<i32>} : memref<64x768xf32, #tpu.memory_space<vmem>>, vector<1x16xf32>,
      %get3A_646 = arith.index_cast %scan3A_44 : i32 to index
      %get3A_647 = arith.constant 688 : index
      %get3A_648 = tpu.vector_load %arg6[%get3A_646, %get3A_647] {strides = array<i32>} : memref<64x768xf32, #tpu.memory_space<vmem>>, vector<1x16xf32>,
      %get3A_649 = vector.shape_cast %get3A_648 : vector<1x16xf32> to vector<16xf32>
      %get3A_650 = arith.index_cast %scan3A_44 : i32 to index
      %get3A_651 = arith.constant 688 : index
      %get3A_652 = tpu.vector_load %arg7[%get3A_650, %get3A_651] {strides = array<i32>} : memref<64x768xf32, #tpu.memory_space<vmem>>, vector<1x16xf32>,
      %get3A_653 = vector.shape_cast %get3A_652 : vector<1x16xf32> to vector<16xf32>
      %add3A_654 = arith.addf %get3A_649, %get3A_653 : vector<16xf32>
      %swap3A_655 = arith.index_cast %scan3A_44 : i32 to index
      %swap3A_656 = arith.constant 688 : index
      %swap3A_657 = tpu.vector_load %arg6[%swap3A_655, %swap3A_656] {strides = array<i32>} : memref<64x768xf32, #tpu.memory_space<vmem>>, vector<1x16xf32>,
      %swap3A_658 = vector.shape_cast %swap3A_657 : vector<1x16xf32> to vector<16xf32>
      %swap3A_659 = vector.shape_cast %add3A_654 : vector<16xf32> to vector<1x16xf32>
      tpu.vector_store %arg6[%swap3A_655, %swap3A_656], %swap3A_659 {strides = array<i32>} : memref<64x768xf32, #tpu.memory_space<vmem>>, vector<1x16xf32>,
      %get3A_660 = arith.index_cast %scan3A_44 : i32 to index
      %get3A_661 = arith.constant 704 : index
      %get3A_662 = tpu.vector_load %arg6[%get3A_660, %get3A_661] {strides = array<i32>} : memref<64x768xf32, #tpu.memory_space<vmem>>, vector<1x16xf32>,
      %get3A_663 = vector.shape_cast %get3A_662 : vector<1x16xf32> to vector<16xf32>
      %get3A_664 = arith.index_cast %scan3A_44 : i32 to index
      %get3A_665 = arith.constant 704 : index
      %get3A_666 = tpu.vector_load %arg7[%get3A_664, %get3A_665] {strides = array<i32>} : memref<64x768xf32, #tpu.memory_space<vmem>>, vector<1x16xf32>,
      %get3A_667 = vector.shape_cast %get3A_666 : vector<1x16xf32> to vector<16xf32>
      %add3A_668 = arith.addf %get3A_663, %get3A_667 : vector<16xf32>
      %swap3A_669 = arith.index_cast %scan3A_44 : i32 to index
      %swap3A_670 = arith.constant 704 : index
      %swap3A_671 = tpu.vector_load %arg6[%swap3A_669, %swap3A_670] {strides = array<i32>} : memref<64x768xf32, #tpu.memory_space<vmem>>, vector<1x16xf32>,
      %swap3A_672 = vector.shape_cast %swap3A_671 : vector<1x16xf32> to vector<16xf32>
      %swap3A_673 = vector.shape_cast %add3A_668 : vector<16xf32> to vector<1x16xf32>
      tpu.vector_store %arg6[%swap3A_669, %swap3A_670], %swap3A_673 {strides = array<i32>} : memref<64x768xf32, #tpu.memory_space<vmem>>, vector<1x16xf32>,
      %get3A_674 = arith.index_cast %scan3A_44 : i32 to index
      %get3A_675 = arith.constant 720 : index
      %get3A_676 = tpu.vector_load %arg6[%get3A_674, %get3A_675] {strides = array<i32>} : memref<64x768xf32, #tpu.memory_space<vmem>>, vector<1x16xf32>,
      %get3A_677 = vector.shape_cast %get3A_676 : vector<1x16xf32> to vector<16xf32>
      %get3A_678 = arith.index_cast %scan3A_44 : i32 to index
      %get3A_679 = arith.constant 720 : index
      %get3A_680 = tpu.vector_load %arg7[%get3A_678, %get3A_679] {strides = array<i32>} : memref<64x768xf32, #tpu.memory_space<vmem>>, vector<1x16xf32>,
      %get3A_681 = vector.shape_cast %get3A_680 : vector<1x16xf32> to vector<16xf32>
      %add3A_682 = arith.addf %get3A_677, %get3A_681 : vector<16xf32>
      %swap3A_683 = arith.index_cast %scan3A_44 : i32 to index
      %swap3A_684 = arith.constant 720 : index
      %swap3A_685 = tpu.vector_load %arg6[%swap3A_683, %swap3A_684] {strides = array<i32>} : memref<64x768xf32, #tpu.memory_space<vmem>>, vector<1x16xf32>,
      %swap3A_686 = vector.shape_cast %swap3A_685 : vector<1x16xf32> to vector<16xf32>
      %swap3A_687 = vector.shape_cast %add3A_682 : vector<16xf32> to vector<1x16xf32>
      tpu.vector_store %arg6[%swap3A_683, %swap3A_684], %swap3A_687 {strides = array<i32>} : memref<64x768xf32, #tpu.memory_space<vmem>>, vector<1x16xf32>,
      %get3A_688 = arith.index_cast %scan3A_44 : i32 to index
      %get3A_689 = arith.constant 736 : index
      %get3A_690 = tpu.vector_load %arg6[%get3A_688, %get3A_689] {strides = array<i32>} : memref<64x768xf32, #tpu.memory_space<vmem>>, vector<1x16xf32>,
      %get3A_691 = vector.shape_cast %get3A_690 : vector<1x16xf32> to vector<16xf32>
      %get3A_692 = arith.index_cast %scan3A_44 : i32 to index
      %get3A_693 = arith.constant 736 : index
      %get3A_694 = tpu.vector_load %arg7[%get3A_692, %get3A_693] {strides = array<i32>} : memref<64x768xf32, #tpu.memory_space<vmem>>, vector<1x16xf32>,
      %get3A_695 = vector.shape_cast %get3A_694 : vector<1x16xf32> to vector<16xf32>
      %add3A_696 = arith.addf %get3A_691, %get3A_695 : vector<16xf32>
      %swap3A_697 = arith.index_cast %scan3A_44 : i32 to index
      %swap3A_698 = arith.constant 736 : index
      %swap3A_699 = tpu.vector_load %arg6[%swap3A_697, %swap3A_698] {strides = array<i32>} : memref<64x768xf32, #tpu.memory_space<vmem>>, vector<1x16xf32>,
      %swap3A_700 = vector.shape_cast %swap3A_699 : vector<1x16xf32> to vector<16xf32>
      %swap3A_701 = vector.shape_cast %add3A_696 : vector<16xf32> to vector<1x16xf32>
      tpu.vector_store %arg6[%swap3A_697, %swap3A_698], %swap3A_701 {strides = array<i32>} : memref<64x768xf32, #tpu.memory_space<vmem>>, vector<1x16xf32>,
      %get3A_702 = arith.index_cast %scan3A_44 : i32 to index
      %get3A_703 = arith.constant 752 : index
      %get3A_704 = tpu.vector_load %arg6[%get3A_702, %get3A_703] {strides = array<i32>} : memref<64x768xf32, #tpu.memory_space<vmem>>, vector<1x16xf32>,
      %get3A_705 = vector.shape_cast %get3A_704 : vector<1x16xf32> to vector<16xf32>
      %get3A_706 = arith.index_cast %scan3A_44 : i32 to index
      %get3A_707 = arith.constant 752 : index
      %get3A_708 = tpu.vector_load %arg7[%get3A_706, %get3A_707] {strides = array<i32>} : memref<64x768xf32, #tpu.memory_space<vmem>>, vector<1x16xf32>,
      %get3A_709 = vector.shape_cast %get3A_708 : vector<1x16xf32> to vector<16xf32>
      %add3A_710 = arith.addf %get3A_705, %get3A_709 : vector<16xf32>
      %swap3A_711 = arith.index_cast %scan3A_44 : i32 to index
      %swap3A_712 = arith.constant 752 : index
      %swap3A_713 = tpu.vector_load %arg6[%swap3A_711, %swap3A_712] {strides = array<i32>} : memref<64x768xf32, #tpu.memory_space<vmem>>, vector<1x16xf32>,
      %swap3A_714 = vector.shape_cast %swap3A_713 : vector<1x16xf32> to vector<16xf32>
      %swap3A_715 = vector.shape_cast %add3A_710 : vector<16xf32> to vector<1x16xf32>
      tpu.vector_store %arg6[%swap3A_711, %swap3A_712], %swap3A_715 {strides = array<i32>} : memref<64x768xf32, #tpu.memory_space<vmem>>, vector<1x16xf32>,
      %scan3A_716 = arith.constant 0 : i32
      scf.yield %scan3A_716 : i32
    }
    %scan3A_43 = arith.constant 64 : i32
    "tpu.region"() ({
      %run_scoped3A = tpu.sem_alloc : memref<!tpu.dma_semaphore, #tpu.memory_space<semaphore_mem>>
      %dma_start3A_44 = arith.constant 0 : i32
      %dma_start3A_45 = tpu.memref_slice %arg5[%add3A_24, %dma_start3A_44] : memref<4096x768xf32, #tpu.memory_space<hbm>> -> memref<64x768xf32, #tpu.memory_space<hbm>>
      %dma_start3A_46 = arith.constant 0 : i32
      %dma_start3A_47 = tpu.memref_slice %arg5[%add3A_24, %dma_start3A_46] : memref<4096x768xf32, #tpu.memory_space<hbm>> -> memref<64x768xf32, #tpu.memory_space<hbm>>
      tpu.enqueue_dma source(%arg6 : memref<64x768xf32, #tpu.memory_space<vmem>>) target(%dma_start3A_47 : memref<64x768xf32, #tpu.memory_space<hbm>>) target_semaphore(%run_scoped3A : memref<!tpu.dma_semaphore, #tpu.memory_space<semaphore_mem>>)
      %dma_wait3A_48 = arith.constant 0 : i32
      %dma_wait3A_49 = tpu.memref_slice %arg5[%add3A_24, %dma_wait3A_48] : memref<4096x768xf32, #tpu.memory_space<hbm>> -> memref<64x768xf32, #tpu.memory_space<hbm>>
      %dma_wait3A_50 = arith.constant 0 : i32
      %dma_wait3A_51 = tpu.memref_slice %arg5[%add3A_24, %dma_wait3A_50] : memref<4096x768xf32, #tpu.memory_space<hbm>> -> memref<64x768xf32, #tpu.memory_space<hbm>>
      tpu.wait_dma2 semaphore(%run_scoped3A : memref<!tpu.dma_semaphore, #tpu.memory_space<semaphore_mem>>) src(%arg6 : memref<64x768xf32, #tpu.memory_space<vmem>>) dst(%dma_wait3A_51 : memref<64x768xf32, #tpu.memory_space<hbm>>)
      tpu.yield
    }) : () -> ()
    return
  }
}

#map = affine_map<(d0, d1) -> (0, 0)>
#map1 = affine_map<(d0, d1) -> (0)>
module attributes {stable_mosaic.version = 14 : i64} {
  func.func @_dispatch_body(%arg0: i32, %arg1: i32, %arg2: memref<4096x768xf32, #tpu.memory_space<hbm>>, %arg3: memref<4096xi32, #tpu.memory_space<hbm>>, %arg4: memref<4096xi32, #tpu.memory_space<hbm>>, %arg5: memref<4096xf32, #tpu.memory_space<hbm>>, %arg6: memref<4096xf32, #tpu.memory_space<hbm>>, %arg7: memref<9216x768xf32, #tpu.memory_space<hbm>>, %arg8: memref<9216xf32, #tpu.memory_space<hbm>>, %arg9: memref<128x768xf32, #tpu.memory_space<vmem>>, %arg10: memref<128xi32, #tpu.memory_space<vmem>>, %arg11: memref<128xi32, #tpu.memory_space<vmem>>, %arg12: memref<128xf32, #tpu.memory_space<vmem>>, %arg13: memref<128xf32, #tpu.memory_space<vmem>>, %arg14: memref<!tpu.dma_semaphore, #tpu.memory_space<semaphore_mem>>) attributes {dimension_semantics = [#tpu.dimension_semantics<core_parallel>, #tpu.dimension_semantics<subcore_parallel>], iteration_bounds = array<i64: 2, 16>, scalar_prefetch = 0 : i64, scratch_operands = 6 : i64, tpu.core_type = #tpu.core_type<sc_vector_subcore>, window_params = [{transform_indices = #map}, {transform_indices = #map1}, {transform_indices = #map1}, {transform_indices = #map1}, {transform_indices = #map1}, {transform_indices = #map}, {transform_indices = #map1}]} {
    %mul3A = arith.constant 2 : i32
    %mul3A_0 = arith.muli %arg1, %mul3A : i32
    %add3A = arith.addi %mul3A_0, %arg0 : i32
    %mul3A_1 = arith.constant 128 : i32
    %mul3A_2 = arith.muli %add3A, %mul3A_1 : i32
    "tpu.region"() ({
      %run_scoped3A = tpu.sem_alloc : memref<!tpu.dma_semaphore, #tpu.memory_space<semaphore_mem>>
      %dma_start3A_21 = tpu.memref_slice %arg3[%mul3A_2] : memref<4096xi32, #tpu.memory_space<hbm>> -> memref<128xi32, #tpu.memory_space<hbm>>
      %dma_start3A_22 = tpu.memref_slice %arg3[%mul3A_2] : memref<4096xi32, #tpu.memory_space<hbm>> -> memref<128xi32, #tpu.memory_space<hbm>>
      tpu.enqueue_dma source(%dma_start3A_22 : memref<128xi32, #tpu.memory_space<hbm>>) target(%arg10 : memref<128xi32, #tpu.memory_space<vmem>>) target_semaphore(%run_scoped3A : memref<!tpu.dma_semaphore, #tpu.memory_space<semaphore_mem>>)
      %dma_wait3A_23 = tpu.memref_slice %arg3[%mul3A_2] : memref<4096xi32, #tpu.memory_space<hbm>> -> memref<128xi32, #tpu.memory_space<hbm>>
      %dma_wait3A_24 = tpu.memref_slice %arg3[%mul3A_2] : memref<4096xi32, #tpu.memory_space<hbm>> -> memref<128xi32, #tpu.memory_space<hbm>>
      tpu.wait_dma2 semaphore(%run_scoped3A : memref<!tpu.dma_semaphore, #tpu.memory_space<semaphore_mem>>) src(%dma_wait3A_24 : memref<128xi32, #tpu.memory_space<hbm>>) dst(%arg10 : memref<128xi32, #tpu.memory_space<vmem>>)
      tpu.yield
    }) : () -> ()
    "tpu.region"() ({
      %run_scoped3A = tpu.sem_alloc : memref<!tpu.dma_semaphore, #tpu.memory_space<semaphore_mem>>
      %dma_start3A_21 = tpu.memref_slice %arg4[%mul3A_2] : memref<4096xi32, #tpu.memory_space<hbm>> -> memref<128xi32, #tpu.memory_space<hbm>>
      %dma_start3A_22 = tpu.memref_slice %arg4[%mul3A_2] : memref<4096xi32, #tpu.memory_space<hbm>> -> memref<128xi32, #tpu.memory_space<hbm>>
      tpu.enqueue_dma source(%dma_start3A_22 : memref<128xi32, #tpu.memory_space<hbm>>) target(%arg11 : memref<128xi32, #tpu.memory_space<vmem>>) target_semaphore(%run_scoped3A : memref<!tpu.dma_semaphore, #tpu.memory_space<semaphore_mem>>)
      %dma_wait3A_23 = tpu.memref_slice %arg4[%mul3A_2] : memref<4096xi32, #tpu.memory_space<hbm>> -> memref<128xi32, #tpu.memory_space<hbm>>
      %dma_wait3A_24 = tpu.memref_slice %arg4[%mul3A_2] : memref<4096xi32, #tpu.memory_space<hbm>> -> memref<128xi32, #tpu.memory_space<hbm>>
      tpu.wait_dma2 semaphore(%run_scoped3A : memref<!tpu.dma_semaphore, #tpu.memory_space<semaphore_mem>>) src(%dma_wait3A_24 : memref<128xi32, #tpu.memory_space<hbm>>) dst(%arg11 : memref<128xi32, #tpu.memory_space<vmem>>)
      tpu.yield
    }) : () -> ()
    "tpu.region"() ({
      %run_scoped3A = tpu.sem_alloc : memref<!tpu.dma_semaphore, #tpu.memory_space<semaphore_mem>>
      %dma_start3A_21 = tpu.memref_slice %arg5[%mul3A_2] : memref<4096xf32, #tpu.memory_space<hbm>> -> memref<128xf32, #tpu.memory_space<hbm>>
      %dma_start3A_22 = tpu.memref_slice %arg5[%mul3A_2] : memref<4096xf32, #tpu.memory_space<hbm>> -> memref<128xf32, #tpu.memory_space<hbm>>
      tpu.enqueue_dma source(%dma_start3A_22 : memref<128xf32, #tpu.memory_space<hbm>>) target(%arg12 : memref<128xf32, #tpu.memory_space<vmem>>) target_semaphore(%run_scoped3A : memref<!tpu.dma_semaphore, #tpu.memory_space<semaphore_mem>>)
      %dma_wait3A_23 = tpu.memref_slice %arg5[%mul3A_2] : memref<4096xf32, #tpu.memory_space<hbm>> -> memref<128xf32, #tpu.memory_space<hbm>>
      %dma_wait3A_24 = tpu.memref_slice %arg5[%mul3A_2] : memref<4096xf32, #tpu.memory_space<hbm>> -> memref<128xf32, #tpu.memory_space<hbm>>
      tpu.wait_dma2 semaphore(%run_scoped3A : memref<!tpu.dma_semaphore, #tpu.memory_space<semaphore_mem>>) src(%dma_wait3A_24 : memref<128xf32, #tpu.memory_space<hbm>>) dst(%arg12 : memref<128xf32, #tpu.memory_space<vmem>>)
      tpu.yield
    }) : () -> ()
    "tpu.region"() ({
      %run_scoped3A = tpu.sem_alloc : memref<!tpu.dma_semaphore, #tpu.memory_space<semaphore_mem>>
      %dma_start3A_21 = tpu.memref_slice %arg6[%mul3A_2] : memref<4096xf32, #tpu.memory_space<hbm>> -> memref<128xf32, #tpu.memory_space<hbm>>
      %dma_start3A_22 = tpu.memref_slice %arg6[%mul3A_2] : memref<4096xf32, #tpu.memory_space<hbm>> -> memref<128xf32, #tpu.memory_space<hbm>>
      tpu.enqueue_dma source(%dma_start3A_22 : memref<128xf32, #tpu.memory_space<hbm>>) target(%arg13 : memref<128xf32, #tpu.memory_space<vmem>>) target_semaphore(%run_scoped3A : memref<!tpu.dma_semaphore, #tpu.memory_space<semaphore_mem>>)
      %dma_wait3A_23 = tpu.memref_slice %arg6[%mul3A_2] : memref<4096xf32, #tpu.memory_space<hbm>> -> memref<128xf32, #tpu.memory_space<hbm>>
      %dma_wait3A_24 = tpu.memref_slice %arg6[%mul3A_2] : memref<4096xf32, #tpu.memory_space<hbm>> -> memref<128xf32, #tpu.memory_space<hbm>>
      tpu.wait_dma2 semaphore(%run_scoped3A : memref<!tpu.dma_semaphore, #tpu.memory_space<semaphore_mem>>) src(%dma_wait3A_24 : memref<128xf32, #tpu.memory_space<hbm>>) dst(%arg13 : memref<128xf32, #tpu.memory_space<vmem>>)
      tpu.yield
    }) : () -> ()
    "tpu.region"() ({
      %run_scoped3A = tpu.sem_alloc : memref<!tpu.dma_semaphore, #tpu.memory_space<semaphore_mem>>
      %dma_start3A_21 = arith.constant 0 : i32
      %dma_start3A_22 = tpu.memref_slice %arg2[%mul3A_2, %dma_start3A_21] : memref<4096x768xf32, #tpu.memory_space<hbm>> -> memref<128x768xf32, #tpu.memory_space<hbm>>
      %dma_start3A_23 = arith.constant 0 : i32
      %dma_start3A_24 = tpu.memref_slice %arg2[%mul3A_2, %dma_start3A_23] : memref<4096x768xf32, #tpu.memory_space<hbm>> -> memref<128x768xf32, #tpu.memory_space<hbm>>
      tpu.enqueue_dma source(%dma_start3A_24 : memref<128x768xf32, #tpu.memory_space<hbm>>) target(%arg9 : memref<128x768xf32, #tpu.memory_space<vmem>>) target_semaphore(%run_scoped3A : memref<!tpu.dma_semaphore, #tpu.memory_space<semaphore_mem>>)
      %dma_wait3A_25 = arith.constant 0 : i32
      %dma_wait3A_26 = tpu.memref_slice %arg2[%mul3A_2, %dma_wait3A_25] : memref<4096x768xf32, #tpu.memory_space<hbm>> -> memref<128x768xf32, #tpu.memory_space<hbm>>
      %dma_wait3A_27 = arith.constant 0 : i32
      %dma_wait3A_28 = tpu.memref_slice %arg2[%mul3A_2, %dma_wait3A_27] : memref<4096x768xf32, #tpu.memory_space<hbm>> -> memref<128x768xf32, #tpu.memory_space<hbm>>
      tpu.wait_dma2 semaphore(%run_scoped3A : memref<!tpu.dma_semaphore, #tpu.memory_space<semaphore_mem>>) src(%dma_wait3A_28 : memref<128x768xf32, #tpu.memory_space<hbm>>) dst(%arg9 : memref<128x768xf32, #tpu.memory_space<vmem>>)
      tpu.yield
    }) : () -> ()
    %dma_start3A = arith.constant 0 : i32
    %dma_start3A_3 = arith.constant 0 : i32
    %dma_start3A_4 = tpu.memref_slice %arg7[%dma_start3A, %dma_start3A_3] : memref<9216x768xf32, #tpu.memory_space<hbm>> -> memref<9216x768xf32, #tpu.memory_space<hbm>>
    tpu.enqueue_indirect_dma source(%arg9 : memref<128x768xf32, #tpu.memory_space<vmem>>) target(%dma_start3A_4 : memref<9216x768xf32, #tpu.memory_space<hbm>>) offsets(%arg10 : memref<128xi32, #tpu.memory_space<vmem>>) semaphore(%arg14 : memref<!tpu.dma_semaphore, #tpu.memory_space<semaphore_mem>>)
    %dma_start3A_5 = arith.constant 0 : i32
    %dma_start3A_6 = arith.constant 0 : i32
    %dma_start3A_7 = tpu.memref_slice %arg7[%dma_start3A_5, %dma_start3A_6] : memref<9216x768xf32, #tpu.memory_space<hbm>> -> memref<9216x768xf32, #tpu.memory_space<hbm>>
    tpu.enqueue_indirect_dma source(%arg9 : memref<128x768xf32, #tpu.memory_space<vmem>>) target(%dma_start3A_7 : memref<9216x768xf32, #tpu.memory_space<hbm>>) offsets(%arg11 : memref<128xi32, #tpu.memory_space<vmem>>) semaphore(%arg14 : memref<!tpu.dma_semaphore, #tpu.memory_space<semaphore_mem>>)
    %dma_start3A_8 = arith.constant 0 : i32
    %dma_start3A_9 = tpu.memref_slice %arg8[%dma_start3A_8] : memref<9216xf32, #tpu.memory_space<hbm>> -> memref<9216xf32, #tpu.memory_space<hbm>>
    tpu.enqueue_indirect_dma source(%arg12 : memref<128xf32, #tpu.memory_space<vmem>>) target(%dma_start3A_9 : memref<9216xf32, #tpu.memory_space<hbm>>) offsets(%arg10 : memref<128xi32, #tpu.memory_space<vmem>>) semaphore(%arg14 : memref<!tpu.dma_semaphore, #tpu.memory_space<semaphore_mem>>)
    %dma_start3A_10 = arith.constant 0 : i32
    %dma_start3A_11 = tpu.memref_slice %arg8[%dma_start3A_10] : memref<9216xf32, #tpu.memory_space<hbm>> -> memref<9216xf32, #tpu.memory_space<hbm>>
    tpu.enqueue_indirect_dma source(%arg13 : memref<128xf32, #tpu.memory_space<vmem>>) target(%dma_start3A_11 : memref<9216xf32, #tpu.memory_space<hbm>>) offsets(%arg11 : memref<128xi32, #tpu.memory_space<vmem>>) semaphore(%arg14 : memref<!tpu.dma_semaphore, #tpu.memory_space<semaphore_mem>>)
    %dma_wait3A = arith.constant 0 : i32
    %dma_wait3A_12 = arith.constant 0 : i32
    %dma_wait3A_13 = tpu.memref_slice %arg7[%dma_wait3A, %dma_wait3A_12] : memref<9216x768xf32, #tpu.memory_space<hbm>> -> memref<9216x768xf32, #tpu.memory_space<hbm>>
    tpu.wait_indirect_dma semaphore(%arg14 : memref<!tpu.dma_semaphore, #tpu.memory_space<semaphore_mem>>) src(%arg9 : memref<128x768xf32, #tpu.memory_space<vmem>>) dst(%dma_wait3A_13 : memref<9216x768xf32, #tpu.memory_space<hbm>>)
    %dma_wait3A_14 = arith.constant 0 : i32
    %dma_wait3A_15 = arith.constant 0 : i32
    %dma_wait3A_16 = tpu.memref_slice %arg7[%dma_wait3A_14, %dma_wait3A_15] : memref<9216x768xf32, #tpu.memory_space<hbm>> -> memref<9216x768xf32, #tpu.memory_space<hbm>>
    tpu.wait_indirect_dma semaphore(%arg14 : memref<!tpu.dma_semaphore, #tpu.memory_space<semaphore_mem>>) src(%arg9 : memref<128x768xf32, #tpu.memory_space<vmem>>) dst(%dma_wait3A_16 : memref<9216x768xf32, #tpu.memory_space<hbm>>)
    %dma_wait3A_17 = arith.constant 0 : i32
    %dma_wait3A_18 = tpu.memref_slice %arg8[%dma_wait3A_17] : memref<9216xf32, #tpu.memory_space<hbm>> -> memref<9216xf32, #tpu.memory_space<hbm>>
    tpu.wait_indirect_dma semaphore(%arg14 : memref<!tpu.dma_semaphore, #tpu.memory_space<semaphore_mem>>) src(%arg12 : memref<128xf32, #tpu.memory_space<vmem>>) dst(%dma_wait3A_18 : memref<9216xf32, #tpu.memory_space<hbm>>)
    %dma_wait3A_19 = arith.constant 0 : i32
    %dma_wait3A_20 = tpu.memref_slice %arg8[%dma_wait3A_19] : memref<9216xf32, #tpu.memory_space<hbm>> -> memref<9216xf32, #tpu.memory_space<hbm>>
    tpu.wait_indirect_dma semaphore(%arg14 : memref<!tpu.dma_semaphore, #tpu.memory_space<semaphore_mem>>) src(%arg13 : memref<128xf32, #tpu.memory_space<vmem>>) dst(%dma_wait3A_20 : memref<9216xf32, #tpu.memory_space<hbm>>)
    return
  }
}

module attributes {stable_mosaic.version = 14 : i64} {
  func.func @_router_body(%arg0: memref<4096x768xf32, #tpu.memory_space<vmem>>, %arg1: memref<8x768xf32, #tpu.memory_space<vmem>>, %arg2: memref<1x768xf32, #tpu.memory_space<vmem>>, %arg3: memref<1x768xf32, #tpu.memory_space<vmem>>, %arg4: memref<4096x768xf32, #tpu.memory_space<vmem>>, %arg5: memref<4096x1xi32, #tpu.memory_space<vmem>>, %arg6: memref<4096x1xi32, #tpu.memory_space<vmem>>, %arg7: memref<4096x1xf32, #tpu.memory_space<vmem>>, %arg8: memref<4096x1xf32, #tpu.memory_space<vmem>>, %arg9: memref<72x1xi32, #tpu.memory_space<vmem>>, %arg10: memref<72x1xi32, #tpu.memory_space<vmem>>, %arg11: memref<1x1xf32, #tpu.memory_space<vmem>>, %arg12: memref<4096x16xf32, #tpu.memory_space<vmem>>, %arg13: memref<4096x16xf32, #tpu.memory_space<vmem>>) attributes {dimension_semantics = [], scalar_prefetch = 0 : i64, scratch_operands = 2 : i64, tpu.core_type = #tpu.core_type<tc>} {
    %get3A = arith.constant 0 : index
    %get3A_0 = arith.constant 0 : index
    %get3A_1 = vector.load %arg0[%get3A, %get3A_0] : memref<4096x768xf32, #tpu.memory_space<vmem>>, vector<4096x768xf32>
    %reduce_sum3A = arith.constant dense<0.000000e+00> : vector<4096xf32>
    %reduce_sum3A_2 = vector.multi_reduction <add>, %get3A_1, %reduce_sum3A [1] : vector<4096x768xf32> to vector<4096xf32>
    %broadcast_in_dim3A = vector.shape_cast %reduce_sum3A_2 : vector<4096xf32> to vector<4096x1xf32>
    %div3A = arith.constant 7.680000e+02 : f32
    %div3A_3 = vector.broadcast %div3A : f32 to vector<4096x1xf32>
    %div3A_4 = arith.divf %broadcast_in_dim3A, %div3A_3 : vector<4096x1xf32>
    %sub3A = vector.broadcast %div3A_4 : vector<4096x1xf32> to vector<4096x768xf32>
    %sub3A_5 = arith.subf %get3A_1, %sub3A : vector<4096x768xf32>
    %mul3A = arith.mulf %sub3A_5, %sub3A_5 : vector<4096x768xf32>
    %reduce_sum3A_6 = arith.constant dense<0.000000e+00> : vector<4096xf32>
    %reduce_sum3A_7 = vector.multi_reduction <add>, %mul3A, %reduce_sum3A_6 [1] : vector<4096x768xf32> to vector<4096xf32>
    %broadcast_in_dim3A_8 = vector.shape_cast %reduce_sum3A_7 : vector<4096xf32> to vector<4096x1xf32>
    %div3A_9 = arith.constant 7.680000e+02 : f32
    %div3A_10 = vector.broadcast %div3A_9 : f32 to vector<4096x1xf32>
    %div3A_11 = arith.divf %broadcast_in_dim3A_8, %div3A_10 : vector<4096x1xf32>
    %add3A = arith.constant 9.99999974E-6 : f32
    %add3A_12 = vector.broadcast %add3A : f32 to vector<4096x1xf32>
    %add3A_13 = arith.addf %div3A_11, %add3A_12 : vector<4096x1xf32>
    %sqrt3A = math.sqrt %add3A_13 : vector<4096x1xf32>
    %div3A_14 = vector.broadcast %sqrt3A : vector<4096x1xf32> to vector<4096x768xf32>
    %div3A_15 = arith.divf %sub3A_5, %div3A_14 : vector<4096x768xf32>
    %get3A_16 = arith.constant 0 : index
    %get3A_17 = arith.constant 0 : index
    %get3A_18 = vector.load %arg2[%get3A_16, %get3A_17] : memref<1x768xf32, #tpu.memory_space<vmem>>, vector<1x768xf32>
    %mul3A_19 = vector.broadcast %get3A_18 : vector<1x768xf32> to vector<4096x768xf32>
    %mul3A_20 = arith.mulf %div3A_15, %mul3A_19 : vector<4096x768xf32>
    %get3A_21 = arith.constant 0 : index
    %get3A_22 = arith.constant 0 : index
    %get3A_23 = vector.load %arg3[%get3A_21, %get3A_22] : memref<1x768xf32, #tpu.memory_space<vmem>>, vector<1x768xf32>
    %add3A_24 = vector.broadcast %get3A_23 : vector<1x768xf32> to vector<4096x768xf32>
    %add3A_25 = arith.addf %mul3A_20, %add3A_24 : vector<4096x768xf32>
    %swap3A = arith.constant 0 : index
    %swap3A_26 = arith.constant 0 : index
    %swap3A_27 = vector.load %arg4[%swap3A, %swap3A_26] : memref<4096x768xf32, #tpu.memory_space<vmem>>, vector<4096x768xf32>
    tpu.vector_store %arg4[%swap3A, %swap3A_26], %add3A_25 {strides = array<i32>} : memref<4096x768xf32, #tpu.memory_space<vmem>>, vector<4096x768xf32>,
    %get3A_28 = arith.constant 0 : index
    %get3A_29 = arith.constant 0 : index
    %get3A_30 = vector.load %arg1[%get3A_28, %get3A_29] : memref<8x768xf32, #tpu.memory_space<vmem>>, vector<8x768xf32>
    %dot_general3A = arith.constant dense<0.000000e+00> : vector<4096x8xf32>
    %dot_general3A_31 = tpu.matmul %add3A_25, %get3A_30, %dot_general3A {dimension_numbers = #tpu.dot_dimension_numbers<[1], [1], [0], [0], [0, 0, 1, 0], [], []>, transpose_lhs_hint = false} : vector<4096x768xf32>, vector<8x768xf32>, vector<4096x8xf32> -> vector<4096x8xf32>
    %reduce_max3A = arith.constant dense<0xFF800000> : vector<4096xf32>
    %reduce_max3A_32 = vector.multi_reduction <maximumf>, %dot_general3A_31, %reduce_max3A [1] : vector<4096x8xf32> to vector<4096xf32>
    %broadcast_in_dim3A_33 = vector.shape_cast %reduce_max3A_32 : vector<4096xf32> to vector<4096x1xf32>
    %sub3A_34 = vector.broadcast %broadcast_in_dim3A_33 : vector<4096x1xf32> to vector<4096x8xf32>
    %sub3A_35 = arith.subf %dot_general3A_31, %sub3A_34 : vector<4096x8xf32>
    %exp3A = math.exp %sub3A_35 : vector<4096x8xf32>
    %reduce_sum3A_36 = arith.constant dense<0.000000e+00> : vector<4096xf32>
    %reduce_sum3A_37 = vector.multi_reduction <add>, %exp3A, %reduce_sum3A_36 [1] : vector<4096x8xf32> to vector<4096xf32>
    %broadcast_in_dim3A_38 = vector.shape_cast %reduce_sum3A_37 : vector<4096xf32> to vector<4096x1xf32>
    %div3A_39 = vector.broadcast %broadcast_in_dim3A_38 : vector<4096x1xf32> to vector<4096x8xf32>
    %div3A_40 = arith.divf %exp3A, %div3A_39 : vector<4096x8xf32>
    %iota3A = tpu.iota {dimensions = array<i32: 1>} : vector<4096x8xi32>
    %reduce_max3A_41 = arith.constant dense<0xFF800000> : vector<4096xf32>
    %reduce_max3A_42 = vector.multi_reduction <maximumf>, %div3A_40, %reduce_max3A_41 [1] : vector<4096x8xf32> to vector<4096xf32>
    %broadcast_in_dim3A_43 = vector.shape_cast %reduce_max3A_42 : vector<4096xf32> to vector<4096x1xf32>
    %eq3A = vector.broadcast %broadcast_in_dim3A_43 : vector<4096x1xf32> to vector<4096x8xf32>
    %eq3A_44 = arith.cmpf oeq, %div3A_40, %eq3A : vector<4096x8xf32>
    %jit3A = arith.constant 8 : i32
    %broadcast_in_dim3A_45 = vector.broadcast %jit3A : i32 to vector<4096x8xi32>
    %select_n3A = arith.select %eq3A_44, %iota3A, %broadcast_in_dim3A_45 : vector<4096x8xi1>, vector<4096x8xi32>
    %reduce_min3A = arith.constant dense<2147483647> : vector<4096xi32>
    %reduce_min3A_46 = vector.multi_reduction <minsi>, %select_n3A, %reduce_min3A [1] : vector<4096x8xi32> to vector<4096xi32>
    %broadcast_in_dim3A_47 = vector.shape_cast %reduce_min3A_46 : vector<4096xi32> to vector<4096x1xi32>
    %eq3A_48 = vector.broadcast %broadcast_in_dim3A_47 : vector<4096x1xi32> to vector<4096x8xi32>
    %eq3A_49 = arith.cmpi eq, %iota3A, %eq3A_48 : vector<4096x8xi32>
    %jit3A_50 = arith.constant 0xFF800000 : f32
    %broadcast_in_dim3A_51 = vector.broadcast %jit3A_50 : f32 to vector<4096x8xf32>
    %select_n3A_52 = arith.select %eq3A_49, %broadcast_in_dim3A_51, %div3A_40 : vector<4096x8xi1>, vector<4096x8xf32>
    %reduce_max3A_53 = arith.constant dense<0xFF800000> : vector<4096xf32>
    %reduce_max3A_54 = vector.multi_reduction <maximumf>, %select_n3A_52, %reduce_max3A_53 [1] : vector<4096x8xf32> to vector<4096xf32>
    %broadcast_in_dim3A_55 = vector.shape_cast %reduce_max3A_54 : vector<4096xf32> to vector<4096x1xf32>
    %eq3A_56 = vector.broadcast %broadcast_in_dim3A_55 : vector<4096x1xf32> to vector<4096x8xf32>
    %eq3A_57 = arith.cmpf oeq, %select_n3A_52, %eq3A_56 : vector<4096x8xf32>
    %jit3A_58 = arith.constant 8 : i32
    %broadcast_in_dim3A_59 = vector.broadcast %jit3A_58 : i32 to vector<4096x8xi32>
    %select_n3A_60 = arith.select %eq3A_57, %iota3A, %broadcast_in_dim3A_59 : vector<4096x8xi1>, vector<4096x8xi32>
    %reduce_min3A_61 = arith.constant dense<2147483647> : vector<4096xi32>
    %reduce_min3A_62 = vector.multi_reduction <minsi>, %select_n3A_60, %reduce_min3A_61 [1] : vector<4096x8xi32> to vector<4096xi32>
    %broadcast_in_dim3A_63 = vector.shape_cast %reduce_min3A_62 : vector<4096xi32> to vector<4096x1xi32>
    %eq3A_64 = vector.broadcast %broadcast_in_dim3A_63 : vector<4096x1xi32> to vector<4096x8xi32>
    %eq3A_65 = arith.cmpi eq, %iota3A, %eq3A_64 : vector<4096x8xi32>
    %convert_element_type3A = arith.extui %eq3A_49 : vector<4096x8xi1> to vector<4096x8xi32>
    %convert_element_type3A_66 = arith.sitofp %convert_element_type3A : vector<4096x8xi32> to vector<4096x8xf32>
    %convert_element_type3A_67 = arith.extui %eq3A_65 : vector<4096x8xi1> to vector<4096x8xi32>
    %convert_element_type3A_68 = arith.sitofp %convert_element_type3A_67 : vector<4096x8xi32> to vector<4096x8xf32>
    %reduce_sum3A_69 = arith.constant dense<0.000000e+00> : vector<8xf32>
    %reduce_sum3A_70 = vector.multi_reduction <add>, %convert_element_type3A_66, %reduce_sum3A_69 [0] : vector<4096x8xf32> to vector<8xf32>
    %broadcast_in_dim3A_71 = vector.shape_cast %reduce_sum3A_70 : vector<8xf32> to vector<1x8xf32>
    %reduce_sum3A_72 = arith.constant dense<0.000000e+00> : vector<8xf32>
    %reduce_sum3A_73 = vector.multi_reduction <add>, %convert_element_type3A_68, %reduce_sum3A_72 [0] : vector<4096x8xf32> to vector<8xf32>
    %broadcast_in_dim3A_74 = vector.shape_cast %reduce_sum3A_73 : vector<8xf32> to vector<1x8xf32>
    %lt3A = arith.constant 1.280000e+03 : f32
    %lt3A_75 = vector.broadcast %lt3A : f32 to vector<1x8xf32>
    %lt3A_76 = arith.cmpf olt, %broadcast_in_dim3A_71, %lt3A_75 : vector<1x8xf32>
    %convert_element_type3A_77 = arith.extui %lt3A_76 : vector<1x8xi1> to vector<1x8xi32>
    %convert_element_type3A_78 = arith.sitofp %convert_element_type3A_77 : vector<1x8xi32> to vector<1x8xf32>
    %jit3A_79 = arith.constant 0.000000e+00 : f32
    %broadcast_in_dim3A_80 = vector.shape_cast %convert_element_type3A_78 : vector<1x8xf32> to vector<1x8xf32>
    %broadcast_in_dim3A_81 = vector.broadcast %broadcast_in_dim3A_80 : vector<1x8xf32> to vector<4096x8xf32>
    %broadcast_in_dim3A_82 = vector.broadcast %jit3A_79 : f32 to vector<4096x8xf32>
    %select_n3A_83 = arith.select %eq3A_65, %broadcast_in_dim3A_81, %broadcast_in_dim3A_82 : vector<4096x8xi1>, vector<4096x8xf32>
    %reduce_sum3A_84 = arith.constant dense<0.000000e+00> : vector<4096xf32>
    %reduce_sum3A_85 = vector.multi_reduction <add>, %select_n3A_83, %reduce_sum3A_84 [1] : vector<4096x8xf32> to vector<4096xf32>
    %broadcast_in_dim3A_86 = vector.shape_cast %reduce_sum3A_85 : vector<4096xf32> to vector<4096x1xf32>
    %add3A_87 = arith.addf %broadcast_in_dim3A_43, %broadcast_in_dim3A_55 : vector<4096x1xf32>
    %add3A_88 = arith.constant 9.99999993E-9 : f32
    %add3A_89 = vector.broadcast %add3A_88 : f32 to vector<4096x1xf32>
    %add3A_90 = arith.addf %add3A_87, %add3A_89 : vector<4096x1xf32>
    %div3A_91 = arith.divf %broadcast_in_dim3A_43, %add3A_90 : vector<4096x1xf32>
    %div3A_92 = arith.divf %broadcast_in_dim3A_55, %add3A_90 : vector<4096x1xf32>
    %mul3A_93 = arith.mulf %broadcast_in_dim3A_86, %div3A_92 : vector<4096x1xf32>
    %add3A_94 = arith.addf %div3A_91, %mul3A_93 : vector<4096x1xf32>
    %add3A_95 = arith.constant 9.99999993E-9 : f32
    %add3A_96 = vector.broadcast %add3A_95 : f32 to vector<4096x1xf32>
    %add3A_97 = arith.addf %add3A_94, %add3A_96 : vector<4096x1xf32>
    %div3A_98 = arith.divf %div3A_91, %add3A_97 : vector<4096x1xf32>
    %mul3A_99 = arith.mulf %broadcast_in_dim3A_86, %div3A_92 : vector<4096x1xf32>
    %div3A_100 = arith.divf %mul3A_99, %add3A_97 : vector<4096x1xf32>
    %swap3A_101 = arith.constant 0 : index
    %swap3A_102 = arith.constant 0 : index
    %swap3A_103 = vector.load %arg7[%swap3A_101, %swap3A_102] : memref<4096x1xf32, #tpu.memory_space<vmem>>, vector<4096x1xf32>
    tpu.vector_store %arg7[%swap3A_101, %swap3A_102], %div3A_98 {strides = array<i32>} : memref<4096x1xf32, #tpu.memory_space<vmem>>, vector<4096x1xf32>,
    %swap3A_104 = arith.constant 0 : index
    %swap3A_105 = arith.constant 0 : index
    %swap3A_106 = vector.load %arg8[%swap3A_104, %swap3A_105] : memref<4096x1xf32, #tpu.memory_space<vmem>>, vector<4096x1xf32>
    tpu.vector_store %arg8[%swap3A_104, %swap3A_105], %div3A_100 {strides = array<i32>} : memref<4096x1xf32, #tpu.memory_space<vmem>>, vector<4096x1xf32>,
    %mul3A_107 = arith.mulf %dot_general3A_31, %dot_general3A_31 : vector<4096x8xf32>
    %reduce_sum3A_108 = vector.shape_cast %mul3A_107 : vector<4096x8xf32> to vector<1x4096x8xf32>
    %reduce_sum3A_109 = arith.constant dense<0.000000e+00> : vector<1xf32>
    %reduce_sum3A_110 = vector.multi_reduction <add>, %reduce_sum3A_108, %reduce_sum3A_109 [1, 2] : vector<1x4096x8xf32> to vector<1xf32>
    %reduce_sum3A_111 = vector.shape_cast %reduce_sum3A_110 : vector<1xf32> to vector<1x1x1xf32>
    %reduce_sum3A_112 = vector.extract %reduce_sum3A_111[0, 0, 0] : f32 from vector<1x1x1xf32>
    %div3A_113 = arith.constant 3.276800e+04 : f32
    %div3A_114 = arith.divf %reduce_sum3A_112, %div3A_113 : f32
    %mul3A_115 = vector.broadcast %div3A_98 : vector<4096x1xf32> to vector<4096x8xf32>
    %mul3A_116 = arith.mulf %mul3A_115, %convert_element_type3A_66 : vector<4096x8xf32>
    %mul3A_117 = vector.broadcast %div3A_100 : vector<4096x1xf32> to vector<4096x8xf32>
    %mul3A_118 = arith.mulf %mul3A_117, %convert_element_type3A_68 : vector<4096x8xf32>
    %add3A_119 = arith.addf %mul3A_116, %mul3A_118 : vector<4096x8xf32>
    %reduce_sum3A_120 = arith.constant dense<0.000000e+00> : vector<8xf32>
    %reduce_sum3A_121 = vector.multi_reduction <add>, %add3A_119, %reduce_sum3A_120 [0] : vector<4096x8xf32> to vector<8xf32>
    %broadcast_in_dim3A_122 = vector.shape_cast %reduce_sum3A_121 : vector<8xf32> to vector<1x8xf32>
    %div3A_123 = arith.constant 4.096000e+03 : f32
    %div3A_124 = vector.broadcast %div3A_123 : f32 to vector<1x8xf32>
    %div3A_125 = arith.divf %broadcast_in_dim3A_122, %div3A_124 : vector<1x8xf32>
    %sub3A_126 = arith.constant 2.500000e-01 : f32
    %sub3A_127 = vector.broadcast %sub3A_126 : f32 to vector<1x8xf32>
    %sub3A_128 = arith.subf %div3A_125, %sub3A_127 : vector<1x8xf32>
    %integer_pow3A = arith.mulf %sub3A_128, %sub3A_128 : vector<1x8xf32>
    %reduce_sum3A_129 = vector.shape_cast %integer_pow3A : vector<1x8xf32> to vector<1x1x8xf32>
    %reduce_sum3A_130 = arith.constant dense<0.000000e+00> : vector<1xf32>
    %reduce_sum3A_131 = vector.multi_reduction <add>, %reduce_sum3A_129, %reduce_sum3A_130 [1, 2] : vector<1x1x8xf32> to vector<1xf32>
    %reduce_sum3A_132 = vector.shape_cast %reduce_sum3A_131 : vector<1xf32> to vector<1x1x1xf32>
    %reduce_sum3A_133 = vector.extract %reduce_sum3A_132[0, 0, 0] : f32 from vector<1x1x1xf32>
    %div3A_134 = arith.constant 8.000000e+00 : f32
    %div3A_135 = arith.divf %reduce_sum3A_133, %div3A_134 : f32
    %mul3A_136 = arith.constant 1.000000e-03 : f32
    %mul3A_137 = arith.mulf %mul3A_136, %div3A_114 : f32
    %mul3A_138 = arith.constant 1.000000e-03 : f32
    %mul3A_139 = arith.mulf %mul3A_138, %div3A_135 : f32
    %add3A_140 = arith.addf %mul3A_137, %mul3A_139 : f32
    %reshape3A = vector.broadcast %add3A_140 : f32 to vector<1x1xf32>
    %swap3A_141 = arith.constant 0 : index
    %swap3A_142 = arith.constant 0 : index
    %swap3A_143 = vector.load %arg11[%swap3A_141, %swap3A_142] : memref<1x1xf32, #tpu.memory_space<vmem>>, vector<1x1xf32>
    tpu.vector_store %arg11[%swap3A_141, %swap3A_142], %reshape3A {strides = array<i32>} : memref<1x1xf32, #tpu.memory_space<vmem>>, vector<1x1xf32>,
    %add3A_144 = arith.addf %broadcast_in_dim3A_71, %broadcast_in_dim3A_74 : vector<1x8xf32>
    %add3A_145 = arith.constant 1.270000e+02 : f32
    %add3A_146 = vector.broadcast %add3A_145 : f32 to vector<1x8xf32>
    %add3A_147 = arith.addf %add3A_144, %add3A_146 : vector<1x8xf32>
    %div3A_148 = arith.constant 1.280000e+02 : f32
    %div3A_149 = vector.broadcast %div3A_148 : f32 to vector<1x8xf32>
    %div3A_150 = arith.divf %add3A_147, %div3A_149 : vector<1x8xf32>
    %floor3A = math.floor %div3A_150 : vector<1x8xf32>
    %mul3A_151 = arith.constant 1.280000e+02 : f32
    %mul3A_152 = vector.broadcast %mul3A_151 : f32 to vector<1x8xf32>
    %mul3A_153 = arith.mulf %floor3A, %mul3A_152 : vector<1x8xf32>
    %iota3A_154 = tpu.iota {dimensions = array<i32: 0>} : vector<8x8xi32>
    %iota3A_155 = tpu.iota {dimensions = array<i32: 1>} : vector<8x8xi32>
    %lt3A_156 = arith.cmpi slt, %iota3A_154, %iota3A_155 : vector<8x8xi32>
    %convert_element_type3A_157 = arith.extui %lt3A_156 : vector<8x8xi1> to vector<8x8xi32>
    %convert_element_type3A_158 = arith.sitofp %convert_element_type3A_157 : vector<8x8xi32> to vector<8x8xf32>
    %dot_general3A_159 = arith.constant dense<0.000000e+00> : vector<1x8xf32>
    %dot_general3A_160 = tpu.matmul %mul3A_153, %convert_element_type3A_158, %dot_general3A_159 {dimension_numbers = #tpu.dot_dimension_numbers<[1], [0], [0], [1], [0, 0, 1, 1], [], []>, transpose_lhs_hint = false} : vector<1x8xf32>, vector<8x8xf32>, vector<1x8xf32> -> vector<1x8xf32>
    %iota3A_161 = tpu.iota {dimensions = array<i32: 0>} : vector<512x512xi32>
    %iota3A_162 = tpu.iota {dimensions = array<i32: 1>} : vector<512x512xi32>
    %gt3A = arith.cmpi sgt, %iota3A_161, %iota3A_162 : vector<512x512xi32>
    %convert_element_type3A_163 = arith.extui %gt3A : vector<512x512xi1> to vector<512x512xi32>
    %convert_element_type3A_164 = arith.sitofp %convert_element_type3A_163 : vector<512x512xi32> to vector<512x512xf32>
    %concatenate3A = tpu.concatenate %convert_element_type3A_66, %convert_element_type3A_68 in 1 : vector<4096x8xf32>, vector<4096x8xf32> -> vector<4096x16xf32>
    %swap3A_165 = arith.constant 0 : index
    %swap3A_166 = arith.constant 0 : index
    %swap3A_167 = vector.load %arg12[%swap3A_165, %swap3A_166] : memref<4096x16xf32, #tpu.memory_space<vmem>>, vector<4096x16xf32>
    tpu.vector_store %arg12[%swap3A_165, %swap3A_166], %concatenate3A {strides = array<i32>} : memref<4096x16xf32, #tpu.memory_space<vmem>>, vector<4096x16xf32>,
    %broadcast_in_dim3A_168 = arith.constant 0.000000e+00 : f32
    %broadcast_in_dim3A_169 = vector.broadcast %broadcast_in_dim3A_168 : f32 to vector<1x16xf32>
    %scan3A = arith.constant 0 : i32
    %scan3A_170 = arith.constant 8 : i32
    %scan3A_171 = arith.addi %scan3A, %scan3A_170 : i32
    %scan3A_172 = arith.constant 1 : i32
    %scan3A_173 = scf.for %scan3A_226 = %scan3A to %scan3A_171 step %scan3A_172 iter_args(%scan3A_227 = %broadcast_in_dim3A_169) -> (vector<1x16xf32>)  : i32 {
      %mul3A_228 = arith.constant 512 : i32
      %mul3A_229 = arith.muli %scan3A_226, %mul3A_228 : i32
      %get3A_230 = arith.index_cast %mul3A_229 : i32 to index
      %get3A_231 = arith.constant 0 : index
      %get3A_232 = vector.load %arg12[%get3A_230, %get3A_231] : memref<4096x16xf32, #tpu.memory_space<vmem>>, vector<512x16xf32>
      %dot_general3A_233 = arith.constant dense<0.000000e+00> : vector<512x16xf32>
      %dot_general3A_234 = tpu.matmul %convert_element_type3A_164, %get3A_232, %dot_general3A_233 {dimension_numbers = #tpu.dot_dimension_numbers<[1], [0], [0], [1], [0, 0, 1, 1], [], []>, transpose_lhs_hint = false} : vector<512x512xf32>, vector<512x16xf32>, vector<512x16xf32> -> vector<512x16xf32>
      %add3A_235 = vector.broadcast %scan3A_227 : vector<1x16xf32> to vector<512x16xf32>
      %add3A_236 = arith.addf %dot_general3A_234, %add3A_235 : vector<512x16xf32>
      %mul3A_237 = arith.constant 512 : i32
      %mul3A_238 = arith.muli %scan3A_226, %mul3A_237 : i32
      %swap3A_239 = arith.index_cast %mul3A_238 : i32 to index
      %swap3A_240 = arith.constant 0 : index
      %swap3A_241 = vector.load %arg13[%swap3A_239, %swap3A_240] : memref<4096x16xf32, #tpu.memory_space<vmem>>, vector<512x16xf32>
      tpu.vector_store %arg13[%swap3A_239, %swap3A_240], %add3A_236 {strides = array<i32>} : memref<4096x16xf32, #tpu.memory_space<vmem>>, vector<512x16xf32>,
      %reduce_sum3A_242 = arith.constant dense<0.000000e+00> : vector<16xf32>
      %reduce_sum3A_243 = vector.multi_reduction <add>, %get3A_232, %reduce_sum3A_242 [0] : vector<512x16xf32> to vector<16xf32>
      %broadcast_in_dim3A_244 = vector.shape_cast %reduce_sum3A_243 : vector<16xf32> to vector<1x16xf32>
      %add3A_245 = arith.addf %scan3A_227, %broadcast_in_dim3A_244 : vector<1x16xf32>
      scf.yield %add3A_245 : vector<1x16xf32>
    }
    %scan3A_174 = arith.constant 8 : i32
    %get3A_175 = arith.constant 0 : index
    %get3A_176 = arith.constant 0 : index
    %get3A_177 = vector.load %arg13[%get3A_175, %get3A_176] : memref<4096x16xf32, #tpu.memory_space<vmem>>, vector<4096x16xf32>
    %slice3A = vector.extract_strided_slice %get3A_177 {offsets = [0, 0], sizes = [4096, 8], strides = [1, 1]} : vector<4096x16xf32> to vector<4096x8xf32>
    %add3A_178 = vector.broadcast %dot_general3A_160 : vector<1x8xf32> to vector<4096x8xf32>
    %add3A_179 = arith.addf %add3A_178, %slice3A : vector<4096x8xf32>
    %mul3A_180 = arith.mulf %convert_element_type3A_66, %add3A_179 : vector<4096x8xf32>
    %reduce_sum3A_181 = arith.constant dense<0.000000e+00> : vector<4096xf32>
    %reduce_sum3A_182 = vector.multi_reduction <add>, %mul3A_180, %reduce_sum3A_181 [1] : vector<4096x8xf32> to vector<4096xf32>
    %broadcast_in_dim3A_183 = vector.shape_cast %reduce_sum3A_182 : vector<4096xf32> to vector<4096x1xf32>
    %convert_element_type3A_184 = arith.fptosi %broadcast_in_dim3A_183 : vector<4096x1xf32> to vector<4096x1xi32>
    %swap3A_185 = arith.constant 0 : index
    %swap3A_186 = arith.constant 0 : index
    %swap3A_187 = vector.load %arg5[%swap3A_185, %swap3A_186] : memref<4096x1xi32, #tpu.memory_space<vmem>>, vector<4096x1xi32>
    tpu.vector_store %arg5[%swap3A_185, %swap3A_186], %convert_element_type3A_184 {strides = array<i32>} : memref<4096x1xi32, #tpu.memory_space<vmem>>, vector<4096x1xi32>,
    %add3A_188 = arith.addf %dot_general3A_160, %broadcast_in_dim3A_71 : vector<1x8xf32>
    %slice3A_189 = vector.extract_strided_slice %get3A_177 {offsets = [0, 8], sizes = [4096, 8], strides = [1, 1]} : vector<4096x16xf32> to vector<4096x8xf32>
    %add3A_190 = vector.broadcast %add3A_188 : vector<1x8xf32> to vector<4096x8xf32>
    %add3A_191 = arith.addf %add3A_190, %slice3A_189 : vector<4096x8xf32>
    %mul3A_192 = arith.mulf %convert_element_type3A_68, %add3A_191 : vector<4096x8xf32>
    %reduce_sum3A_193 = arith.constant dense<0.000000e+00> : vector<4096xf32>
    %reduce_sum3A_194 = vector.multi_reduction <add>, %mul3A_192, %reduce_sum3A_193 [1] : vector<4096x8xf32> to vector<4096xf32>
    %broadcast_in_dim3A_195 = vector.shape_cast %reduce_sum3A_194 : vector<4096xf32> to vector<4096x1xf32>
    %convert_element_type3A_196 = arith.fptosi %broadcast_in_dim3A_195 : vector<4096x1xf32> to vector<4096x1xi32>
    %swap3A_197 = arith.constant 0 : index
    %swap3A_198 = arith.constant 0 : index
    %swap3A_199 = vector.load %arg6[%swap3A_197, %swap3A_198] : memref<4096x1xi32, #tpu.memory_space<vmem>>, vector<4096x1xi32>
    tpu.vector_store %arg6[%swap3A_197, %swap3A_198], %convert_element_type3A_196 {strides = array<i32>} : memref<4096x1xi32, #tpu.memory_space<vmem>>, vector<4096x1xi32>,
    %add3A_200 = arith.addf %dot_general3A_160, %mul3A_153 : vector<1x8xf32>
    %iota3A_201 = tpu.iota {dimensions = array<i32: 0>} : vector<72x8xi32>
    %mul3A_202 = arith.constant 128 : i32
    %mul3A_203 = vector.broadcast %mul3A_202 : i32 to vector<72x8xi32>
    %mul3A_204 = arith.muli %iota3A_201, %mul3A_203 : vector<72x8xi32>
    %convert_element_type3A_205 = arith.sitofp %mul3A_204 : vector<72x8xi32> to vector<72x8xf32>
    %ge3A = vector.broadcast %add3A_200 : vector<1x8xf32> to vector<72x8xf32>
    %ge3A_206 = arith.cmpf oge, %convert_element_type3A_205, %ge3A : vector<72x8xf32>
    %convert_element_type3A_207 = arith.extui %ge3A_206 : vector<72x8xi1> to vector<72x8xi32>
    %reduce_sum3A_208 = arith.constant dense<0> : vector<72xi32>
    %reduce_sum3A_209 = vector.multi_reduction <add>, %convert_element_type3A_207, %reduce_sum3A_208 [1] : vector<72x8xi32> to vector<72xi32>
    %broadcast_in_dim3A_210 = vector.shape_cast %reduce_sum3A_209 : vector<72xi32> to vector<72x1xi32>
    %min3A = arith.constant 7 : i32
    %min3A_211 = vector.broadcast %min3A : i32 to vector<72x1xi32>
    %min3A_212 = arith.minsi %broadcast_in_dim3A_210, %min3A_211 : vector<72x1xi32>
    %swap3A_213 = arith.constant 0 : index
    %swap3A_214 = arith.constant 0 : index
    %swap3A_215 = vector.load %arg9[%swap3A_213, %swap3A_214] : memref<72x1xi32, #tpu.memory_space<vmem>>, vector<72x1xi32>
    tpu.vector_store %arg9[%swap3A_213, %swap3A_214], %min3A_212 {strides = array<i32>} : memref<72x1xi32, #tpu.memory_space<vmem>>, vector<72x1xi32>,
    %reduce_max3A_216 = arith.constant dense<0xFF800000> : vector<1xf32>
    %reduce_max3A_217 = vector.multi_reduction <maximumf>, %add3A_200, %reduce_max3A_216 [1] : vector<1x8xf32> to vector<1xf32>
    %broadcast_in_dim3A_218 = vector.shape_cast %reduce_max3A_217 : vector<1xf32> to vector<1x1xf32>
    %slice3A_219 = vector.extract_strided_slice %convert_element_type3A_205 {offsets = [0, 0], sizes = [72, 1], strides = [1, 1]} : vector<72x8xf32> to vector<72x1xf32>
    %lt3A_220 = vector.broadcast %broadcast_in_dim3A_218 : vector<1x1xf32> to vector<72x1xf32>
    %lt3A_221 = arith.cmpf olt, %slice3A_219, %lt3A_220 : vector<72x1xf32>
    %convert_element_type3A_222 = arith.extui %lt3A_221 : vector<72x1xi1> to vector<72x1xi32>
    %swap3A_223 = arith.constant 0 : index
    %swap3A_224 = arith.constant 0 : index
    %swap3A_225 = vector.load %arg10[%swap3A_223, %swap3A_224] : memref<72x1xi32, #tpu.memory_space<vmem>>, vector<72x1xi32>
    tpu.vector_store %arg10[%swap3A_223, %swap3A_224], %convert_element_type3A_222 {strides = array<i32>} : memref<72x1xi32, #tpu.memory_space<vmem>>, vector<72x1xi32>,
    return
  }
}

module attributes {stable_mosaic.version = 14 : i64} {
  func.func @_gmm_body(%arg0: i32, %arg1: i32, %arg2: memref<72xi32, #tpu.memory_space<smem>>, %arg3: memref<72xi32, #tpu.memory_space<smem>>, %arg4: memref<128x768xf32, #tpu.memory_space<vmem>>, %arg5: memref<1x1536x768xf32, #tpu.memory_space<vmem>>, %arg6: memref<1x1536x768xf32, #tpu.memory_space<vmem>>, %arg7: memref<1x768x1536xf32, #tpu.memory_space<vmem>>, %arg8: memref<128x1xf32, #tpu.memory_space<vmem>>, %arg9: memref<128x768xf32, #tpu.memory_space<vmem>>, %arg10: memref<128x768xf32, #tpu.memory_space<vmem>>) attributes {dimension_semantics = [#tpu.dimension_semantics<arbitrary>, #tpu.dimension_semantics<arbitrary>], iteration_bounds = array<i64: 72, 2>, scalar_prefetch = 2 : i64, scratch_operands = 1 : i64, tpu.core_type = #tpu.core_type<tc>, window_params = [{transform_indices = @transform_0, window_bounds = array<i64: 128, 768>}, {transform_indices = @transform_1, window_bounds = array<i64: 1, 1536, 768>}, {transform_indices = @transform_2, window_bounds = array<i64: 1, 1536, 768>}, {transform_indices = @transform_3, window_bounds = array<i64: 1, 768, 1536>}, {transform_indices = @transform_4, window_bounds = array<i64: 128, 1>}, {transform_indices = @transform_5, window_bounds = array<i64: 128, 768>}]} {
    %get3A = arith.index_cast %arg0 : i32 to index
    %get3A_0 = memref.load %arg3[%get3A] : memref<72xi32, #tpu.memory_space<smem>>
    %ne3A = arith.constant 0 : i32
    %ne3A_1 = arith.cmpi ne, %get3A_0, %ne3A : i32
    %convert_element_type3A = arith.extui %ne3A_1 : i1 to i32
    %cond3A = arith.constant 0 : i32
    %cond3A_2 = arith.cmpi ne, %convert_element_type3A, %cond3A : i32
    scf.if %cond3A_2 {
      %get3A_3 = arith.constant 0 : index
      %get3A_4 = arith.constant 0 : index
      %get3A_5 = vector.load %arg4[%get3A_3, %get3A_4] : memref<128x768xf32, #tpu.memory_space<vmem>>, vector<128x768xf32>
      %get3A_6 = arith.constant 0 : index
      %get3A_7 = arith.constant 0 : index
      %get3A_8 = arith.constant 0 : index
      %get3A_9 = vector.load %arg5[%get3A_6, %get3A_7, %get3A_8] : memref<1x1536x768xf32, #tpu.memory_space<vmem>>, vector<1x1536x768xf32>
      %get3A_10 = vector.shape_cast %get3A_9 : vector<1x1536x768xf32> to vector<1536x768xf32>
      %dot_general3A = arith.constant dense<0.000000e+00> : vector<128x1536xf32>
      %dot_general3A_11 = tpu.matmul %get3A_5, %get3A_10, %dot_general3A {dimension_numbers = #tpu.dot_dimension_numbers<[1], [1], [0], [0], [0, 0, 1, 0], [], []>, transpose_lhs_hint = false} : vector<128x768xf32>, vector<1536x768xf32>, vector<128x1536xf32> -> vector<128x1536xf32>
      %get3A_12 = arith.constant 0 : index
      %get3A_13 = arith.constant 0 : index
      %get3A_14 = arith.constant 0 : index
      %get3A_15 = vector.load %arg6[%get3A_12, %get3A_13, %get3A_14] : memref<1x1536x768xf32, #tpu.memory_space<vmem>>, vector<1x1536x768xf32>
      %get3A_16 = vector.shape_cast %get3A_15 : vector<1x1536x768xf32> to vector<1536x768xf32>
      %dot_general3A_17 = arith.constant dense<0.000000e+00> : vector<128x1536xf32>
      %dot_general3A_18 = tpu.matmul %get3A_5, %get3A_16, %dot_general3A_17 {dimension_numbers = #tpu.dot_dimension_numbers<[1], [1], [0], [0], [0, 0, 1, 0], [], []>, transpose_lhs_hint = false} : vector<128x768xf32>, vector<1536x768xf32>, vector<128x1536xf32> -> vector<128x1536xf32>
      %neg3A = arith.constant 0.000000e+00 : f32
      %neg3A_19 = vector.broadcast %neg3A : f32 to vector<128x1536xf32>
      %neg3A_20 = arith.subf %neg3A_19, %dot_general3A_18 : vector<128x1536xf32>
      %exp3A = math.exp %neg3A_20 : vector<128x1536xf32>
      %add3A = arith.constant 1.000000e+00 : f32
      %add3A_21 = vector.broadcast %add3A : f32 to vector<128x1536xf32>
      %add3A_22 = arith.addf %add3A_21, %exp3A : vector<128x1536xf32>
      %div3A = arith.divf %dot_general3A_18, %add3A_22 : vector<128x1536xf32>
      %mul3A = arith.mulf %dot_general3A_11, %div3A : vector<128x1536xf32>
      %get3A_23 = arith.constant 0 : index
      %get3A_24 = arith.constant 0 : index
      %get3A_25 = arith.constant 0 : index
      %get3A_26 = vector.load %arg7[%get3A_23, %get3A_24, %get3A_25] : memref<1x768x1536xf32, #tpu.memory_space<vmem>>, vector<1x768x1536xf32>
      %get3A_27 = vector.shape_cast %get3A_26 : vector<1x768x1536xf32> to vector<768x1536xf32>
      %dot_general3A_28 = arith.constant dense<0.000000e+00> : vector<128x768xf32>
      %dot_general3A_29 = tpu.matmul %mul3A, %get3A_27, %dot_general3A_28 {dimension_numbers = #tpu.dot_dimension_numbers<[1], [1], [0], [0], [0, 0, 1, 0], [], []>, transpose_lhs_hint = false} : vector<128x1536xf32>, vector<768x1536xf32>, vector<128x768xf32> -> vector<128x768xf32>
      %eq3A = arith.constant 0 : i32
      %eq3A_30 = arith.cmpi eq, %arg1, %eq3A : i32
      %convert_element_type3A_31 = arith.extui %eq3A_30 : i1 to i32
      %cond3A_32 = arith.constant 0 : i32
      %cond3A_33 = arith.cmpi ne, %convert_element_type3A_31, %cond3A_32 : i32
      scf.if %cond3A_33 {
        %swap3A = arith.constant 0 : index
        %swap3A_39 = arith.constant 0 : index
        %swap3A_40 = vector.load %arg10[%swap3A, %swap3A_39] : memref<128x768xf32, #tpu.memory_space<vmem>>, vector<128x768xf32>
        tpu.vector_store %arg10[%swap3A, %swap3A_39], %dot_general3A_29 {strides = array<i32>} : memref<128x768xf32, #tpu.memory_space<vmem>>, vector<128x768xf32>,
      } else {
      }
      %eq3A_34 = arith.constant 1 : i32
      %eq3A_35 = arith.cmpi eq, %arg1, %eq3A_34 : i32
      %convert_element_type3A_36 = arith.extui %eq3A_35 : i1 to i32
      %cond3A_37 = arith.constant 0 : i32
      %cond3A_38 = arith.cmpi ne, %convert_element_type3A_36, %cond3A_37 : i32
      scf.if %cond3A_38 {
        %get3A_39 = arith.constant 0 : index
        %get3A_40 = arith.constant 0 : index
        %get3A_41 = vector.load %arg10[%get3A_39, %get3A_40] : memref<128x768xf32, #tpu.memory_space<vmem>>, vector<128x768xf32>
        %add3A_42 = arith.addf %get3A_41, %dot_general3A_29 : vector<128x768xf32>
        %get3A_43 = arith.constant 0 : index
        %get3A_44 = arith.constant 0 : index
        %get3A_45 = vector.load %arg8[%get3A_43, %get3A_44] : memref<128x1xf32, #tpu.memory_space<vmem>>, vector<128x1xf32>
        %mul3A_46 = vector.broadcast %get3A_45 : vector<128x1xf32> to vector<128x768xf32>
        %mul3A_47 = arith.mulf %add3A_42, %mul3A_46 : vector<128x768xf32>
        %swap3A = arith.constant 0 : index
        %swap3A_48 = arith.constant 0 : index
        %swap3A_49 = vector.load %arg9[%swap3A, %swap3A_48] : memref<128x768xf32, #tpu.memory_space<vmem>>, vector<128x768xf32>
        tpu.vector_store %arg9[%swap3A, %swap3A_48], %mul3A_47 {strides = array<i32>} : memref<128x768xf32, #tpu.memory_space<vmem>>, vector<128x768xf32>,
      } else {
      }
    } else {
    }
    return
  }
  func.func @transform_0(%arg0: i32, %arg1: i32, %arg2: memref<72xi32, #tpu.memory_space<smem>>, %arg3: memref<72xi32, #tpu.memory_space<smem>>) -> (i32, i32) {
    %c0_i32 = arith.constant 0 : i32
    %c0_i32_0 = arith.constant 0 : i32
    return %arg0, %c0_i32 : i32, i32
  }
  func.func @transform_1(%arg0: i32, %arg1: i32, %arg2: memref<72xi32, #tpu.memory_space<smem>>, %arg3: memref<72xi32, #tpu.memory_space<smem>>) -> (i32, i32, i32) {
    %get3A = arith.index_cast %arg0 : i32 to index
    %get3A_0 = memref.load %arg2[%get3A] : memref<72xi32, #tpu.memory_space<smem>>
    %c0_i32 = arith.constant 0 : i32
    %c0_i32_1 = arith.constant 0 : i32
    return %get3A_0, %arg1, %c0_i32 : i32, i32, i32
  }
  func.func @transform_2(%arg0: i32, %arg1: i32, %arg2: memref<72xi32, #tpu.memory_space<smem>>, %arg3: memref<72xi32, #tpu.memory_space<smem>>) -> (i32, i32, i32) {
    %get3A = arith.index_cast %arg0 : i32 to index
    %get3A_0 = memref.load %arg2[%get3A] : memref<72xi32, #tpu.memory_space<smem>>
    %add3A = arith.constant 2 : i32
    %add3A_1 = arith.addi %add3A, %arg1 : i32
    %c0_i32 = arith.constant 0 : i32
    %c0_i32_2 = arith.constant 0 : i32
    return %get3A_0, %add3A_1, %c0_i32 : i32, i32, i32
  }
  func.func @transform_3(%arg0: i32, %arg1: i32, %arg2: memref<72xi32, #tpu.memory_space<smem>>, %arg3: memref<72xi32, #tpu.memory_space<smem>>) -> (i32, i32, i32) {
    %get3A = arith.index_cast %arg0 : i32 to index
    %get3A_0 = memref.load %arg2[%get3A] : memref<72xi32, #tpu.memory_space<smem>>
    %c0_i32 = arith.constant 0 : i32
    %c0_i32_1 = arith.constant 0 : i32
    return %get3A_0, %c0_i32, %arg1 : i32, i32, i32
  }
  func.func @transform_4(%arg0: i32, %arg1: i32, %arg2: memref<72xi32, #tpu.memory_space<smem>>, %arg3: memref<72xi32, #tpu.memory_space<smem>>) -> (i32, i32) {
    %c0_i32 = arith.constant 0 : i32
    %c0_i32_0 = arith.constant 0 : i32
    return %arg0, %c0_i32 : i32, i32
  }
  func.func @transform_5(%arg0: i32, %arg1: i32, %arg2: memref<72xi32, #tpu.memory_space<smem>>, %arg3: memref<72xi32, #tpu.memory_space<smem>>) -> (i32, i32) {
    %c0_i32 = arith.constant 0 : i32
    %c0_i32_0 = arith.constant 0 : i32
    return %arg0, %c0_i32 : i32, i32
  }
}

</mosaic_0001>

<sc_bundles>
// kernel: kernel.6.cloned.1.call-start
scs
__scs_entry_jumppad:
0x0: {  	(pc) =	sbr.rel $0x88, $3  }
0x1: {  	(tag) =	ssettag $0x0;
	lr =	simm.s32 $0x1  }
0x2: {  	[smem:$0x3F9B] =	sst lr;
	_ =	strace $0xD0000000  }
0x3: {  	_ = 	snop  }
0x4: {  	_ = 	snop  }
0x5: {  	_ = 	snop  }
0x6: {  	_ = 	snop  }
0x7: {  	_ = 	snop  }
__scs_overlays_trampoline_lowered:
0x8: {  	[smem:$0x3FAA] =	sst s0  }
0x9: {  	[smem:$0x3FAB] =	sst s1  }
0xa: {  	[smem:$0x3FAC] =	sst s2  }
0xb: {  	[smem:$0x3FAD] =	sst s3  }
0xc: {  	[smem:$0x3FAE] =	sst s4  }
0xd: {  	[smem:$0x3FAF] =	sst s5  }
0xe: {  	[smem:$0x3FB0] =	sst s6  }
0xf: {  	[smem:$0x3FB1] =	sst s7  }
0x10: {  	[smem:$0x3FB2] =	sst s8  }
0x11: {  	[smem:$0x3FB3] =	sst s9;
	s0 =	simm.s32 @!p0 $0x0  }
0x12: {  	s1 =	sld [smem:$0x3F99];
	s0 =	simm.s32 @p0 $0x1  }
0x13: {  	[smem:$0x3FB4] =	sst s0;
	s0 =	simm.s32 @!p1 $0x0  }
0x14: {  	s2 =	sld [smem:$0x3F98];
	s0 =	simm.s32 @p1 $0x1  }
0x15: {  	[smem:$0x3FB5] =	sst s0;
	s0 =	simm.s32 @!p2 $0x0  }
0x16: {  	s3 =	sld [smem:$0x3FDB];
	s0 =	simm.s32 @p2 $0x1  }
0x17: {  	s4 =	simm.s32 $0x1BF5;
	[smem:$0x3FB7] =	sst s0  }
0x18: {  	s0 =	sld [smem:$0x3F9A];
	_ =	swait.ge [sflag:s4], $0x0  }
0x19: {  	s7 =	sld [smem:$0x3F9B]  }
0x1a: {  	s8 =	sadd.s32 $0xFFFFE003, lr  }
0x1b: {  	s9 =	sadd.s32 $0xFFFFFEF7, lr;
	s5 =	simm.s32 $0xFFFFFFFF;
	p2 =	slt.u32 s8, $0xFFFFF086  }
0x1c: {  	p1 =	slt.u32 s9, $0xF7A;
	s5 =	simm.s32 @!p2 $0x0  }
0x1d: {  	s5 =	simm.s32 @p1 $0x1;
	p0 =	seq.s32 s7, s2  }
0x1e: {  	s7 =	smul.u32 @!p0 $0xF7A, s2;
	p2 =	seq.s32 @!p0 s5, $0x0  }
0x1f: {  	s9 =	smul.u32 $0xF7A, s1;
	s8 =	simm.s32 @!p0 $0x1BF5;
	p2 =	por !p2, p0  }
0x20: {  	[sflag:s8] =	ssyncset.s32 @!p0 $0xFFFFF086;
	s6 =	sadd.s32 @!p0 s3, s7;
	s7 =	simm.s32 @!p0 $0x108  }
0x21: {  	s3 =	sadd.s32 s3, s9;
	s6 =	sadd.s32 @!p0 $0x88, s6;
	s7 =	simm.s32 @p2 $0x1082  }
0x22: {  	[simem:s7], [sflag:s8] =	dma.local @!p0 [hbm:s6], $0xF7A  }
0x23: {  	s9 =	sor.u32 $0xD0000000, s2;
	s6 =	simm.s32 $0x108;
	_ =	swait.ge @!p0 [sflag:s8], $0x0  }
0x24: {  	s3 =	sadd.s32 $0x88, s3;
	s6 =	simm.s32 @!p1 $0x1082;
	[sflag:s4] =	ssyncset.s32 $0xFFFFF086  }
0x25: {  	[simem:s6], [sflag:s4] =	dma.local [hbm:s3], $0xF7A  }
0x26: {  	[smem:$0x3F9B] =	sst s1;
	(tag) =	ssettag s2;
	_ =	strace s9  }
0x27: {  	s1 =	sld [smem:$0x3FAB]  }
0x28: {  	s2 =	sld [smem:$0x3FAC]  }
0x29: {  	s4 =	sld [smem:$0x3FAE]  }
0x2a: {  	p0 =	seq.s32 s5, $0x0;
	s5 =	sld [smem:$0x3FAF]  }
0x2b: {  	s6 =	sld [smem:$0x3FB0]  }
0x2c: {  	s7 =	sld [smem:$0x3FB1]  }
0x2d: {  	s3 =	simm.s32 $0x108;
	s8 =	sld [smem:$0x3FB2]  }
0x2e: {  	s3 =	simm.s32 @!p0 $0x1082;
	s9 =	sld [smem:$0x3FB3]  }
0x2f: {  	lr =	sadd.s32 s0, s3;
	s0 =	sld [smem:$0x3FAA]  }
0x30: {  	s3 =	sld [smem:$0x3FAD]  }
0x31: {  	[smem:$0x3FB6] =	sst s10  }
0x32: {  	s10 =	sld [smem:$0x3FB4];
	_ =	sdelay $0x3  }
0x33: {  	p0 =	seq.s32 s10, $0x1;
	s10 =	sld [smem:$0x3FB6];
	_ =	sdelay $0x3  }
0x34: {  	[smem:$0x3FB6] =	sst s10  }
0x35: {  	s10 =	sld [smem:$0x3FB5];
	_ =	sdelay $0x3  }
0x36: {  	p1 =	seq.s32 s10, $0x1;
	s10 =	sld [smem:$0x3FB6];
	_ =	sdelay $0x3  }
0x37: {  	[smem:$0x3FB6] =	sst s10  }
0x38: {  	s10 =	sld [smem:$0x3FB7]  }
0x39: {  	_ = 	snop;
	(pc) =	sbr.ind lr, $3  }
0x3a: {  	_ = 	snop  }
0x3b: {  	_ = 	snop  }
0x3c: {  	p2 =	seq.s32 s10, $0x1;
	s10 =	sld [smem:$0x3FB6]  }
0x3d: {  	_ =	shalt  }
0x3e: {  	_ =	shalt  }
0x3f: {  	_ =	shalt  }
0x40: {  	_ =	shalt  }
0x41: {  	_ =	shalt  }
0x42: {  	_ =	shalt  }
0x43: {  	_ =	shalt  }
0x44: {  	_ =	shalt  }
0x45: {  	_ =	shalt  }
0x46: {  	_ =	shalt  }
0x47: {  	_ =	shalt  }
0x48: {  	_ =	shalt  }
0x49: {  	_ =	shalt  }
0x4a: {  	_ =	shalt  }
0x4b: {  	_ =	shalt  }
0x4c: {  	_ =	shalt  }
0x4d: {  	_ =	shalt  }
0x4e: {  	_ =	shalt  }
0x4f: {  	_ =	shalt  }
0x50: {  	_ =	shalt  }
0x51: {  	_ =	shalt  }
0x52: {  	_ =	shalt  }
0x53: {  	_ =	shalt  }
0x54: {  	_ =	shalt  }
0x55: {  	_ =	shalt  }
0x56: {  	_ =	shalt  }
0x57: {  	_ =	shalt  }
0x58: {  	_ =	shalt  }
0x59: {  	_ =	shalt  }
0x5a: {  	_ =	shalt  }
0x5b: {  	_ =	shalt  }
0x5c: {  	_ =	shalt  }
0x5d: {  	_ =	shalt  }
0x5e: {  	_ =	shalt  }
0x5f: {  	_ =	shalt  }
0x60: {  	_ =	shalt  }
0x61: {  	_ =	shalt  }
0x62: {  	_ =	shalt  }
0x63: {  	_ =	shalt  }
0x64: {  	_ =	shalt  }
0x65: {  	_ =	shalt  }
0x66: {  	_ =	shalt  }
0x67: {  	_ =	shalt  }
0x68: {  	_ =	shalt  }
0x69: {  	_ =	shalt  }
0x6a: {  	_ =	shalt  }
0x6b: {  	_ =	shalt  }
0x6c: {  	_ =	shalt  }
0x6d: {  	_ =	shalt  }
0x6e: {  	_ =	shalt  }
0x6f: {  	_ =	shalt  }
0x70: {  	_ =	shalt  }
0x71: {  	_ =	shalt  }
0x72: {  	_ =	shalt  }
0x73: {  	_ =	shalt  }
0x74: {  	_ =	shalt  }
0x75: {  	_ =	shalt  }
0x76: {  	_ =	shalt  }
0x77: {  	_ =	shalt  }
0x78: {  	_ =	shalt  }
0x79: {  	_ =	shalt  }
0x7a: {  	_ =	shalt  }
0x7b: {  	_ =	shalt  }
0x7c: {  	_ =	shalt  }
0x7d: {  	_ =	shalt  }
0x7e: {  	_ =	shalt  }
0x7f: {  	_ =	shalt  }
0x80: {  	_ =	shalt  }
0x81: {  	_ =	shalt  }
0x82: {  	_ =	shalt  }
0x83: {  	_ =	shalt  }
0x84: {  	_ =	shalt  }
0x85: {  	_ =	shalt  }
0x86: {  	_ =	shalt  }
0x87: {  	_ =	shalt  }
.Lfunc_end0:
.L_simem_size_0:
called_computation_lowered:
.L_overlay_start_0:
0x88: {  	s2 =	sld [smem:$0x3FD9]  }
0x89: {  	s3 =	sld [smem:$0x3FFE];
	_ =	sdelay $0x1  }
0x8a: {  	s1 =	srdreg.scid  }
0x8b: {  	s0 =	sand.u32 $0x1, s1  }
0x8c: {  	s14 =	sshll.u32 s0, $0xA;
	s2 =	sadd.s32 s3, s2  }
0x8d: {  	s2 =	sadd.s32 s2, s14  }
0x8e: {  	[smem:$0x3FC2] =	sst s2  }
0x8f: {  	_ = 	snop  }
0x90: {  	s2 =	sld [smem:$0x3FD0];
	_ =	sdelay $0x2  }
0x91: {  	s15 =	simm.s32 $0xA;
	s4 =	simm.s32 $0x10  }
0x92: {  	[smem:s4], [sflag:s15] =	dma.local [hbm:s2], $0x1  }
0x93: {  	_ =	swait.eq [sflag:s15], $0x1  }
0x94: {  	[sflag:s15] =	ssyncset.done $0x0  }
0x95: {  	[sflag:s15] =	ssyncadd.s32 $0xFFFFFFFF  }
0x96: {  	s16 =	sld [smem:$0x10];
	(tm) =	ssettm $0x1  }
0x97: {  	s17 =	sld [smem:$0x3FFB];
	_ =	sdelay $0x3  }
0x98: {  	_ =	strace s17  }
0x99: {  	s3 =	sld [smem:$0x3FFC];
	_ =	sdelay $0x3  }
0x9a: {  	_ =	strace s3  }
0x9b: {  	s3 =	sld [smem:$0x3FFD];
	_ =	sdelay $0x3  }
0x9c: {  	_ =	strace s3  }
0x9d: {  	_ =	strace $0x8FFFFFFF  }
0x9e: {  	s18 =	sld [smem:$0x3FDB];
	_ =	sdelay $0x1  }
0x9f: {  	s19 =	simm.s32 $_scs_section_size  }
0xa0: {  	s5 =	simm.s32 $_size__tile_overlayer_lowered;
	s6 =	simm.s32 $_tile_overlayer_lowered  }
0xa1: {  	s22 =	simm.s32 $0x1BFF;
	s21 =	sshll.u32 s6, $0x1;
	s3 =	sadd.s32 s19, s18  }
0xa2: {  	s7 =	simm.s32 $0x0;
	s20 =	sshll.u32 s5, $0x1;
	s5 =	sadd.s32 s21, s3  }
0xa3: {  	[timem:s7], [sflag:s22] =	dma.local [hbm:s5], s20  }
0xa4: {  	_ =	swait.ge [sflag:s22], s20  }
0xa5: {  	s4 =	ssub.s32 $0x0, s20;
	[sflag:s22] =	ssyncset.done $0x0  }
0xa6: {  	[sflag:s22] =	ssyncadd.s32 s4;
	_ =	sdelay $0x1  }
0xa7: {  	s23 =	simm.s32 $0x1B8B  }
0xa8: {  	_ =	swait.ge [sflag:s23], $0x1  }
0xa9: {  	[sflag:s23] =	ssyncset.done $0x0  }
0xaa: {  	s25 =	simm.s32 $0x1B8E;
	s24 =	sld [smem:$0x3FFE];
	[sflag:s23] =	ssyncadd.s32 $0xFFFFFFFF  }
0xab: {  	s26 =	simm.s32 $execute0_lowered;
	[smem:$0x3FD2] =	sst s25  }
0xac: {  	s5 =	sshll.u32 s26, $0x1;
	_ =	strace $0x80000046;
	[dreg:$0x1] =	wrdreg $0xFFFFFFFF  }
0xad: {  	s28 =	simm.s32 $_size_execute0_lowered;
	s3 =	sadd.s32 s3, s5;
	[dreg:$0x0] =	wrdreg $0x0  }
0xae: {  	s5 =	sshll.u32 s28, $0x1;
	[dreg:$0x2] =	wrdreg s3  }
0xaf: {  	[dreg:$0x3] =	wrdreg s5  }
0xb0: {  	[dreg:$0x4] =	wrdreg $0xC0  }
0xb1: {  	_ =	task [dreg:s7], $0x5FFFF  }
0xb2: {  	[dreg:$0x1] =	wrdreg $0xFFFFFFFF  }
0xb3: {  	[dreg:$0x0] =	wrdreg $0x60  }
0xb4: {  	[dreg:$0x2] =	wrdreg s16  }
0xb5: {  	[dreg:$0x3] =	wrdreg s24  }
0xb6: {  	[dreg:$0x4] =	wrdreg $0x9  }
0xb7: {  	_ =	task.clear_ibuf [dreg:s7], $0x5FFFF;
	_ =	strace $0x90000046  }
0xb8: {  	s29 =	simm.s32 $0x9;
	_ =	strace $0x80000048  }
0xb9: {  	_ =	swait.ge [sflag:s29], $0x1  }
0xba: {  	[sflag:s29] =	ssyncadd.s32 $0xFFFFFFFF  }
0xbb: {  	_ =	strace $0x90000048  }
0xbc: {  	_ =	sfence  }
0xbd: {  	s30 =	sld [smem:$0x0];
	_ =	sdelay $0x2  }
0xbe: {  	s31 =	sshll.u32 s1, $0xD;
	s1 =	sshrl.u32 s1, $0x2  }
0xbf: {  	s3 =	sand.u32 $0x4000, s31;
	s1 =	sadd.s32 s1, s30  }
0xc0: {  	s0 =	sor.u32 s3, s0;
	s1 =	sshll.u32 s1, $0x11  }
0xc1: {  	s0 =	sor.u32 s1, s0  }
0xc2: {  	s0 =	sadd.s32 $0x8F2B, s0  }
0xc3: {  	[sflag:s0] =	ssyncadd.remote.s32 $0x1  }
0xc4: {  	_ =	sfence.sel $0xFFFF  }
0xc5: {  	[dreg:$0x0] =	wrdreg $0xFFFFFFFF;
	(pc) =	sbr.abs _section_cstart, $3  }
0xc6: {  	[dreg:$0x1] =	wrdreg $0xFFFFFFFF  }
0xc7: {  	_ =	task.clear_ibuf [dreg:s7], $0x2FFFF;
	_ =	strace $0x9FFFFFFF  }
0xc8: {  	(tm) =	ssettm $0x7FFFFFFF  }
0xc9: {  	_ =	shalt  }
tec
execute0_lowered:
.L_overlay_start_1:
0x0: {  	(tag) =	ssettag $0x1  }
0x1: {  	s0 =	srdreg.scid;
	s1 =	rddreg [dreg:$0x0]  }
0x2: {  	s2 =	stileid.u32;
	s3 =	rddreg [dreg:$0x1]  }
0x3: {  	s10 =	simm.s32 $0x2;
	s15 =	simm.s32 $0x1;
	s21 =	simm.s32 $0x1000  }
0x4: {  	s22 =	simm.s32 $0x1800;
	s28 =	simm.s32 $0x4000;
	s29 =	simm.s32 $0x5000  }
0x5: {  	s30 =	simm.s32 $0x5800;
	s31 =	simm.s32 $0x6000;
	s9 =	simm.s32 $0x7800  }
0x6: {  	s11 =	simm.s32 $0x8000;
	s12 =	simm.s32 $0x8800;
	s13 =	simm.s32 $0x9000  }
0x7: {  	s14 =	simm.s32 $0x9800;
	s17 =	simm.s32 $0xA800;
	s18 =	simm.s32 $0xB000  }
0x8: {  	s19 =	simm.s32 $0xB800;
	s20 =	simm.s32 $0xC000;
	s0 =	sand.u32 $0x1, s0  }
0x9: {  	s4 =	sshll.u32 s2, $0x5;
	s2 =	simm.s32 $0x0;
	s26 =	sadd.s32 $0x800, s3  }
0xa: {  	s5 =	sshll.u32 s0, $0x4;
	[smem:$0x7FF] =	sst s2;
	s0 =	ssub.s32 $0x2, s0  }
0xb: {  	s5 =	sor.u32 s5, s4;
	_ =	strace $0x80000047;
	s4 =	sadd.s32 $0xE00, s3  }
0xc: {  	s25 =	sshrl.u32 s0, $0x1;
	[dreg:$0x8] =	wrdreg s26;
	s26 =	simm.s32 $0x3800  }
0xd: {  	s7 =	sadd.s32 s3, s5;
	s5 =	smul.u32 $0x300, s5;
	s0 =	ssub.s32 s0, s25  }
0xe: {  	s25 =	simm.s32 $0x3000;
	s6 =	sadd.s32 $0x200, s7;
	[dreg:$0x7] =	wrdreg s7  }
0xf: {  	s23 =	sadd.s32 $0x400, s7;
	s24 =	sadd.s32 $0x600, s7;
	[dreg:$0x3] =	wrdreg s6  }
0x10: {  	v2 =	vlaneseq.u32;
	s7 =	sadd.s32 $0x1000, s3;
	s8 =	smax.u32 s0, $0x1;
	[dreg:$0x4] =	wrdreg s23  }
0x11: {  	vm0 =	vmmov $0xffff;
	v1 =	vshrl.u32 v2, $0x3;
	[dreg:$0x5] =	wrdreg s24;
	s1 =	sadd.s32 s1, s5;
	s6 =	sadd.s32 $0xF00, s3  }
0x12: {  	v0 =	vand.u32 $0x7, v2;
	v2 =	vor.u32 $0x8, v2;
	v1 =	vmul.u32 $0x8, v1;
	s23 =	simm.s32 $0x2000;
	s24 =	simm.s32 $0x2800;
	[dreg:$0x6] =	wrdreg s1  }
.LBB2_1:
0x13: {  	s16 =	rddreg [dreg:$0x7];
	s0 =	simm.s32 $0x18000  }
0x14: {  	[tilespmem:s0], [sflag:$0x2] =	stream.linear.gather [hbm4b:s16+s2], $0x80, $0x38;
	[tilespmem:$0x18200] =	vst v63  }
0x15: {  	_ =	swait.ge [sflag:s10], $0x80  }
0x16: {  	[sflag:s10] =	ssyncset.done $0x0  }
0x17: {  	s1 =	simm.s32 $0x18080;
	s0 =	rddreg [dreg:$0x3];
	[sflag:s10] =	ssyncadd.s32 $0xFFFFFF80  }
0x18: {  	[tilespmem:s1], [sflag:$0x2] =	stream.linear.gather [hbm4b:s0+s2], $0x80, $0x38;
	[tilespmem:$0x18200] =	vst v63  }
0x19: {  	_ =	swait.ge [sflag:s10], $0x80  }
0x1a: {  	[sflag:s10] =	ssyncset.done $0x0  }
0x1b: {  	s5 =	simm.s32 $0x18100;
	s3 =	rddreg [dreg:$0x4];
	[sflag:s10] =	ssyncadd.s32 $0xFFFFFF80  }
0x1c: {  	[tilespmem:s5], [sflag:$0x2] =	stream.linear.gather [hbm4b:s3+s2], $0x80, $0x38;
	[tilespmem:$0x18200] =	vst v63  }
0x1d: {  	_ =	swait.ge [sflag:s10], $0x80  }
0x1e: {  	[sflag:s10] =	ssyncset.done $0x0  }
0x1f: {  	s1 =	simm.s32 $0x18180;
	s0 =	rddreg [dreg:$0x5];
	[sflag:s10] =	ssyncadd.s32 $0xFFFFFF80  }
0x20: {  	[tilespmem:s1], [sflag:$0x2] =	stream.linear.gather [hbm4b:s0+s2], $0x80, $0x38;
	[tilespmem:$0x18200] =	vst v63  }
0x21: {  	_ =	swait.ge [sflag:s10], $0x80  }
0x22: {  	[sflag:s10] =	ssyncset.done $0x0  }
0x23: {  	s3 =	rddreg [dreg:$0x6];
	[sflag:s10] =	ssyncadd.s32 $0xFFFFFF80  }
0x24: {  	[tilespmem:s2], [sflag:$0x2] =	stream.linear.gather [hbm4b:s3+s2], $0x18000, $0x38;
	[tilespmem:$0x18200] =	vst v63  }
0x25: {  	_ =	swait.ge [sflag:s10], $0x18000  }
0x26: {  	[sflag:s10] =	ssyncset.done $0x0  }
0x27: {  	[sflag:s10] =	ssyncadd.s32 $0xFFFE8000  }
0x28: {  	v3 =	vld [tilespmem:$0x18000];
	_ =	sdelay $0x4  }
0x29: {  	v4 =	vshrl.u32 v3, $0x3  }
0x2a: {  	v4 =	vmul.u32 $0x30, v4  }
0x2b: {  	v3 =	vand.u32 $0x7, v3  }
0x2c: {  	v3 =	vor.u32 v3, v4  }
0x2d: {  	v4 =	vperm.xlane v3, v0;
	_ =	sdelay $0x1  }
0x2e: {  	v4 =	vadd.s32 v1, v4;
	_ =	sdelay $0x3  }
0x2f: {  	v3 =	vperm.xlane v3, v2  }
0x30: {  	[hbm4b:s4+s2] =	stream.indirect_vreg.scatter [tilespmem:s2], [sflag:$0x1], $0x80, v4, vm0, $0xb8;
	[tilespmem:$0x18200] =	vst v63  }
0x31: {  	s16 =	simm.s32 $0x800;
	v3 =	vadd.s32 v1, v3  }
0x32: {  	[hbm4b:s6+s2] =	stream.indirect_vreg.scatter [tilespmem:s16], [sflag:$0x1], $0x80, v4, vm0, $0xb8;
	[tilespmem:$0x18200] =	vst v63  }
0x33: {  	_ = 	snop  }
0x34: {  	[hbm4b:s7+s2] =	stream.indirect_vreg.scatter [tilespmem:s21], [sflag:$0x1], $0x80, v4, vm0, $0xb8;
	[tilespmem:$0x18200] =	vst v63  }
0x35: {  	_ = 	snop  }
0x36: {  	[hbm4b:s4+s2] =	stream.indirect_vreg.scatter [tilespmem:s22], [sflag:$0x1], $0x80, v3, vm0, $0xb8;
	[tilespmem:$0x18200] =	vst v63  }
0x37: {  	_ = 	snop  }
0x38: {  	[hbm4b:s6+s2] =	stream.indirect_vreg.scatter [tilespmem:s23], [sflag:$0x1], $0x80, v3, vm0, $0xb8;
	[tilespmem:$0x18200] =	vst v63  }
0x39: {  	_ = 	snop  }
0x3a: {  	[hbm4b:s7+s2] =	stream.indirect_vreg.scatter [tilespmem:s24], [sflag:$0x1], $0x80, v3, vm0, $0xb8;
	[tilespmem:$0x18200] =	vst v63  }
0x3b: {  	v3 =	vld [tilespmem:$0x18010];
	_ =	sdelay $0x4  }
0x3c: {  	v49 =	vshrl.u32 v3, $0x3  }
0x3d: {  	v4 =	vmul.u32 $0x30, v49  }
0x3e: {  	v3 =	vand.u32 $0x7, v3  }
0x3f: {  	v3 =	vor.u32 v3, v4  }
0x40: {  	v4 =	vperm.xlane v3, v0;
	_ =	sdelay $0x1  }
0x41: {  	v4 =	vadd.s32 v1, v4;
	_ =	sdelay $0x3  }
0x42: {  	v3 =	vperm.xlane v3, v2  }
0x43: {  	[hbm4b:s4+s2] =	stream.indirect_vreg.scatter [tilespmem:s25], [sflag:$0x1], $0x80, v4, vm0, $0xb8;
	[tilespmem:$0x18200] =	vst v63  }
0x44: {  	v3 =	vadd.s32 v1, v3  }
0x45: {  	[hbm4b:s6+s2] =	stream.indirect_vreg.scatter [tilespmem:s26], [sflag:$0x1], $0x80, v4, vm0, $0xb8;
	[tilespmem:$0x18200] =	vst v63  }
0x46: {  	_ = 	snop  }
0x47: {  	[hbm4b:s7+s2] =	stream.indirect_vreg.scatter [tilespmem:s28], [sflag:$0x1], $0x80, v4, vm0, $0xb8;
	[tilespmem:$0x18200] =	vst v63  }
0x48: {  	s3 =	simm.s32 $0x4800  }
0x49: {  	[hbm4b:s4+s2] =	stream.indirect_vreg.scatter [tilespmem:s3], [sflag:$0x1], $0x80, v3, vm0, $0xb8;
	[tilespmem:$0x18200] =	vst v63  }
0x4a: {  	_ = 	snop  }
0x4b: {  	[hbm4b:s6+s2] =	stream.indirect_vreg.scatter [tilespmem:s29], [sflag:$0x1], $0x80, v3, vm0, $0xb8;
	[tilespmem:$0x18200] =	vst v63  }
0x4c: {  	_ = 	snop  }
0x4d: {  	[hbm4b:s7+s2] =	stream.indirect_vreg.scatter [tilespmem:s30], [sflag:$0x1], $0x80, v3, vm0, $0xb8;
	[tilespmem:$0x18200] =	vst v63  }
0x4e: {  	v3 =	vld [tilespmem:$0x18020];
	_ =	sdelay $0x4  }
0x4f: {  	v50 =	vshrl.u32 v3, $0x3  }
0x50: {  	v4 =	vmul.u32 $0x30, v50  }
0x51: {  	v3 =	vand.u32 $0x7, v3  }
0x52: {  	v3 =	vor.u32 v3, v4  }
0x53: {  	v4 =	vperm.xlane v3, v0;
	_ =	sdelay $0x1  }
0x54: {  	v4 =	vadd.s32 v1, v4;
	_ =	sdelay $0x3  }
0x55: {  	v3 =	vperm.xlane v3, v2  }
0x56: {  	[hbm4b:s4+s2] =	stream.indirect_vreg.scatter [tilespmem:s31], [sflag:$0x1], $0x80, v4, vm0, $0xb8;
	[tilespmem:$0x18200] =	vst v63  }
0x57: {  	s1 =	simm.s32 $0x6800;
	v3 =	vadd.s32 v1, v3  }
0x58: {  	[hbm4b:s6+s2] =	stream.indirect_vreg.scatter [tilespmem:s1], [sflag:$0x1], $0x80, v4, vm0, $0xb8;
	[tilespmem:$0x18200] =	vst v63  }
0x59: {  	s5 =	simm.s32 $0x7000  }
0x5a: {  	[hbm4b:s7+s2] =	stream.indirect_vreg.scatter [tilespmem:s5], [sflag:$0x1], $0x80, v4, vm0, $0xb8;
	[tilespmem:$0x18200] =	vst v63  }
0x5b: {  	_ = 	snop  }
0x5c: {  	[hbm4b:s4+s2] =	stream.indirect_vreg.scatter [tilespmem:s9], [sflag:$0x1], $0x80, v3, vm0, $0xb8;
	[tilespmem:$0x18200] =	vst v63  }
0x5d: {  	_ = 	snop  }
0x5e: {  	[hbm4b:s6+s2] =	stream.indirect_vreg.scatter [tilespmem:s11], [sflag:$0x1], $0x80, v3, vm0, $0xb8;
	[tilespmem:$0x18200] =	vst v63  }
0x5f: {  	_ = 	snop  }
0x60: {  	[hbm4b:s7+s2] =	stream.indirect_vreg.scatter [tilespmem:s12], [sflag:$0x1], $0x80, v3, vm0, $0xb8;
	[tilespmem:$0x18200] =	vst v63  }
0x61: {  	v3 =	vld [tilespmem:$0x18030];
	_ =	sdelay $0x4  }
0x62: {  	v51 =	vshrl.u32 v3, $0x3  }
0x63: {  	v4 =	vmul.u32 $0x30, v51  }
0x64: {  	v3 =	vand.u32 $0x7, v3  }
0x65: {  	v3 =	vor.u32 v3, v4  }
0x66: {  	v4 =	vperm.xlane v3, v0;
	_ =	sdelay $0x1  }
0x67: {  	v4 =	vadd.s32 v1, v4;
	_ =	sdelay $0x3  }
0x68: {  	v3 =	vperm.xlane v3, v2  }
0x69: {  	[hbm4b:s4+s2] =	stream.indirect_vreg.scatter [tilespmem:s13], [sflag:$0x1], $0x80, v4, vm0, $0xb8;
	[tilespmem:$0x18200] =	vst v63  }
0x6a: {  	v3 =	vadd.s32 v1, v3  }
0x6b: {  	[hbm4b:s6+s2] =	stream.indirect_vreg.scatter [tilespmem:s14], [sflag:$0x1], $0x80, v4, vm0, $0xb8;
	[tilespmem:$0x18200] =	vst v63  }
0x6c: {  	s5 =	simm.s32 $0xA000  }
0x6d: {  	[hbm4b:s7+s2] =	stream.indirect_vreg.scatter [tilespmem:s5], [sflag:$0x1], $0x80, v4, vm0, $0xb8;
	[tilespmem:$0x18200] =	vst v63  }
0x6e: {  	_ = 	snop  }
0x6f: {  	[hbm4b:s4+s2] =	stream.indirect_vreg.scatter [tilespmem:s17], [sflag:$0x1], $0x80, v3, vm0, $0xb8;
	[tilespmem:$0x18200] =	vst v63  }
0x70: {  	_ = 	snop  }
0x71: {  	[hbm4b:s6+s2] =	stream.indirect_vreg.scatter [tilespmem:s18], [sflag:$0x1], $0x80, v3, vm0, $0xb8;
	[tilespmem:$0x18200] =	vst v63  }
0x72: {  	_ = 	snop  }
0x73: {  	[hbm4b:s7+s2] =	stream.indirect_vreg.scatter [tilespmem:s19], [sflag:$0x1], $0x80, v3, vm0, $0xb8;
	[tilespmem:$0x18200] =	vst v63  }
0x74: {  	v3 =	vld [tilespmem:$0x18040];
	_ =	sdelay $0x4  }
0x75: {  	v52 =	vshrl.u32 v3, $0x3  }
0x76: {  	v4 =	vmul.u32 $0x30, v52  }
0x77: {  	v3 =	vand.u32 $0x7, v3  }
0x78: {  	v3 =	vor.u32 v3, v4  }
0x79: {  	v4 =	vperm.xlane v3, v0;
	_ =	sdelay $0x1  }
0x7a: {  	v4 =	vadd.s32 v1, v4;
	_ =	sdelay $0x3  }
0x7b: {  	v3 =	vperm.xlane v3, v2  }
0x7c: {  	[hbm4b:s4+s2] =	stream.indirect_vreg.scatter [tilespmem:s20], [sflag:$0x1], $0x80, v4, vm0, $0xb8;
	[tilespmem:$0x18200] =	vst v63  }
0x7d: {  	s0 =	simm.s32 $0xC800;
	v3 =	vadd.s32 v1, v3  }
0x7e: {  	[hbm4b:s6+s2] =	stream.indirect_vreg.scatter [tilespmem:s0], [sflag:$0x1], $0x80, v4, vm0, $0xb8;
	[tilespmem:$0x18200] =	vst v63  }
0x7f: {  	s0 =	simm.s32 $0xD000  }
0x80: {  	[hbm4b:s7+s2] =	stream.indirect_vreg.scatter [tilespmem:s0], [sflag:$0x1], $0x80, v4, vm0, $0xb8;
	[tilespmem:$0x18200] =	vst v63  }
0x81: {  	s0 =	simm.s32 $0xD800  }
0x82: {  	[hbm4b:s4+s2] =	stream.indirect_vreg.scatter [tilespmem:s0], [sflag:$0x1], $0x80, v3, vm0, $0xb8;
	[tilespmem:$0x18200] =	vst v63  }
0x83: {  	s0 =	simm.s32 $0xE000  }
0x84: {  	[hbm4b:s6+s2] =	stream.indirect_vreg.scatter [tilespmem:s0], [sflag:$0x1], $0x80, v3, vm0, $0xb8;
	[tilespmem:$0x18200] =	vst v63  }
0x85: {  	s0 =	simm.s32 $0xE800  }
0x86: {  	[hbm4b:s7+s2] =	stream.indirect_vreg.scatter [tilespmem:s0], [sflag:$0x1], $0x80, v3, vm0, $0xb8;
	[tilespmem:$0x18200] =	vst v63  }
0x87: {  	v3 =	vld [tilespmem:$0x18050];
	_ =	sdelay $0x4  }
0x88: {  	v53 =	vshrl.u32 v3, $0x3  }
0x89: {  	v4 =	vmul.u32 $0x30, v53  }
0x8a: {  	v3 =	vand.u32 $0x7, v3  }
0x8b: {  	v3 =	vor.u32 v3, v4  }
0x8c: {  	v4 =	vperm.xlane v3, v0;
	_ =	sdelay $0x1  }
0x8d: {  	v4 =	vadd.s32 v1, v4;
	_ =	sdelay $0x3  }
0x8e: {  	s0 =	simm.s32 $0xF000;
	v3 =	vperm.xlane v3, v2  }
0x8f: {  	[hbm4b:s4+s2] =	stream.indirect_vreg.scatter [tilespmem:s0], [sflag:$0x1], $0x80, v4, vm0, $0xb8;
	[tilespmem:$0x18200] =	vst v63  }
0x90: {  	v3 =	vadd.s32 v1, v3;
	s0 =	simm.s32 $0xF800  }
0x91: {  	[hbm4b:s6+s2] =	stream.indirect_vreg.scatter [tilespmem:s0], [sflag:$0x1], $0x80, v4, vm0, $0xb8;
	[tilespmem:$0x18200] =	vst v63  }
0x92: {  	s0 =	simm.s32 $0x10000  }
0x93: {  	[hbm4b:s7+s2] =	stream.indirect_vreg.scatter [tilespmem:s0], [sflag:$0x1], $0x80, v4, vm0, $0xb8;
	[tilespmem:$0x18200] =	vst v63  }
0x94: {  	s0 =	simm.s32 $0x10800  }
0x95: {  	[hbm4b:s4+s2] =	stream.indirect_vreg.scatter [tilespmem:s0], [sflag:$0x1], $0x80, v3, vm0, $0xb8;
	[tilespmem:$0x18200] =	vst v63  }
0x96: {  	s0 =	simm.s32 $0x11000  }
0x97: {  	[hbm4b:s6+s2] =	stream.indirect_vreg.scatter [tilespmem:s0], [sflag:$0x1], $0x80, v3, vm0, $0xb8;
	[tilespmem:$0x18200] =	vst v63  }
0x98: {  	s0 =	simm.s32 $0x11800  }
0x99: {  	[hbm4b:s7+s2] =	stream.indirect_vreg.scatter [tilespmem:s0], [sflag:$0x1], $0x80, v3, vm0, $0xb8;
	[tilespmem:$0x18200] =	vst v63  }
0x9a: {  	v3 =	vld [tilespmem:$0x18060];
	_ =	sdelay $0x4  }
0x9b: {  	v54 =	vshrl.u32 v3, $0x3  }
0x9c: {  	v4 =	vmul.u32 $0x30, v54  }
0x9d: {  	v3 =	vand.u32 $0x7, v3  }
0x9e: {  	v3 =	vor.u32 v3, v4  }
0x9f: {  	v4 =	vperm.xlane v3, v0;
	_ =	sdelay $0x1  }
0xa0: {  	v4 =	vadd.s32 v1, v4;
	_ =	sdelay $0x3  }
0xa1: {  	s0 =	simm.s32 $0x12000;
	v3 =	vperm.xlane v3, v2  }
0xa2: {  	[hbm4b:s4+s2] =	stream.indirect_vreg.scatter [tilespmem:s0], [sflag:$0x1], $0x80, v4, vm0, $0xb8;
	[tilespmem:$0x18200] =	vst v63  }
0xa3: {  	v3 =	vadd.s32 v1, v3;
	s0 =	simm.s32 $0x12800  }
0xa4: {  	[hbm4b:s6+s2] =	stream.indirect_vreg.scatter [tilespmem:s0], [sflag:$0x1], $0x80, v4, vm0, $0xb8;
	[tilespmem:$0x18200] =	vst v63  }
0xa5: {  	s0 =	simm.s32 $0x13000  }
0xa6: {  	[hbm4b:s7+s2] =	stream.indirect_vreg.scatter [tilespmem:s0], [sflag:$0x1], $0x80, v4, vm0, $0xb8;
	[tilespmem:$0x18200] =	vst v63  }
0xa7: {  	s0 =	simm.s32 $0x13800  }
0xa8: {  	[hbm4b:s4+s2] =	stream.indirect_vreg.scatter [tilespmem:s0], [sflag:$0x1], $0x80, v3, vm0, $0xb8;
	[tilespmem:$0x18200] =	vst v63  }
0xa9: {  	s0 =	simm.s32 $0x14000  }
0xaa: {  	[hbm4b:s6+s2] =	stream.indirect_vreg.scatter [tilespmem:s0], [sflag:$0x1], $0x80, v3, vm0, $0xb8;
	[tilespmem:$0x18200] =	vst v63  }
0xab: {  	s0 =	simm.s32 $0x14800  }
0xac: {  	[hbm4b:s7+s2] =	stream.indirect_vreg.scatter [tilespmem:s0], [sflag:$0x1], $0x80, v3, vm0, $0xb8;
	[tilespmem:$0x18200] =	vst v63  }
0xad: {  	v3 =	vld [tilespmem:$0x18070];
	_ =	sdelay $0x4  }
0xae: {  	v55 =	vshrl.u32 v3, $0x3  }
0xaf: {  	v4 =	vmul.u32 $0x30, v55  }
0xb0: {  	v3 =	vand.u32 $0x7, v3  }
0xb1: {  	v3 =	vor.u32 v3, v4  }
0xb2: {  	v4 =	vperm.xlane v3, v0;
	_ =	sdelay $0x1  }
0xb3: {  	v4 =	vadd.s32 v1, v4;
	_ =	sdelay $0x3  }
0xb4: {  	s0 =	simm.s32 $0x15000;
	v3 =	vperm.xlane v3, v2  }
0xb5: {  	[hbm4b:s4+s2] =	stream.indirect_vreg.scatter [tilespmem:s0], [sflag:$0x1], $0x80, v4, vm0, $0xb8;
	[tilespmem:$0x18200] =	vst v63  }
0xb6: {  	v3 =	vadd.s32 v1, v3;
	s0 =	simm.s32 $0x15800  }
0xb7: {  	[hbm4b:s6+s2] =	stream.indirect_vreg.scatter [tilespmem:s0], [sflag:$0x1], $0x80, v4, vm0, $0xb8;
	[tilespmem:$0x18200] =	vst v63  }
0xb8: {  	s0 =	simm.s32 $0x16000  }
0xb9: {  	[hbm4b:s7+s2] =	stream.indirect_vreg.scatter [tilespmem:s0], [sflag:$0x1], $0x80, v4, vm0, $0xb8;
	[tilespmem:$0x18200] =	vst v63  }
0xba: {  	s0 =	simm.s32 $0x16800  }
0xbb: {  	[hbm4b:s4+s2] =	stream.indirect_vreg.scatter [tilespmem:s0], [sflag:$0x1], $0x80, v3, vm0, $0xb8;
	[tilespmem:$0x18200] =	vst v63  }
0xbc: {  	s0 =	simm.s32 $0x17000  }
0xbd: {  	[hbm4b:s6+s2] =	stream.indirect_vreg.scatter [tilespmem:s0], [sflag:$0x1], $0x80, v3, vm0, $0xb8;
	[tilespmem:$0x18200] =	vst v63  }
0xbe: {  	s0 =	simm.s32 $0x17800  }
0xbf: {  	[hbm4b:s7+s2] =	stream.indirect_vreg.scatter [tilespmem:s0], [sflag:$0x1], $0x80, v3, vm0, $0xb8;
	[tilespmem:$0x18200] =	vst v63  }
0xc0: {  	v3 =	vld [tilespmem:$0x18080];
	_ =	sdelay $0x4  }
0xc1: {  	v56 =	vshrl.u32 v3, $0x3  }
0xc2: {  	v4 =	vmul.u32 $0x30, v56  }
0xc3: {  	v3 =	vand.u32 $0x7, v3  }
0xc4: {  	v3 =	vor.u32 v3, v4  }
0xc5: {  	v4 =	vperm.xlane v3, v0;
	_ =	sdelay $0x1  }
0xc6: {  	v4 =	vadd.s32 v1, v4;
	_ =	sdelay $0x3  }
0xc7: {  	v3 =	vperm.xlane v3, v2  }
0xc8: {  	[hbm4b:s4+s2] =	stream.indirect_vreg.scatter [tilespmem:s2], [sflag:$0x1], $0x80, v4, vm0, $0xb8;
	[tilespmem:$0x18200] =	vst v63  }
0xc9: {  	v3 =	vadd.s32 v1, v3  }
0xca: {  	[hbm4b:s6+s2] =	stream.indirect_vreg.scatter [tilespmem:s16], [sflag:$0x1], $0x80, v4, vm0, $0xb8;
	[tilespmem:$0x18200] =	vst v63  }
0xcb: {  	_ = 	snop  }
0xcc: {  	[hbm4b:s7+s2] =	stream.indirect_vreg.scatter [tilespmem:s21], [sflag:$0x1], $0x80, v4, vm0, $0xb8;
	[tilespmem:$0x18200] =	vst v63  }
0xcd: {  	_ = 	snop  }
0xce: {  	[hbm4b:s4+s2] =	stream.indirect_vreg.scatter [tilespmem:s22], [sflag:$0x1], $0x80, v3, vm0, $0xb8;
	[tilespmem:$0x18200] =	vst v63  }
0xcf: {  	_ = 	snop  }
0xd0: {  	[hbm4b:s6+s2] =	stream.indirect_vreg.scatter [tilespmem:s23], [sflag:$0x1], $0x80, v3, vm0, $0xb8;
	[tilespmem:$0x18200] =	vst v63  }
0xd1: {  	_ = 	snop  }
0xd2: {  	[hbm4b:s7+s2] =	stream.indirect_vreg.scatter [tilespmem:s24], [sflag:$0x1], $0x80, v3, vm0, $0xb8;
	[tilespmem:$0x18200] =	vst v63  }
0xd3: {  	v3 =	vld [tilespmem:$0x18090];
	_ =	sdelay $0x4  }
0xd4: {  	v57 =	vshrl.u32 v3, $0x3  }
0xd5: {  	v4 =	vmul.u32 $0x30, v57  }
0xd6: {  	v3 =	vand.u32 $0x7, v3  }
0xd7: {  	v3 =	vor.u32 v3, v4  }
0xd8: {  	v4 =	vperm.xlane v3, v0;
	_ =	sdelay $0x1  }
0xd9: {  	v4 =	vadd.s32 v1, v4;
	_ =	sdelay $0x3  }
0xda: {  	v3 =	vperm.xlane v3, v2  }
0xdb: {  	[hbm4b:s4+s2] =	stream.indirect_vreg.scatter [tilespmem:s25], [sflag:$0x1], $0x80, v4, vm0, $0xb8;
	[tilespmem:$0x18200] =	vst v63  }
0xdc: {  	v3 =	vadd.s32 v1, v3  }
0xdd: {  	[hbm4b:s6+s2] =	stream.indirect_vreg.scatter [tilespmem:s26], [sflag:$0x1], $0x80, v4, vm0, $0xb8;
	[tilespmem:$0x18200] =	vst v63  }
0xde: {  	_ = 	snop  }
0xdf: {  	[hbm4b:s7+s2] =	stream.indirect_vreg.scatter [tilespmem:s28], [sflag:$0x1], $0x80, v4, vm0, $0xb8;
	[tilespmem:$0x18200] =	vst v63  }
0xe0: {  	_ = 	snop  }
0xe1: {  	[hbm4b:s4+s2] =	stream.indirect_vreg.scatter [tilespmem:s3], [sflag:$0x1], $0x80, v3, vm0, $0xb8;
	[tilespmem:$0x18200] =	vst v63  }
0xe2: {  	_ = 	snop  }
0xe3: {  	[hbm4b:s6+s2] =	stream.indirect_vreg.scatter [tilespmem:s29], [sflag:$0x1], $0x80, v3, vm0, $0xb8;
	[tilespmem:$0x18200] =	vst v63  }
0xe4: {  	_ = 	snop  }
0xe5: {  	[hbm4b:s7+s2] =	stream.indirect_vreg.scatter [tilespmem:s30], [sflag:$0x1], $0x80, v3, vm0, $0xb8;
	[tilespmem:$0x18200] =	vst v63  }
0xe6: {  	v3 =	vld [tilespmem:$0x180A0];
	_ =	sdelay $0x4  }
0xe7: {  	v58 =	vshrl.u32 v3, $0x3  }
0xe8: {  	v4 =	vmul.u32 $0x30, v58  }
0xe9: {  	v3 =	vand.u32 $0x7, v3  }
0xea: {  	v3 =	vor.u32 v3, v4  }
0xeb: {  	v4 =	vperm.xlane v3, v0;
	_ =	sdelay $0x1  }
0xec: {  	v4 =	vadd.s32 v1, v4;
	_ =	sdelay $0x3  }
0xed: {  	v3 =	vperm.xlane v3, v2  }
0xee: {  	[hbm4b:s4+s2] =	stream.indirect_vreg.scatter [tilespmem:s31], [sflag:$0x1], $0x80, v4, vm0, $0xb8;
	[tilespmem:$0x18200] =	vst v63  }
0xef: {  	v3 =	vadd.s32 v1, v3  }
0xf0: {  	[hbm4b:s6+s2] =	stream.indirect_vreg.scatter [tilespmem:s1], [sflag:$0x1], $0x80, v4, vm0, $0xb8;
	[tilespmem:$0x18200] =	vst v63  }
0xf1: {  	s3 =	simm.s32 $0x7000  }
0xf2: {  	[hbm4b:s7+s2] =	stream.indirect_vreg.scatter [tilespmem:s3], [sflag:$0x1], $0x80, v4, vm0, $0xb8;
	[tilespmem:$0x18200] =	vst v63  }
0xf3: {  	_ = 	snop  }
0xf4: {  	[hbm4b:s4+s2] =	stream.indirect_vreg.scatter [tilespmem:s9], [sflag:$0x1], $0x80, v3, vm0, $0xb8;
	[tilespmem:$0x18200] =	vst v63  }
0xf5: {  	_ = 	snop  }
0xf6: {  	[hbm4b:s6+s2] =	stream.indirect_vreg.scatter [tilespmem:s11], [sflag:$0x1], $0x80, v3, vm0, $0xb8;
	[tilespmem:$0x18200] =	vst v63  }
0xf7: {  	_ = 	snop  }
0xf8: {  	[hbm4b:s7+s2] =	stream.indirect_vreg.scatter [tilespmem:s12], [sflag:$0x1], $0x80, v3, vm0, $0xb8;
	[tilespmem:$0x18200] =	vst v63  }
0xf9: {  	v3 =	vld [tilespmem:$0x180B0];
	_ =	sdelay $0x4  }
0xfa: {  	v59 =	vshrl.u32 v3, $0x3  }
0xfb: {  	v4 =	vmul.u32 $0x30, v59  }
0xfc: {  	v3 =	vand.u32 $0x7, v3  }
0xfd: {  	v3 =	vor.u32 v3, v4  }
0xfe: {  	v4 =	vperm.xlane v3, v0;
	_ =	sdelay $0x1  }
0xff: {  	v4 =	vadd.s32 v1, v4;
	_ =	sdelay $0x3  }
0x100: {  	v3 =	vperm.xlane v3, v2  }
0x101: {  	[hbm4b:s4+s2] =	stream.indirect_vreg.scatter [tilespmem:s13], [sflag:$0x1], $0x80, v4, vm0, $0xb8;
	[tilespmem:$0x18200] =	vst v63  }
0x102: {  	v3 =	vadd.s32 v1, v3  }
0x103: {  	[hbm4b:s6+s2] =	stream.indirect_vreg.scatter [tilespmem:s14], [sflag:$0x1], $0x80, v4, vm0, $0xb8;
	[tilespmem:$0x18200] =	vst v63  }
0x104: {  	_ = 	snop  }
0x105: {  	[hbm4b:s7+s2] =	stream.indirect_vreg.scatter [tilespmem:s5], [sflag:$0x1], $0x80, v4, vm0, $0xb8;
	[tilespmem:$0x18200] =	vst v63  }
0x106: {  	_ = 	snop  }
0x107: {  	[hbm4b:s4+s2] =	stream.indirect_vreg.scatter [tilespmem:s17], [sflag:$0x1], $0x80, v3, vm0, $0xb8;
	[tilespmem:$0x18200] =	vst v63  }
0x108: {  	_ = 	snop  }
0x109: {  	[hbm4b:s6+s2] =	stream.indirect_vreg.scatter [tilespmem:s18], [sflag:$0x1], $0x80, v3, vm0, $0xb8;
	[tilespmem:$0x18200] =	vst v63  }
0x10a: {  	_ = 	snop  }
0x10b: {  	[hbm4b:s7+s2] =	stream.indirect_vreg.scatter [tilespmem:s19], [sflag:$0x1], $0x80, v3, vm0, $0xb8;
	[tilespmem:$0x18200] =	vst v63  }
0x10c: {  	v3 =	vld [tilespmem:$0x180C0];
	_ =	sdelay $0x4  }
0x10d: {  	v60 =	vshrl.u32 v3, $0x3  }
0x10e: {  	v4 =	vmul.u32 $0x30, v60  }
0x10f: {  	v3 =	vand.u32 $0x7, v3  }
0x110: {  	v3 =	vor.u32 v3, v4  }
0x111: {  	v4 =	vperm.xlane v3, v0;
	_ =	sdelay $0x1  }
0x112: {  	v4 =	vadd.s32 v1, v4;
	_ =	sdelay $0x3  }
0x113: {  	v3 =	vperm.xlane v3, v2  }
0x114: {  	[hbm4b:s4+s2] =	stream.indirect_vreg.scatter [tilespmem:s20], [sflag:$0x1], $0x80, v4, vm0, $0xb8;
	[tilespmem:$0x18200] =	vst v63  }
0x115: {  	s16 =	simm.s32 $0xC800;
	v3 =	vadd.s32 v1, v3  }
0x116: {  	[hbm4b:s6+s2] =	stream.indirect_vreg.scatter [tilespmem:s16], [sflag:$0x1], $0x80, v4, vm0, $0xb8;
	[tilespmem:$0x18200] =	vst v63  }
0x117: {  	s1 =	simm.s32 $0xD000  }
0x118: {  	[hbm4b:s7+s2] =	stream.indirect_vreg.scatter [tilespmem:s1], [sflag:$0x1], $0x80, v4, vm0, $0xb8;
	[tilespmem:$0x18200] =	vst v63  }
0x119: {  	s3 =	simm.s32 $0xD800  }
0x11a: {  	[hbm4b:s4+s2] =	stream.indirect_vreg.scatter [tilespmem:s3], [sflag:$0x1], $0x80, v3, vm0, $0xb8;
	[tilespmem:$0x18200] =	vst v63  }
0x11b: {  	s5 =	simm.s32 $0xE000  }
0x11c: {  	[hbm4b:s6+s2] =	stream.indirect_vreg.scatter [tilespmem:s5], [sflag:$0x1], $0x80, v3, vm0, $0xb8;
	[tilespmem:$0x18200] =	vst v63  }
0x11d: {  	s16 =	simm.s32 $0xE800  }
0x11e: {  	[hbm4b:s7+s2] =	stream.indirect_vreg.scatter [tilespmem:s16], [sflag:$0x1], $0x80, v3, vm0, $0xb8;
	[tilespmem:$0x18200] =	vst v63  }
0x11f: {  	v3 =	vld [tilespmem:$0x180D0];
	_ =	sdelay $0x4  }
0x120: {  	v61 =	vshrl.u32 v3, $0x3  }
0x121: {  	v4 =	vmul.u32 $0x30, v61  }
0x122: {  	v3 =	vand.u32 $0x7, v3  }
0x123: {  	v3 =	vor.u32 v3, v4  }
0x124: {  	v4 =	vperm.xlane v3, v0;
	_ =	sdelay $0x1  }
0x125: {  	v4 =	vadd.s32 v1, v4;
	_ =	sdelay $0x3  }
0x126: {  	s1 =	simm.s32 $0xF000;
	v3 =	vperm.xlane v3, v2  }
0x127: {  	[hbm4b:s4+s2] =	stream.indirect_vreg.scatter [tilespmem:s1], [sflag:$0x1], $0x80, v4, vm0, $0xb8;
	[tilespmem:$0x18200] =	vst v63  }
0x128: {  	s3 =	simm.s32 $0xF800;
	v3 =	vadd.s32 v1, v3  }
0x129: {  	[hbm4b:s6+s2] =	stream.indirect_vreg.scatter [tilespmem:s3], [sflag:$0x1], $0x80, v4, vm0, $0xb8;
	[tilespmem:$0x18200] =	vst v63  }
0x12a: {  	s5 =	simm.s32 $0x10000  }
0x12b: {  	[hbm4b:s7+s2] =	stream.indirect_vreg.scatter [tilespmem:s5], [sflag:$0x1], $0x80, v4, vm0, $0xb8;
	[tilespmem:$0x18200] =	vst v63  }
0x12c: {  	s16 =	simm.s32 $0x10800  }
0x12d: {  	[hbm4b:s4+s2] =	stream.indirect_vreg.scatter [tilespmem:s16], [sflag:$0x1], $0x80, v3, vm0, $0xb8;
	[tilespmem:$0x18200] =	vst v63  }
0x12e: {  	s1 =	simm.s32 $0x11000  }
0x12f: {  	[hbm4b:s6+s2] =	stream.indirect_vreg.scatter [tilespmem:s1], [sflag:$0x1], $0x80, v3, vm0, $0xb8;
	[tilespmem:$0x18200] =	vst v63  }
0x130: {  	s3 =	simm.s32 $0x11800  }
0x131: {  	[hbm4b:s7+s2] =	stream.indirect_vreg.scatter [tilespmem:s3], [sflag:$0x1], $0x80, v3, vm0, $0xb8;
	[tilespmem:$0x18200] =	vst v63  }
0x132: {  	v3 =	vld [tilespmem:$0x180E0];
	_ =	sdelay $0x4  }
0x133: {  	v62 =	vshrl.u32 v3, $0x3  }
0x134: {  	v4 =	vmul.u32 $0x30, v62  }
0x135: {  	v3 =	vand.u32 $0x7, v3  }
0x136: {  	v3 =	vor.u32 v3, v4  }
0x137: {  	v4 =	vperm.xlane v3, v0;
	_ =	sdelay $0x1  }
0x138: {  	v4 =	vadd.s32 v1, v4;
	_ =	sdelay $0x3  }
0x139: {  	s5 =	simm.s32 $0x12000;
	v3 =	vperm.xlane v3, v2  }
0x13a: {  	[hbm4b:s4+s2] =	stream.indirect_vreg.scatter [tilespmem:s5], [sflag:$0x1], $0x80, v4, vm0, $0xb8;
	[tilespmem:$0x18200] =	vst v63  }
0x13b: {  	s16 =	simm.s32 $0x12800;
	v3 =	vadd.s32 v1, v3  }
0x13c: {  	[hbm4b:s6+s2] =	stream.indirect_vreg.scatter [tilespmem:s16], [sflag:$0x1], $0x80, v4, vm0, $0xb8;
	[tilespmem:$0x18200] =	vst v63  }
0x13d: {  	s1 =	simm.s32 $0x13000  }
0x13e: {  	[hbm4b:s7+s2] =	stream.indirect_vreg.scatter [tilespmem:s1], [sflag:$0x1], $0x80, v4, vm0, $0xb8;
	[tilespmem:$0x18200] =	vst v63  }
0x13f: {  	s3 =	simm.s32 $0x13800  }
0x140: {  	[hbm4b:s4+s2] =	stream.indirect_vreg.scatter [tilespmem:s3], [sflag:$0x1], $0x80, v3, vm0, $0xb8;
	[tilespmem:$0x18200] =	vst v63  }
0x141: {  	s5 =	simm.s32 $0x14000  }
0x142: {  	[hbm4b:s6+s2] =	stream.indirect_vreg.scatter [tilespmem:s5], [sflag:$0x1], $0x80, v3, vm0, $0xb8;
	[tilespmem:$0x18200] =	vst v63  }
0x143: {  	s16 =	simm.s32 $0x14800  }
0x144: {  	[hbm4b:s7+s2] =	stream.indirect_vreg.scatter [tilespmem:s16], [sflag:$0x1], $0x80, v3, vm0, $0xb8;
	[tilespmem:$0x18200] =	vst v63  }
0x145: {  	v3 =	vld [tilespmem:$0x180F0];
	_ =	sdelay $0x4  }
0x146: {  	v63 =	vshrl.u32 v3, $0x3  }
0x147: {  	v4 =	vmul.u32 $0x30, v63  }
0x148: {  	v3 =	vand.u32 $0x7, v3  }
0x149: {  	v3 =	vor.u32 v3, v4  }
0x14a: {  	v4 =	vperm.xlane v3, v0;
	_ =	sdelay $0x1  }
0x14b: {  	v4 =	vadd.s32 v1, v4;
	_ =	sdelay $0x3  }
0x14c: {  	s1 =	simm.s32 $0x15000;
	v3 =	vperm.xlane v3, v2  }
0x14d: {  	[hbm4b:s4+s2] =	stream.indirect_vreg.scatter [tilespmem:s1], [sflag:$0x1], $0x80, v4, vm0, $0xb8;
	[tilespmem:$0x18200] =	vst v63  }
0x14e: {  	s3 =	simm.s32 $0x15800;
	v3 =	vadd.s32 v1, v3  }
0x14f: {  	[hbm4b:s6+s2] =	stream.indirect_vreg.scatter [tilespmem:s3], [sflag:$0x1], $0x80, v4, vm0, $0xb8;
	[tilespmem:$0x18200] =	vst v63  }
0x150: {  	s5 =	simm.s32 $0x16000  }
0x151: {  	[hbm4b:s7+s2] =	stream.indirect_vreg.scatter [tilespmem:s5], [sflag:$0x1], $0x80, v4, vm0, $0xb8;
	[tilespmem:$0x18200] =	vst v63  }
0x152: {  	s16 =	simm.s32 $0x16800  }
0x153: {  	[hbm4b:s4+s2] =	stream.indirect_vreg.scatter [tilespmem:s16], [sflag:$0x1], $0x80, v3, vm0, $0xb8;
	[tilespmem:$0x18200] =	vst v63  }
0x154: {  	s1 =	simm.s32 $0x17000  }
0x155: {  	[hbm4b:s6+s2] =	stream.indirect_vreg.scatter [tilespmem:s1], [sflag:$0x1], $0x80, v3, vm0, $0xb8;
	[tilespmem:$0x18200] =	vst v63  }
0x156: {  	s0 =	rddreg [dreg:$0x8];
	s3 =	simm.s32 $0x17800  }
0x157: {  	[hbm4b:s7+s2] =	stream.indirect_vreg.scatter [tilespmem:s3], [sflag:$0x1], $0x80, v3, vm0, $0xb8;
	[tilespmem:$0x18200] =	vst v63  }
0x158: {  	s5 =	simm.s32 $0x18000;
	s16 =	simm.s32 $0x18100;
	s1 =	simm.s32 $0x80  }
0x159: {  	[hbm4b:s0+s1] =	stream.indirect.scatter [tilespmem:s16], [sflag:$0x1], $0x1, s5, s1, $0xb8;
	[tilespmem:$0x18200] =	vst v63  }
0x15a: {  	s5 =	simm.s32 $0x18080;
	s16 =	simm.s32 $0x18180  }
0x15b: {  	[hbm4b:s0+s1] =	stream.indirect.scatter [tilespmem:s16], [sflag:$0x1], $0x1, s5, s1, $0xb8;
	[tilespmem:$0x18200] =	vst v63  }
0x15c: {  	_ =	swait.ge [sflag:s15], $0x18000  }
0x15d: {  	[sflag:s15] =	ssyncset.done $0x0  }
0x15e: {  	[sflag:s15] =	ssyncadd.s32 $0xFFFE8000  }
0x15f: {  	_ =	swait.ge [sflag:s15], $0x18000  }
0x160: {  	[sflag:s15] =	ssyncset.done $0x0  }
0x161: {  	[sflag:s15] =	ssyncadd.s32 $0xFFFE8000  }
0x162: {  	p0 =	sne.s32 s8, $0x1;
	_ =	swait.ge [sflag:s15], $0x80  }
.Ltmp0:
0x163: {  	[sflag:s15] =	ssyncset.done $0x0;
	(pc) =	sbr.rel @p0 .LBB2_1-.Ltmp0, $4  }
0x164: {  	[sflag:s15] =	ssyncadd.s32 $0xFFFFFF80  }
0x165: {  	_ =	swait.ge [sflag:s15], $0x80  }
0x166: {  	[sflag:s15] =	ssyncset.done $0x0  }
0x167: {  	s8 =	sadd.s32 $0xFFFFFFFF, s8;
	[sflag:s15] =	ssyncadd.s32 $0xFFFFFF80  }
0x168: {  	_ =	sfence.sel $0x180000  }
0x169: {  	[bflag:$0x0] =	sbarrier.arrive $0xFFFF  }
0x16a: {  	_ =	strace $0x90000047  }
0x16b: {  	s0 =	stileid.u32;
	[bflag:$0x2] =	sbarrier.arrive $0xFFFF  }
0x16c: {  	p0 =	sne.s32 s0, $0x0;
	s0 =	rddreg [dreg:$0x2]  }
0x16d: {  	s0 =	sadd.s32 @!p0 $0x100000, s0  }
0x16e: {  	[sflag:s0] =	ssyncadd.tile.s32 @!p0 $0x1;
	_ =	shalt  }
.Lfunc_end2:
_tile_overlayer_lowered:
.L_overlay_start_2:
0x16f: {  	(tag) =	ssettag $0x2  }
0x170: {  	s0 =	rddreg [dreg:$0x0];
	s2 =	stileid.u32  }
0x171: {  	s1 =	rddreg [dreg:$0x1];
	p0 =	sne.s32 s2, $0x0  }
0x172: {  	s3 =	rddreg [dreg:$0x2];
	[bflag:$0x3] =	sbarrier.arrive $0xFFFF;
	s2 =	simm.s32 @!p0 $0x1C02  }
0x173: {  	[timem:s3], [sflag:s2] =	dma.local @!p0 [hbm:s0], s1  }
0x174: {  	s0 =	simm.s32 @!p0 $0x2  }
0x175: {  	_ =	swait.ge @!p0 [sflag:s0], s1  }
0x176: {  	s1 =	ssub.s32 @!p0 $0x0, s1;
	[sflag:s0] =	ssyncset.done @!p0 $0x0  }
0x177: {  	[sflag:s0] =	ssyncadd.s32 @!p0 s1  }
0x178: {  	[bflag:$0x3] =	sbarrier.arrive $0xFFFF  }
0x179: {  	_ =	shalt  }

// kernel: kernel.9.cloned.1.call-start
scs
__scs_entry_jumppad:
0x0: {  	(pc) =	sbr.rel $0x88, $3  }
0x1: {  	(tag) =	ssettag $0x0;
	lr =	simm.s32 $0x1  }
0x2: {  	[smem:$0x3F9B] =	sst lr;
	_ =	strace $0xD0000000  }
0x3: {  	_ = 	snop  }
0x4: {  	_ = 	snop  }
0x5: {  	_ = 	snop  }
0x6: {  	_ = 	snop  }
0x7: {  	_ = 	snop  }
__scs_overlays_trampoline_lowered:
0x8: {  	[smem:$0x3FAA] =	sst s0  }
0x9: {  	[smem:$0x3FAB] =	sst s1  }
0xa: {  	[smem:$0x3FAC] =	sst s2  }
0xb: {  	[smem:$0x3FAD] =	sst s3  }
0xc: {  	[smem:$0x3FAE] =	sst s4  }
0xd: {  	[smem:$0x3FAF] =	sst s5  }
0xe: {  	[smem:$0x3FB0] =	sst s6  }
0xf: {  	[smem:$0x3FB1] =	sst s7  }
0x10: {  	[smem:$0x3FB2] =	sst s8  }
0x11: {  	[smem:$0x3FB3] =	sst s9;
	s0 =	simm.s32 @!p0 $0x0  }
0x12: {  	s1 =	sld [smem:$0x3F99];
	s0 =	simm.s32 @p0 $0x1  }
0x13: {  	[smem:$0x3FB4] =	sst s0;
	s0 =	simm.s32 @!p1 $0x0  }
0x14: {  	s2 =	sld [smem:$0x3F98];
	s0 =	simm.s32 @p1 $0x1  }
0x15: {  	[smem:$0x3FB5] =	sst s0;
	s0 =	simm.s32 @!p2 $0x0  }
0x16: {  	s3 =	sld [smem:$0x3FDB];
	s0 =	simm.s32 @p2 $0x1  }
0x17: {  	s4 =	simm.s32 $0x1BF5;
	[smem:$0x3FB7] =	sst s0  }
0x18: {  	s0 =	sld [smem:$0x3F9A];
	_ =	swait.ge [sflag:s4], $0x0  }
0x19: {  	s7 =	sld [smem:$0x3F9B]  }
0x1a: {  	s8 =	sadd.s32 $0xFFFFE003, lr  }
0x1b: {  	s9 =	sadd.s32 $0xFFFFFEF7, lr;
	s5 =	simm.s32 $0xFFFFFFFF;
	p2 =	slt.u32 s8, $0xFFFFF086  }
0x1c: {  	p1 =	slt.u32 s9, $0xF7A;
	s5 =	simm.s32 @!p2 $0x0  }
0x1d: {  	s5 =	simm.s32 @p1 $0x1;
	p0 =	seq.s32 s7, s2  }
0x1e: {  	s7 =	smul.u32 @!p0 $0xF7A, s2;
	p2 =	seq.s32 @!p0 s5, $0x0  }
0x1f: {  	s9 =	smul.u32 $0xF7A, s1;
	s8 =	simm.s32 @!p0 $0x1BF5;
	p2 =	por !p2, p0  }
0x20: {  	[sflag:s8] =	ssyncset.s32 @!p0 $0xFFFFF086;
	s6 =	sadd.s32 @!p0 s3, s7;
	s7 =	simm.s32 @!p0 $0x108  }
0x21: {  	s3 =	sadd.s32 s3, s9;
	s6 =	sadd.s32 @!p0 $0x88, s6;
	s7 =	simm.s32 @p2 $0x1082  }
0x22: {  	[simem:s7], [sflag:s8] =	dma.local @!p0 [hbm:s6], $0xF7A  }
0x23: {  	s9 =	sor.u32 $0xD0000000, s2;
	s6 =	simm.s32 $0x108;
	_ =	swait.ge @!p0 [sflag:s8], $0x0  }
0x24: {  	s3 =	sadd.s32 $0x88, s3;
	s6 =	simm.s32 @!p1 $0x1082;
	[sflag:s4] =	ssyncset.s32 $0xFFFFF086  }
0x25: {  	[simem:s6], [sflag:s4] =	dma.local [hbm:s3], $0xF7A  }
0x26: {  	[smem:$0x3F9B] =	sst s1;
	(tag) =	ssettag s2;
	_ =	strace s9  }
0x27: {  	s1 =	sld [smem:$0x3FAB]  }
0x28: {  	s2 =	sld [smem:$0x3FAC]  }
0x29: {  	s4 =	sld [smem:$0x3FAE]  }
0x2a: {  	p0 =	seq.s32 s5, $0x0;
	s5 =	sld [smem:$0x3FAF]  }
0x2b: {  	s6 =	sld [smem:$0x3FB0]  }
0x2c: {  	s7 =	sld [smem:$0x3FB1]  }
0x2d: {  	s3 =	simm.s32 $0x108;
	s8 =	sld [smem:$0x3FB2]  }
0x2e: {  	s3 =	simm.s32 @!p0 $0x1082;
	s9 =	sld [smem:$0x3FB3]  }
0x2f: {  	lr =	sadd.s32 s0, s3;
	s0 =	sld [smem:$0x3FAA]  }
0x30: {  	s3 =	sld [smem:$0x3FAD]  }
0x31: {  	[smem:$0x3FB6] =	sst s10  }
0x32: {  	s10 =	sld [smem:$0x3FB4];
	_ =	sdelay $0x3  }
0x33: {  	p0 =	seq.s32 s10, $0x1;
	s10 =	sld [smem:$0x3FB6];
	_ =	sdelay $0x3  }
0x34: {  	[smem:$0x3FB6] =	sst s10  }
0x35: {  	s10 =	sld [smem:$0x3FB5];
	_ =	sdelay $0x3  }
0x36: {  	p1 =	seq.s32 s10, $0x1;
	s10 =	sld [smem:$0x3FB6];
	_ =	sdelay $0x3  }
0x37: {  	[smem:$0x3FB6] =	sst s10  }
0x38: {  	s10 =	sld [smem:$0x3FB7]  }
0x39: {  	_ = 	snop;
	(pc) =	sbr.ind lr, $3  }
0x3a: {  	_ = 	snop  }
0x3b: {  	_ = 	snop  }
0x3c: {  	p2 =	seq.s32 s10, $0x1;
	s10 =	sld [smem:$0x3FB6]  }
0x3d: {  	_ =	shalt  }
0x3e: {  	_ =	shalt  }
0x3f: {  	_ =	shalt  }
0x40: {  	_ =	shalt  }
0x41: {  	_ =	shalt  }
0x42: {  	_ =	shalt  }
0x43: {  	_ =	shalt  }
0x44: {  	_ =	shalt  }
0x45: {  	_ =	shalt  }
0x46: {  	_ =	shalt  }
0x47: {  	_ =	shalt  }
0x48: {  	_ =	shalt  }
0x49: {  	_ =	shalt  }
0x4a: {  	_ =	shalt  }
0x4b: {  	_ =	shalt  }
0x4c: {  	_ =	shalt  }
0x4d: {  	_ =	shalt  }
0x4e: {  	_ =	shalt  }
0x4f: {  	_ =	shalt  }
0x50: {  	_ =	shalt  }
0x51: {  	_ =	shalt  }
0x52: {  	_ =	shalt  }
0x53: {  	_ =	shalt  }
0x54: {  	_ =	shalt  }
0x55: {  	_ =	shalt  }
0x56: {  	_ =	shalt  }
0x57: {  	_ =	shalt  }
0x58: {  	_ =	shalt  }
0x59: {  	_ =	shalt  }
0x5a: {  	_ =	shalt  }
0x5b: {  	_ =	shalt  }
0x5c: {  	_ =	shalt  }
0x5d: {  	_ =	shalt  }
0x5e: {  	_ =	shalt  }
0x5f: {  	_ =	shalt  }
0x60: {  	_ =	shalt  }
0x61: {  	_ =	shalt  }
0x62: {  	_ =	shalt  }
0x63: {  	_ =	shalt  }
0x64: {  	_ =	shalt  }
0x65: {  	_ =	shalt  }
0x66: {  	_ =	shalt  }
0x67: {  	_ =	shalt  }
0x68: {  	_ =	shalt  }
0x69: {  	_ =	shalt  }
0x6a: {  	_ =	shalt  }
0x6b: {  	_ =	shalt  }
0x6c: {  	_ =	shalt  }
0x6d: {  	_ =	shalt  }
0x6e: {  	_ =	shalt  }
0x6f: {  	_ =	shalt  }
0x70: {  	_ =	shalt  }
0x71: {  	_ =	shalt  }
0x72: {  	_ =	shalt  }
0x73: {  	_ =	shalt  }
0x74: {  	_ =	shalt  }
0x75: {  	_ =	shalt  }
0x76: {  	_ =	shalt  }
0x77: {  	_ =	shalt  }
0x78: {  	_ =	shalt  }
0x79: {  	_ =	shalt  }
0x7a: {  	_ =	shalt  }
0x7b: {  	_ =	shalt  }
0x7c: {  	_ =	shalt  }
0x7d: {  	_ =	shalt  }
0x7e: {  	_ =	shalt  }
0x7f: {  	_ =	shalt  }
0x80: {  	_ =	shalt  }
0x81: {  	_ =	shalt  }
0x82: {  	_ =	shalt  }
0x83: {  	_ =	shalt  }
0x84: {  	_ =	shalt  }
0x85: {  	_ =	shalt  }
0x86: {  	_ =	shalt  }
0x87: {  	_ =	shalt  }
.Lfunc_end0:
.L_simem_size_0:
called_computation.1_lowered:
.L_overlay_start_0:
0x88: {  	s2 =	sld [smem:$0x3FD9]  }
0x89: {  	s3 =	sld [smem:$0x3FFE];
	_ =	sdelay $0x1  }
0x8a: {  	s1 =	srdreg.scid  }
0x8b: {  	s0 =	sand.u32 $0x1, s1  }
0x8c: {  	s14 =	sshll.u32 s0, $0xA;
	s2 =	sadd.s32 s3, s2  }
0x8d: {  	s2 =	sadd.s32 s2, s14  }
0x8e: {  	[smem:$0x3FC2] =	sst s2  }
0x8f: {  	_ = 	snop  }
0x90: {  	s2 =	sld [smem:$0x3FD0];
	_ =	sdelay $0x2  }
0x91: {  	s15 =	simm.s32 $0xA;
	s4 =	simm.s32 $0x10  }
0x92: {  	[smem:s4], [sflag:s15] =	dma.local [hbm:s2], $0x1  }
0x93: {  	_ =	swait.eq [sflag:s15], $0x1  }
0x94: {  	[sflag:s15] =	ssyncset.done $0x0  }
0x95: {  	[sflag:s15] =	ssyncadd.s32 $0xFFFFFFFF  }
0x96: {  	s16 =	sld [smem:$0x10];
	(tm) =	ssettm $0x1  }
0x97: {  	s17 =	sld [smem:$0x3FFB];
	_ =	sdelay $0x3  }
0x98: {  	_ =	strace s17  }
0x99: {  	s3 =	sld [smem:$0x3FFC];
	_ =	sdelay $0x3  }
0x9a: {  	_ =	strace s3  }
0x9b: {  	s3 =	sld [smem:$0x3FFD];
	_ =	sdelay $0x3  }
0x9c: {  	_ =	strace s3  }
0x9d: {  	_ =	strace $0x8FFFFFFF  }
0x9e: {  	s18 =	sld [smem:$0x3FDB];
	_ =	sdelay $0x1  }
0x9f: {  	s19 =	simm.s32 $_scs_section_size  }
0xa0: {  	s5 =	simm.s32 $_size__tile_overlayer_lowered;
	s6 =	simm.s32 $_tile_overlayer_lowered  }
0xa1: {  	s22 =	simm.s32 $0x1BFF;
	s21 =	sshll.u32 s6, $0x1;
	s3 =	sadd.s32 s19, s18  }
0xa2: {  	s7 =	simm.s32 $0x0;
	s20 =	sshll.u32 s5, $0x1;
	s5 =	sadd.s32 s21, s3  }
0xa3: {  	[timem:s7], [sflag:s22] =	dma.local [hbm:s5], s20  }
0xa4: {  	_ =	swait.ge [sflag:s22], s20  }
0xa5: {  	s4 =	ssub.s32 $0x0, s20;
	[sflag:s22] =	ssyncset.done $0x0  }
0xa6: {  	[sflag:s22] =	ssyncadd.s32 s4;
	_ =	sdelay $0x1  }
0xa7: {  	s23 =	simm.s32 $0x1B8B  }
0xa8: {  	_ =	swait.ge [sflag:s23], $0x1  }
0xa9: {  	[sflag:s23] =	ssyncset.done $0x0  }
0xaa: {  	s25 =	simm.s32 $0x1B8E;
	s24 =	sld [smem:$0x3FFE];
	[sflag:s23] =	ssyncadd.s32 $0xFFFFFFFF  }
0xab: {  	s26 =	simm.s32 $execute0_lowered;
	[smem:$0x3FD2] =	sst s25  }
0xac: {  	s5 =	sshll.u32 s26, $0x1;
	_ =	strace $0x80000049;
	[dreg:$0x1] =	wrdreg $0xFFFFFFFF  }
0xad: {  	s28 =	simm.s32 $_size_execute0_lowered;
	s3 =	sadd.s32 s3, s5;
	[dreg:$0x0] =	wrdreg $0x0  }
0xae: {  	s5 =	sshll.u32 s28, $0x1;
	[dreg:$0x2] =	wrdreg s3  }
0xaf: {  	[dreg:$0x3] =	wrdreg s5  }
0xb0: {  	[dreg:$0x4] =	wrdreg $0xC0  }
0xb1: {  	_ =	task [dreg:s7], $0x5FFFF  }
0xb2: {  	[dreg:$0x1] =	wrdreg $0xFFFFFFFF  }
0xb3: {  	[dreg:$0x0] =	wrdreg $0x60  }
0xb4: {  	[dreg:$0x2] =	wrdreg s24  }
0xb5: {  	[dreg:$0x3] =	wrdreg s16  }
0xb6: {  	[dreg:$0x4] =	wrdreg $0x9  }
0xb7: {  	_ =	task.clear_ibuf [dreg:s7], $0x5FFFF;
	_ =	strace $0x90000049  }
0xb8: {  	s29 =	simm.s32 $0x9;
	_ =	strace $0x8000004B  }
0xb9: {  	_ =	swait.ge [sflag:s29], $0x1  }
0xba: {  	[sflag:s29] =	ssyncadd.s32 $0xFFFFFFFF  }
0xbb: {  	_ =	strace $0x9000004B  }
0xbc: {  	_ =	sfence  }
0xbd: {  	s30 =	sld [smem:$0x0];
	_ =	sdelay $0x2  }
0xbe: {  	s31 =	sshll.u32 s1, $0xD;
	s1 =	sshrl.u32 s1, $0x2  }
0xbf: {  	s3 =	sand.u32 $0x4000, s31;
	s1 =	sadd.s32 s1, s30  }
0xc0: {  	s0 =	sor.u32 s3, s0;
	s1 =	sshll.u32 s1, $0x11  }
0xc1: {  	s0 =	sor.u32 s1, s0  }
0xc2: {  	s0 =	sadd.s32 $0x8F2B, s0  }
0xc3: {  	[sflag:s0] =	ssyncadd.remote.s32 $0x1  }
0xc4: {  	_ =	sfence.sel $0xFFFF  }
0xc5: {  	[dreg:$0x0] =	wrdreg $0xFFFFFFFF;
	(pc) =	sbr.abs _section_cstart, $3  }
0xc6: {  	[dreg:$0x1] =	wrdreg $0xFFFFFFFF  }
0xc7: {  	_ =	task.clear_ibuf [dreg:s7], $0x2FFFF;
	_ =	strace $0x9FFFFFFF  }
0xc8: {  	(tm) =	ssettm $0x7FFFFFFF  }
0xc9: {  	_ =	shalt  }
tec
execute0_lowered:
.L_overlay_start_1:
0x0: {  	(tag) =	ssettag $0x1  }
0x1: {  	s0 =	rddreg [dreg:$0x0]  }
0x2: {  	s1 =	rddreg [dreg:$0x1];
	s2 =	simm.s32 $0x0  }
0x3: {  	s3 =	srdreg.scid;
	s5 =	stileid.u32;
	s14 =	simm.s32 $0x2  }
0x4: {  	s28 =	simm.s32 $0x10800;
	s29 =	simm.s32 $0x11000;
	s30 =	simm.s32 $0x12000  }
0x5: {  	s31 =	simm.s32 $0x13000;
	s11 =	simm.s32 $0x14800;
	s12 =	simm.s32 $0x15800  }
0x6: {  	s13 =	simm.s32 $0x16000;
	s15 =	simm.s32 $0x16800;
	s16 =	simm.s32 $0x17000  }
0x7: {  	s17 =	simm.s32 $0x17800;
	s18 =	simm.s32 $0x1;
	s19 =	simm.s32 $0x0  }
0x8: {  	[smem:$0x7FF] =	sst s2;
	s3 =	sand.u32 $0x1, s3;
	s5 =	sshll.u32 s5, $0x5  }
0x9: {  	s8 =	sadd.s32 $0x200, s0;
	s4 =	ssub.s32 $0x2, s3;
	s6 =	sshll.u32 s3, $0x4  }
0xa: {  	_ =	strace $0x8000004A;
	s7 =	sshrl.u32 s4, $0x1;
	s5 =	sor.u32 s6, s5  }
0xb: {  	s3 =	sadd.s32 $0xD8E00, s0;
	s4 =	ssub.s32 s4, s7;
	s6 =	sadd.s32 s0, s5  }
0xc: {  	s23 =	sadd.s32 s8, s5;
	s9 =	smul.u32 $0x300, s5;
	[dreg:$0x3] =	wrdreg s6  }
0xd: {  	s5 =	sor.u32 $0x8, s5;
	s7 =	sadd.s32 $0xD9000, s0;
	[dreg:$0x4] =	wrdreg s23  }
0xe: {  	s6 =	sadd.s32 $0xD8F00, s0;
	s10 =	smul.u32 $0x300, s5;
	s0 =	sadd.s32 s0, s5  }
0xf: {  	s24 =	sadd.s32 s8, s5;
	s26 =	smax.u32 s4, $0x1;
	[dreg:$0x6] =	wrdreg s0  }
0x10: {  	s23 =	simm.s32 $0xE800;
	s8 =	simm.s32 $0x11800;
	[dreg:$0x7] =	wrdreg s24  }
0x11: {  	s9 =	sadd.s32 s1, s9;
	[dreg:$0x9] =	wrdreg s26;
	s24 =	simm.s32 $0xF000  }
0x12: {  	v2 =	vlaneseq.u32;
	s26 =	simm.s32 $0x10000;
	s0 =	simm.s32 $0x14000;
	[dreg:$0x5] =	wrdreg s9  }
0x13: {  	vm0 =	vmmov $0xffff;
	v1 =	vshrl.u32 v2, $0x3;
	s25 =	sadd.s32 s1, s10;
	s9 =	simm.s32 $0x12800;
	s10 =	simm.s32 $0x13800  }
0x14: {  	v0 =	vand.u32 $0x7, v2;
	v2 =	vor.u32 $0x8, v2;
	v1 =	vmul.u32 $0x8, v1;
	s1 =	simm.s32 $0x15000;
	[dreg:$0x8] =	wrdreg s25;
	s25 =	simm.s32 $0xF800  }
.LBB2_1:
0x15: {  	s4 =	rddreg [dreg:$0x3];
	s5 =	simm.s32 $0x18000  }
0x16: {  	[tilespmem:s5], [sflag:$0x2] =	stream.linear.gather [hbm4b:s4+s2], $0x40, $0x38;
	[tilespmem:$0x18100] =	vst v63  }
0x17: {  	_ =	swait.ge [sflag:s14], $0x40  }
0x18: {  	[sflag:s14] =	ssyncset.done $0x0  }
0x19: {  	s21 =	simm.s32 $0x18080;
	s20 =	rddreg [dreg:$0x4];
	[sflag:s14] =	ssyncadd.s32 $0xFFFFFFC0  }
0x1a: {  	[tilespmem:s21], [sflag:$0x2] =	stream.linear.gather [hbm4b:s20+s2], $0x40, $0x38;
	[tilespmem:$0x18100] =	vst v63  }
0x1b: {  	_ =	swait.ge [sflag:s14], $0x40  }
0x1c: {  	[sflag:s14] =	ssyncset.done $0x0  }
0x1d: {  	[sflag:s14] =	ssyncadd.s32 $0xFFFFFFC0  }
0x1e: {  	v3 =	vld [tilespmem:$0x18000];
	_ =	sdelay $0x4  }
0x1f: {  	v4 =	vshrl.u32 v3, $0x3  }
0x20: {  	v4 =	vmul.u32 $0x30, v4  }
0x21: {  	v3 =	vand.u32 $0x7, v3  }
0x22: {  	v3 =	vor.u32 v3, v4  }
0x23: {  	v4 =	vperm.xlane v3, v0;
	_ =	sdelay $0x1  }
0x24: {  	v4 =	vadd.s32 v1, v4;
	_ =	sdelay $0x3  }
0x25: {  	v3 =	vperm.xlane v3, v2  }
0x26: {  	[tilespmem:s2], [sflag:$0x1] =	stream.indirect_vreg.gather [hbm4b:s3+s2], $0x80, v4, vm0, $0xb8;
	[tilespmem:$0x18100] =	vst v63  }
0x27: {  	s22 =	simm.s32 $0x800;
	v3 =	vadd.s32 v1, v3  }
0x28: {  	[tilespmem:s22], [sflag:$0x1] =	stream.indirect_vreg.gather [hbm4b:s6+s2], $0x80, v4, vm0, $0xb8;
	[tilespmem:$0x18100] =	vst v63  }
0x29: {  	s5 =	simm.s32 $0x1000  }
0x2a: {  	[tilespmem:s5], [sflag:$0x1] =	stream.indirect_vreg.gather [hbm4b:s7+s2], $0x80, v4, vm0, $0xb8;
	[tilespmem:$0x18100] =	vst v63  }
0x2b: {  	s20 =	simm.s32 $0x1800  }
0x2c: {  	[tilespmem:s20], [sflag:$0x1] =	stream.indirect_vreg.gather [hbm4b:s3+s2], $0x80, v3, vm0, $0xb8;
	[tilespmem:$0x18100] =	vst v63  }
0x2d: {  	s21 =	simm.s32 $0x2000  }
0x2e: {  	[tilespmem:s21], [sflag:$0x1] =	stream.indirect_vreg.gather [hbm4b:s6+s2], $0x80, v3, vm0, $0xb8;
	[tilespmem:$0x18100] =	vst v63  }
0x2f: {  	s22 =	simm.s32 $0x2800  }
0x30: {  	[tilespmem:s22], [sflag:$0x1] =	stream.indirect_vreg.gather [hbm4b:s7+s2], $0x80, v3, vm0, $0xb8;
	[tilespmem:$0x18100] =	vst v63  }
0x31: {  	v3 =	vld [tilespmem:$0x18010];
	_ =	sdelay $0x4  }
0x32: {  	v4 =	vshrl.u32 v3, $0x3  }
0x33: {  	v4 =	vmul.u32 $0x30, v4  }
0x34: {  	v3 =	vand.u32 $0x7, v3  }
0x35: {  	v3 =	vor.u32 v3, v4  }
0x36: {  	v4 =	vperm.xlane v3, v0;
	_ =	sdelay $0x1  }
0x37: {  	v4 =	vadd.s32 v1, v4;
	_ =	sdelay $0x3  }
0x38: {  	s5 =	simm.s32 $0x3000;
	v3 =	vperm.xlane v3, v2  }
0x39: {  	[tilespmem:s5], [sflag:$0x1] =	stream.indirect_vreg.gather [hbm4b:s3+s2], $0x80, v4, vm0, $0xb8;
	[tilespmem:$0x18100] =	vst v63  }
0x3a: {  	s20 =	simm.s32 $0x3800;
	v3 =	vadd.s32 v1, v3  }
0x3b: {  	[tilespmem:s20], [sflag:$0x1] =	stream.indirect_vreg.gather [hbm4b:s6+s2], $0x80, v4, vm0, $0xb8;
	[tilespmem:$0x18100] =	vst v63  }
0x3c: {  	s21 =	simm.s32 $0x4000  }
0x3d: {  	[tilespmem:s21], [sflag:$0x1] =	stream.indirect_vreg.gather [hbm4b:s7+s2], $0x80, v4, vm0, $0xb8;
	[tilespmem:$0x18100] =	vst v63  }
0x3e: {  	s22 =	simm.s32 $0x4800  }
0x3f: {  	[tilespmem:s22], [sflag:$0x1] =	stream.indirect_vreg.gather [hbm4b:s3+s2], $0x80, v3, vm0, $0xb8;
	[tilespmem:$0x18100] =	vst v63  }
0x40: {  	s5 =	simm.s32 $0x5000  }
0x41: {  	[tilespmem:s5], [sflag:$0x1] =	stream.indirect_vreg.gather [hbm4b:s6+s2], $0x80, v3, vm0, $0xb8;
	[tilespmem:$0x18100] =	vst v63  }
0x42: {  	s20 =	simm.s32 $0x5800  }
0x43: {  	[tilespmem:s20], [sflag:$0x1] =	stream.indirect_vreg.gather [hbm4b:s7+s2], $0x80, v3, vm0, $0xb8;
	[tilespmem:$0x18100] =	vst v63  }
0x44: {  	v3 =	vld [tilespmem:$0x18020];
	_ =	sdelay $0x4  }
0x45: {  	v4 =	vshrl.u32 v3, $0x3  }
0x46: {  	v4 =	vmul.u32 $0x30, v4  }
0x47: {  	v3 =	vand.u32 $0x7, v3  }
0x48: {  	v3 =	vor.u32 v3, v4  }
0x49: {  	v4 =	vperm.xlane v3, v0;
	_ =	sdelay $0x1  }
0x4a: {  	v4 =	vadd.s32 v1, v4;
	_ =	sdelay $0x3  }
0x4b: {  	s21 =	simm.s32 $0x6000;
	v3 =	vperm.xlane v3, v2  }
0x4c: {  	[tilespmem:s21], [sflag:$0x1] =	stream.indirect_vreg.gather [hbm4b:s3+s2], $0x80, v4, vm0, $0xb8;
	[tilespmem:$0x18100] =	vst v63  }
0x4d: {  	s22 =	simm.s32 $0x6800;
	v3 =	vadd.s32 v1, v3  }
0x4e: {  	[tilespmem:s22], [sflag:$0x1] =	stream.indirect_vreg.gather [hbm4b:s6+s2], $0x80, v4, vm0, $0xb8;
	[tilespmem:$0x18100] =	vst v63  }
0x4f: {  	s5 =	simm.s32 $0x7000  }
0x50: {  	[tilespmem:s5], [sflag:$0x1] =	stream.indirect_vreg.gather [hbm4b:s7+s2], $0x80, v4, vm0, $0xb8;
	[tilespmem:$0x18100] =	vst v63  }
0x51: {  	s20 =	simm.s32 $0x7800  }
0x52: {  	[tilespmem:s20], [sflag:$0x1] =	stream.indirect_vreg.gather [hbm4b:s3+s2], $0x80, v3, vm0, $0xb8;
	[tilespmem:$0x18100] =	vst v63  }
0x53: {  	s21 =	simm.s32 $0x8000  }
0x54: {  	[tilespmem:s21], [sflag:$0x1] =	stream.indirect_vreg.gather [hbm4b:s6+s2], $0x80, v3, vm0, $0xb8;
	[tilespmem:$0x18100] =	vst v63  }
0x55: {  	s22 =	simm.s32 $0x8800  }
0x56: {  	[tilespmem:s22], [sflag:$0x1] =	stream.indirect_vreg.gather [hbm4b:s7+s2], $0x80, v3, vm0, $0xb8;
	[tilespmem:$0x18100] =	vst v63  }
0x57: {  	v3 =	vld [tilespmem:$0x18030];
	_ =	sdelay $0x4  }
0x58: {  	v4 =	vshrl.u32 v3, $0x3  }
0x59: {  	v4 =	vmul.u32 $0x30, v4  }
0x5a: {  	v3 =	vand.u32 $0x7, v3  }
0x5b: {  	v3 =	vor.u32 v3, v4  }
0x5c: {  	v4 =	vperm.xlane v3, v0;
	_ =	sdelay $0x1  }
0x5d: {  	v4 =	vadd.s32 v1, v4;
	_ =	sdelay $0x3  }
0x5e: {  	s5 =	simm.s32 $0x9000;
	v3 =	vperm.xlane v3, v2  }
0x5f: {  	[tilespmem:s5], [sflag:$0x1] =	stream.indirect_vreg.gather [hbm4b:s3+s2], $0x80, v4, vm0, $0xb8;
	[tilespmem:$0x18100] =	vst v63  }
0x60: {  	s20 =	simm.s32 $0x9800;
	v3 =	vadd.s32 v1, v3  }
0x61: {  	[tilespmem:s20], [sflag:$0x1] =	stream.indirect_vreg.gather [hbm4b:s6+s2], $0x80, v4, vm0, $0xb8;
	[tilespmem:$0x18100] =	vst v63  }
0x62: {  	s21 =	simm.s32 $0xA000  }
0x63: {  	[tilespmem:s21], [sflag:$0x1] =	stream.indirect_vreg.gather [hbm4b:s7+s2], $0x80, v4, vm0, $0xb8;
	[tilespmem:$0x18100] =	vst v63  }
0x64: {  	s22 =	simm.s32 $0xA800  }
0x65: {  	[tilespmem:s22], [sflag:$0x1] =	stream.indirect_vreg.gather [hbm4b:s3+s2], $0x80, v3, vm0, $0xb8;
	[tilespmem:$0x18100] =	vst v63  }
0x66: {  	s5 =	simm.s32 $0xB000  }
0x67: {  	[tilespmem:s5], [sflag:$0x1] =	stream.indirect_vreg.gather [hbm4b:s6+s2], $0x80, v3, vm0, $0xb8;
	[tilespmem:$0x18100] =	vst v63  }
0x68: {  	s20 =	simm.s32 $0xB800  }
0x69: {  	[tilespmem:s20], [sflag:$0x1] =	stream.indirect_vreg.gather [hbm4b:s7+s2], $0x80, v3, vm0, $0xb8;
	[tilespmem:$0x18100] =	vst v63  }
0x6a: {  	v3 =	vld [tilespmem:$0x18080];
	_ =	sdelay $0x4  }
0x6b: {  	v4 =	vshrl.u32 v3, $0x3  }
0x6c: {  	v4 =	vmul.u32 $0x30, v4  }
0x6d: {  	v3 =	vand.u32 $0x7, v3  }
0x6e: {  	v3 =	vor.u32 v3, v4  }
0x6f: {  	v4 =	vperm.xlane v3, v0;
	_ =	sdelay $0x1  }
0x70: {  	v4 =	vadd.s32 v1, v4;
	_ =	sdelay $0x3  }
0x71: {  	s21 =	simm.s32 $0xC000;
	v3 =	vperm.xlane v3, v2  }
0x72: {  	[tilespmem:s21], [sflag:$0x1] =	stream.indirect_vreg.gather [hbm4b:s3+s2], $0x80, v4, vm0, $0xb8;
	[tilespmem:$0x18100] =	vst v63  }
0x73: {  	s22 =	simm.s32 $0xC800;
	v3 =	vadd.s32 v1, v3  }
0x74: {  	[tilespmem:s22], [sflag:$0x1] =	stream.indirect_vreg.gather [hbm4b:s6+s2], $0x80, v4, vm0, $0xb8;
	[tilespmem:$0x18100] =	vst v63  }
0x75: {  	s5 =	simm.s32 $0xD000  }
0x76: {  	[tilespmem:s5], [sflag:$0x1] =	stream.indirect_vreg.gather [hbm4b:s7+s2], $0x80, v4, vm0, $0xb8;
	[tilespmem:$0x18100] =	vst v63  }
0x77: {  	s20 =	simm.s32 $0xD800  }
0x78: {  	[tilespmem:s20], [sflag:$0x1] =	stream.indirect_vreg.gather [hbm4b:s3+s2], $0x80, v3, vm0, $0xb8;
	[tilespmem:$0x18100] =	vst v63  }
0x79: {  	s21 =	simm.s32 $0xE000  }
0x7a: {  	[tilespmem:s21], [sflag:$0x1] =	stream.indirect_vreg.gather [hbm4b:s6+s2], $0x80, v3, vm0, $0xb8;
	[tilespmem:$0x18100] =	vst v63  }
0x7b: {  	_ = 	snop  }
0x7c: {  	[tilespmem:s23], [sflag:$0x1] =	stream.indirect_vreg.gather [hbm4b:s7+s2], $0x80, v3, vm0, $0xb8;
	[tilespmem:$0x18100] =	vst v63  }
0x7d: {  	v3 =	vld [tilespmem:$0x18090];
	_ =	sdelay $0x4  }
0x7e: {  	v4 =	vshrl.u32 v3, $0x3  }
0x7f: {  	v4 =	vmul.u32 $0x30, v4  }
0x80: {  	v3 =	vand.u32 $0x7, v3  }
0x81: {  	v3 =	vor.u32 v3, v4  }
0x82: {  	v4 =	vperm.xlane v3, v0;
	_ =	sdelay $0x1  }
0x83: {  	v4 =	vadd.s32 v1, v4;
	_ =	sdelay $0x3  }
0x84: {  	v3 =	vperm.xlane v3, v2  }
0x85: {  	[tilespmem:s24], [sflag:$0x1] =	stream.indirect_vreg.gather [hbm4b:s3+s2], $0x80, v4, vm0, $0xb8;
	[tilespmem:$0x18100] =	vst v63  }
0x86: {  	v3 =	vadd.s32 v1, v3  }
0x87: {  	[tilespmem:s25], [sflag:$0x1] =	stream.indirect_vreg.gather [hbm4b:s6+s2], $0x80, v4, vm0, $0xb8;
	[tilespmem:$0x18100] =	vst v63  }
0x88: {  	_ = 	snop  }
0x89: {  	[tilespmem:s26], [sflag:$0x1] =	stream.indirect_vreg.gather [hbm4b:s7+s2], $0x80, v4, vm0, $0xb8;
	[tilespmem:$0x18100] =	vst v63  }
0x8a: {  	_ = 	snop  }
0x8b: {  	[tilespmem:s28], [sflag:$0x1] =	stream.indirect_vreg.gather [hbm4b:s3+s2], $0x80, v3, vm0, $0xb8;
	[tilespmem:$0x18100] =	vst v63  }
0x8c: {  	_ = 	snop  }
0x8d: {  	[tilespmem:s29], [sflag:$0x1] =	stream.indirect_vreg.gather [hbm4b:s6+s2], $0x80, v3, vm0, $0xb8;
	[tilespmem:$0x18100] =	vst v63  }
0x8e: {  	_ = 	snop  }
0x8f: {  	[tilespmem:s8], [sflag:$0x1] =	stream.indirect_vreg.gather [hbm4b:s7+s2], $0x80, v3, vm0, $0xb8;
	[tilespmem:$0x18100] =	vst v63  }
0x90: {  	v3 =	vld [tilespmem:$0x180A0];
	_ =	sdelay $0x4  }
0x91: {  	v4 =	vshrl.u32 v3, $0x3  }
0x92: {  	v4 =	vmul.u32 $0x30, v4  }
0x93: {  	v3 =	vand.u32 $0x7, v3  }
0x94: {  	v3 =	vor.u32 v3, v4  }
0x95: {  	v4 =	vperm.xlane v3, v0;
	_ =	sdelay $0x1  }
0x96: {  	v4 =	vadd.s32 v1, v4;
	_ =	sdelay $0x3  }
0x97: {  	v3 =	vperm.xlane v3, v2  }
0x98: {  	[tilespmem:s30], [sflag:$0x1] =	stream.indirect_vreg.gather [hbm4b:s3+s2], $0x80, v4, vm0, $0xb8;
	[tilespmem:$0x18100] =	vst v63  }
0x99: {  	v3 =	vadd.s32 v1, v3  }
0x9a: {  	[tilespmem:s9], [sflag:$0x1] =	stream.indirect_vreg.gather [hbm4b:s6+s2], $0x80, v4, vm0, $0xb8;
	[tilespmem:$0x18100] =	vst v63  }
0x9b: {  	_ = 	snop  }
0x9c: {  	[tilespmem:s31], [sflag:$0x1] =	stream.indirect_vreg.gather [hbm4b:s7+s2], $0x80, v4, vm0, $0xb8;
	[tilespmem:$0x18100] =	vst v63  }
0x9d: {  	_ = 	snop  }
0x9e: {  	[tilespmem:s10], [sflag:$0x1] =	stream.indirect_vreg.gather [hbm4b:s3+s2], $0x80, v3, vm0, $0xb8;
	[tilespmem:$0x18100] =	vst v63  }
0x9f: {  	_ = 	snop  }
0xa0: {  	[tilespmem:s0], [sflag:$0x1] =	stream.indirect_vreg.gather [hbm4b:s6+s2], $0x80, v3, vm0, $0xb8;
	[tilespmem:$0x18100] =	vst v63  }
0xa1: {  	_ = 	snop  }
0xa2: {  	[tilespmem:s11], [sflag:$0x1] =	stream.indirect_vreg.gather [hbm4b:s7+s2], $0x80, v3, vm0, $0xb8;
	[tilespmem:$0x18100] =	vst v63  }
0xa3: {  	v3 =	vld [tilespmem:$0x180B0];
	_ =	sdelay $0x4  }
0xa4: {  	v4 =	vshrl.u32 v3, $0x3  }
0xa5: {  	v4 =	vmul.u32 $0x30, v4  }
0xa6: {  	v3 =	vand.u32 $0x7, v3  }
0xa7: {  	v3 =	vor.u32 v3, v4  }
0xa8: {  	v4 =	vperm.xlane v3, v0;
	_ =	sdelay $0x1  }
0xa9: {  	v4 =	vadd.s32 v1, v4;
	_ =	sdelay $0x3  }
0xaa: {  	v3 =	vperm.xlane v3, v2  }
0xab: {  	[tilespmem:s1], [sflag:$0x1] =	stream.indirect_vreg.gather [hbm4b:s3+s2], $0x80, v4, vm0, $0xb8;
	[tilespmem:$0x18100] =	vst v63  }
0xac: {  	v3 =	vadd.s32 v1, v3  }
0xad: {  	[tilespmem:s12], [sflag:$0x1] =	stream.indirect_vreg.gather [hbm4b:s6+s2], $0x80, v4, vm0, $0xb8;
	[tilespmem:$0x18100] =	vst v63  }
0xae: {  	_ = 	snop  }
0xaf: {  	[tilespmem:s13], [sflag:$0x1] =	stream.indirect_vreg.gather [hbm4b:s7+s2], $0x80, v4, vm0, $0xb8;
	[tilespmem:$0x18100] =	vst v63  }
0xb0: {  	_ = 	snop  }
0xb1: {  	[tilespmem:s15], [sflag:$0x1] =	stream.indirect_vreg.gather [hbm4b:s3+s2], $0x80, v3, vm0, $0xb8;
	[tilespmem:$0x18100] =	vst v63  }
0xb2: {  	_ = 	snop  }
0xb3: {  	[tilespmem:s16], [sflag:$0x1] =	stream.indirect_vreg.gather [hbm4b:s6+s2], $0x80, v3, vm0, $0xb8;
	[tilespmem:$0x18100] =	vst v63  }
0xb4: {  	_ = 	snop  }
0xb5: {  	[tilespmem:s17], [sflag:$0x1] =	stream.indirect_vreg.gather [hbm4b:s7+s2], $0x80, v3, vm0, $0xb8;
	[tilespmem:$0x18100] =	vst v63  }
0xb6: {  	_ =	swait.ge [sflag:s18], $0xC000  }
0xb7: {  	[sflag:s18] =	ssyncset.done $0x0  }
0xb8: {  	s22 =	simm.s32 $0x0;
	[sflag:s18] =	ssyncadd.s32 $0xFFFF4000  }
0xb9: {  	s4 =	smul.u32 $0x1800, s22;
	_ =	swait.ge [sflag:s18], $0xC000  }
0xba: {  	s20 =	sand.u32 $0x380, s2;
	[sflag:s18] =	ssyncset.done $0x0  }
0xbb: {  	s20 =	sor.u32 s20, s4;
	[sflag:s18] =	ssyncadd.s32 $0xFFFF4000  }
0xbc: {  	v12 =	vld [tilespmem:s20+$0xC000]  }
0xbd: {  	v13 =	vld [tilespmem:s20+$0xC010]  }
0xbe: {  	v14 =	vld [tilespmem:s20+$0xC020]  }
0xbf: {  	v15 =	vld [tilespmem:s20+$0xC030]  }
0xc0: {  	v16 =	vld [tilespmem:s20+$0xC040]  }
0xc1: {  	v17 =	vld [tilespmem:s20+$0xC050]  }
0xc2: {  	v18 =	vld [tilespmem:s20+$0xC060]  }
0xc3: {  	v19 =	vld [tilespmem:s20+$0xC070]  }
0xc4: {  	v20 =	vld [tilespmem:s20+$0xC400]  }
0xc5: {  	v21 =	vld [tilespmem:s20+$0xC410]  }
0xc6: {  	v22 =	vld [tilespmem:s20+$0xC420]  }
0xc7: {  	v23 =	vld [tilespmem:s20+$0xC430]  }
0xc8: {  	v24 =	vld [tilespmem:s20+$0xC440]  }
0xc9: {  	v25 =	vld [tilespmem:s20+$0xC450]  }
0xca: {  	v26 =	vld [tilespmem:s20+$0xC460]  }
0xcb: {  	v27 =	vld [tilespmem:s20+$0xC470]  }
0xcc: {  	v28 =	vld [tilespmem:s20+$0xC800]  }
0xcd: {  	v29 =	vld [tilespmem:s20+$0xC810]  }
0xce: {  	v30 =	vld [tilespmem:s20+$0xC820]  }
0xcf: {  	v31 =	vld [tilespmem:s20+$0xC830]  }
0xd0: {  	v32 =	vld [tilespmem:s20+$0xC840]  }
0xd1: {  	v33 =	vld [tilespmem:s20+$0xC850]  }
0xd2: {  	v34 =	vld [tilespmem:s20+$0xC860]  }
0xd3: {  	v35 =	vld [tilespmem:s20+$0xC870]  }
0xd4: {  	v36 =	vld [tilespmem:s20+$0xCC00]  }
0xd5: {  	v37 =	vld [tilespmem:s20+$0xCC10]  }
0xd6: {  	v38 =	vld [tilespmem:s20+$0xCC20]  }
0xd7: {  	v39 =	vld [tilespmem:s20+$0xCC30]  }
0xd8: {  	v40 =	vld [tilespmem:s20+$0xCC40]  }
0xd9: {  	v41 =	vld [tilespmem:s20+$0xCC50]  }
0xda: {  	v42 =	vld [tilespmem:s20+$0xCC60]  }
0xdb: {  	v43 =	vld [tilespmem:s20+$0xCC70]  }
0xdc: {  	v44 =	vld [tilespmem:s20+$0xD000]  }
0xdd: {  	v45 =	vld [tilespmem:s20+$0xD010]  }
0xde: {  	v46 =	vld [tilespmem:s20+$0xD020]  }
0xdf: {  	v47 =	vld [tilespmem:s20+$0xD030]  }
0xe0: {  	v48 =	vld [tilespmem:s20+$0xD040]  }
0xe1: {  	v49 =	vld [tilespmem:s20+$0xD050]  }
0xe2: {  	v50 =	vld [tilespmem:s20+$0xD060]  }
0xe3: {  	v11 =	vld [tilespmem:s20+$0xD070]  }
0xe4: {  	v10 =	vld [tilespmem:s20+$0xD400]  }
0xe5: {  	v9 =	vld [tilespmem:s20+$0xD410]  }
0xe6: {  	v8 =	vld [tilespmem:s20+$0xD420]  }
0xe7: {  	v7 =	vld [tilespmem:s20+$0xD430]  }
0xe8: {  	v6 =	vld [tilespmem:s20+$0xD440]  }
0xe9: {  	v51 =	vld [tilespmem:s20+$0x0]  }
0xea: {  	v52 =	vld [tilespmem:s20+$0x10]  }
0xeb: {  	v53 =	vld [tilespmem:s20+$0x20]  }
0xec: {  	v54 =	vld [tilespmem:s20+$0x30]  }
0xed: {  	v55 =	vld [tilespmem:s20+$0x40]  }
0xee: {  	v62 =	vld [tilespmem:s20+$0x50];
	v12 =	vadd.f32 v12, v51  }
0xef: {  	v63 =	vld [tilespmem:s20+$0x60];
	v13 =	vadd.f32 v13, v52  }
0xf0: {  	[tilespmem:s20+$0x0] =	vst v12;
	v12 =	vadd.f32 v14, v53;
	v14 =	vld [tilespmem:s20+$0x70]  }
0xf1: {  	[tilespmem:s20+$0x10] =	vst v13;
	v13 =	vadd.f32 v15, v54;
	v15 =	vld [tilespmem:s20+$0x400]  }
0xf2: {  	[tilespmem:s20+$0x20] =	vst v12;
	v12 =	vadd.f32 v16, v55;
	v16 =	vld [tilespmem:s20+$0x410]  }
0xf3: {  	[tilespmem:s20+$0x30] =	vst v13;
	v13 =	vadd.f32 v17, v62;
	v17 =	vld [tilespmem:s20+$0x420]  }
0xf4: {  	v5 =	vld [tilespmem:s20+$0xD450]  }
0xf5: {  	[tilespmem:s20+$0x40] =	vst v12;
	v12 =	vadd.f32 v18, v63;
	v18 =	vld [tilespmem:s20+$0x470]  }
0xf6: {  	[tilespmem:s20+$0x50] =	vst v13;
	v13 =	vadd.f32 v19, v14;
	v14 =	vld [tilespmem:s20+$0x430]  }
0xf7: {  	[tilespmem:s20+$0x60] =	vst v12;
	v12 =	vadd.f32 v20, v15;
	v15 =	vld [tilespmem:s20+$0x440]  }
0xf8: {  	[tilespmem:s20+$0x70] =	vst v13;
	v13 =	vadd.f32 v21, v16;
	v16 =	vadd.f32 v22, v17;
	v17 =	vld [tilespmem:s20+$0x460]  }
0xf9: {  	[tilespmem:s20+$0x400] =	vst v12;
	v12 =	vld [tilespmem:s20+$0x450]  }
0xfa: {  	[tilespmem:s20+$0x410] =	vst v13;
	v13 =	vld [tilespmem:s20+$0x800];
	v18 =	vadd.f32 v27, v18  }
0xfb: {  	[tilespmem:s20+$0x420] =	vst v16;
	v16 =	vld [tilespmem:s20+$0x810];
	v14 =	vadd.f32 v23, v14  }
0xfc: {  	v4 =	vld [tilespmem:s20+$0xD460];
	v15 =	vadd.f32 v24, v15;
	[tilespmem:s20+$0x470] =	vst v18  }
0xfd: {  	[tilespmem:s20+$0x430] =	vst v14;
	v14 =	vld [tilespmem:s20+$0x820];
	v17 =	vadd.f32 v26, v17  }
0xfe: {  	v12 =	vadd.f32 v25, v12;
	[tilespmem:s20+$0x440] =	vst v15;
	v15 =	vld [tilespmem:s20+$0x830]  }
0xff: {  	v18 =	vld [tilespmem:s20+$0x870];
	[tilespmem:s20+$0x460] =	vst v17;
	v13 =	vadd.f32 v28, v13  }
0x100: {  	v16 =	vadd.f32 v29, v16;
	[tilespmem:s20+$0x450] =	vst v12;
	v12 =	vld [tilespmem:s20+$0x840]  }
0x101: {  	v17 =	vld [tilespmem:s20+$0x850];
	[tilespmem:s20+$0x800] =	vst v13  }
0x102: {  	[tilespmem:s20+$0x810] =	vst v16;
	v16 =	vld [tilespmem:s20+$0x860];
	v13 =	vadd.f32 v30, v14  }
0x103: {  	v14 =	vld [tilespmem:s20+$0xC00];
	v15 =	vadd.f32 v31, v15  }
0x104: {  	[tilespmem:s20+$0x820] =	vst v13;
	v13 =	vld [tilespmem:s20+$0xC10]  }
0x105: {  	v12 =	vadd.f32 v32, v12;
	[tilespmem:s20+$0x830] =	vst v15;
	v15 =	vld [tilespmem:s20+$0xC20]  }
0x106: {  	v3 =	vld [tilespmem:s20+$0xD470];
	v17 =	vadd.f32 v33, v17  }
0x107: {  	v16 =	vadd.f32 v34, v16;
	[tilespmem:s20+$0x840] =	vst v12;
	v12 =	vld [tilespmem:s20+$0xC30]  }
0x108: {  	[tilespmem:s20+$0x850] =	vst v17;
	v17 =	vld [tilespmem:s20+$0xC40];
	v14 =	vadd.f32 v36, v14  }
0x109: {  	v18 =	vadd.f32 v35, v18;
	[tilespmem:s20+$0x860] =	vst v16;
	v16 =	vld [tilespmem:s20+$0xC50]  }
0x10a: {  	v13 =	vadd.f32 v37, v13;
	[tilespmem:s20+$0xC00] =	vst v14;
	v14 =	vadd.f32 v38, v15;
	v15 =	vld [tilespmem:s20+$0xC60]  }
0x10b: {  	[tilespmem:s20+$0x870] =	vst v18;
	v18 =	vld [tilespmem:s20+$0xC70]  }
0x10c: {  	[tilespmem:s20+$0xC10] =	vst v13;
	v13 =	vld [tilespmem:s20+$0x1000];
	v12 =	vadd.f32 v39, v12  }
0x10d: {  	v17 =	vadd.f32 v40, v17;
	[tilespmem:s20+$0xC20] =	vst v14;
	v14 =	vld [tilespmem:s20+$0x1010]  }
0x10e: {  	v16 =	vadd.f32 v41, v16;
	[tilespmem:s20+$0xC30] =	vst v12;
	v12 =	vld [tilespmem:s20+$0x1020]  }
0x10f: {  	[tilespmem:s20+$0xC40] =	vst v17;
	v17 =	vld [tilespmem:s20+$0x1030];
	v15 =	vadd.f32 v42, v15  }
0x110: {  	v19 =	vld [tilespmem:s20+$0x1040];
	[tilespmem:s20+$0xC50] =	vst v16;
	v16 =	vadd.f32 v43, v18  }
0x111: {  	v18 =	vld [tilespmem:s20+$0x1050];
	v13 =	vadd.f32 v44, v13;
	[tilespmem:s20+$0xC60] =	vst v15  }
0x112: {  	v20 =	vld [tilespmem:s20+$0x1060];
	[tilespmem:s20+$0xC70] =	vst v16;
	v14 =	vadd.f32 v45, v14  }
0x113: {  	v16 =	vld [tilespmem:s20+$0x1070];
	[tilespmem:s20+$0x1000] =	vst v13;
	v12 =	vadd.f32 v46, v12  }
0x114: {  	v15 =	vld [tilespmem:s20+$0x1400];
	v13 =	vadd.f32 v47, v17;
	[tilespmem:s20+$0x1010] =	vst v14  }
0x115: {  	v14 =	vld [tilespmem:s20+$0x1410];
	[tilespmem:s20+$0x1020] =	vst v12;
	v12 =	vadd.f32 v48, v19  }
0x116: {  	[tilespmem:s20+$0x1030] =	vst v13;
	v13 =	vld [tilespmem:s20+$0x1420];
	v18 =	vadd.f32 v49, v18  }
0x117: {  	s4 =	simm.s32 $0x0;
	s21 =	simm.s32 $0x1;
	v17 =	vadd.f32 v50, v20;
	[tilespmem:s20+$0x1040] =	vst v12;
	v12 =	vld [tilespmem:s20+$0x1430]  }
.LBB2_2:
0x118: {  	s22 =	sshrl.u32 s21, $0x3;
	p0 =	sne.s32 s21, $0x3F;
	[tilespmem:s20+$0x1050] =	vst v18;
	v11 =	vadd.f32 v11, v16;
	v16 =	vld [tilespmem:s20+$0x1440]  }
0x119: {  	s4 =	sadd.s32 $0x80, s4;
	s22 =	smul.u32 $0x1800, s22;
	[tilespmem:s20+$0x1060] =	vst v17;
	v10 =	vadd.f32 v10, v15;
	v15 =	vld [tilespmem:s20+$0x1450]  }
0x11a: {  	s5 =	sand.u32 $0x380, s4;
	[tilespmem:s20+$0x1070] =	vst v11;
	v9 =	vadd.f32 v9, v14;
	v11 =	vld [tilespmem:s20+$0x1460]  }
0x11b: {  	s5 =	sor.u32 s5, s22;
	[tilespmem:s20+$0x1400] =	vst v10;
	v8 =	vadd.f32 v8, v13;
	v10 =	vld [tilespmem:s20+$0x1470]  }
0x11c: {  	v39 =	vld [tilespmem:s5+$0xC000];
	[tilespmem:s20+$0x1410] =	vst v9;
	v7 =	vadd.f32 v7, v12  }
0x11d: {  	v40 =	vld [tilespmem:s5+$0xC010];
	[tilespmem:s20+$0x1420] =	vst v8;
	v6 =	vadd.f32 v6, v16  }
0x11e: {  	v41 =	vld [tilespmem:s5+$0xC020];
	[tilespmem:s20+$0x1430] =	vst v7;
	v5 =	vadd.f32 v5, v15  }
0x11f: {  	v42 =	vld [tilespmem:s5+$0xC030];
	[tilespmem:s20+$0x1440] =	vst v6;
	v4 =	vadd.f32 v4, v11  }
0x120: {  	v43 =	vld [tilespmem:s5+$0xC040];
	[tilespmem:s20+$0x1450] =	vst v5;
	v3 =	vadd.f32 v3, v10  }
0x121: {  	v44 =	vld [tilespmem:s5+$0xC050];
	[tilespmem:s20+$0x1460] =	vst v4  }
0x122: {  	v45 =	vld [tilespmem:s5+$0xC060];
	[tilespmem:s20+$0x1470] =	vst v3;
	s20 =	smov.u32 s5  }
0x123: {  	v46 =	vld [tilespmem:s20+$0xC070]  }
0x124: {  	v47 =	vld [tilespmem:s20+$0xC400]  }
0x125: {  	v48 =	vld [tilespmem:s20+$0xC410]  }
0x126: {  	v49 =	vld [tilespmem:s20+$0xC420]  }
0x127: {  	v50 =	vld [tilespmem:s20+$0xC430]  }
0x128: {  	v38 =	vld [tilespmem:s20+$0xC440]  }
0x129: {  	v37 =	vld [tilespmem:s20+$0xC450]  }
0x12a: {  	v36 =	vld [tilespmem:s20+$0xC460]  }
0x12b: {  	v35 =	vld [tilespmem:s20+$0xC470]  }
0x12c: {  	v34 =	vld [tilespmem:s20+$0xC800]  }
0x12d: {  	v33 =	vld [tilespmem:s20+$0xC810]  }
0x12e: {  	v32 =	vld [tilespmem:s20+$0xC820]  }
0x12f: {  	v31 =	vld [tilespmem:s20+$0xC830]  }
0x130: {  	v30 =	vld [tilespmem:s20+$0xC840]  }
0x131: {  	v29 =	vld [tilespmem:s20+$0xC850]  }
0x132: {  	v28 =	vld [tilespmem:s20+$0xC860]  }
0x133: {  	v27 =	vld [tilespmem:s20+$0xC870]  }
0x134: {  	v26 =	vld [tilespmem:s20+$0xCC00]  }
0x135: {  	v25 =	vld [tilespmem:s20+$0xCC10]  }
0x136: {  	v24 =	vld [tilespmem:s20+$0xCC20]  }
0x137: {  	v23 =	vld [tilespmem:s20+$0xCC30]  }
0x138: {  	v22 =	vld [tilespmem:s20+$0xCC40]  }
0x139: {  	v21 =	vld [tilespmem:s20+$0xCC50]  }
0x13a: {  	v20 =	vld [tilespmem:s20+$0xCC60]  }
0x13b: {  	v19 =	vld [tilespmem:s20+$0xCC70]  }
0x13c: {  	v18 =	vld [tilespmem:s20+$0xD000]  }
0x13d: {  	v17 =	vld [tilespmem:s20+$0xD010]  }
0x13e: {  	v16 =	vld [tilespmem:s20+$0xD020]  }
0x13f: {  	v15 =	vld [tilespmem:s20+$0xD030]  }
0x140: {  	v14 =	vld [tilespmem:s20+$0xD040]  }
0x141: {  	v13 =	vld [tilespmem:s20+$0xD050]  }
0x142: {  	v12 =	vld [tilespmem:s20+$0xD060]  }
0x143: {  	v11 =	vld [tilespmem:s20+$0xD070]  }
0x144: {  	v10 =	vld [tilespmem:s20+$0xD400]  }
0x145: {  	v9 =	vld [tilespmem:s20+$0xD410]  }
0x146: {  	v8 =	vld [tilespmem:s20+$0xD420]  }
0x147: {  	v7 =	vld [tilespmem:s20+$0xD430]  }
0x148: {  	v6 =	vld [tilespmem:s20+$0xD440]  }
0x149: {  	v5 =	vld [tilespmem:s20+$0xD450]  }
0x14a: {  	v4 =	vld [tilespmem:s20+$0xD460]  }
0x14b: {  	v3 =	vld [tilespmem:s20+$0xD470]  }
0x14c: {  	v51 =	vld [tilespmem:s20+$0x0]  }
0x14d: {  	v52 =	vld [tilespmem:s20+$0x10]  }
0x14e: {  	v53 =	vld [tilespmem:s20+$0x20]  }
0x14f: {  	v54 =	vld [tilespmem:s20+$0x30]  }
0x150: {  	v55 =	vld [tilespmem:s20+$0x40]  }
0x151: {  	v39 =	vadd.f32 v39, v51;
	v51 =	vld [tilespmem:s20+$0x50]  }
0x152: {  	v40 =	vadd.f32 v40, v52;
	v52 =	vld [tilespmem:s20+$0x60]  }
0x153: {  	[tilespmem:s20+$0x0] =	vst v39;
	v39 =	vadd.f32 v41, v53;
	v41 =	vld [tilespmem:s20+$0x70]  }
0x154: {  	[tilespmem:s20+$0x10] =	vst v40;
	v40 =	vadd.f32 v42, v54;
	v42 =	vld [tilespmem:s20+$0x400]  }
0x155: {  	[tilespmem:s20+$0x20] =	vst v39;
	v39 =	vadd.f32 v43, v55;
	v43 =	vld [tilespmem:s20+$0x410]  }
0x156: {  	[tilespmem:s20+$0x30] =	vst v40;
	v40 =	vadd.f32 v44, v51;
	v44 =	vld [tilespmem:s20+$0x420]  }
0x157: {  	[tilespmem:s20+$0x40] =	vst v39;
	v39 =	vadd.f32 v45, v52;
	v45 =	vld [tilespmem:s20+$0x430]  }
0x158: {  	[tilespmem:s20+$0x50] =	vst v40;
	v40 =	vadd.f32 v46, v41;
	v41 =	vld [tilespmem:s20+$0x440]  }
0x159: {  	[tilespmem:s20+$0x60] =	vst v39;
	v39 =	vadd.f32 v47, v42;
	v42 =	vld [tilespmem:s20+$0x450]  }
0x15a: {  	[tilespmem:s20+$0x70] =	vst v40;
	v40 =	vadd.f32 v48, v43;
	v43 =	vld [tilespmem:s20+$0x460]  }
0x15b: {  	[tilespmem:s20+$0x400] =	vst v39;
	v39 =	vadd.f32 v49, v44;
	v44 =	vld [tilespmem:s20+$0x470]  }
0x15c: {  	[tilespmem:s20+$0x410] =	vst v40;
	v40 =	vadd.f32 v50, v45;
	v45 =	vld [tilespmem:s20+$0x800]  }
0x15d: {  	[tilespmem:s20+$0x420] =	vst v39;
	v38 =	vadd.f32 v38, v41;
	v39 =	vld [tilespmem:s20+$0x810]  }
0x15e: {  	[tilespmem:s20+$0x430] =	vst v40;
	v37 =	vadd.f32 v37, v42;
	v40 =	vld [tilespmem:s20+$0x820]  }
0x15f: {  	[tilespmem:s20+$0x440] =	vst v38;
	v36 =	vadd.f32 v36, v43;
	v38 =	vld [tilespmem:s20+$0x830]  }
0x160: {  	[tilespmem:s20+$0x450] =	vst v37;
	v35 =	vadd.f32 v35, v44;
	v37 =	vld [tilespmem:s20+$0x840]  }
0x161: {  	[tilespmem:s20+$0x460] =	vst v36;
	v34 =	vadd.f32 v34, v45;
	v36 =	vld [tilespmem:s20+$0x850]  }
0x162: {  	[tilespmem:s20+$0x470] =	vst v35;
	v33 =	vadd.f32 v33, v39;
	v35 =	vld [tilespmem:s20+$0x860]  }
0x163: {  	[tilespmem:s20+$0x800] =	vst v34;
	v32 =	vadd.f32 v32, v40;
	v34 =	vld [tilespmem:s20+$0x870]  }
0x164: {  	[tilespmem:s20+$0x810] =	vst v33;
	v31 =	vadd.f32 v31, v38;
	v33 =	vld [tilespmem:s20+$0xC00]  }
0x165: {  	[tilespmem:s20+$0x820] =	vst v32;
	v30 =	vadd.f32 v30, v37;
	v32 =	vld [tilespmem:s20+$0xC10]  }
0x166: {  	[tilespmem:s20+$0x830] =	vst v31;
	v29 =	vadd.f32 v29, v36;
	v31 =	vld [tilespmem:s20+$0xC20]  }
0x167: {  	[tilespmem:s20+$0x840] =	vst v30;
	v28 =	vadd.f32 v28, v35;
	v30 =	vld [tilespmem:s20+$0xC30]  }
0x168: {  	[tilespmem:s20+$0x850] =	vst v29;
	v27 =	vadd.f32 v27, v34;
	v29 =	vld [tilespmem:s20+$0xC40]  }
0x169: {  	[tilespmem:s20+$0x860] =	vst v28;
	v26 =	vadd.f32 v26, v33;
	v28 =	vld [tilespmem:s20+$0xC50]  }
0x16a: {  	[tilespmem:s20+$0x870] =	vst v27;
	v25 =	vadd.f32 v25, v32;
	v27 =	vld [tilespmem:s20+$0xC60]  }
0x16b: {  	[tilespmem:s20+$0xC00] =	vst v26;
	v24 =	vadd.f32 v24, v31;
	v26 =	vld [tilespmem:s20+$0xC70]  }
0x16c: {  	[tilespmem:s20+$0xC10] =	vst v25;
	v23 =	vadd.f32 v23, v30;
	v25 =	vld [tilespmem:s20+$0x1000]  }
0x16d: {  	[tilespmem:s20+$0xC20] =	vst v24;
	v22 =	vadd.f32 v22, v29;
	v24 =	vld [tilespmem:s20+$0x1010]  }
0x16e: {  	[tilespmem:s20+$0xC30] =	vst v23;
	v21 =	vadd.f32 v21, v28;
	v23 =	vld [tilespmem:s20+$0x1020]  }
0x16f: {  	[tilespmem:s20+$0xC40] =	vst v22;
	v20 =	vadd.f32 v20, v27;
	v22 =	vld [tilespmem:s20+$0x1030]  }
0x170: {  	[tilespmem:s20+$0xC50] =	vst v21;
	v19 =	vadd.f32 v19, v26;
	v21 =	vld [tilespmem:s20+$0x1040]  }
0x171: {  	[tilespmem:s20+$0xC60] =	vst v20;
	v18 =	vadd.f32 v18, v25;
	v20 =	vld [tilespmem:s20+$0x1050]  }
0x172: {  	[tilespmem:s20+$0xC70] =	vst v19;
	v17 =	vadd.f32 v17, v24;
	v19 =	vld [tilespmem:s20+$0x1060]  }
.Ltmp0:
0x173: {  	[tilespmem:s20+$0x1000] =	vst v18;
	v18 =	vadd.f32 v16, v23;
	v16 =	vld [tilespmem:s20+$0x1070];
	(pc) =	sbr.rel @p0 .LBB2_2-.Ltmp0, $4  }
0x174: {  	[tilespmem:s20+$0x1010] =	vst v17;
	v17 =	vadd.f32 v15, v22;
	v15 =	vld [tilespmem:s20+$0x1400]  }
0x175: {  	[tilespmem:s20+$0x1020] =	vst v18;
	v21 =	vadd.f32 v14, v21;
	v14 =	vld [tilespmem:s20+$0x1410]  }
0x176: {  	[tilespmem:s20+$0x1030] =	vst v17;
	v18 =	vadd.f32 v13, v20;
	v13 =	vld [tilespmem:s20+$0x1420]  }
0x177: {  	s21 =	sadd.s32 $0x1, s21;
	[tilespmem:s20+$0x1040] =	vst v21;
	v17 =	vadd.f32 v12, v19;
	v12 =	vld [tilespmem:s20+$0x1430]  }
0x178: {  	[tilespmem:s20+$0x1050] =	vst v18;
	v18 =	vld [tilespmem:s20+$0x1440];
	v11 =	vadd.f32 v11, v16  }
0x179: {  	v16 =	vld [tilespmem:s20+$0x1450];
	[tilespmem:s20+$0x1060] =	vst v17;
	v10 =	vadd.f32 v10, v15  }
0x17a: {  	[tilespmem:s20+$0x1070] =	vst v11;
	v9 =	vadd.f32 v9, v14;
	v11 =	vld [tilespmem:s20+$0x1460]  }
0x17b: {  	[tilespmem:s20+$0x1400] =	vst v10;
	v8 =	vadd.f32 v8, v13;
	v10 =	vld [tilespmem:s20+$0x1470]  }
0x17c: {  	[tilespmem:s20+$0x1410] =	vst v9;
	v7 =	vadd.f32 v7, v12  }
0x17d: {  	[tilespmem:s20+$0x1420] =	vst v8;
	v6 =	vadd.f32 v6, v18  }
0x17e: {  	v5 =	vadd.f32 v5, v16;
	[tilespmem:s20+$0x1430] =	vst v7  }
0x17f: {  	[tilespmem:s20+$0x1440] =	vst v6;
	v4 =	vadd.f32 v4, v11  }
0x180: {  	[tilespmem:s20+$0x1450] =	vst v5;
	v3 =	vadd.f32 v3, v10  }
0x181: {  	[tilespmem:s20+$0x1460] =	vst v4  }
0x182: {  	s4 =	rddreg [dreg:$0x5];
	[tilespmem:s20+$0x1470] =	vst v3;
	s20 =	simm.s32 $0x0  }
0x183: {  	[hbm4b:s4+s20] =	stream.linear.scatter [tilespmem:s20], [sflag:$0x2], $0xC000, $0x38;
	[tilespmem:$0x18100] =	vst v63  }
0x184: {  	_ =	swait.ge [sflag:s14], $0xC000  }
0x185: {  	[sflag:s14] =	ssyncset.done $0x0  }
0x186: {  	s5 =	simm.s32 $0x18000;
	s22 =	rddreg [dreg:$0x6];
	[sflag:s14] =	ssyncadd.s32 $0xFFFF4000  }
0x187: {  	[tilespmem:s5], [sflag:$0x2] =	stream.linear.gather [hbm4b:s22+s20], $0x40, $0x38;
	[tilespmem:$0x18100] =	vst v63  }
0x188: {  	_ =	swait.ge [sflag:s14], $0x40  }
0x189: {  	[sflag:s14] =	ssyncset.done $0x0  }
0x18a: {  	s22 =	simm.s32 $0x18080;
	s21 =	rddreg [dreg:$0x7];
	[sflag:s14] =	ssyncadd.s32 $0xFFFFFFC0  }
0x18b: {  	[tilespmem:s22], [sflag:$0x2] =	stream.linear.gather [hbm4b:s21+s20], $0x40, $0x38;
	[tilespmem:$0x18100] =	vst v63  }
0x18c: {  	_ =	swait.ge [sflag:s14], $0x40  }
0x18d: {  	[sflag:s14] =	ssyncset.done $0x0  }
0x18e: {  	[sflag:s14] =	ssyncadd.s32 $0xFFFFFFC0  }
0x18f: {  	v3 =	vld [tilespmem:$0x18000];
	_ =	sdelay $0x4  }
0x190: {  	v4 =	vshrl.u32 v3, $0x3  }
0x191: {  	v4 =	vmul.u32 $0x30, v4  }
0x192: {  	v3 =	vand.u32 $0x7, v3  }
0x193: {  	v3 =	vor.u32 v3, v4  }
0x194: {  	v4 =	vperm.xlane v3, v0;
	_ =	sdelay $0x1  }
0x195: {  	v4 =	vadd.s32 v1, v4;
	_ =	sdelay $0x3  }
0x196: {  	v3 =	vperm.xlane v3, v2  }
0x197: {  	[tilespmem:s20], [sflag:$0x1] =	stream.indirect_vreg.gather [hbm4b:s3+s20], $0x80, v4, vm0, $0xb8;
	[tilespmem:$0x18100] =	vst v63  }
0x198: {  	s5 =	simm.s32 $0x800;
	v3 =	vadd.s32 v1, v3  }
0x199: {  	[tilespmem:s5], [sflag:$0x1] =	stream.indirect_vreg.gather [hbm4b:s6+s20], $0x80, v4, vm0, $0xb8;
	[tilespmem:$0x18100] =	vst v63  }
0x19a: {  	s21 =	simm.s32 $0x1000  }
0x19b: {  	[tilespmem:s21], [sflag:$0x1] =	stream.indirect_vreg.gather [hbm4b:s7+s20], $0x80, v4, vm0, $0xb8;
	[tilespmem:$0x18100] =	vst v63  }
0x19c: {  	s22 =	simm.s32 $0x1800  }
0x19d: {  	[tilespmem:s22], [sflag:$0x1] =	stream.indirect_vreg.gather [hbm4b:s3+s20], $0x80, v3, vm0, $0xb8;
	[tilespmem:$0x18100] =	vst v63  }
0x19e: {  	s5 =	simm.s32 $0x2000  }
0x19f: {  	[tilespmem:s5], [sflag:$0x1] =	stream.indirect_vreg.gather [hbm4b:s6+s20], $0x80, v3, vm0, $0xb8;
	[tilespmem:$0x18100] =	vst v63  }
0x1a0: {  	s21 =	simm.s32 $0x2800  }
0x1a1: {  	[tilespmem:s21], [sflag:$0x1] =	stream.indirect_vreg.gather [hbm4b:s7+s20], $0x80, v3, vm0, $0xb8;
	[tilespmem:$0x18100] =	vst v63  }
0x1a2: {  	v3 =	vld [tilespmem:$0x18010];
	_ =	sdelay $0x4  }
0x1a3: {  	v4 =	vshrl.u32 v3, $0x3  }
0x1a4: {  	v4 =	vmul.u32 $0x30, v4  }
0x1a5: {  	v3 =	vand.u32 $0x7, v3  }
0x1a6: {  	v3 =	vor.u32 v3, v4  }
0x1a7: {  	v4 =	vperm.xlane v3, v0;
	_ =	sdelay $0x1  }
0x1a8: {  	v4 =	vadd.s32 v1, v4;
	_ =	sdelay $0x3  }
0x1a9: {  	s22 =	simm.s32 $0x3000;
	v3 =	vperm.xlane v3, v2  }
0x1aa: {  	[tilespmem:s22], [sflag:$0x1] =	stream.indirect_vreg.gather [hbm4b:s3+s20], $0x80, v4, vm0, $0xb8;
	[tilespmem:$0x18100] =	vst v63  }
0x1ab: {  	s5 =	simm.s32 $0x3800;
	v3 =	vadd.s32 v1, v3  }
0x1ac: {  	[tilespmem:s5], [sflag:$0x1] =	stream.indirect_vreg.gather [hbm4b:s6+s20], $0x80, v4, vm0, $0xb8;
	[tilespmem:$0x18100] =	vst v63  }
0x1ad: {  	s21 =	simm.s32 $0x4000  }
0x1ae: {  	[tilespmem:s21], [sflag:$0x1] =	stream.indirect_vreg.gather [hbm4b:s7+s20], $0x80, v4, vm0, $0xb8;
	[tilespmem:$0x18100] =	vst v63  }
0x1af: {  	s22 =	simm.s32 $0x4800  }
0x1b0: {  	[tilespmem:s22], [sflag:$0x1] =	stream.indirect_vreg.gather [hbm4b:s3+s20], $0x80, v3, vm0, $0xb8;
	[tilespmem:$0x18100] =	vst v63  }
0x1b1: {  	s5 =	simm.s32 $0x5000  }
0x1b2: {  	[tilespmem:s5], [sflag:$0x1] =	stream.indirect_vreg.gather [hbm4b:s6+s20], $0x80, v3, vm0, $0xb8;
	[tilespmem:$0x18100] =	vst v63  }
0x1b3: {  	s21 =	simm.s32 $0x5800  }
0x1b4: {  	[tilespmem:s21], [sflag:$0x1] =	stream.indirect_vreg.gather [hbm4b:s7+s20], $0x80, v3, vm0, $0xb8;
	[tilespmem:$0x18100] =	vst v63  }
0x1b5: {  	v3 =	vld [tilespmem:$0x18020];
	_ =	sdelay $0x4  }
0x1b6: {  	v4 =	vshrl.u32 v3, $0x3  }
0x1b7: {  	v4 =	vmul.u32 $0x30, v4  }
0x1b8: {  	v3 =	vand.u32 $0x7, v3  }
0x1b9: {  	v3 =	vor.u32 v3, v4  }
0x1ba: {  	v4 =	vperm.xlane v3, v0;
	_ =	sdelay $0x1  }
0x1bb: {  	v4 =	vadd.s32 v1, v4;
	_ =	sdelay $0x3  }
0x1bc: {  	s22 =	simm.s32 $0x6000;
	v3 =	vperm.xlane v3, v2  }
0x1bd: {  	[tilespmem:s22], [sflag:$0x1] =	stream.indirect_vreg.gather [hbm4b:s3+s20], $0x80, v4, vm0, $0xb8;
	[tilespmem:$0x18100] =	vst v63  }
0x1be: {  	s5 =	simm.s32 $0x6800;
	v3 =	vadd.s32 v1, v3  }
0x1bf: {  	[tilespmem:s5], [sflag:$0x1] =	stream.indirect_vreg.gather [hbm4b:s6+s20], $0x80, v4, vm0, $0xb8;
	[tilespmem:$0x18100] =	vst v63  }
0x1c0: {  	s21 =	simm.s32 $0x7000  }
0x1c1: {  	[tilespmem:s21], [sflag:$0x1] =	stream.indirect_vreg.gather [hbm4b:s7+s20], $0x80, v4, vm0, $0xb8;
	[tilespmem:$0x18100] =	vst v63  }
0x1c2: {  	s22 =	simm.s32 $0x7800  }
0x1c3: {  	[tilespmem:s22], [sflag:$0x1] =	stream.indirect_vreg.gather [hbm4b:s3+s20], $0x80, v3, vm0, $0xb8;
	[tilespmem:$0x18100] =	vst v63  }
0x1c4: {  	s5 =	simm.s32 $0x8000  }
0x1c5: {  	[tilespmem:s5], [sflag:$0x1] =	stream.indirect_vreg.gather [hbm4b:s6+s20], $0x80, v3, vm0, $0xb8;
	[tilespmem:$0x18100] =	vst v63  }
0x1c6: {  	s21 =	simm.s32 $0x8800  }
0x1c7: {  	[tilespmem:s21], [sflag:$0x1] =	stream.indirect_vreg.gather [hbm4b:s7+s20], $0x80, v3, vm0, $0xb8;
	[tilespmem:$0x18100] =	vst v63  }
0x1c8: {  	v3 =	vld [tilespmem:$0x18030];
	_ =	sdelay $0x4  }
0x1c9: {  	v4 =	vshrl.u32 v3, $0x3  }
0x1ca: {  	v4 =	vmul.u32 $0x30, v4  }
0x1cb: {  	v3 =	vand.u32 $0x7, v3  }
0x1cc: {  	v3 =	vor.u32 v3, v4  }
0x1cd: {  	v4 =	vperm.xlane v3, v0;
	_ =	sdelay $0x1  }
0x1ce: {  	v4 =	vadd.s32 v1, v4;
	_ =	sdelay $0x3  }
0x1cf: {  	s22 =	simm.s32 $0x9000;
	v3 =	vperm.xlane v3, v2  }
0x1d0: {  	[tilespmem:s22], [sflag:$0x1] =	stream.indirect_vreg.gather [hbm4b:s3+s20], $0x80, v4, vm0, $0xb8;
	[tilespmem:$0x18100] =	vst v63  }
0x1d1: {  	s5 =	simm.s32 $0x9800;
	v3 =	vadd.s32 v1, v3  }
0x1d2: {  	[tilespmem:s5], [sflag:$0x1] =	stream.indirect_vreg.gather [hbm4b:s6+s20], $0x80, v4, vm0, $0xb8;
	[tilespmem:$0x18100] =	vst v63  }
0x1d3: {  	s21 =	simm.s32 $0xA000  }
0x1d4: {  	[tilespmem:s21], [sflag:$0x1] =	stream.indirect_vreg.gather [hbm4b:s7+s20], $0x80, v4, vm0, $0xb8;
	[tilespmem:$0x18100] =	vst v63  }
0x1d5: {  	s22 =	simm.s32 $0xA800  }
0x1d6: {  	[tilespmem:s22], [sflag:$0x1] =	stream.indirect_vreg.gather [hbm4b:s3+s20], $0x80, v3, vm0, $0xb8;
	[tilespmem:$0x18100] =	vst v63  }
0x1d7: {  	s5 =	simm.s32 $0xB000  }
0x1d8: {  	[tilespmem:s5], [sflag:$0x1] =	stream.indirect_vreg.gather [hbm4b:s6+s20], $0x80, v3, vm0, $0xb8;
	[tilespmem:$0x18100] =	vst v63  }
0x1d9: {  	s21 =	simm.s32 $0xB800  }
0x1da: {  	[tilespmem:s21], [sflag:$0x1] =	stream.indirect_vreg.gather [hbm4b:s7+s20], $0x80, v3, vm0, $0xb8;
	[tilespmem:$0x18100] =	vst v63  }
0x1db: {  	v3 =	vld [tilespmem:$0x18080];
	_ =	sdelay $0x4  }
0x1dc: {  	v4 =	vshrl.u32 v3, $0x3  }
0x1dd: {  	v4 =	vmul.u32 $0x30, v4  }
0x1de: {  	v3 =	vand.u32 $0x7, v3  }
0x1df: {  	v3 =	vor.u32 v3, v4  }
0x1e0: {  	v4 =	vperm.xlane v3, v0;
	_ =	sdelay $0x1  }
0x1e1: {  	v4 =	vadd.s32 v1, v4;
	_ =	sdelay $0x3  }
0x1e2: {  	s22 =	simm.s32 $0xC000;
	v3 =	vperm.xlane v3, v2  }
0x1e3: {  	[tilespmem:s22], [sflag:$0x1] =	stream.indirect_vreg.gather [hbm4b:s3+s20], $0x80, v4, vm0, $0xb8;
	[tilespmem:$0x18100] =	vst v63  }
0x1e4: {  	s5 =	simm.s32 $0xC800;
	v3 =	vadd.s32 v1, v3  }
0x1e5: {  	[tilespmem:s5], [sflag:$0x1] =	stream.indirect_vreg.gather [hbm4b:s6+s20], $0x80, v4, vm0, $0xb8;
	[tilespmem:$0x18100] =	vst v63  }
0x1e6: {  	s21 =	simm.s32 $0xD000  }
0x1e7: {  	[tilespmem:s21], [sflag:$0x1] =	stream.indirect_vreg.gather [hbm4b:s7+s20], $0x80, v4, vm0, $0xb8;
	[tilespmem:$0x18100] =	vst v63  }
0x1e8: {  	s22 =	simm.s32 $0xD800  }
0x1e9: {  	[tilespmem:s22], [sflag:$0x1] =	stream.indirect_vreg.gather [hbm4b:s3+s20], $0x80, v3, vm0, $0xb8;
	[tilespmem:$0x18100] =	vst v63  }
0x1ea: {  	s5 =	simm.s32 $0xE000  }
0x1eb: {  	[tilespmem:s5], [sflag:$0x1] =	stream.indirect_vreg.gather [hbm4b:s6+s20], $0x80, v3, vm0, $0xb8;
	[tilespmem:$0x18100] =	vst v63  }
0x1ec: {  	_ = 	snop  }
0x1ed: {  	[tilespmem:s23], [sflag:$0x1] =	stream.indirect_vreg.gather [hbm4b:s7+s20], $0x80, v3, vm0, $0xb8;
	[tilespmem:$0x18100] =	vst v63  }
0x1ee: {  	v3 =	vld [tilespmem:$0x18090];
	_ =	sdelay $0x4  }
0x1ef: {  	v4 =	vshrl.u32 v3, $0x3  }
0x1f0: {  	v4 =	vmul.u32 $0x30, v4  }
0x1f1: {  	v3 =	vand.u32 $0x7, v3  }
0x1f2: {  	v3 =	vor.u32 v3, v4  }
0x1f3: {  	v4 =	vperm.xlane v3, v0;
	_ =	sdelay $0x1  }
0x1f4: {  	v4 =	vadd.s32 v1, v4;
	_ =	sdelay $0x3  }
0x1f5: {  	v3 =	vperm.xlane v3, v2  }
0x1f6: {  	[tilespmem:s24], [sflag:$0x1] =	stream.indirect_vreg.gather [hbm4b:s3+s20], $0x80, v4, vm0, $0xb8;
	[tilespmem:$0x18100] =	vst v63  }
0x1f7: {  	v3 =	vadd.s32 v1, v3  }
0x1f8: {  	[tilespmem:s25], [sflag:$0x1] =	stream.indirect_vreg.gather [hbm4b:s6+s20], $0x80, v4, vm0, $0xb8;
	[tilespmem:$0x18100] =	vst v63  }
0x1f9: {  	_ = 	snop  }
0x1fa: {  	[tilespmem:s26], [sflag:$0x1] =	stream.indirect_vreg.gather [hbm4b:s7+s20], $0x80, v4, vm0, $0xb8;
	[tilespmem:$0x18100] =	vst v63  }
0x1fb: {  	_ = 	snop  }
0x1fc: {  	[tilespmem:s28], [sflag:$0x1] =	stream.indirect_vreg.gather [hbm4b:s3+s20], $0x80, v3, vm0, $0xb8;
	[tilespmem:$0x18100] =	vst v63  }
0x1fd: {  	_ = 	snop  }
0x1fe: {  	[tilespmem:s29], [sflag:$0x1] =	stream.indirect_vreg.gather [hbm4b:s6+s20], $0x80, v3, vm0, $0xb8;
	[tilespmem:$0x18100] =	vst v63  }
0x1ff: {  	_ = 	snop  }
0x200: {  	[tilespmem:s8], [sflag:$0x1] =	stream.indirect_vreg.gather [hbm4b:s7+s20], $0x80, v3, vm0, $0xb8;
	[tilespmem:$0x18100] =	vst v63  }
0x201: {  	v3 =	vld [tilespmem:$0x180A0];
	_ =	sdelay $0x4  }
0x202: {  	v4 =	vshrl.u32 v3, $0x3  }
0x203: {  	v4 =	vmul.u32 $0x30, v4  }
0x204: {  	v3 =	vand.u32 $0x7, v3  }
0x205: {  	v3 =	vor.u32 v3, v4  }
0x206: {  	v4 =	vperm.xlane v3, v0;
	_ =	sdelay $0x1  }
0x207: {  	v4 =	vadd.s32 v1, v4;
	_ =	sdelay $0x3  }
0x208: {  	v3 =	vperm.xlane v3, v2  }
0x209: {  	[tilespmem:s30], [sflag:$0x1] =	stream.indirect_vreg.gather [hbm4b:s3+s20], $0x80, v4, vm0, $0xb8;
	[tilespmem:$0x18100] =	vst v63  }
0x20a: {  	v3 =	vadd.s32 v1, v3  }
0x20b: {  	[tilespmem:s9], [sflag:$0x1] =	stream.indirect_vreg.gather [hbm4b:s6+s20], $0x80, v4, vm0, $0xb8;
	[tilespmem:$0x18100] =	vst v63  }
0x20c: {  	_ = 	snop  }
0x20d: {  	[tilespmem:s31], [sflag:$0x1] =	stream.indirect_vreg.gather [hbm4b:s7+s20], $0x80, v4, vm0, $0xb8;
	[tilespmem:$0x18100] =	vst v63  }
0x20e: {  	_ = 	snop  }
0x20f: {  	[tilespmem:s10], [sflag:$0x1] =	stream.indirect_vreg.gather [hbm4b:s3+s20], $0x80, v3, vm0, $0xb8;
	[tilespmem:$0x18100] =	vst v63  }
0x210: {  	_ = 	snop  }
0x211: {  	[tilespmem:s0], [sflag:$0x1] =	stream.indirect_vreg.gather [hbm4b:s6+s20], $0x80, v3, vm0, $0xb8;
	[tilespmem:$0x18100] =	vst v63  }
0x212: {  	_ = 	snop  }
0x213: {  	[tilespmem:s11], [sflag:$0x1] =	stream.indirect_vreg.gather [hbm4b:s7+s20], $0x80, v3, vm0, $0xb8;
	[tilespmem:$0x18100] =	vst v63  }
0x214: {  	v3 =	vld [tilespmem:$0x180B0];
	_ =	sdelay $0x4  }
0x215: {  	v4 =	vshrl.u32 v3, $0x3  }
0x216: {  	v4 =	vmul.u32 $0x30, v4  }
0x217: {  	v3 =	vand.u32 $0x7, v3  }
0x218: {  	v3 =	vor.u32 v3, v4  }
0x219: {  	v4 =	vperm.xlane v3, v0;
	_ =	sdelay $0x1  }
0x21a: {  	v4 =	vadd.s32 v1, v4;
	_ =	sdelay $0x3  }
0x21b: {  	v3 =	vperm.xlane v3, v2  }
0x21c: {  	[tilespmem:s1], [sflag:$0x1] =	stream.indirect_vreg.gather [hbm4b:s3+s20], $0x80, v4, vm0, $0xb8;
	[tilespmem:$0x18100] =	vst v63  }
0x21d: {  	v3 =	vadd.s32 v1, v3  }
0x21e: {  	[tilespmem:s12], [sflag:$0x1] =	stream.indirect_vreg.gather [hbm4b:s6+s20], $0x80, v4, vm0, $0xb8;
	[tilespmem:$0x18100] =	vst v63  }
0x21f: {  	_ = 	snop  }
0x220: {  	[tilespmem:s13], [sflag:$0x1] =	stream.indirect_vreg.gather [hbm4b:s7+s20], $0x80, v4, vm0, $0xb8;
	[tilespmem:$0x18100] =	vst v63  }
0x221: {  	_ = 	snop  }
0x222: {  	[tilespmem:s15], [sflag:$0x1] =	stream.indirect_vreg.gather [hbm4b:s3+s20], $0x80, v3, vm0, $0xb8;
	[tilespmem:$0x18100] =	vst v63  }
0x223: {  	_ = 	snop  }
0x224: {  	[tilespmem:s16], [sflag:$0x1] =	stream.indirect_vreg.gather [hbm4b:s6+s20], $0x80, v3, vm0, $0xb8;
	[tilespmem:$0x18100] =	vst v63  }
0x225: {  	_ = 	snop  }
0x226: {  	[tilespmem:s17], [sflag:$0x1] =	stream.indirect_vreg.gather [hbm4b:s7+s20], $0x80, v3, vm0, $0xb8;
	[tilespmem:$0x18100] =	vst v63  }
0x227: {  	_ =	swait.ge [sflag:s18], $0xC000  }
0x228: {  	[sflag:s18] =	ssyncset.done $0x0  }
0x229: {  	s21 =	simm.s32 $0x0;
	[sflag:s18] =	ssyncadd.s32 $0xFFFF4000  }
0x22a: {  	s4 =	smul.u32 $0x1800, s21;
	_ =	swait.ge [sflag:s18], $0xC000  }
0x22b: {  	s22 =	sand.u32 $0x380, s20;
	[sflag:s18] =	ssyncset.done $0x0  }
0x22c: {  	s21 =	sor.u32 s22, s4;
	[sflag:s18] =	ssyncadd.s32 $0xFFFF4000  }
0x22d: {  	v12 =	vld [tilespmem:s21+$0xC000]  }
0x22e: {  	v13 =	vld [tilespmem:s21+$0xC010]  }
0x22f: {  	v14 =	vld [tilespmem:s21+$0xC020]  }
0x230: {  	v15 =	vld [tilespmem:s21+$0xC030]  }
0x231: {  	v16 =	vld [tilespmem:s21+$0xC040]  }
0x232: {  	v17 =	vld [tilespmem:s21+$0xC050]  }
0x233: {  	v18 =	vld [tilespmem:s21+$0xC060]  }
0x234: {  	v19 =	vld [tilespmem:s21+$0xC070]  }
0x235: {  	v20 =	vld [tilespmem:s21+$0xC400]  }
0x236: {  	v21 =	vld [tilespmem:s21+$0xC410]  }
0x237: {  	v22 =	vld [tilespmem:s21+$0xC420]  }
0x238: {  	v23 =	vld [tilespmem:s21+$0xC430]  }
0x239: {  	v24 =	vld [tilespmem:s21+$0xC440]  }
0x23a: {  	v25 =	vld [tilespmem:s21+$0xC450]  }
0x23b: {  	v26 =	vld [tilespmem:s21+$0xC460]  }
0x23c: {  	v27 =	vld [tilespmem:s21+$0xC470]  }
0x23d: {  	v28 =	vld [tilespmem:s21+$0xC800]  }
0x23e: {  	v29 =	vld [tilespmem:s21+$0xC810]  }
0x23f: {  	v30 =	vld [tilespmem:s21+$0xC820]  }
0x240: {  	v31 =	vld [tilespmem:s21+$0xC830]  }
0x241: {  	v32 =	vld [tilespmem:s21+$0xC840]  }
0x242: {  	v33 =	vld [tilespmem:s21+$0xC850]  }
0x243: {  	v34 =	vld [tilespmem:s21+$0xC860]  }
0x244: {  	v35 =	vld [tilespmem:s21+$0xC870]  }
0x245: {  	v36 =	vld [tilespmem:s21+$0xCC00]  }
0x246: {  	v37 =	vld [tilespmem:s21+$0xCC10]  }
0x247: {  	v38 =	vld [tilespmem:s21+$0xCC20]  }
0x248: {  	v39 =	vld [tilespmem:s21+$0xCC30]  }
0x249: {  	v40 =	vld [tilespmem:s21+$0xCC40]  }
0x24a: {  	v41 =	vld [tilespmem:s21+$0xCC50]  }
0x24b: {  	v42 =	vld [tilespmem:s21+$0xCC60]  }
0x24c: {  	v43 =	vld [tilespmem:s21+$0xCC70]  }
0x24d: {  	v44 =	vld [tilespmem:s21+$0xD000]  }
0x24e: {  	v45 =	vld [tilespmem:s21+$0xD010]  }
0x24f: {  	v46 =	vld [tilespmem:s21+$0xD020]  }
0x250: {  	v47 =	vld [tilespmem:s21+$0xD030]  }
0x251: {  	v48 =	vld [tilespmem:s21+$0xD040]  }
0x252: {  	v49 =	vld [tilespmem:s21+$0xD050]  }
0x253: {  	v50 =	vld [tilespmem:s21+$0xD060]  }
0x254: {  	v11 =	vld [tilespmem:s21+$0xD070]  }
0x255: {  	v10 =	vld [tilespmem:s21+$0xD400]  }
0x256: {  	v9 =	vld [tilespmem:s21+$0xD410]  }
0x257: {  	v8 =	vld [tilespmem:s21+$0xD420]  }
0x258: {  	v7 =	vld [tilespmem:s21+$0xD430]  }
0x259: {  	v6 =	vld [tilespmem:s21+$0xD440]  }
0x25a: {  	v51 =	vld [tilespmem:s21+$0x0]  }
0x25b: {  	v52 =	vld [tilespmem:s21+$0x10]  }
0x25c: {  	v53 =	vld [tilespmem:s21+$0x20]  }
0x25d: {  	v54 =	vld [tilespmem:s21+$0x30]  }
0x25e: {  	v55 =	vld [tilespmem:s21+$0x40]  }
0x25f: {  	v62 =	vld [tilespmem:s21+$0x50];
	v12 =	vadd.f32 v12, v51  }
0x260: {  	v63 =	vld [tilespmem:s21+$0x60];
	v13 =	vadd.f32 v13, v52  }
0x261: {  	[tilespmem:s21+$0x0] =	vst v12;
	v12 =	vadd.f32 v14, v53;
	v14 =	vld [tilespmem:s21+$0x70]  }
0x262: {  	[tilespmem:s21+$0x10] =	vst v13;
	v13 =	vadd.f32 v15, v54;
	v15 =	vld [tilespmem:s21+$0x400]  }
0x263: {  	[tilespmem:s21+$0x20] =	vst v12;
	v12 =	vadd.f32 v16, v55;
	v16 =	vld [tilespmem:s21+$0x410]  }
0x264: {  	[tilespmem:s21+$0x30] =	vst v13;
	v13 =	vadd.f32 v17, v62;
	v17 =	vld [tilespmem:s21+$0x420]  }
0x265: {  	v5 =	vld [tilespmem:s21+$0xD450]  }
0x266: {  	[tilespmem:s21+$0x40] =	vst v12;
	v12 =	vadd.f32 v18, v63;
	v18 =	vld [tilespmem:s21+$0x470]  }
0x267: {  	[tilespmem:s21+$0x50] =	vst v13;
	v13 =	vadd.f32 v19, v14;
	v14 =	vld [tilespmem:s21+$0x430]  }
0x268: {  	[tilespmem:s21+$0x60] =	vst v12;
	v12 =	vadd.f32 v20, v15;
	v15 =	vld [tilespmem:s21+$0x440]  }
0x269: {  	[tilespmem:s21+$0x70] =	vst v13;
	v13 =	vadd.f32 v21, v16;
	v16 =	vadd.f32 v22, v17;
	v17 =	vld [tilespmem:s21+$0x460]  }
0x26a: {  	[tilespmem:s21+$0x400] =	vst v12;
	v12 =	vld [tilespmem:s21+$0x450]  }
0x26b: {  	[tilespmem:s21+$0x410] =	vst v13;
	v13 =	vld [tilespmem:s21+$0x800];
	v18 =	vadd.f32 v27, v18  }
0x26c: {  	[tilespmem:s21+$0x420] =	vst v16;
	v16 =	vld [tilespmem:s21+$0x810];
	v14 =	vadd.f32 v23, v14  }
0x26d: {  	v4 =	vld [tilespmem:s21+$0xD460];
	v15 =	vadd.f32 v24, v15;
	[tilespmem:s21+$0x470] =	vst v18  }
0x26e: {  	[tilespmem:s21+$0x430] =	vst v14;
	v14 =	vld [tilespmem:s21+$0x820];
	v17 =	vadd.f32 v26, v17  }
0x26f: {  	v12 =	vadd.f32 v25, v12;
	[tilespmem:s21+$0x440] =	vst v15;
	v15 =	vld [tilespmem:s21+$0x830]  }
0x270: {  	v18 =	vld [tilespmem:s21+$0x870];
	[tilespmem:s21+$0x460] =	vst v17;
	v13 =	vadd.f32 v28, v13  }
0x271: {  	v16 =	vadd.f32 v29, v16;
	[tilespmem:s21+$0x450] =	vst v12;
	v12 =	vld [tilespmem:s21+$0x840]  }
0x272: {  	v17 =	vld [tilespmem:s21+$0x850];
	[tilespmem:s21+$0x800] =	vst v13  }
0x273: {  	[tilespmem:s21+$0x810] =	vst v16;
	v16 =	vld [tilespmem:s21+$0x860];
	v13 =	vadd.f32 v30, v14  }
0x274: {  	v14 =	vld [tilespmem:s21+$0xC00];
	v15 =	vadd.f32 v31, v15  }
0x275: {  	[tilespmem:s21+$0x820] =	vst v13;
	v13 =	vld [tilespmem:s21+$0xC10]  }
0x276: {  	v12 =	vadd.f32 v32, v12;
	[tilespmem:s21+$0x830] =	vst v15;
	v15 =	vld [tilespmem:s21+$0xC20]  }
0x277: {  	v3 =	vld [tilespmem:s21+$0xD470];
	v17 =	vadd.f32 v33, v17  }
0x278: {  	v16 =	vadd.f32 v34, v16;
	[tilespmem:s21+$0x840] =	vst v12;
	v12 =	vld [tilespmem:s21+$0xC30]  }
0x279: {  	[tilespmem:s21+$0x850] =	vst v17;
	v17 =	vld [tilespmem:s21+$0xC40];
	v14 =	vadd.f32 v36, v14  }
0x27a: {  	v18 =	vadd.f32 v35, v18;
	[tilespmem:s21+$0x860] =	vst v16;
	v16 =	vld [tilespmem:s21+$0xC50]  }
0x27b: {  	v13 =	vadd.f32 v37, v13;
	[tilespmem:s21+$0xC00] =	vst v14;
	v14 =	vadd.f32 v38, v15;
	v15 =	vld [tilespmem:s21+$0xC60]  }
0x27c: {  	[tilespmem:s21+$0x870] =	vst v18;
	v18 =	vld [tilespmem:s21+$0xC70]  }
0x27d: {  	[tilespmem:s21+$0xC10] =	vst v13;
	v13 =	vld [tilespmem:s21+$0x1000];
	v12 =	vadd.f32 v39, v12  }
0x27e: {  	v17 =	vadd.f32 v40, v17;
	[tilespmem:s21+$0xC20] =	vst v14;
	v14 =	vld [tilespmem:s21+$0x1010]  }
0x27f: {  	v16 =	vadd.f32 v41, v16;
	[tilespmem:s21+$0xC30] =	vst v12;
	v12 =	vld [tilespmem:s21+$0x1020]  }
0x280: {  	[tilespmem:s21+$0xC40] =	vst v17;
	v17 =	vld [tilespmem:s21+$0x1030];
	v15 =	vadd.f32 v42, v15  }
0x281: {  	v19 =	vld [tilespmem:s21+$0x1040];
	[tilespmem:s21+$0xC50] =	vst v16;
	v16 =	vadd.f32 v43, v18  }
0x282: {  	v18 =	vld [tilespmem:s21+$0x1050];
	v13 =	vadd.f32 v44, v13;
	[tilespmem:s21+$0xC60] =	vst v15  }
0x283: {  	v20 =	vld [tilespmem:s21+$0x1060];
	[tilespmem:s21+$0xC70] =	vst v16;
	v14 =	vadd.f32 v45, v14  }
0x284: {  	v16 =	vld [tilespmem:s21+$0x1070];
	[tilespmem:s21+$0x1000] =	vst v13;
	v12 =	vadd.f32 v46, v12  }
0x285: {  	v15 =	vld [tilespmem:s21+$0x1400];
	v13 =	vadd.f32 v47, v17;
	[tilespmem:s21+$0x1010] =	vst v14  }
0x286: {  	v14 =	vld [tilespmem:s21+$0x1410];
	[tilespmem:s21+$0x1020] =	vst v12;
	v12 =	vadd.f32 v48, v19  }
0x287: {  	[tilespmem:s21+$0x1030] =	vst v13;
	v13 =	vld [tilespmem:s21+$0x1420];
	v18 =	vadd.f32 v49, v18  }
0x288: {  	s4 =	simm.s32 $0x1;
	v17 =	vadd.f32 v50, v20;
	[tilespmem:s21+$0x1040] =	vst v12;
	v12 =	vld [tilespmem:s21+$0x1430]  }
.LBB2_4:
0x289: {  	s5 =	sshrl.u32 s4, $0x3;
	p0 =	sne.s32 s4, $0x3F;
	[tilespmem:s21+$0x1050] =	vst v18;
	v11 =	vadd.f32 v11, v16;
	v16 =	vld [tilespmem:s21+$0x1440]  }
0x28a: {  	s20 =	sadd.s32 $0x80, s20;
	s5 =	smul.u32 $0x1800, s5;
	[tilespmem:s21+$0x1060] =	vst v17;
	v10 =	vadd.f32 v10, v15;
	v15 =	vld [tilespmem:s21+$0x1450]  }
0x28b: {  	s22 =	sand.u32 $0x380, s20;
	[tilespmem:s21+$0x1070] =	vst v11;
	v9 =	vadd.f32 v9, v14;
	v11 =	vld [tilespmem:s21+$0x1460]  }
0x28c: {  	s5 =	sor.u32 s22, s5;
	[tilespmem:s21+$0x1400] =	vst v10;
	v8 =	vadd.f32 v8, v13;
	v10 =	vld [tilespmem:s21+$0x1470]  }
0x28d: {  	v39 =	vld [tilespmem:s5+$0xC000];
	[tilespmem:s21+$0x1410] =	vst v9;
	v7 =	vadd.f32 v7, v12  }
0x28e: {  	v40 =	vld [tilespmem:s5+$0xC010];
	[tilespmem:s21+$0x1420] =	vst v8;
	v6 =	vadd.f32 v6, v16  }
0x28f: {  	v41 =	vld [tilespmem:s5+$0xC020];
	[tilespmem:s21+$0x1430] =	vst v7;
	v5 =	vadd.f32 v5, v15  }
0x290: {  	v42 =	vld [tilespmem:s5+$0xC030];
	[tilespmem:s21+$0x1440] =	vst v6;
	v4 =	vadd.f32 v4, v11  }
0x291: {  	v43 =	vld [tilespmem:s5+$0xC040];
	[tilespmem:s21+$0x1450] =	vst v5;
	v3 =	vadd.f32 v3, v10  }
0x292: {  	v44 =	vld [tilespmem:s5+$0xC050];
	[tilespmem:s21+$0x1460] =	vst v4  }
0x293: {  	v45 =	vld [tilespmem:s5+$0xC060];
	[tilespmem:s21+$0x1470] =	vst v3;
	s21 =	smov.u32 s5  }
0x294: {  	v46 =	vld [tilespmem:s21+$0xC070]  }
0x295: {  	v47 =	vld [tilespmem:s21+$0xC400]  }
0x296: {  	v48 =	vld [tilespmem:s21+$0xC410]  }
0x297: {  	v49 =	vld [tilespmem:s21+$0xC420]  }
0x298: {  	v50 =	vld [tilespmem:s21+$0xC430]  }
0x299: {  	v38 =	vld [tilespmem:s21+$0xC440]  }
0x29a: {  	v37 =	vld [tilespmem:s21+$0xC450]  }
0x29b: {  	v36 =	vld [tilespmem:s21+$0xC460]  }
0x29c: {  	v35 =	vld [tilespmem:s21+$0xC470]  }
0x29d: {  	v34 =	vld [tilespmem:s21+$0xC800]  }
0x29e: {  	v33 =	vld [tilespmem:s21+$0xC810]  }
0x29f: {  	v32 =	vld [tilespmem:s21+$0xC820]  }
0x2a0: {  	v31 =	vld [tilespmem:s21+$0xC830]  }
0x2a1: {  	v30 =	vld [tilespmem:s21+$0xC840]  }
0x2a2: {  	v29 =	vld [tilespmem:s21+$0xC850]  }
0x2a3: {  	v28 =	vld [tilespmem:s21+$0xC860]  }
0x2a4: {  	v27 =	vld [tilespmem:s21+$0xC870]  }
0x2a5: {  	v26 =	vld [tilespmem:s21+$0xCC00]  }
0x2a6: {  	v25 =	vld [tilespmem:s21+$0xCC10]  }
0x2a7: {  	v24 =	vld [tilespmem:s21+$0xCC20]  }
0x2a8: {  	v23 =	vld [tilespmem:s21+$0xCC30]  }
0x2a9: {  	v22 =	vld [tilespmem:s21+$0xCC40]  }
0x2aa: {  	v21 =	vld [tilespmem:s21+$0xCC50]  }
0x2ab: {  	v20 =	vld [tilespmem:s21+$0xCC60]  }
0x2ac: {  	v19 =	vld [tilespmem:s21+$0xCC70]  }
0x2ad: {  	v18 =	vld [tilespmem:s21+$0xD000]  }
0x2ae: {  	v17 =	vld [tilespmem:s21+$0xD010]  }
0x2af: {  	v16 =	vld [tilespmem:s21+$0xD020]  }
0x2b0: {  	v15 =	vld [tilespmem:s21+$0xD030]  }
0x2b1: {  	v14 =	vld [tilespmem:s21+$0xD040]  }
0x2b2: {  	v13 =	vld [tilespmem:s21+$0xD050]  }
0x2b3: {  	v12 =	vld [tilespmem:s21+$0xD060]  }
0x2b4: {  	v11 =	vld [tilespmem:s21+$0xD070]  }
0x2b5: {  	v10 =	vld [tilespmem:s21+$0xD400]  }
0x2b6: {  	v9 =	vld [tilespmem:s21+$0xD410]  }
0x2b7: {  	v8 =	vld [tilespmem:s21+$0xD420]  }
0x2b8: {  	v7 =	vld [tilespmem:s21+$0xD430]  }
0x2b9: {  	v6 =	vld [tilespmem:s21+$0xD440]  }
0x2ba: {  	v5 =	vld [tilespmem:s21+$0xD450]  }
0x2bb: {  	v4 =	vld [tilespmem:s21+$0xD460]  }
0x2bc: {  	v3 =	vld [tilespmem:s21+$0xD470]  }
0x2bd: {  	v51 =	vld [tilespmem:s21+$0x0]  }
0x2be: {  	v52 =	vld [tilespmem:s21+$0x10]  }
0x2bf: {  	v53 =	vld [tilespmem:s21+$0x20]  }
0x2c0: {  	v54 =	vld [tilespmem:s21+$0x30]  }
0x2c1: {  	v55 =	vld [tilespmem:s21+$0x40]  }
0x2c2: {  	v39 =	vadd.f32 v39, v51;
	v51 =	vld [tilespmem:s21+$0x50]  }
0x2c3: {  	v40 =	vadd.f32 v40, v52;
	v52 =	vld [tilespmem:s21+$0x60]  }
0x2c4: {  	[tilespmem:s21+$0x0] =	vst v39;
	v39 =	vadd.f32 v41, v53;
	v41 =	vld [tilespmem:s21+$0x70]  }
0x2c5: {  	[tilespmem:s21+$0x10] =	vst v40;
	v40 =	vadd.f32 v42, v54;
	v42 =	vld [tilespmem:s21+$0x400]  }
0x2c6: {  	[tilespmem:s21+$0x20] =	vst v39;
	v39 =	vadd.f32 v43, v55;
	v43 =	vld [tilespmem:s21+$0x410]  }
0x2c7: {  	[tilespmem:s21+$0x30] =	vst v40;
	v40 =	vadd.f32 v44, v51;
	v44 =	vld [tilespmem:s21+$0x420]  }
0x2c8: {  	[tilespmem:s21+$0x40] =	vst v39;
	v39 =	vadd.f32 v45, v52;
	v45 =	vld [tilespmem:s21+$0x430]  }
0x2c9: {  	[tilespmem:s21+$0x50] =	vst v40;
	v40 =	vadd.f32 v46, v41;
	v41 =	vld [tilespmem:s21+$0x440]  }
0x2ca: {  	[tilespmem:s21+$0x60] =	vst v39;
	v39 =	vadd.f32 v47, v42;
	v42 =	vld [tilespmem:s21+$0x450]  }
0x2cb: {  	[tilespmem:s21+$0x70] =	vst v40;
	v40 =	vadd.f32 v48, v43;
	v43 =	vld [tilespmem:s21+$0x460]  }
0x2cc: {  	[tilespmem:s21+$0x400] =	vst v39;
	v39 =	vadd.f32 v49, v44;
	v44 =	vld [tilespmem:s21+$0x470]  }
0x2cd: {  	[tilespmem:s21+$0x410] =	vst v40;
	v40 =	vadd.f32 v50, v45;
	v45 =	vld [tilespmem:s21+$0x800]  }
0x2ce: {  	[tilespmem:s21+$0x420] =	vst v39;
	v38 =	vadd.f32 v38, v41;
	v39 =	vld [tilespmem:s21+$0x810]  }
0x2cf: {  	[tilespmem:s21+$0x430] =	vst v40;
	v37 =	vadd.f32 v37, v42;
	v40 =	vld [tilespmem:s21+$0x820]  }
0x2d0: {  	[tilespmem:s21+$0x440] =	vst v38;
	v36 =	vadd.f32 v36, v43;
	v38 =	vld [tilespmem:s21+$0x830]  }
0x2d1: {  	[tilespmem:s21+$0x450] =	vst v37;
	v35 =	vadd.f32 v35, v44;
	v37 =	vld [tilespmem:s21+$0x840]  }
0x2d2: {  	[tilespmem:s21+$0x460] =	vst v36;
	v34 =	vadd.f32 v34, v45;
	v36 =	vld [tilespmem:s21+$0x850]  }
0x2d3: {  	[tilespmem:s21+$0x470] =	vst v35;
	v33 =	vadd.f32 v33, v39;
	v35 =	vld [tilespmem:s21+$0x860]  }
0x2d4: {  	[tilespmem:s21+$0x800] =	vst v34;
	v32 =	vadd.f32 v32, v40;
	v34 =	vld [tilespmem:s21+$0x870]  }
0x2d5: {  	[tilespmem:s21+$0x810] =	vst v33;
	v31 =	vadd.f32 v31, v38;
	v33 =	vld [tilespmem:s21+$0xC00]  }
0x2d6: {  	[tilespmem:s21+$0x820] =	vst v32;
	v30 =	vadd.f32 v30, v37;
	v32 =	vld [tilespmem:s21+$0xC10]  }
0x2d7: {  	[tilespmem:s21+$0x830] =	vst v31;
	v29 =	vadd.f32 v29, v36;
	v31 =	vld [tilespmem:s21+$0xC20]  }
0x2d8: {  	[tilespmem:s21+$0x840] =	vst v30;
	v28 =	vadd.f32 v28, v35;
	v30 =	vld [tilespmem:s21+$0xC30]  }
0x2d9: {  	[tilespmem:s21+$0x850] =	vst v29;
	v27 =	vadd.f32 v27, v34;
	v29 =	vld [tilespmem:s21+$0xC40]  }
0x2da: {  	[tilespmem:s21+$0x860] =	vst v28;
	v26 =	vadd.f32 v26, v33;
	v28 =	vld [tilespmem:s21+$0xC50]  }
0x2db: {  	[tilespmem:s21+$0x870] =	vst v27;
	v25 =	vadd.f32 v25, v32;
	v27 =	vld [tilespmem:s21+$0xC60]  }
0x2dc: {  	[tilespmem:s21+$0xC00] =	vst v26;
	v24 =	vadd.f32 v24, v31;
	v26 =	vld [tilespmem:s21+$0xC70]  }
0x2dd: {  	[tilespmem:s21+$0xC10] =	vst v25;
	v23 =	vadd.f32 v23, v30;
	v25 =	vld [tilespmem:s21+$0x1000]  }
0x2de: {  	[tilespmem:s21+$0xC20] =	vst v24;
	v22 =	vadd.f32 v22, v29;
	v24 =	vld [tilespmem:s21+$0x1010]  }
0x2df: {  	[tilespmem:s21+$0xC30] =	vst v23;
	v21 =	vadd.f32 v21, v28;
	v23 =	vld [tilespmem:s21+$0x1020]  }
0x2e0: {  	[tilespmem:s21+$0xC40] =	vst v22;
	v20 =	vadd.f32 v20, v27;
	v22 =	vld [tilespmem:s21+$0x1030]  }
0x2e1: {  	[tilespmem:s21+$0xC50] =	vst v21;
	v19 =	vadd.f32 v19, v26;
	v21 =	vld [tilespmem:s21+$0x1040]  }
0x2e2: {  	[tilespmem:s21+$0xC60] =	vst v20;
	v18 =	vadd.f32 v18, v25;
	v20 =	vld [tilespmem:s21+$0x1050]  }
0x2e3: {  	[tilespmem:s21+$0xC70] =	vst v19;
	v17 =	vadd.f32 v17, v24;
	v19 =	vld [tilespmem:s21+$0x1060]  }
.Ltmp1:
0x2e4: {  	[tilespmem:s21+$0x1000] =	vst v18;
	v18 =	vadd.f32 v16, v23;
	v16 =	vld [tilespmem:s21+$0x1070];
	(pc) =	sbr.rel @p0 .LBB2_4-.Ltmp1, $4  }
0x2e5: {  	[tilespmem:s21+$0x1010] =	vst v17;
	v17 =	vadd.f32 v15, v22;
	v15 =	vld [tilespmem:s21+$0x1400]  }
0x2e6: {  	[tilespmem:s21+$0x1020] =	vst v18;
	v21 =	vadd.f32 v14, v21;
	v14 =	vld [tilespmem:s21+$0x1410]  }
0x2e7: {  	[tilespmem:s21+$0x1030] =	vst v17;
	v18 =	vadd.f32 v13, v20;
	v13 =	vld [tilespmem:s21+$0x1420]  }
0x2e8: {  	s4 =	sadd.s32 $0x1, s4;
	[tilespmem:s21+$0x1040] =	vst v21;
	v17 =	vadd.f32 v12, v19;
	v12 =	vld [tilespmem:s21+$0x1430]  }
0x2e9: {  	[tilespmem:s21+$0x1050] =	vst v18;
	v60 =	vld [tilespmem:s21+$0x1440];
	v11 =	vadd.f32 v11, v16  }
0x2ea: {  	v61 =	vld [tilespmem:s21+$0x1450];
	[tilespmem:s21+$0x1060] =	vst v17;
	v10 =	vadd.f32 v10, v15  }
0x2eb: {  	v62 =	vld [tilespmem:s21+$0x1460];
	[tilespmem:s21+$0x1070] =	vst v11;
	v9 =	vadd.f32 v9, v14  }
0x2ec: {  	v63 =	vld [tilespmem:s21+$0x1470];
	[tilespmem:s21+$0x1400] =	vst v10;
	v8 =	vadd.f32 v8, v13  }
0x2ed: {  	[tilespmem:s21+$0x1410] =	vst v9;
	v7 =	vadd.f32 v7, v12  }
0x2ee: {  	[tilespmem:s21+$0x1420] =	vst v8;
	v6 =	vadd.f32 v6, v60  }
0x2ef: {  	v5 =	vadd.f32 v5, v61;
	[tilespmem:s21+$0x1430] =	vst v7  }
0x2f0: {  	v4 =	vadd.f32 v4, v62;
	[tilespmem:s21+$0x1440] =	vst v6  }
0x2f1: {  	v3 =	vadd.f32 v3, v63;
	[tilespmem:s21+$0x1450] =	vst v5  }
0x2f2: {  	[tilespmem:s21+$0x1460] =	vst v4  }
0x2f3: {  	s4 =	rddreg [dreg:$0x8];
	[tilespmem:s21+$0x1470] =	vst v3  }
0x2f4: {  	[hbm4b:s4+s2] =	stream.linear.scatter [tilespmem:s2], [sflag:$0x2], $0xC000, $0x38;
	[tilespmem:$0x18100] =	vst v63  }
0x2f5: {  	_ =	swait.ge [sflag:s14], $0xC000  }
0x2f6: {  	s19 =	sadd.s32 $0x1, s19;
	s22 =	rddreg [dreg:$0x9]  }
0x2f7: {  	p0 =	sne.s32 s19, s22  }
.Ltmp2:
0x2f8: {  	_ = 	snop;
	(pc) =	sbr.rel @p0 .LBB2_1-.Ltmp2, $3  }
0x2f9: {  	_ =	sdelay $0x1  }
0x2fa: {  	[sflag:s14] =	ssyncset.done $0x0  }
0x2fb: {  	[sflag:s14] =	ssyncadd.s32 $0xFFFF4000  }
0x2fc: {  	_ =	sfence.sel $0x180000  }
0x2fd: {  	[bflag:$0x0] =	sbarrier.arrive $0xFFFF  }
0x2fe: {  	_ =	strace $0x9000004A  }
0x2ff: {  	s0 =	stileid.u32;
	[bflag:$0x2] =	sbarrier.arrive $0xFFFF  }
0x300: {  	p0 =	sne.s32 s0, $0x0;
	s0 =	rddreg [dreg:$0x2]  }
0x301: {  	s0 =	sadd.s32 @!p0 $0x100000, s0  }
0x302: {  	[sflag:s0] =	ssyncadd.tile.s32 @!p0 $0x1;
	_ =	shalt  }
.Lfunc_end2:
_tile_overlayer_lowered:
.L_overlay_start_2:
0x303: {  	(tag) =	ssettag $0x2  }
0x304: {  	s0 =	rddreg [dreg:$0x0];
	s2 =	stileid.u32  }
0x305: {  	s1 =	rddreg [dreg:$0x1];
	p0 =	sne.s32 s2, $0x0  }
0x306: {  	s3 =	rddreg [dreg:$0x2];
	[bflag:$0x3] =	sbarrier.arrive $0xFFFF;
	s2 =	simm.s32 @!p0 $0x1C02  }
0x307: {  	[timem:s3], [sflag:s2] =	dma.local @!p0 [hbm:s0], s1  }
0x308: {  	s0 =	simm.s32 @!p0 $0x2  }
0x309: {  	_ =	swait.ge @!p0 [sflag:s0], s1  }
0x30a: {  	s1 =	ssub.s32 @!p0 $0x0, s1;
	[sflag:s0] =	ssyncset.done @!p0 $0x0  }
0x30b: {  	[sflag:s0] =	ssyncadd.s32 @!p0 s1  }
0x30c: {  	[bflag:$0x3] =	sbarrier.arrive $0xFFFF  }
0x30d: {  	_ =	shalt  }

</sc_bundles>
